<compile_context>
chip_gen: v7x
topology: tpu7x:2x2x1
jax: 0.10.2.dev20260603
libtpu: 0.0.44.dev20260713+nightly
codegen_flags: <defaults>
</compile_context>

<pallas_src>
import functools

import jax
import jax.numpy as jnp
from jax import lax
from jax.experimental import pallas as pl
from jax.experimental.pallas import tpu as pltpu
from jax.experimental.pallas import tpu_sc as plsc

N = 10000
E = 320000
D = 128
OUT = 70

NC = 2
NS = 16
NW = NC * NS
ET = E // NW
C = 80
NK = ET // C

NPAD = 10240
RPT = NPAD // NS
OB = 160
DC = 2000

def _zero2d(ref, rows, width):
    zero = jnp.zeros((16,), jnp.float32)

    def body(i, _):
        for j in range(width // 16):
            ref[i, pl.ds(j * 16, 16)] = zero
        return 0

    lax.fori_loop(0, rows, body, 0)


@functools.cache
def _make_deg_kernel():
    mesh = plsc.VectorSubcoreMesh(
        core_axis_name="c", subcore_axis_name="s",
        num_cores=NC, num_subcores=NS,
    )
    return pl.kernel(
        _deg_body,
        out_type=jax.ShapeDtypeStruct((NC, NS, NPAD), jnp.float32),
        mesh=mesh,
        scratch_types=[
            pltpu.VMEM((NPAD,), jnp.float32),
            pltpu.VMEM((DC,), jnp.int32),
        ],
        compiler_params=pltpu.CompilerParams(needs_layout_passes=False),
    )


def _deg_body(dst_hbm, out_hbm, cnt_v, didx_v):
    c = lax.axis_index("c")
    s = lax.axis_index("s")
    base = (c * NS + s) * ET

    zero = jnp.zeros((16,), jnp.float32)

    def zb(k, _):
        cnt_v[pl.ds(k * 16, 16)] = zero
        return 0

    lax.fori_loop(0, NPAD // 16, zb, 0)

    one = jnp.full((16,), 1.0, jnp.float32)

    def chunk(k, _):
        pltpu.sync_copy(dst_hbm.at[pl.ds(base + k * DC, DC)], didx_v)

        def inner(j, _):
            iv = didx_v[pl.ds(j * 16, 16)]
            plsc.addupdate_scatter(cnt_v, [iv], one)
            return 0

        lax.fori_loop(0, DC // 16, inner, 0)
        return 0

    lax.fori_loop(0, ET // DC, chunk, 0)
    pltpu.sync_copy(cnt_v, out_hbm.at[c, s])


B = 4
BI = 8
GL = 2
SL = 4
RL = 6


@functools.cache
def _make_agg_kernel():
    mesh = plsc.VectorSubcoreMesh(
        core_axis_name="c", subcore_axis_name="s",
        num_cores=NC, num_subcores=NS,
    )
    return pl.kernel(
        _agg_body,
        out_type=jax.ShapeDtypeStruct((NC, NPAD, D), jnp.float32),
        mesh=mesh,
        scratch_types=[
            pltpu.VMEM((BI, 1, C), jnp.int32),
            pltpu.VMEM((BI, 1, C), jnp.int32),
            pltpu.VMEM((B, C, D), jnp.float32),
            pltpu.SemaphoreType.DMA,
            pltpu.SemaphoreType.DMA,
            pltpu.SemaphoreType.DMA,
            pltpu.VMEM_SHARED((NPAD, D), jnp.float32),
        ],
    )


def _agg_body(table_hbm, src4_hbm, dst4_hbm, out_hbm,
              sidx_v, didx_v, rows_v, isem, gsem, ssem, acc_s):
    c = lax.axis_index("c")
    s = lax.axis_index("s")
    wid = c * NS + s

    def drain_rows(sem):
        pltpu.make_async_copy(
            table_hbm.at[pl.ds(0, C)], rows_v.at[0], sem
        ).wait()

    def drain_idx():
        pltpu.make_async_copy(src4_hbm.at[0, 0], sidx_v.at[0], isem).wait()

    _zero2d(rows_v.at[0], C, D)
    for b in range(RPT // C):
        pltpu.sync_copy(rows_v.at[0], acc_s.at[pl.ds(s * RPT + b * C, C)])
    plsc.subcore_barrier()

    def step(j, _):
        @pl.when(jnp.logical_and(j >= RL, j < NK + RL))
        def _():
            drain_rows(ssem)

        @pl.when(j < NK)
        def _():
            islot = lax.rem(j, BI)
            pltpu.async_copy(src4_hbm.at[wid, j], sidx_v.at[islot], isem)
            pltpu.async_copy(dst4_hbm.at[wid, j], didx_v.at[islot], isem)

        @pl.when(jnp.logical_and(j >= GL, j < NK + GL))
        def _():
            k = j - GL
            drain_idx()
            drain_idx()
            pltpu.async_copy(
                table_hbm.at[sidx_v.at[lax.rem(k, BI), 0]],
                rows_v.at[lax.rem(k, B)], gsem)

        @pl.when(jnp.logical_and(j >= SL, j < NK + SL))
        def _():
            k = j - SL
            drain_rows(gsem)
            pltpu.async_copy(
                rows_v.at[lax.rem(k, B)],
                acc_s.at[didx_v.at[lax.rem(k, BI), 0]], ssem, add=True)
        return 0

    lax.fori_loop(0, NK + RL, step, 0)
    plsc.subcore_barrier()

    nb = RPT // C
    for b in range(B):
        pltpu.async_copy(acc_s.at[pl.ds(s * RPT + b * C, C)], rows_v.at[b],
                         gsem)
    for b in range(nb):
        drain_rows(gsem)
        pltpu.async_copy(rows_v.at[b % B],
                         out_hbm.at[c, pl.ds(s * RPT + b * C, C)], ssem)
        drain_rows(ssem)
        if b + B < nb:
            pltpu.async_copy(acc_s.at[pl.ds(s * RPT + (b + B) * C, C)],
                             rows_v.at[b % B], gsem)


def _dinv_from(degp):
    deg = jnp.sum(degp.reshape(NC * NS, NPAD), axis=0)[:N, None] + 1.0
    return lax.rsqrt(deg)


def _tc1_body(x_ref, w_ref, degp_ref, g_ref):
    dinv = _dinv_from(degp_ref[...])
    m = jnp.dot(x_ref[...], w_ref[...], preferred_element_type=jnp.float32)
    g_ref[...] = dinv * m


def _tc2_body(sp_ref, g1_ref, degp_ref, b1_ref, gm_ref, bt_ref, w2_ref,
              g2_ref):
    dinv = _dinv_from(degp_ref[...])
    ssum = sp_ref[0, :N, :] + sp_ref[1, :N, :] + g1_ref[...]
    a = dinv * ssum + b1_ref[...][None, :]
    mu = jnp.mean(a, axis=0, keepdims=True)
    var = jnp.mean((a - mu) * (a - mu), axis=0, keepdims=True)
    h = (a - mu) * lax.rsqrt(var + 1e-5) * gm_ref[...][None, :]
    h = h + bt_ref[...][None, :]
    h = jnp.maximum(h, 0.0)
    m2 = jnp.dot(h, w2_ref[...], preferred_element_type=jnp.float32)
    g2_ref[...] = dinv * m2


def _tc3_body(sp_ref, g2_ref, degp_ref, b2_ref, wc_ref, bc_ref, out_ref):
    dinv = _dinv_from(degp_ref[...])
    a = dinv * (sp_ref[0, :N, :] + sp_ref[1, :N, :] + g2_ref[...])
    a = a + b2_ref[...][None, :]
    out_ref[...] = (
        jnp.dot(a, wc_ref[...], preferred_element_type=jnp.float32)
        + bc_ref[...][None, :]
    )


def kernel(x, edge_index, W1, b1, g1, be1, W2, b2, Wc, bc):
    src = edge_index[0]
    dst = edge_index[1]
    src2 = src.reshape(NW, NK, 1, C)
    dst2 = dst.reshape(NW, NK, 1, C)

    degp = _make_deg_kernel()(dst)
    agg = _make_agg_kernel()

    g1t = pl.pallas_call(
        _tc1_body, out_shape=jax.ShapeDtypeStruct((N, D), jnp.float32)
    )(x, W1, degp)

    s1p = agg(g1t, src2, dst2)

    g2t = pl.pallas_call(
        _tc2_body, out_shape=jax.ShapeDtypeStruct((N, D), jnp.float32)
    )(s1p, g1t, degp, b1, g1, be1, W2)

    s2p = agg(g2t, src2, dst2)

    out = pl.pallas_call(
        _tc3_body, out_shape=jax.ShapeDtypeStruct((N, OUT), jnp.float32)
    )(s2p, g2t, degp, b2, Wc, bc)

    return out

# --- scband reference (transcript-rebuilt; emitter-appended) ---
"""Pipeline reference for scband-mario-33732673143026 (READ-ONLY COPY).

The authoritative reference and input builder live on the scoring server;
editing this copy changes nothing except your own understanding.
"""

import jax, jax.numpy as jnp
import numpy as np

N = 10000
E = 320000
D = 128
H = 128
OUT = 70


def setup_inputs(seed: int = 0) -> dict:
    key = jax.random.key(seed)
    ks = jax.random.split(key, 10)
    x = jax.random.normal(ks[0], (N, D), dtype=jnp.float32)
    edge_index = jax.random.randint(ks[1], (2, E), 0, N, dtype=jnp.int32)
    s1 = 1.0 / np.sqrt(D)
    s2 = 1.0 / np.sqrt(H)
    W1 = jax.random.normal(ks[2], (D, H), dtype=jnp.float32) * s1
    b1 = jnp.zeros((H,), dtype=jnp.float32)
    g1 = jnp.ones((H,), dtype=jnp.float32)
    be1 = jnp.zeros((H,), dtype=jnp.float32)
    W2 = jax.random.normal(ks[3], (H, H), dtype=jnp.float32) * s2
    b2 = jnp.zeros((H,), dtype=jnp.float32)
    Wc = jax.random.normal(ks[4], (H, OUT), dtype=jnp.float32) * s2
    bc = jnp.zeros((OUT,), dtype=jnp.float32)
    return {"x": x, "edge_index": edge_index, "W1": W1, "b1": b1, "g1": g1, "be1": be1, "W2": W2, "b2": b2, "Wc": Wc, "bc": bc}


def _gcn_conv(x, src, dst, W, b):
    n = x.shape[0]
    loop = jnp.arange(n, dtype=src.dtype)
    src_sl = jnp.concatenate([src, loop])
    dst_sl = jnp.concatenate([dst, loop])
    deg = jax.ops.segment_sum(jnp.ones_like(src_sl, dtype=x.dtype), dst_sl, num_segments=n)
    dinv = jnp.where(deg > 0, jax.lax.rsqrt(jnp.maximum(deg, 1e-12)), 0.0)
    norm = dinv[src_sl] * dinv[dst_sl]
    h = x @ W
    msg = jnp.take(h, src_sl, axis=0) * norm[:, None]
    agg = jax.ops.segment_sum(msg, dst_sl, num_segments=n)
    return agg + b


def _bn(h, gamma, beta, eps=1e-5):
    mu = jnp.mean(h, axis=0)
    var = jnp.var(h, axis=0)
    return (h - mu) * jax.lax.rsqrt(var + eps) * gamma + beta


def reference(x, edge_index, W1, b1, g1, be1, W2, b2, Wc, bc):
    src = edge_index[0]
    dst = edge_index[1]
    # encoder layer 1: GCNConv -> BN -> ReLU (dropout is identity in eval)
    h = _gcn_conv(x, src, dst, W1, b1)
    h = _bn(h, g1, be1)
    h = jax.nn.relu(h)
    # encoder layer 2: GCNConv (last_activation=False -> no BN/activation)
    h = _gcn_conv(h, src, dst, W2, b2)
    # classifier head
    out = h @ Wc + bc
    return out

if __name__ == "__main__":
    import jax
    _d = setup_inputs()
    print(jax.jit(kernel)(*tuple(_d.values())))

</pallas_src>

<mosaic_0001>
#map = affine_map<(d0, d1) -> (0, 0)>
#map1 = affine_map<(d0, d1) -> (0, 0, 0, 0)>
#map2 = affine_map<(d0, d1) -> (0, 0, 0)>
module attributes {stable_mosaic.version = 14 : i64} {
  func.func @_agg_body(%arg0: i32, %arg1: i32, %arg2: memref<10000x128xf32, #tpu.memory_space<hbm>>, %arg3: memref<32x125x1x80xi32, #tpu.memory_space<hbm>>, %arg4: memref<32x125x1x80xi32, #tpu.memory_space<hbm>>, %arg5: memref<2x10240x128xf32, #tpu.memory_space<hbm>>, %arg6: memref<8x1x80xi32, #tpu.memory_space<vmem>>, %arg7: memref<8x1x80xi32, #tpu.memory_space<vmem>>, %arg8: memref<4x80x128xf32, #tpu.memory_space<vmem>>, %arg9: memref<!tpu.dma_semaphore, #tpu.memory_space<semaphore_mem>>, %arg10: memref<!tpu.dma_semaphore, #tpu.memory_space<semaphore_mem>>, %arg11: memref<!tpu.dma_semaphore, #tpu.memory_space<semaphore_mem>>, %arg12: memref<10240x128xf32, #tpu.memory_space<vmem_shared>>) attributes {dimension_semantics = [#tpu.dimension_semantics<core_parallel>, #tpu.dimension_semantics<subcore_parallel>], iteration_bounds = array<i64: 2, 16>, scalar_prefetch = 0 : i64, scratch_operands = 7 : i64, tpu.core_type = #tpu.core_type<sc_vector_subcore>, window_params = [{transform_indices = #map}, {transform_indices = #map1}, {transform_indices = #map1}, {transform_indices = #map2}]} {
    %mul3A = arith.constant 16 : i32
    %mul3A_0 = arith.muli %arg0, %mul3A : i32
    %add3A = arith.addi %mul3A_0, %arg1 : i32
    %broadcast_in_dim3A = arith.constant 0.000000e+00 : f32
    %broadcast_in_dim3A_1 = vector.broadcast %broadcast_in_dim3A : f32 to vector<16xf32>
    %scan3A = arith.constant 0 : i32
    %scan3A_2 = arith.constant 0 : i32
    %scan3A_3 = arith.constant 0 : i32
    %scan3A_4 = arith.constant 80 : i32
    %scan3A_5 = arith.addi %scan3A_3, %scan3A_4 : i32
    %scan3A_6 = arith.constant 1 : i32
    %scan3A_7 = scf.for %scan3A_582 = %scan3A_3 to %scan3A_5 step %scan3A_6 iter_args(%scan3A_583 = %scan3A_2) -> (i32)  : i32 {
      %swap3A = arith.constant 0 : i32
      %swap3A_584 = arith.constant 0 : i32
      %swap3A_585 = tpu.memref_slice %arg8[%scan3A, %swap3A, %swap3A_584] : memref<4x80x128xf32, #tpu.memory_space<vmem>> -> memref<1x80x128xf32, #tpu.memory_space<vmem>>
      %swap3A_586 = tpu.memref_squeeze %swap3A_585 : memref<1x80x128xf32, #tpu.memory_space<vmem>> -> memref<80x128xf32, #tpu.memory_space<vmem>>
      %swap3A_587 = arith.index_cast %scan3A_582 : i32 to index
      %swap3A_588 = arith.constant 0 : index
      %swap3A_589 = tpu.vector_load %swap3A_586[%swap3A_587, %swap3A_588] {strides = array<i32>} : memref<80x128xf32, #tpu.memory_space<vmem>>, vector<1x16xf32>,
      %swap3A_590 = vector.shape_cast %swap3A_589 : vector<1x16xf32> to vector<16xf32>
      %swap3A_591 = vector.shape_cast %broadcast_in_dim3A_1 : vector<16xf32> to vector<1x16xf32>
      tpu.vector_store %swap3A_586[%swap3A_587, %swap3A_588], %swap3A_591 {strides = array<i32>} : memref<80x128xf32, #tpu.memory_space<vmem>>, vector<1x16xf32>,
      %swap3A_592 = arith.constant 0 : i32
      %swap3A_593 = arith.constant 0 : i32
      %swap3A_594 = tpu.memref_slice %arg8[%scan3A, %swap3A_592, %swap3A_593] : memref<4x80x128xf32, #tpu.memory_space<vmem>> -> memref<1x80x128xf32, #tpu.memory_space<vmem>>
      %swap3A_595 = tpu.memref_squeeze %swap3A_594 : memref<1x80x128xf32, #tpu.memory_space<vmem>> -> memref<80x128xf32, #tpu.memory_space<vmem>>
      %swap3A_596 = arith.index_cast %scan3A_582 : i32 to index
      %swap3A_597 = arith.constant 16 : index
      %swap3A_598 = tpu.vector_load %swap3A_595[%swap3A_596, %swap3A_597] {strides = array<i32>} : memref<80x128xf32, #tpu.memory_space<vmem>>, vector<1x16xf32>,
      %swap3A_599 = vector.shape_cast %swap3A_598 : vector<1x16xf32> to vector<16xf32>
      %swap3A_600 = vector.shape_cast %broadcast_in_dim3A_1 : vector<16xf32> to vector<1x16xf32>
      tpu.vector_store %swap3A_595[%swap3A_596, %swap3A_597], %swap3A_600 {strides = array<i32>} : memref<80x128xf32, #tpu.memory_space<vmem>>, vector<1x16xf32>,
      %swap3A_601 = arith.constant 0 : i32
      %swap3A_602 = arith.constant 0 : i32
      %swap3A_603 = tpu.memref_slice %arg8[%scan3A, %swap3A_601, %swap3A_602] : memref<4x80x128xf32, #tpu.memory_space<vmem>> -> memref<1x80x128xf32, #tpu.memory_space<vmem>>
      %swap3A_604 = tpu.memref_squeeze %swap3A_603 : memref<1x80x128xf32, #tpu.memory_space<vmem>> -> memref<80x128xf32, #tpu.memory_space<vmem>>
      %swap3A_605 = arith.index_cast %scan3A_582 : i32 to index
      %swap3A_606 = arith.constant 32 : index
      %swap3A_607 = tpu.vector_load %swap3A_604[%swap3A_605, %swap3A_606] {strides = array<i32>} : memref<80x128xf32, #tpu.memory_space<vmem>>, vector<1x16xf32>,
      %swap3A_608 = vector.shape_cast %swap3A_607 : vector<1x16xf32> to vector<16xf32>
      %swap3A_609 = vector.shape_cast %broadcast_in_dim3A_1 : vector<16xf32> to vector<1x16xf32>
      tpu.vector_store %swap3A_604[%swap3A_605, %swap3A_606], %swap3A_609 {strides = array<i32>} : memref<80x128xf32, #tpu.memory_space<vmem>>, vector<1x16xf32>,
      %swap3A_610 = arith.constant 0 : i32
      %swap3A_611 = arith.constant 0 : i32
      %swap3A_612 = tpu.memref_slice %arg8[%scan3A, %swap3A_610, %swap3A_611] : memref<4x80x128xf32, #tpu.memory_space<vmem>> -> memref<1x80x128xf32, #tpu.memory_space<vmem>>
      %swap3A_613 = tpu.memref_squeeze %swap3A_612 : memref<1x80x128xf32, #tpu.memory_space<vmem>> -> memref<80x128xf32, #tpu.memory_space<vmem>>
      %swap3A_614 = arith.index_cast %scan3A_582 : i32 to index
      %swap3A_615 = arith.constant 48 : index
      %swap3A_616 = tpu.vector_load %swap3A_613[%swap3A_614, %swap3A_615] {strides = array<i32>} : memref<80x128xf32, #tpu.memory_space<vmem>>, vector<1x16xf32>,
      %swap3A_617 = vector.shape_cast %swap3A_616 : vector<1x16xf32> to vector<16xf32>
      %swap3A_618 = vector.shape_cast %broadcast_in_dim3A_1 : vector<16xf32> to vector<1x16xf32>
      tpu.vector_store %swap3A_613[%swap3A_614, %swap3A_615], %swap3A_618 {strides = array<i32>} : memref<80x128xf32, #tpu.memory_space<vmem>>, vector<1x16xf32>,
      %swap3A_619 = arith.constant 0 : i32
      %swap3A_620 = arith.constant 0 : i32
      %swap3A_621 = tpu.memref_slice %arg8[%scan3A, %swap3A_619, %swap3A_620] : memref<4x80x128xf32, #tpu.memory_space<vmem>> -> memref<1x80x128xf32, #tpu.memory_space<vmem>>
      %swap3A_622 = tpu.memref_squeeze %swap3A_621 : memref<1x80x128xf32, #tpu.memory_space<vmem>> -> memref<80x128xf32, #tpu.memory_space<vmem>>
      %swap3A_623 = arith.index_cast %scan3A_582 : i32 to index
      %swap3A_624 = arith.constant 64 : index
      %swap3A_625 = tpu.vector_load %swap3A_622[%swap3A_623, %swap3A_624] {strides = array<i32>} : memref<80x128xf32, #tpu.memory_space<vmem>>, vector<1x16xf32>,
      %swap3A_626 = vector.shape_cast %swap3A_625 : vector<1x16xf32> to vector<16xf32>
      %swap3A_627 = vector.shape_cast %broadcast_in_dim3A_1 : vector<16xf32> to vector<1x16xf32>
      tpu.vector_store %swap3A_622[%swap3A_623, %swap3A_624], %swap3A_627 {strides = array<i32>} : memref<80x128xf32, #tpu.memory_space<vmem>>, vector<1x16xf32>,
      %swap3A_628 = arith.constant 0 : i32
      %swap3A_629 = arith.constant 0 : i32
      %swap3A_630 = tpu.memref_slice %arg8[%scan3A, %swap3A_628, %swap3A_629] : memref<4x80x128xf32, #tpu.memory_space<vmem>> -> memref<1x80x128xf32, #tpu.memory_space<vmem>>
      %swap3A_631 = tpu.memref_squeeze %swap3A_630 : memref<1x80x128xf32, #tpu.memory_space<vmem>> -> memref<80x128xf32, #tpu.memory_space<vmem>>
      %swap3A_632 = arith.index_cast %scan3A_582 : i32 to index
      %swap3A_633 = arith.constant 80 : index
      %swap3A_634 = tpu.vector_load %swap3A_631[%swap3A_632, %swap3A_633] {strides = array<i32>} : memref<80x128xf32, #tpu.memory_space<vmem>>, vector<1x16xf32>,
      %swap3A_635 = vector.shape_cast %swap3A_634 : vector<1x16xf32> to vector<16xf32>
      %swap3A_636 = vector.shape_cast %broadcast_in_dim3A_1 : vector<16xf32> to vector<1x16xf32>
      tpu.vector_store %swap3A_631[%swap3A_632, %swap3A_633], %swap3A_636 {strides = array<i32>} : memref<80x128xf32, #tpu.memory_space<vmem>>, vector<1x16xf32>,
      %swap3A_637 = arith.constant 0 : i32
      %swap3A_638 = arith.constant 0 : i32
      %swap3A_639 = tpu.memref_slice %arg8[%scan3A, %swap3A_637, %swap3A_638] : memref<4x80x128xf32, #tpu.memory_space<vmem>> -> memref<1x80x128xf32, #tpu.memory_space<vmem>>
      %swap3A_640 = tpu.memref_squeeze %swap3A_639 : memref<1x80x128xf32, #tpu.memory_space<vmem>> -> memref<80x128xf32, #tpu.memory_space<vmem>>
      %swap3A_641 = arith.index_cast %scan3A_582 : i32 to index
      %swap3A_642 = arith.constant 96 : index
      %swap3A_643 = tpu.vector_load %swap3A_640[%swap3A_641, %swap3A_642] {strides = array<i32>} : memref<80x128xf32, #tpu.memory_space<vmem>>, vector<1x16xf32>,
      %swap3A_644 = vector.shape_cast %swap3A_643 : vector<1x16xf32> to vector<16xf32>
      %swap3A_645 = vector.shape_cast %broadcast_in_dim3A_1 : vector<16xf32> to vector<1x16xf32>
      tpu.vector_store %swap3A_640[%swap3A_641, %swap3A_642], %swap3A_645 {strides = array<i32>} : memref<80x128xf32, #tpu.memory_space<vmem>>, vector<1x16xf32>,
      %swap3A_646 = arith.constant 0 : i32
      %swap3A_647 = arith.constant 0 : i32
      %swap3A_648 = tpu.memref_slice %arg8[%scan3A, %swap3A_646, %swap3A_647] : memref<4x80x128xf32, #tpu.memory_space<vmem>> -> memref<1x80x128xf32, #tpu.memory_space<vmem>>
      %swap3A_649 = tpu.memref_squeeze %swap3A_648 : memref<1x80x128xf32, #tpu.memory_space<vmem>> -> memref<80x128xf32, #tpu.memory_space<vmem>>
      %swap3A_650 = arith.index_cast %scan3A_582 : i32 to index
      %swap3A_651 = arith.constant 112 : index
      %swap3A_652 = tpu.vector_load %swap3A_649[%swap3A_650, %swap3A_651] {strides = array<i32>} : memref<80x128xf32, #tpu.memory_space<vmem>>, vector<1x16xf32>,
      %swap3A_653 = vector.shape_cast %swap3A_652 : vector<1x16xf32> to vector<16xf32>
      %swap3A_654 = vector.shape_cast %broadcast_in_dim3A_1 : vector<16xf32> to vector<1x16xf32>
      tpu.vector_store %swap3A_649[%swap3A_650, %swap3A_651], %swap3A_654 {strides = array<i32>} : memref<80x128xf32, #tpu.memory_space<vmem>>, vector<1x16xf32>,
      %scan3A_655 = arith.constant 0 : i32
      scf.yield %scan3A_655 : i32
    }
    %scan3A_8 = arith.constant 80 : i32
    %mul3A_9 = arith.constant 640 : i32
    %mul3A_10 = arith.muli %arg1, %mul3A_9 : i32
    %add3A_11 = arith.constant 0 : i32
    %add3A_12 = arith.addi %mul3A_10, %add3A_11 : i32
    %run_scoped3A = arith.constant 0 : i32
    "tpu.region"() ({
      %run_scoped3A_582 = tpu.sem_alloc : memref<!tpu.dma_semaphore, #tpu.memory_space<semaphore_mem>>
      %dma_start3A_583 = arith.constant 0 : i32
      %dma_start3A_584 = arith.constant 0 : i32
      %dma_start3A_585 = tpu.memref_slice %arg8[%run_scoped3A, %dma_start3A_583, %dma_start3A_584] : memref<4x80x128xf32, #tpu.memory_space<vmem>> -> memref<1x80x128xf32, #tpu.memory_space<vmem>>
      %dma_start3A_586 = tpu.memref_squeeze %dma_start3A_585 : memref<1x80x128xf32, #tpu.memory_space<vmem>> -> memref<80x128xf32, #tpu.memory_space<vmem>>
      %dma_start3A_587 = arith.constant 0 : i32
      %dma_start3A_588 = tpu.memref_slice %arg12[%add3A_12, %dma_start3A_587] : memref<10240x128xf32, #tpu.memory_space<vmem_shared>> -> memref<80x128xf32, #tpu.memory_space<vmem_shared>>
      %dma_start3A_589 = arith.constant 0 : i32
      %dma_start3A_590 = tpu.memref_slice %arg12[%add3A_12, %dma_start3A_589] : memref<10240x128xf32, #tpu.memory_space<vmem_shared>> -> memref<80x128xf32, #tpu.memory_space<vmem_shared>>
      %dma_start3A_591 = arith.constant 0 : i32
      %dma_start3A_592 = arith.constant 0 : i32
      %dma_start3A_593 = tpu.memref_slice %arg8[%run_scoped3A, %dma_start3A_591, %dma_start3A_592] : memref<4x80x128xf32, #tpu.memory_space<vmem>> -> memref<1x80x128xf32, #tpu.memory_space<vmem>>
      %dma_start3A_594 = tpu.memref_squeeze %dma_start3A_593 : memref<1x80x128xf32, #tpu.memory_space<vmem>> -> memref<80x128xf32, #tpu.memory_space<vmem>>
      tpu.enqueue_dma source(%dma_start3A_594 : memref<80x128xf32, #tpu.memory_space<vmem>>) target(%dma_start3A_590 : memref<80x128xf32, #tpu.memory_space<vmem_shared>>) target_semaphore(%run_scoped3A_582 : memref<!tpu.dma_semaphore, #tpu.memory_space<semaphore_mem>>)
      %dma_wait3A_595 = arith.constant 0 : i32
      %dma_wait3A_596 = arith.constant 0 : i32
      %dma_wait3A_597 = tpu.memref_slice %arg8[%run_scoped3A, %dma_wait3A_595, %dma_wait3A_596] : memref<4x80x128xf32, #tpu.memory_space<vmem>> -> memref<1x80x128xf32, #tpu.memory_space<vmem>>
      %dma_wait3A_598 = tpu.memref_squeeze %dma_wait3A_597 : memref<1x80x128xf32, #tpu.memory_space<vmem>> -> memref<80x128xf32, #tpu.memory_space<vmem>>
      %dma_wait3A_599 = arith.constant 0 : i32
      %dma_wait3A_600 = tpu.memref_slice %arg12[%add3A_12, %dma_wait3A_599] : memref<10240x128xf32, #tpu.memory_space<vmem_shared>> -> memref<80x128xf32, #tpu.memory_space<vmem_shared>>
      %dma_wait3A_601 = arith.constant 0 : i32
      %dma_wait3A_602 = tpu.memref_slice %arg12[%add3A_12, %dma_wait3A_601] : memref<10240x128xf32, #tpu.memory_space<vmem_shared>> -> memref<80x128xf32, #tpu.memory_space<vmem_shared>>
      %dma_wait3A_603 = arith.constant 0 : i32
      %dma_wait3A_604 = arith.constant 0 : i32
      %dma_wait3A_605 = tpu.memref_slice %arg8[%run_scoped3A, %dma_wait3A_603, %dma_wait3A_604] : memref<4x80x128xf32, #tpu.memory_space<vmem>> -> memref<1x80x128xf32, #tpu.memory_space<vmem>>
      %dma_wait3A_606 = tpu.memref_squeeze %dma_wait3A_605 : memref<1x80x128xf32, #tpu.memory_space<vmem>> -> memref<80x128xf32, #tpu.memory_space<vmem>>
      tpu.wait_dma2 semaphore(%run_scoped3A_582 : memref<!tpu.dma_semaphore, #tpu.memory_space<semaphore_mem>>) src(%dma_wait3A_606 : memref<80x128xf32, #tpu.memory_space<vmem>>) dst(%dma_wait3A_602 : memref<80x128xf32, #tpu.memory_space<vmem_shared>>)
      tpu.yield
    }) : () -> ()
    %mul3A_13 = arith.constant 640 : i32
    %mul3A_14 = arith.muli %arg1, %mul3A_13 : i32
    %add3A_15 = arith.constant 80 : i32
    %add3A_16 = arith.addi %mul3A_14, %add3A_15 : i32
    %run_scoped3A_17 = arith.constant 0 : i32
    "tpu.region"() ({
      %run_scoped3A_582 = tpu.sem_alloc : memref<!tpu.dma_semaphore, #tpu.memory_space<semaphore_mem>>
      %dma_start3A_583 = arith.constant 0 : i32
      %dma_start3A_584 = arith.constant 0 : i32
      %dma_start3A_585 = tpu.memref_slice %arg8[%run_scoped3A_17, %dma_start3A_583, %dma_start3A_584] : memref<4x80x128xf32, #tpu.memory_space<vmem>> -> memref<1x80x128xf32, #tpu.memory_space<vmem>>
      %dma_start3A_586 = tpu.memref_squeeze %dma_start3A_585 : memref<1x80x128xf32, #tpu.memory_space<vmem>> -> memref<80x128xf32, #tpu.memory_space<vmem>>
      %dma_start3A_587 = arith.constant 0 : i32
      %dma_start3A_588 = tpu.memref_slice %arg12[%add3A_16, %dma_start3A_587] : memref<10240x128xf32, #tpu.memory_space<vmem_shared>> -> memref<80x128xf32, #tpu.memory_space<vmem_shared>>
      %dma_start3A_589 = arith.constant 0 : i32
      %dma_start3A_590 = tpu.memref_slice %arg12[%add3A_16, %dma_start3A_589] : memref<10240x128xf32, #tpu.memory_space<vmem_shared>> -> memref<80x128xf32, #tpu.memory_space<vmem_shared>>
      %dma_start3A_591 = arith.constant 0 : i32
      %dma_start3A_592 = arith.constant 0 : i32
      %dma_start3A_593 = tpu.memref_slice %arg8[%run_scoped3A_17, %dma_start3A_591, %dma_start3A_592] : memref<4x80x128xf32, #tpu.memory_space<vmem>> -> memref<1x80x128xf32, #tpu.memory_space<vmem>>
      %dma_start3A_594 = tpu.memref_squeeze %dma_start3A_593 : memref<1x80x128xf32, #tpu.memory_space<vmem>> -> memref<80x128xf32, #tpu.memory_space<vmem>>
      tpu.enqueue_dma source(%dma_start3A_594 : memref<80x128xf32, #tpu.memory_space<vmem>>) target(%dma_start3A_590 : memref<80x128xf32, #tpu.memory_space<vmem_shared>>) target_semaphore(%run_scoped3A_582 : memref<!tpu.dma_semaphore, #tpu.memory_space<semaphore_mem>>)
      %dma_wait3A_595 = arith.constant 0 : i32
      %dma_wait3A_596 = arith.constant 0 : i32
      %dma_wait3A_597 = tpu.memref_slice %arg8[%run_scoped3A_17, %dma_wait3A_595, %dma_wait3A_596] : memref<4x80x128xf32, #tpu.memory_space<vmem>> -> memref<1x80x128xf32, #tpu.memory_space<vmem>>
      %dma_wait3A_598 = tpu.memref_squeeze %dma_wait3A_597 : memref<1x80x128xf32, #tpu.memory_space<vmem>> -> memref<80x128xf32, #tpu.memory_space<vmem>>
      %dma_wait3A_599 = arith.constant 0 : i32
      %dma_wait3A_600 = tpu.memref_slice %arg12[%add3A_16, %dma_wait3A_599] : memref<10240x128xf32, #tpu.memory_space<vmem_shared>> -> memref<80x128xf32, #tpu.memory_space<vmem_shared>>
      %dma_wait3A_601 = arith.constant 0 : i32
      %dma_wait3A_602 = tpu.memref_slice %arg12[%add3A_16, %dma_wait3A_601] : memref<10240x128xf32, #tpu.memory_space<vmem_shared>> -> memref<80x128xf32, #tpu.memory_space<vmem_shared>>
      %dma_wait3A_603 = arith.constant 0 : i32
      %dma_wait3A_604 = arith.constant 0 : i32
      %dma_wait3A_605 = tpu.memref_slice %arg8[%run_scoped3A_17, %dma_wait3A_603, %dma_wait3A_604] : memref<4x80x128xf32, #tpu.memory_space<vmem>> -> memref<1x80x128xf32, #tpu.memory_space<vmem>>
      %dma_wait3A_606 = tpu.memref_squeeze %dma_wait3A_605 : memref<1x80x128xf32, #tpu.memory_space<vmem>> -> memref<80x128xf32, #tpu.memory_space<vmem>>
      tpu.wait_dma2 semaphore(%run_scoped3A_582 : memref<!tpu.dma_semaphore, #tpu.memory_space<semaphore_mem>>) src(%dma_wait3A_606 : memref<80x128xf32, #tpu.memory_space<vmem>>) dst(%dma_wait3A_602 : memref<80x128xf32, #tpu.memory_space<vmem_shared>>)
      tpu.yield
    }) : () -> ()
    %mul3A_18 = arith.constant 640 : i32
    %mul3A_19 = arith.muli %arg1, %mul3A_18 : i32
    %add3A_20 = arith.constant 160 : i32
    %add3A_21 = arith.addi %mul3A_19, %add3A_20 : i32
    %run_scoped3A_22 = arith.constant 0 : i32
    "tpu.region"() ({
      %run_scoped3A_582 = tpu.sem_alloc : memref<!tpu.dma_semaphore, #tpu.memory_space<semaphore_mem>>
      %dma_start3A_583 = arith.constant 0 : i32
      %dma_start3A_584 = arith.constant 0 : i32
      %dma_start3A_585 = tpu.memref_slice %arg8[%run_scoped3A_22, %dma_start3A_583, %dma_start3A_584] : memref<4x80x128xf32, #tpu.memory_space<vmem>> -> memref<1x80x128xf32, #tpu.memory_space<vmem>>
      %dma_start3A_586 = tpu.memref_squeeze %dma_start3A_585 : memref<1x80x128xf32, #tpu.memory_space<vmem>> -> memref<80x128xf32, #tpu.memory_space<vmem>>
      %dma_start3A_587 = arith.constant 0 : i32
      %dma_start3A_588 = tpu.memref_slice %arg12[%add3A_21, %dma_start3A_587] : memref<10240x128xf32, #tpu.memory_space<vmem_shared>> -> memref<80x128xf32, #tpu.memory_space<vmem_shared>>
      %dma_start3A_589 = arith.constant 0 : i32
      %dma_start3A_590 = tpu.memref_slice %arg12[%add3A_21, %dma_start3A_589] : memref<10240x128xf32, #tpu.memory_space<vmem_shared>> -> memref<80x128xf32, #tpu.memory_space<vmem_shared>>
      %dma_start3A_591 = arith.constant 0 : i32
      %dma_start3A_592 = arith.constant 0 : i32
      %dma_start3A_593 = tpu.memref_slice %arg8[%run_scoped3A_22, %dma_start3A_591, %dma_start3A_592] : memref<4x80x128xf32, #tpu.memory_space<vmem>> -> memref<1x80x128xf32, #tpu.memory_space<vmem>>
      %dma_start3A_594 = tpu.memref_squeeze %dma_start3A_593 : memref<1x80x128xf32, #tpu.memory_space<vmem>> -> memref<80x128xf32, #tpu.memory_space<vmem>>
      tpu.enqueue_dma source(%dma_start3A_594 : memref<80x128xf32, #tpu.memory_space<vmem>>) target(%dma_start3A_590 : memref<80x128xf32, #tpu.memory_space<vmem_shared>>) target_semaphore(%run_scoped3A_582 : memref<!tpu.dma_semaphore, #tpu.memory_space<semaphore_mem>>)
      %dma_wait3A_595 = arith.constant 0 : i32
      %dma_wait3A_596 = arith.constant 0 : i32
      %dma_wait3A_597 = tpu.memref_slice %arg8[%run_scoped3A_22, %dma_wait3A_595, %dma_wait3A_596] : memref<4x80x128xf32, #tpu.memory_space<vmem>> -> memref<1x80x128xf32, #tpu.memory_space<vmem>>
      %dma_wait3A_598 = tpu.memref_squeeze %dma_wait3A_597 : memref<1x80x128xf32, #tpu.memory_space<vmem>> -> memref<80x128xf32, #tpu.memory_space<vmem>>
      %dma_wait3A_599 = arith.constant 0 : i32
      %dma_wait3A_600 = tpu.memref_slice %arg12[%add3A_21, %dma_wait3A_599] : memref<10240x128xf32, #tpu.memory_space<vmem_shared>> -> memref<80x128xf32, #tpu.memory_space<vmem_shared>>
      %dma_wait3A_601 = arith.constant 0 : i32
      %dma_wait3A_602 = tpu.memref_slice %arg12[%add3A_21, %dma_wait3A_601] : memref<10240x128xf32, #tpu.memory_space<vmem_shared>> -> memref<80x128xf32, #tpu.memory_space<vmem_shared>>
      %dma_wait3A_603 = arith.constant 0 : i32
      %dma_wait3A_604 = arith.constant 0 : i32
      %dma_wait3A_605 = tpu.memref_slice %arg8[%run_scoped3A_22, %dma_wait3A_603, %dma_wait3A_604] : memref<4x80x128xf32, #tpu.memory_space<vmem>> -> memref<1x80x128xf32, #tpu.memory_space<vmem>>
      %dma_wait3A_606 = tpu.memref_squeeze %dma_wait3A_605 : memref<1x80x128xf32, #tpu.memory_space<vmem>> -> memref<80x128xf32, #tpu.memory_space<vmem>>
      tpu.wait_dma2 semaphore(%run_scoped3A_582 : memref<!tpu.dma_semaphore, #tpu.memory_space<semaphore_mem>>) src(%dma_wait3A_606 : memref<80x128xf32, #tpu.memory_space<vmem>>) dst(%dma_wait3A_602 : memref<80x128xf32, #tpu.memory_space<vmem_shared>>)
      tpu.yield
    }) : () -> ()
    %mul3A_23 = arith.constant 640 : i32
    %mul3A_24 = arith.muli %arg1, %mul3A_23 : i32
    %add3A_25 = arith.constant 240 : i32
    %add3A_26 = arith.addi %mul3A_24, %add3A_25 : i32
    %run_scoped3A_27 = arith.constant 0 : i32
    "tpu.region"() ({
      %run_scoped3A_582 = tpu.sem_alloc : memref<!tpu.dma_semaphore, #tpu.memory_space<semaphore_mem>>
      %dma_start3A_583 = arith.constant 0 : i32
      %dma_start3A_584 = arith.constant 0 : i32
      %dma_start3A_585 = tpu.memref_slice %arg8[%run_scoped3A_27, %dma_start3A_583, %dma_start3A_584] : memref<4x80x128xf32, #tpu.memory_space<vmem>> -> memref<1x80x128xf32, #tpu.memory_space<vmem>>
      %dma_start3A_586 = tpu.memref_squeeze %dma_start3A_585 : memref<1x80x128xf32, #tpu.memory_space<vmem>> -> memref<80x128xf32, #tpu.memory_space<vmem>>
      %dma_start3A_587 = arith.constant 0 : i32
      %dma_start3A_588 = tpu.memref_slice %arg12[%add3A_26, %dma_start3A_587] : memref<10240x128xf32, #tpu.memory_space<vmem_shared>> -> memref<80x128xf32, #tpu.memory_space<vmem_shared>>
      %dma_start3A_589 = arith.constant 0 : i32
      %dma_start3A_590 = tpu.memref_slice %arg12[%add3A_26, %dma_start3A_589] : memref<10240x128xf32, #tpu.memory_space<vmem_shared>> -> memref<80x128xf32, #tpu.memory_space<vmem_shared>>
      %dma_start3A_591 = arith.constant 0 : i32
      %dma_start3A_592 = arith.constant 0 : i32
      %dma_start3A_593 = tpu.memref_slice %arg8[%run_scoped3A_27, %dma_start3A_591, %dma_start3A_592] : memref<4x80x128xf32, #tpu.memory_space<vmem>> -> memref<1x80x128xf32, #tpu.memory_space<vmem>>
      %dma_start3A_594 = tpu.memref_squeeze %dma_start3A_593 : memref<1x80x128xf32, #tpu.memory_space<vmem>> -> memref<80x128xf32, #tpu.memory_space<vmem>>
      tpu.enqueue_dma source(%dma_start3A_594 : memref<80x128xf32, #tpu.memory_space<vmem>>) target(%dma_start3A_590 : memref<80x128xf32, #tpu.memory_space<vmem_shared>>) target_semaphore(%run_scoped3A_582 : memref<!tpu.dma_semaphore, #tpu.memory_space<semaphore_mem>>)
      %dma_wait3A_595 = arith.constant 0 : i32
      %dma_wait3A_596 = arith.constant 0 : i32
      %dma_wait3A_597 = tpu.memref_slice %arg8[%run_scoped3A_27, %dma_wait3A_595, %dma_wait3A_596] : memref<4x80x128xf32, #tpu.memory_space<vmem>> -> memref<1x80x128xf32, #tpu.memory_space<vmem>>
      %dma_wait3A_598 = tpu.memref_squeeze %dma_wait3A_597 : memref<1x80x128xf32, #tpu.memory_space<vmem>> -> memref<80x128xf32, #tpu.memory_space<vmem>>
      %dma_wait3A_599 = arith.constant 0 : i32
      %dma_wait3A_600 = tpu.memref_slice %arg12[%add3A_26, %dma_wait3A_599] : memref<10240x128xf32, #tpu.memory_space<vmem_shared>> -> memref<80x128xf32, #tpu.memory_space<vmem_shared>>
      %dma_wait3A_601 = arith.constant 0 : i32
      %dma_wait3A_602 = tpu.memref_slice %arg12[%add3A_26, %dma_wait3A_601] : memref<10240x128xf32, #tpu.memory_space<vmem_shared>> -> memref<80x128xf32, #tpu.memory_space<vmem_shared>>
      %dma_wait3A_603 = arith.constant 0 : i32
      %dma_wait3A_604 = arith.constant 0 : i32
      %dma_wait3A_605 = tpu.memref_slice %arg8[%run_scoped3A_27, %dma_wait3A_603, %dma_wait3A_604] : memref<4x80x128xf32, #tpu.memory_space<vmem>> -> memref<1x80x128xf32, #tpu.memory_space<vmem>>
      %dma_wait3A_606 = tpu.memref_squeeze %dma_wait3A_605 : memref<1x80x128xf32, #tpu.memory_space<vmem>> -> memref<80x128xf32, #tpu.memory_space<vmem>>
      tpu.wait_dma2 semaphore(%run_scoped3A_582 : memref<!tpu.dma_semaphore, #tpu.memory_space<semaphore_mem>>) src(%dma_wait3A_606 : memref<80x128xf32, #tpu.memory_space<vmem>>) dst(%dma_wait3A_602 : memref<80x128xf32, #tpu.memory_space<vmem_shared>>)
      tpu.yield
    }) : () -> ()
    %mul3A_28 = arith.constant 640 : i32
    %mul3A_29 = arith.muli %arg1, %mul3A_28 : i32
    %add3A_30 = arith.constant 320 : i32
    %add3A_31 = arith.addi %mul3A_29, %add3A_30 : i32
    %run_scoped3A_32 = arith.constant 0 : i32
    "tpu.region"() ({
      %run_scoped3A_582 = tpu.sem_alloc : memref<!tpu.dma_semaphore, #tpu.memory_space<semaphore_mem>>
      %dma_start3A_583 = arith.constant 0 : i32
      %dma_start3A_584 = arith.constant 0 : i32
      %dma_start3A_585 = tpu.memref_slice %arg8[%run_scoped3A_32, %dma_start3A_583, %dma_start3A_584] : memref<4x80x128xf32, #tpu.memory_space<vmem>> -> memref<1x80x128xf32, #tpu.memory_space<vmem>>
      %dma_start3A_586 = tpu.memref_squeeze %dma_start3A_585 : memref<1x80x128xf32, #tpu.memory_space<vmem>> -> memref<80x128xf32, #tpu.memory_space<vmem>>
      %dma_start3A_587 = arith.constant 0 : i32
      %dma_start3A_588 = tpu.memref_slice %arg12[%add3A_31, %dma_start3A_587] : memref<10240x128xf32, #tpu.memory_space<vmem_shared>> -> memref<80x128xf32, #tpu.memory_space<vmem_shared>>
      %dma_start3A_589 = arith.constant 0 : i32
      %dma_start3A_590 = tpu.memref_slice %arg12[%add3A_31, %dma_start3A_589] : memref<10240x128xf32, #tpu.memory_space<vmem_shared>> -> memref<80x128xf32, #tpu.memory_space<vmem_shared>>
      %dma_start3A_591 = arith.constant 0 : i32
      %dma_start3A_592 = arith.constant 0 : i32
      %dma_start3A_593 = tpu.memref_slice %arg8[%run_scoped3A_32, %dma_start3A_591, %dma_start3A_592] : memref<4x80x128xf32, #tpu.memory_space<vmem>> -> memref<1x80x128xf32, #tpu.memory_space<vmem>>
      %dma_start3A_594 = tpu.memref_squeeze %dma_start3A_593 : memref<1x80x128xf32, #tpu.memory_space<vmem>> -> memref<80x128xf32, #tpu.memory_space<vmem>>
      tpu.enqueue_dma source(%dma_start3A_594 : memref<80x128xf32, #tpu.memory_space<vmem>>) target(%dma_start3A_590 : memref<80x128xf32, #tpu.memory_space<vmem_shared>>) target_semaphore(%run_scoped3A_582 : memref<!tpu.dma_semaphore, #tpu.memory_space<semaphore_mem>>)
      %dma_wait3A_595 = arith.constant 0 : i32
      %dma_wait3A_596 = arith.constant 0 : i32
      %dma_wait3A_597 = tpu.memref_slice %arg8[%run_scoped3A_32, %dma_wait3A_595, %dma_wait3A_596] : memref<4x80x128xf32, #tpu.memory_space<vmem>> -> memref<1x80x128xf32, #tpu.memory_space<vmem>>
      %dma_wait3A_598 = tpu.memref_squeeze %dma_wait3A_597 : memref<1x80x128xf32, #tpu.memory_space<vmem>> -> memref<80x128xf32, #tpu.memory_space<vmem>>
      %dma_wait3A_599 = arith.constant 0 : i32
      %dma_wait3A_600 = tpu.memref_slice %arg12[%add3A_31, %dma_wait3A_599] : memref<10240x128xf32, #tpu.memory_space<vmem_shared>> -> memref<80x128xf32, #tpu.memory_space<vmem_shared>>
      %dma_wait3A_601 = arith.constant 0 : i32
      %dma_wait3A_602 = tpu.memref_slice %arg12[%add3A_31, %dma_wait3A_601] : memref<10240x128xf32, #tpu.memory_space<vmem_shared>> -> memref<80x128xf32, #tpu.memory_space<vmem_shared>>
      %dma_wait3A_603 = arith.constant 0 : i32
      %dma_wait3A_604 = arith.constant 0 : i32
      %dma_wait3A_605 = tpu.memref_slice %arg8[%run_scoped3A_32, %dma_wait3A_603, %dma_wait3A_604] : memref<4x80x128xf32, #tpu.memory_space<vmem>> -> memref<1x80x128xf32, #tpu.memory_space<vmem>>
      %dma_wait3A_606 = tpu.memref_squeeze %dma_wait3A_605 : memref<1x80x128xf32, #tpu.memory_space<vmem>> -> memref<80x128xf32, #tpu.memory_space<vmem>>
      tpu.wait_dma2 semaphore(%run_scoped3A_582 : memref<!tpu.dma_semaphore, #tpu.memory_space<semaphore_mem>>) src(%dma_wait3A_606 : memref<80x128xf32, #tpu.memory_space<vmem>>) dst(%dma_wait3A_602 : memref<80x128xf32, #tpu.memory_space<vmem_shared>>)
      tpu.yield
    }) : () -> ()
    %mul3A_33 = arith.constant 640 : i32
    %mul3A_34 = arith.muli %arg1, %mul3A_33 : i32
    %add3A_35 = arith.constant 400 : i32
    %add3A_36 = arith.addi %mul3A_34, %add3A_35 : i32
    %run_scoped3A_37 = arith.constant 0 : i32
    "tpu.region"() ({
      %run_scoped3A_582 = tpu.sem_alloc : memref<!tpu.dma_semaphore, #tpu.memory_space<semaphore_mem>>
      %dma_start3A_583 = arith.constant 0 : i32
      %dma_start3A_584 = arith.constant 0 : i32
      %dma_start3A_585 = tpu.memref_slice %arg8[%run_scoped3A_37, %dma_start3A_583, %dma_start3A_584] : memref<4x80x128xf32, #tpu.memory_space<vmem>> -> memref<1x80x128xf32, #tpu.memory_space<vmem>>
      %dma_start3A_586 = tpu.memref_squeeze %dma_start3A_585 : memref<1x80x128xf32, #tpu.memory_space<vmem>> -> memref<80x128xf32, #tpu.memory_space<vmem>>
      %dma_start3A_587 = arith.constant 0 : i32
      %dma_start3A_588 = tpu.memref_slice %arg12[%add3A_36, %dma_start3A_587] : memref<10240x128xf32, #tpu.memory_space<vmem_shared>> -> memref<80x128xf32, #tpu.memory_space<vmem_shared>>
      %dma_start3A_589 = arith.constant 0 : i32
      %dma_start3A_590 = tpu.memref_slice %arg12[%add3A_36, %dma_start3A_589] : memref<10240x128xf32, #tpu.memory_space<vmem_shared>> -> memref<80x128xf32, #tpu.memory_space<vmem_shared>>
      %dma_start3A_591 = arith.constant 0 : i32
      %dma_start3A_592 = arith.constant 0 : i32
      %dma_start3A_593 = tpu.memref_slice %arg8[%run_scoped3A_37, %dma_start3A_591, %dma_start3A_592] : memref<4x80x128xf32, #tpu.memory_space<vmem>> -> memref<1x80x128xf32, #tpu.memory_space<vmem>>
      %dma_start3A_594 = tpu.memref_squeeze %dma_start3A_593 : memref<1x80x128xf32, #tpu.memory_space<vmem>> -> memref<80x128xf32, #tpu.memory_space<vmem>>
      tpu.enqueue_dma source(%dma_start3A_594 : memref<80x128xf32, #tpu.memory_space<vmem>>) target(%dma_start3A_590 : memref<80x128xf32, #tpu.memory_space<vmem_shared>>) target_semaphore(%run_scoped3A_582 : memref<!tpu.dma_semaphore, #tpu.memory_space<semaphore_mem>>)
      %dma_wait3A_595 = arith.constant 0 : i32
      %dma_wait3A_596 = arith.constant 0 : i32
      %dma_wait3A_597 = tpu.memref_slice %arg8[%run_scoped3A_37, %dma_wait3A_595, %dma_wait3A_596] : memref<4x80x128xf32, #tpu.memory_space<vmem>> -> memref<1x80x128xf32, #tpu.memory_space<vmem>>
      %dma_wait3A_598 = tpu.memref_squeeze %dma_wait3A_597 : memref<1x80x128xf32, #tpu.memory_space<vmem>> -> memref<80x128xf32, #tpu.memory_space<vmem>>
      %dma_wait3A_599 = arith.constant 0 : i32
      %dma_wait3A_600 = tpu.memref_slice %arg12[%add3A_36, %dma_wait3A_599] : memref<10240x128xf32, #tpu.memory_space<vmem_shared>> -> memref<80x128xf32, #tpu.memory_space<vmem_shared>>
      %dma_wait3A_601 = arith.constant 0 : i32
      %dma_wait3A_602 = tpu.memref_slice %arg12[%add3A_36, %dma_wait3A_601] : memref<10240x128xf32, #tpu.memory_space<vmem_shared>> -> memref<80x128xf32, #tpu.memory_space<vmem_shared>>
      %dma_wait3A_603 = arith.constant 0 : i32
      %dma_wait3A_604 = arith.constant 0 : i32
      %dma_wait3A_605 = tpu.memref_slice %arg8[%run_scoped3A_37, %dma_wait3A_603, %dma_wait3A_604] : memref<4x80x128xf32, #tpu.memory_space<vmem>> -> memref<1x80x128xf32, #tpu.memory_space<vmem>>
      %dma_wait3A_606 = tpu.memref_squeeze %dma_wait3A_605 : memref<1x80x128xf32, #tpu.memory_space<vmem>> -> memref<80x128xf32, #tpu.memory_space<vmem>>
      tpu.wait_dma2 semaphore(%run_scoped3A_582 : memref<!tpu.dma_semaphore, #tpu.memory_space<semaphore_mem>>) src(%dma_wait3A_606 : memref<80x128xf32, #tpu.memory_space<vmem>>) dst(%dma_wait3A_602 : memref<80x128xf32, #tpu.memory_space<vmem_shared>>)
      tpu.yield
    }) : () -> ()
    %mul3A_38 = arith.constant 640 : i32
    %mul3A_39 = arith.muli %arg1, %mul3A_38 : i32
    %add3A_40 = arith.constant 480 : i32
    %add3A_41 = arith.addi %mul3A_39, %add3A_40 : i32
    %run_scoped3A_42 = arith.constant 0 : i32
    "tpu.region"() ({
      %run_scoped3A_582 = tpu.sem_alloc : memref<!tpu.dma_semaphore, #tpu.memory_space<semaphore_mem>>
      %dma_start3A_583 = arith.constant 0 : i32
      %dma_start3A_584 = arith.constant 0 : i32
      %dma_start3A_585 = tpu.memref_slice %arg8[%run_scoped3A_42, %dma_start3A_583, %dma_start3A_584] : memref<4x80x128xf32, #tpu.memory_space<vmem>> -> memref<1x80x128xf32, #tpu.memory_space<vmem>>
      %dma_start3A_586 = tpu.memref_squeeze %dma_start3A_585 : memref<1x80x128xf32, #tpu.memory_space<vmem>> -> memref<80x128xf32, #tpu.memory_space<vmem>>
      %dma_start3A_587 = arith.constant 0 : i32
      %dma_start3A_588 = tpu.memref_slice %arg12[%add3A_41, %dma_start3A_587] : memref<10240x128xf32, #tpu.memory_space<vmem_shared>> -> memref<80x128xf32, #tpu.memory_space<vmem_shared>>
      %dma_start3A_589 = arith.constant 0 : i32
      %dma_start3A_590 = tpu.memref_slice %arg12[%add3A_41, %dma_start3A_589] : memref<10240x128xf32, #tpu.memory_space<vmem_shared>> -> memref<80x128xf32, #tpu.memory_space<vmem_shared>>
      %dma_start3A_591 = arith.constant 0 : i32
      %dma_start3A_592 = arith.constant 0 : i32
      %dma_start3A_593 = tpu.memref_slice %arg8[%run_scoped3A_42, %dma_start3A_591, %dma_start3A_592] : memref<4x80x128xf32, #tpu.memory_space<vmem>> -> memref<1x80x128xf32, #tpu.memory_space<vmem>>
      %dma_start3A_594 = tpu.memref_squeeze %dma_start3A_593 : memref<1x80x128xf32, #tpu.memory_space<vmem>> -> memref<80x128xf32, #tpu.memory_space<vmem>>
      tpu.enqueue_dma source(%dma_start3A_594 : memref<80x128xf32, #tpu.memory_space<vmem>>) target(%dma_start3A_590 : memref<80x128xf32, #tpu.memory_space<vmem_shared>>) target_semaphore(%run_scoped3A_582 : memref<!tpu.dma_semaphore, #tpu.memory_space<semaphore_mem>>)
      %dma_wait3A_595 = arith.constant 0 : i32
      %dma_wait3A_596 = arith.constant 0 : i32
      %dma_wait3A_597 = tpu.memref_slice %arg8[%run_scoped3A_42, %dma_wait3A_595, %dma_wait3A_596] : memref<4x80x128xf32, #tpu.memory_space<vmem>> -> memref<1x80x128xf32, #tpu.memory_space<vmem>>
      %dma_wait3A_598 = tpu.memref_squeeze %dma_wait3A_597 : memref<1x80x128xf32, #tpu.memory_space<vmem>> -> memref<80x128xf32, #tpu.memory_space<vmem>>
      %dma_wait3A_599 = arith.constant 0 : i32
      %dma_wait3A_600 = tpu.memref_slice %arg12[%add3A_41, %dma_wait3A_599] : memref<10240x128xf32, #tpu.memory_space<vmem_shared>> -> memref<80x128xf32, #tpu.memory_space<vmem_shared>>
      %dma_wait3A_601 = arith.constant 0 : i32
      %dma_wait3A_602 = tpu.memref_slice %arg12[%add3A_41, %dma_wait3A_601] : memref<10240x128xf32, #tpu.memory_space<vmem_shared>> -> memref<80x128xf32, #tpu.memory_space<vmem_shared>>
      %dma_wait3A_603 = arith.constant 0 : i32
      %dma_wait3A_604 = arith.constant 0 : i32
      %dma_wait3A_605 = tpu.memref_slice %arg8[%run_scoped3A_42, %dma_wait3A_603, %dma_wait3A_604] : memref<4x80x128xf32, #tpu.memory_space<vmem>> -> memref<1x80x128xf32, #tpu.memory_space<vmem>>
      %dma_wait3A_606 = tpu.memref_squeeze %dma_wait3A_605 : memref<1x80x128xf32, #tpu.memory_space<vmem>> -> memref<80x128xf32, #tpu.memory_space<vmem>>
      tpu.wait_dma2 semaphore(%run_scoped3A_582 : memref<!tpu.dma_semaphore, #tpu.memory_space<semaphore_mem>>) src(%dma_wait3A_606 : memref<80x128xf32, #tpu.memory_space<vmem>>) dst(%dma_wait3A_602 : memref<80x128xf32, #tpu.memory_space<vmem_shared>>)
      tpu.yield
    }) : () -> ()
    %mul3A_43 = arith.constant 640 : i32
    %mul3A_44 = arith.muli %arg1, %mul3A_43 : i32
    %add3A_45 = arith.constant 560 : i32
    %add3A_46 = arith.addi %mul3A_44, %add3A_45 : i32
    %run_scoped3A_47 = arith.constant 0 : i32
    "tpu.region"() ({
      %run_scoped3A_582 = tpu.sem_alloc : memref<!tpu.dma_semaphore, #tpu.memory_space<semaphore_mem>>
      %dma_start3A_583 = arith.constant 0 : i32
      %dma_start3A_584 = arith.constant 0 : i32
      %dma_start3A_585 = tpu.memref_slice %arg8[%run_scoped3A_47, %dma_start3A_583, %dma_start3A_584] : memref<4x80x128xf32, #tpu.memory_space<vmem>> -> memref<1x80x128xf32, #tpu.memory_space<vmem>>
      %dma_start3A_586 = tpu.memref_squeeze %dma_start3A_585 : memref<1x80x128xf32, #tpu.memory_space<vmem>> -> memref<80x128xf32, #tpu.memory_space<vmem>>
      %dma_start3A_587 = arith.constant 0 : i32
      %dma_start3A_588 = tpu.memref_slice %arg12[%add3A_46, %dma_start3A_587] : memref<10240x128xf32, #tpu.memory_space<vmem_shared>> -> memref<80x128xf32, #tpu.memory_space<vmem_shared>>
      %dma_start3A_589 = arith.constant 0 : i32
      %dma_start3A_590 = tpu.memref_slice %arg12[%add3A_46, %dma_start3A_589] : memref<10240x128xf32, #tpu.memory_space<vmem_shared>> -> memref<80x128xf32, #tpu.memory_space<vmem_shared>>
      %dma_start3A_591 = arith.constant 0 : i32
      %dma_start3A_592 = arith.constant 0 : i32
      %dma_start3A_593 = tpu.memref_slice %arg8[%run_scoped3A_47, %dma_start3A_591, %dma_start3A_592] : memref<4x80x128xf32, #tpu.memory_space<vmem>> -> memref<1x80x128xf32, #tpu.memory_space<vmem>>
      %dma_start3A_594 = tpu.memref_squeeze %dma_start3A_593 : memref<1x80x128xf32, #tpu.memory_space<vmem>> -> memref<80x128xf32, #tpu.memory_space<vmem>>
      tpu.enqueue_dma source(%dma_start3A_594 : memref<80x128xf32, #tpu.memory_space<vmem>>) target(%dma_start3A_590 : memref<80x128xf32, #tpu.memory_space<vmem_shared>>) target_semaphore(%run_scoped3A_582 : memref<!tpu.dma_semaphore, #tpu.memory_space<semaphore_mem>>)
      %dma_wait3A_595 = arith.constant 0 : i32
      %dma_wait3A_596 = arith.constant 0 : i32
      %dma_wait3A_597 = tpu.memref_slice %arg8[%run_scoped3A_47, %dma_wait3A_595, %dma_wait3A_596] : memref<4x80x128xf32, #tpu.memory_space<vmem>> -> memref<1x80x128xf32, #tpu.memory_space<vmem>>
      %dma_wait3A_598 = tpu.memref_squeeze %dma_wait3A_597 : memref<1x80x128xf32, #tpu.memory_space<vmem>> -> memref<80x128xf32, #tpu.memory_space<vmem>>
      %dma_wait3A_599 = arith.constant 0 : i32
      %dma_wait3A_600 = tpu.memref_slice %arg12[%add3A_46, %dma_wait3A_599] : memref<10240x128xf32, #tpu.memory_space<vmem_shared>> -> memref<80x128xf32, #tpu.memory_space<vmem_shared>>
      %dma_wait3A_601 = arith.constant 0 : i32
      %dma_wait3A_602 = tpu.memref_slice %arg12[%add3A_46, %dma_wait3A_601] : memref<10240x128xf32, #tpu.memory_space<vmem_shared>> -> memref<80x128xf32, #tpu.memory_space<vmem_shared>>
      %dma_wait3A_603 = arith.constant 0 : i32
      %dma_wait3A_604 = arith.constant 0 : i32
      %dma_wait3A_605 = tpu.memref_slice %arg8[%run_scoped3A_47, %dma_wait3A_603, %dma_wait3A_604] : memref<4x80x128xf32, #tpu.memory_space<vmem>> -> memref<1x80x128xf32, #tpu.memory_space<vmem>>
      %dma_wait3A_606 = tpu.memref_squeeze %dma_wait3A_605 : memref<1x80x128xf32, #tpu.memory_space<vmem>> -> memref<80x128xf32, #tpu.memory_space<vmem>>
      tpu.wait_dma2 semaphore(%run_scoped3A_582 : memref<!tpu.dma_semaphore, #tpu.memory_space<semaphore_mem>>) src(%dma_wait3A_606 : memref<80x128xf32, #tpu.memory_space<vmem>>) dst(%dma_wait3A_602 : memref<80x128xf32, #tpu.memory_space<vmem_shared>>)
      tpu.yield
    }) : () -> ()
    %barrier3A = arith.constant 0 : index
    tpu.barrier barrier_id(%barrier3A)
    %scan3A_48 = arith.constant 0 : i32
    %scan3A_49 = arith.constant 0 : i32
    %scan3A_50 = arith.constant 131 : i32
    %scan3A_51 = arith.addi %scan3A_49, %scan3A_50 : i32
    %scan3A_52 = arith.constant 1 : i32
    %scan3A_53 = scf.for %scan3A_582 = %scan3A_49 to %scan3A_51 step %scan3A_52 iter_args(%scan3A_583 = %scan3A_48) -> (i32)  : i32 {
      %ge3A = arith.constant 6 : i32
      %ge3A_584 = arith.cmpi sge, %scan3A_582, %ge3A : i32
      %lt3A = arith.constant 131 : i32
      %lt3A_585 = arith.cmpi slt, %scan3A_582, %lt3A : i32
      %and3A = arith.andi %ge3A_584, %lt3A_585 : i1
      %convert_element_type3A = arith.extui %and3A : i1 to i32
      %cond3A = arith.constant 0 : i32
      %cond3A_586 = arith.cmpi ne, %convert_element_type3A, %cond3A : i32
      scf.if %cond3A_586 {
        %dma_wait3A_609 = arith.constant 0 : i32
        %dma_wait3A_610 = arith.constant 0 : i32
        %dma_wait3A_611 = arith.constant 0 : i32
        %dma_wait3A_612 = tpu.memref_slice %arg8[%dma_wait3A_609, %dma_wait3A_610, %dma_wait3A_611] : memref<4x80x128xf32, #tpu.memory_space<vmem>> -> memref<1x80x128xf32, #tpu.memory_space<vmem>>
        %dma_wait3A_613 = tpu.memref_squeeze %dma_wait3A_612 : memref<1x80x128xf32, #tpu.memory_space<vmem>> -> memref<80x128xf32, #tpu.memory_space<vmem>>
        %dma_wait3A_614 = arith.constant 0 : i32
        %dma_wait3A_615 = arith.constant 0 : i32
        %dma_wait3A_616 = tpu.memref_slice %arg2[%dma_wait3A_614, %dma_wait3A_615] : memref<10000x128xf32, #tpu.memory_space<hbm>> -> memref<80x128xf32, #tpu.memory_space<hbm>>
        %dma_wait3A_617 = arith.constant 0 : i32
        %dma_wait3A_618 = arith.constant 0 : i32
        %dma_wait3A_619 = tpu.memref_slice %arg8[%dma_wait3A_609, %dma_wait3A_617, %dma_wait3A_618] : memref<4x80x128xf32, #tpu.memory_space<vmem>> -> memref<1x80x128xf32, #tpu.memory_space<vmem>>
        %dma_wait3A_620 = tpu.memref_squeeze %dma_wait3A_619 : memref<1x80x128xf32, #tpu.memory_space<vmem>> -> memref<80x128xf32, #tpu.memory_space<vmem>>
        %dma_wait3A_621 = arith.constant 0 : i32
        %dma_wait3A_622 = arith.constant 0 : i32
        %dma_wait3A_623 = tpu.memref_slice %arg2[%dma_wait3A_621, %dma_wait3A_622] : memref<10000x128xf32, #tpu.memory_space<hbm>> -> memref<80x128xf32, #tpu.memory_space<hbm>>
        tpu.wait_dma2 semaphore(%arg11 : memref<!tpu.dma_semaphore, #tpu.memory_space<semaphore_mem>>) src(%dma_wait3A_623 : memref<80x128xf32, #tpu.memory_space<hbm>>) dst(%dma_wait3A_620 : memref<80x128xf32, #tpu.memory_space<vmem>>)
      } else {
      }
      %lt3A_587 = arith.constant 125 : i32
      %lt3A_588 = arith.cmpi slt, %scan3A_582, %lt3A_587 : i32
      %convert_element_type3A_589 = arith.extui %lt3A_588 : i1 to i32
      %cond3A_590 = arith.constant 0 : i32
      %cond3A_591 = arith.cmpi ne, %convert_element_type3A_589, %cond3A_590 : i32
      scf.if %cond3A_591 {
        %rem3A = arith.constant 8 : i32
        %rem3A_609 = arith.remsi %scan3A_582, %rem3A : i32
        %dma_start3A_610 = arith.constant 0 : i32
        %dma_start3A_611 = arith.constant 0 : i32
        %dma_start3A_612 = tpu.memref_slice %arg6[%rem3A_609, %dma_start3A_610, %dma_start3A_611] : memref<8x1x80xi32, #tpu.memory_space<vmem>> -> memref<1x1x80xi32, #tpu.memory_space<vmem>>
        %dma_start3A_613 = tpu.memref_squeeze %dma_start3A_612 : memref<1x1x80xi32, #tpu.memory_space<vmem>> -> memref<1x80xi32, #tpu.memory_space<vmem>>
        %dma_start3A_614 = arith.constant 0 : i32
        %dma_start3A_615 = arith.constant 0 : i32
        %dma_start3A_616 = tpu.memref_slice %arg3[%add3A, %scan3A_582, %dma_start3A_614, %dma_start3A_615] : memref<32x125x1x80xi32, #tpu.memory_space<hbm>> -> memref<1x1x1x80xi32, #tpu.memory_space<hbm>>
        %dma_start3A_617 = tpu.memref_squeeze %dma_start3A_616 : memref<1x1x1x80xi32, #tpu.memory_space<hbm>> -> memref<1x80xi32, #tpu.memory_space<hbm>>
        %dma_start3A_618 = arith.constant 0 : i32
        %dma_start3A_619 = arith.constant 0 : i32
        %dma_start3A_620 = tpu.memref_slice %arg6[%rem3A_609, %dma_start3A_618, %dma_start3A_619] : memref<8x1x80xi32, #tpu.memory_space<vmem>> -> memref<1x1x80xi32, #tpu.memory_space<vmem>>
        %dma_start3A_621 = tpu.memref_squeeze %dma_start3A_620 : memref<1x1x80xi32, #tpu.memory_space<vmem>> -> memref<1x80xi32, #tpu.memory_space<vmem>>
        %dma_start3A_622 = arith.constant 0 : i32
        %dma_start3A_623 = arith.constant 0 : i32
        %dma_start3A_624 = tpu.memref_slice %arg3[%add3A, %scan3A_582, %dma_start3A_622, %dma_start3A_623] : memref<32x125x1x80xi32, #tpu.memory_space<hbm>> -> memref<1x1x1x80xi32, #tpu.memory_space<hbm>>
        %dma_start3A_625 = tpu.memref_squeeze %dma_start3A_624 : memref<1x1x1x80xi32, #tpu.memory_space<hbm>> -> memref<1x80xi32, #tpu.memory_space<hbm>>
        tpu.enqueue_dma source(%dma_start3A_625 : memref<1x80xi32, #tpu.memory_space<hbm>>) target(%dma_start3A_621 : memref<1x80xi32, #tpu.memory_space<vmem>>) target_semaphore(%arg9 : memref<!tpu.dma_semaphore, #tpu.memory_space<semaphore_mem>>)
        %dma_start3A_626 = arith.constant 0 : i32
        %dma_start3A_627 = arith.constant 0 : i32
        %dma_start3A_628 = tpu.memref_slice %arg7[%rem3A_609, %dma_start3A_626, %dma_start3A_627] : memref<8x1x80xi32, #tpu.memory_space<vmem>> -> memref<1x1x80xi32, #tpu.memory_space<vmem>>
        %dma_start3A_629 = tpu.memref_squeeze %dma_start3A_628 : memref<1x1x80xi32, #tpu.memory_space<vmem>> -> memref<1x80xi32, #tpu.memory_space<vmem>>
        %dma_start3A_630 = arith.constant 0 : i32
        %dma_start3A_631 = arith.constant 0 : i32
        %dma_start3A_632 = tpu.memref_slice %arg4[%add3A, %scan3A_582, %dma_start3A_630, %dma_start3A_631] : memref<32x125x1x80xi32, #tpu.memory_space<hbm>> -> memref<1x1x1x80xi32, #tpu.memory_space<hbm>>
        %dma_start3A_633 = tpu.memref_squeeze %dma_start3A_632 : memref<1x1x1x80xi32, #tpu.memory_space<hbm>> -> memref<1x80xi32, #tpu.memory_space<hbm>>
        %dma_start3A_634 = arith.constant 0 : i32
        %dma_start3A_635 = arith.constant 0 : i32
        %dma_start3A_636 = tpu.memref_slice %arg7[%rem3A_609, %dma_start3A_634, %dma_start3A_635] : memref<8x1x80xi32, #tpu.memory_space<vmem>> -> memref<1x1x80xi32, #tpu.memory_space<vmem>>
        %dma_start3A_637 = tpu.memref_squeeze %dma_start3A_636 : memref<1x1x80xi32, #tpu.memory_space<vmem>> -> memref<1x80xi32, #tpu.memory_space<vmem>>
        %dma_start3A_638 = arith.constant 0 : i32
        %dma_start3A_639 = arith.constant 0 : i32
        %dma_start3A_640 = tpu.memref_slice %arg4[%add3A, %scan3A_582, %dma_start3A_638, %dma_start3A_639] : memref<32x125x1x80xi32, #tpu.memory_space<hbm>> -> memref<1x1x1x80xi32, #tpu.memory_space<hbm>>
        %dma_start3A_641 = tpu.memref_squeeze %dma_start3A_640 : memref<1x1x1x80xi32, #tpu.memory_space<hbm>> -> memref<1x80xi32, #tpu.memory_space<hbm>>
        tpu.enqueue_dma source(%dma_start3A_641 : memref<1x80xi32, #tpu.memory_space<hbm>>) target(%dma_start3A_637 : memref<1x80xi32, #tpu.memory_space<vmem>>) target_semaphore(%arg9 : memref<!tpu.dma_semaphore, #tpu.memory_space<semaphore_mem>>)
      } else {
      }
      %ge3A_592 = arith.constant 2 : i32
      %ge3A_593 = arith.cmpi sge, %scan3A_582, %ge3A_592 : i32
      %lt3A_594 = arith.constant 127 : i32
      %lt3A_595 = arith.cmpi slt, %scan3A_582, %lt3A_594 : i32
      %and3A_596 = arith.andi %ge3A_593, %lt3A_595 : i1
      %convert_element_type3A_597 = arith.extui %and3A_596 : i1 to i32
      %cond3A_598 = arith.constant 0 : i32
      %cond3A_599 = arith.cmpi ne, %convert_element_type3A_597, %cond3A_598 : i32
      scf.if %cond3A_599 {
        %sub3A = arith.constant 2 : i32
        %sub3A_609 = arith.subi %scan3A_582, %sub3A : i32
        %dma_wait3A_610 = arith.constant 0 : i32
        %dma_wait3A_611 = arith.constant 0 : i32
        %dma_wait3A_612 = arith.constant 0 : i32
        %dma_wait3A_613 = arith.constant 0 : i32
        %dma_wait3A_614 = arith.constant 0 : i32
        %dma_wait3A_615 = tpu.memref_slice %arg6[%dma_wait3A_612, %dma_wait3A_613, %dma_wait3A_614] : memref<8x1x80xi32, #tpu.memory_space<vmem>> -> memref<1x1x80xi32, #tpu.memory_space<vmem>>
        %dma_wait3A_616 = tpu.memref_squeeze %dma_wait3A_615 : memref<1x1x80xi32, #tpu.memory_space<vmem>> -> memref<1x80xi32, #tpu.memory_space<vmem>>
        %dma_wait3A_617 = arith.constant 0 : i32
        %dma_wait3A_618 = arith.constant 0 : i32
        %dma_wait3A_619 = tpu.memref_slice %arg3[%dma_wait3A_610, %dma_wait3A_611, %dma_wait3A_617, %dma_wait3A_618] : memref<32x125x1x80xi32, #tpu.memory_space<hbm>> -> memref<1x1x1x80xi32, #tpu.memory_space<hbm>>
        %dma_wait3A_620 = tpu.memref_squeeze %dma_wait3A_619 : memref<1x1x1x80xi32, #tpu.memory_space<hbm>> -> memref<1x80xi32, #tpu.memory_space<hbm>>
        %dma_wait3A_621 = arith.constant 0 : i32
        %dma_wait3A_622 = arith.constant 0 : i32
        %dma_wait3A_623 = tpu.memref_slice %arg6[%dma_wait3A_612, %dma_wait3A_621, %dma_wait3A_622] : memref<8x1x80xi32, #tpu.memory_space<vmem>> -> memref<1x1x80xi32, #tpu.memory_space<vmem>>
        %dma_wait3A_624 = tpu.memref_squeeze %dma_wait3A_623 : memref<1x1x80xi32, #tpu.memory_space<vmem>> -> memref<1x80xi32, #tpu.memory_space<vmem>>
        %dma_wait3A_625 = arith.constant 0 : i32
        %dma_wait3A_626 = arith.constant 0 : i32
        %dma_wait3A_627 = tpu.memref_slice %arg3[%dma_wait3A_610, %dma_wait3A_611, %dma_wait3A_625, %dma_wait3A_626] : memref<32x125x1x80xi32, #tpu.memory_space<hbm>> -> memref<1x1x1x80xi32, #tpu.memory_space<hbm>>
        %dma_wait3A_628 = tpu.memref_squeeze %dma_wait3A_627 : memref<1x1x1x80xi32, #tpu.memory_space<hbm>> -> memref<1x80xi32, #tpu.memory_space<hbm>>
        tpu.wait_dma2 semaphore(%arg9 : memref<!tpu.dma_semaphore, #tpu.memory_space<semaphore_mem>>) src(%dma_wait3A_628 : memref<1x80xi32, #tpu.memory_space<hbm>>) dst(%dma_wait3A_624 : memref<1x80xi32, #tpu.memory_space<vmem>>)
        %dma_wait3A_629 = arith.constant 0 : i32
        %dma_wait3A_630 = arith.constant 0 : i32
        %dma_wait3A_631 = arith.constant 0 : i32
        %dma_wait3A_632 = arith.constant 0 : i32
        %dma_wait3A_633 = arith.constant 0 : i32
        %dma_wait3A_634 = tpu.memref_slice %arg6[%dma_wait3A_631, %dma_wait3A_632, %dma_wait3A_633] : memref<8x1x80xi32, #tpu.memory_space<vmem>> -> memref<1x1x80xi32, #tpu.memory_space<vmem>>
        %dma_wait3A_635 = tpu.memref_squeeze %dma_wait3A_634 : memref<1x1x80xi32, #tpu.memory_space<vmem>> -> memref<1x80xi32, #tpu.memory_space<vmem>>
        %dma_wait3A_636 = arith.constant 0 : i32
        %dma_wait3A_637 = arith.constant 0 : i32
        %dma_wait3A_638 = tpu.memref_slice %arg3[%dma_wait3A_629, %dma_wait3A_630, %dma_wait3A_636, %dma_wait3A_637] : memref<32x125x1x80xi32, #tpu.memory_space<hbm>> -> memref<1x1x1x80xi32, #tpu.memory_space<hbm>>
        %dma_wait3A_639 = tpu.memref_squeeze %dma_wait3A_638 : memref<1x1x1x80xi32, #tpu.memory_space<hbm>> -> memref<1x80xi32, #tpu.memory_space<hbm>>
        %dma_wait3A_640 = arith.constant 0 : i32
        %dma_wait3A_641 = arith.constant 0 : i32
        %dma_wait3A_642 = tpu.memref_slice %arg6[%dma_wait3A_631, %dma_wait3A_640, %dma_wait3A_641] : memref<8x1x80xi32, #tpu.memory_space<vmem>> -> memref<1x1x80xi32, #tpu.memory_space<vmem>>
        %dma_wait3A_643 = tpu.memref_squeeze %dma_wait3A_642 : memref<1x1x80xi32, #tpu.memory_space<vmem>> -> memref<1x80xi32, #tpu.memory_space<vmem>>
        %dma_wait3A_644 = arith.constant 0 : i32
        %dma_wait3A_645 = arith.constant 0 : i32
        %dma_wait3A_646 = tpu.memref_slice %arg3[%dma_wait3A_629, %dma_wait3A_630, %dma_wait3A_644, %dma_wait3A_645] : memref<32x125x1x80xi32, #tpu.memory_space<hbm>> -> memref<1x1x1x80xi32, #tpu.memory_space<hbm>>
        %dma_wait3A_647 = tpu.memref_squeeze %dma_wait3A_646 : memref<1x1x1x80xi32, #tpu.memory_space<hbm>> -> memref<1x80xi32, #tpu.memory_space<hbm>>
        tpu.wait_dma2 semaphore(%arg9 : memref<!tpu.dma_semaphore, #tpu.memory_space<semaphore_mem>>) src(%dma_wait3A_647 : memref<1x80xi32, #tpu.memory_space<hbm>>) dst(%dma_wait3A_643 : memref<1x80xi32, #tpu.memory_space<vmem>>)
        %rem3A = arith.constant 8 : i32
        %rem3A_648 = arith.remsi %sub3A_609, %rem3A : i32
        %rem3A_649 = arith.constant 4 : i32
        %rem3A_650 = arith.remsi %sub3A_609, %rem3A_649 : i32
        %dma_start3A_651 = arith.constant 0 : i32
        %dma_start3A_652 = arith.constant 0 : i32
        %dma_start3A_653 = arith.constant 0 : i32
        %dma_start3A_654 = tpu.memref_slice %arg8[%rem3A_650, %dma_start3A_652, %dma_start3A_653] : memref<4x80x128xf32, #tpu.memory_space<vmem>> -> memref<1x80x128xf32, #tpu.memory_space<vmem>>
        %dma_start3A_655 = tpu.memref_squeeze %dma_start3A_654 : memref<1x80x128xf32, #tpu.memory_space<vmem>> -> memref<80x128xf32, #tpu.memory_space<vmem>>
        %dma_start3A_656 = arith.constant 0 : i32
        %dma_start3A_657 = tpu.memref_slice %arg6[%rem3A_648, %dma_start3A_651, %dma_start3A_656] : memref<8x1x80xi32, #tpu.memory_space<vmem>> -> memref<1x1x80xi32, #tpu.memory_space<vmem>>
        %dma_start3A_658 = tpu.memref_squeeze %dma_start3A_657 : memref<1x1x80xi32, #tpu.memory_space<vmem>> -> memref<80xi32, #tpu.memory_space<vmem>>
        %dma_start3A_659 = arith.constant 0 : i32
        %dma_start3A_660 = arith.constant 0 : i32
        %dma_start3A_661 = tpu.memref_slice %arg2[%dma_start3A_659, %dma_start3A_660] : memref<10000x128xf32, #tpu.memory_space<hbm>> -> memref<10000x128xf32, #tpu.memory_space<hbm>>
        tpu.enqueue_indirect_dma source(%dma_start3A_661 : memref<10000x128xf32, #tpu.memory_space<hbm>>) target(%dma_start3A_655 : memref<80x128xf32, #tpu.memory_space<vmem>>) offsets(%dma_start3A_658 : memref<80xi32, #tpu.memory_space<vmem>>) semaphore(%arg10 : memref<!tpu.dma_semaphore, #tpu.memory_space<semaphore_mem>>)
      } else {
      }
      %ge3A_600 = arith.constant 4 : i32
      %ge3A_601 = arith.cmpi sge, %scan3A_582, %ge3A_600 : i32
      %lt3A_602 = arith.constant 129 : i32
      %lt3A_603 = arith.cmpi slt, %scan3A_582, %lt3A_602 : i32
      %and3A_604 = arith.andi %ge3A_601, %lt3A_603 : i1
      %convert_element_type3A_605 = arith.extui %and3A_604 : i1 to i32
      %cond3A_606 = arith.constant 0 : i32
      %cond3A_607 = arith.cmpi ne, %convert_element_type3A_605, %cond3A_606 : i32
      scf.if %cond3A_607 {
        %sub3A = arith.constant 4 : i32
        %sub3A_609 = arith.subi %scan3A_582, %sub3A : i32
        %dma_wait3A_610 = arith.constant 0 : i32
        %dma_wait3A_611 = arith.constant 0 : i32
        %dma_wait3A_612 = arith.constant 0 : i32
        %dma_wait3A_613 = tpu.memref_slice %arg8[%dma_wait3A_610, %dma_wait3A_611, %dma_wait3A_612] : memref<4x80x128xf32, #tpu.memory_space<vmem>> -> memref<1x80x128xf32, #tpu.memory_space<vmem>>
        %dma_wait3A_614 = tpu.memref_squeeze %dma_wait3A_613 : memref<1x80x128xf32, #tpu.memory_space<vmem>> -> memref<80x128xf32, #tpu.memory_space<vmem>>
        %dma_wait3A_615 = arith.constant 0 : i32
        %dma_wait3A_616 = arith.constant 0 : i32
        %dma_wait3A_617 = tpu.memref_slice %arg2[%dma_wait3A_615, %dma_wait3A_616] : memref<10000x128xf32, #tpu.memory_space<hbm>> -> memref<80x128xf32, #tpu.memory_space<hbm>>
        %dma_wait3A_618 = arith.constant 0 : i32
        %dma_wait3A_619 = arith.constant 0 : i32
        %dma_wait3A_620 = tpu.memref_slice %arg8[%dma_wait3A_610, %dma_wait3A_618, %dma_wait3A_619] : memref<4x80x128xf32, #tpu.memory_space<vmem>> -> memref<1x80x128xf32, #tpu.memory_space<vmem>>
        %dma_wait3A_621 = tpu.memref_squeeze %dma_wait3A_620 : memref<1x80x128xf32, #tpu.memory_space<vmem>> -> memref<80x128xf32, #tpu.memory_space<vmem>>
        %dma_wait3A_622 = arith.constant 0 : i32
        %dma_wait3A_623 = arith.constant 0 : i32
        %dma_wait3A_624 = tpu.memref_slice %arg2[%dma_wait3A_622, %dma_wait3A_623] : memref<10000x128xf32, #tpu.memory_space<hbm>> -> memref<80x128xf32, #tpu.memory_space<hbm>>
        tpu.wait_dma2 semaphore(%arg10 : memref<!tpu.dma_semaphore, #tpu.memory_space<semaphore_mem>>) src(%dma_wait3A_624 : memref<80x128xf32, #tpu.memory_space<hbm>>) dst(%dma_wait3A_621 : memref<80x128xf32, #tpu.memory_space<vmem>>)
        %rem3A = arith.constant 4 : i32
        %rem3A_625 = arith.remsi %sub3A_609, %rem3A : i32
        %rem3A_626 = arith.constant 8 : i32
        %rem3A_627 = arith.remsi %sub3A_609, %rem3A_626 : i32
        %dma_start3A_628 = arith.constant 0 : i32
        %dma_start3A_629 = arith.constant 0 : i32
        %dma_start3A_630 = arith.constant 0 : i32
        %dma_start3A_631 = tpu.memref_slice %arg8[%rem3A_625, %dma_start3A_629, %dma_start3A_630] : memref<4x80x128xf32, #tpu.memory_space<vmem>> -> memref<1x80x128xf32, #tpu.memory_space<vmem>>
        %dma_start3A_632 = tpu.memref_squeeze %dma_start3A_631 : memref<1x80x128xf32, #tpu.memory_space<vmem>> -> memref<80x128xf32, #tpu.memory_space<vmem>>
        %dma_start3A_633 = arith.constant 0 : i32
        %dma_start3A_634 = tpu.memref_slice %arg7[%rem3A_627, %dma_start3A_628, %dma_start3A_633] : memref<8x1x80xi32, #tpu.memory_space<vmem>> -> memref<1x1x80xi32, #tpu.memory_space<vmem>>
        %dma_start3A_635 = tpu.memref_squeeze %dma_start3A_634 : memref<1x1x80xi32, #tpu.memory_space<vmem>> -> memref<80xi32, #tpu.memory_space<vmem>>
        %dma_start3A_636 = arith.constant 0 : i32
        %dma_start3A_637 = arith.constant 0 : i32
        %dma_start3A_638 = tpu.memref_slice %arg12[%dma_start3A_636, %dma_start3A_637] : memref<10240x128xf32, #tpu.memory_space<vmem_shared>> -> memref<10240x128xf32, #tpu.memory_space<vmem_shared>>
        tpu.enqueue_indirect_dma source(%dma_start3A_632 : memref<80x128xf32, #tpu.memory_space<vmem>>) target(%dma_start3A_638 : memref<10240x128xf32, #tpu.memory_space<vmem_shared>>) offsets(%dma_start3A_635 : memref<80xi32, #tpu.memory_space<vmem>>) semaphore(%arg11 : memref<!tpu.dma_semaphore, #tpu.memory_space<semaphore_mem>>) {add = true}
      } else {
      }
      %scan3A_608 = arith.constant 0 : i32
      scf.yield %scan3A_608 : i32
    }
    %scan3A_54 = arith.constant 131 : i32
    %barrier3A_55 = arith.constant 0 : index
    tpu.barrier barrier_id(%barrier3A_55)
    %mul3A_56 = arith.constant 640 : i32
    %mul3A_57 = arith.muli %arg1, %mul3A_56 : i32
    %add3A_58 = arith.constant 0 : i32
    %add3A_59 = arith.addi %mul3A_57, %add3A_58 : i32
    %dma_start3A = arith.constant 0 : i32
    %dma_start3A_60 = arith.constant 0 : i32
    %dma_start3A_61 = arith.constant 0 : i32
    %dma_start3A_62 = tpu.memref_slice %arg8[%dma_start3A, %dma_start3A_60, %dma_start3A_61] : memref<4x80x128xf32, #tpu.memory_space<vmem>> -> memref<1x80x128xf32, #tpu.memory_space<vmem>>
    %dma_start3A_63 = tpu.memref_squeeze %dma_start3A_62 : memref<1x80x128xf32, #tpu.memory_space<vmem>> -> memref<80x128xf32, #tpu.memory_space<vmem>>
    %dma_start3A_64 = arith.constant 0 : i32
    %dma_start3A_65 = tpu.memref_slice %arg12[%add3A_59, %dma_start3A_64] : memref<10240x128xf32, #tpu.memory_space<vmem_shared>> -> memref<80x128xf32, #tpu.memory_space<vmem_shared>>
    %dma_start3A_66 = arith.constant 0 : i32
    %dma_start3A_67 = arith.constant 0 : i32
    %dma_start3A_68 = tpu.memref_slice %arg8[%dma_start3A, %dma_start3A_66, %dma_start3A_67] : memref<4x80x128xf32, #tpu.memory_space<vmem>> -> memref<1x80x128xf32, #tpu.memory_space<vmem>>
    %dma_start3A_69 = tpu.memref_squeeze %dma_start3A_68 : memref<1x80x128xf32, #tpu.memory_space<vmem>> -> memref<80x128xf32, #tpu.memory_space<vmem>>
    %dma_start3A_70 = arith.constant 0 : i32
    %dma_start3A_71 = tpu.memref_slice %arg12[%add3A_59, %dma_start3A_70] : memref<10240x128xf32, #tpu.memory_space<vmem_shared>> -> memref<80x128xf32, #tpu.memory_space<vmem_shared>>
    tpu.enqueue_dma source(%dma_start3A_71 : memref<80x128xf32, #tpu.memory_space<vmem_shared>>) target(%dma_start3A_69 : memref<80x128xf32, #tpu.memory_space<vmem>>) target_semaphore(%arg10 : memref<!tpu.dma_semaphore, #tpu.memory_space<semaphore_mem>>)
    %mul3A_72 = arith.constant 640 : i32
    %mul3A_73 = arith.muli %arg1, %mul3A_72 : i32
    %add3A_74 = arith.constant 80 : i32
    %add3A_75 = arith.addi %mul3A_73, %add3A_74 : i32
    %dma_start3A_76 = arith.constant 1 : i32
    %dma_start3A_77 = arith.constant 0 : i32
    %dma_start3A_78 = arith.constant 0 : i32
    %dma_start3A_79 = tpu.memref_slice %arg8[%dma_start3A_76, %dma_start3A_77, %dma_start3A_78] : memref<4x80x128xf32, #tpu.memory_space<vmem>> -> memref<1x80x128xf32, #tpu.memory_space<vmem>>
    %dma_start3A_80 = tpu.memref_squeeze %dma_start3A_79 : memref<1x80x128xf32, #tpu.memory_space<vmem>> -> memref<80x128xf32, #tpu.memory_space<vmem>>
    %dma_start3A_81 = arith.constant 0 : i32
    %dma_start3A_82 = tpu.memref_slice %arg12[%add3A_75, %dma_start3A_81] : memref<10240x128xf32, #tpu.memory_space<vmem_shared>> -> memref<80x128xf32, #tpu.memory_space<vmem_shared>>
    %dma_start3A_83 = arith.constant 0 : i32
    %dma_start3A_84 = arith.constant 0 : i32
    %dma_start3A_85 = tpu.memref_slice %arg8[%dma_start3A_76, %dma_start3A_83, %dma_start3A_84] : memref<4x80x128xf32, #tpu.memory_space<vmem>> -> memref<1x80x128xf32, #tpu.memory_space<vmem>>
    %dma_start3A_86 = tpu.memref_squeeze %dma_start3A_85 : memref<1x80x128xf32, #tpu.memory_space<vmem>> -> memref<80x128xf32, #tpu.memory_space<vmem>>
    %dma_start3A_87 = arith.constant 0 : i32
    %dma_start3A_88 = tpu.memref_slice %arg12[%add3A_75, %dma_start3A_87] : memref<10240x128xf32, #tpu.memory_space<vmem_shared>> -> memref<80x128xf32, #tpu.memory_space<vmem_shared>>
    tpu.enqueue_dma source(%dma_start3A_88 : memref<80x128xf32, #tpu.memory_space<vmem_shared>>) target(%dma_start3A_86 : memref<80x128xf32, #tpu.memory_space<vmem>>) target_semaphore(%arg10 : memref<!tpu.dma_semaphore, #tpu.memory_space<semaphore_mem>>)
    %mul3A_89 = arith.constant 640 : i32
    %mul3A_90 = arith.muli %arg1, %mul3A_89 : i32
    %add3A_91 = arith.constant 160 : i32
    %add3A_92 = arith.addi %mul3A_90, %add3A_91 : i32
    %dma_start3A_93 = arith.constant 2 : i32
    %dma_start3A_94 = arith.constant 0 : i32
    %dma_start3A_95 = arith.constant 0 : i32
    %dma_start3A_96 = tpu.memref_slice %arg8[%dma_start3A_93, %dma_start3A_94, %dma_start3A_95] : memref<4x80x128xf32, #tpu.memory_space<vmem>> -> memref<1x80x128xf32, #tpu.memory_space<vmem>>
    %dma_start3A_97 = tpu.memref_squeeze %dma_start3A_96 : memref<1x80x128xf32, #tpu.memory_space<vmem>> -> memref<80x128xf32, #tpu.memory_space<vmem>>
    %dma_start3A_98 = arith.constant 0 : i32
    %dma_start3A_99 = tpu.memref_slice %arg12[%add3A_92, %dma_start3A_98] : memref<10240x128xf32, #tpu.memory_space<vmem_shared>> -> memref<80x128xf32, #tpu.memory_space<vmem_shared>>
    %dma_start3A_100 = arith.constant 0 : i32
    %dma_start3A_101 = arith.constant 0 : i32
    %dma_start3A_102 = tpu.memref_slice %arg8[%dma_start3A_93, %dma_start3A_100, %dma_start3A_101] : memref<4x80x128xf32, #tpu.memory_space<vmem>> -> memref<1x80x128xf32, #tpu.memory_space<vmem>>
    %dma_start3A_103 = tpu.memref_squeeze %dma_start3A_102 : memref<1x80x128xf32, #tpu.memory_space<vmem>> -> memref<80x128xf32, #tpu.memory_space<vmem>>
    %dma_start3A_104 = arith.constant 0 : i32
    %dma_start3A_105 = tpu.memref_slice %arg12[%add3A_92, %dma_start3A_104] : memref<10240x128xf32, #tpu.memory_space<vmem_shared>> -> memref<80x128xf32, #tpu.memory_space<vmem_shared>>
    tpu.enqueue_dma source(%dma_start3A_105 : memref<80x128xf32, #tpu.memory_space<vmem_shared>>) target(%dma_start3A_103 : memref<80x128xf32, #tpu.memory_space<vmem>>) target_semaphore(%arg10 : memref<!tpu.dma_semaphore, #tpu.memory_space<semaphore_mem>>)
    %mul3A_106 = arith.constant 640 : i32
    %mul3A_107 = arith.muli %arg1, %mul3A_106 : i32
    %add3A_108 = arith.constant 240 : i32
    %add3A_109 = arith.addi %mul3A_107, %add3A_108 : i32
    %dma_start3A_110 = arith.constant 3 : i32
    %dma_start3A_111 = arith.constant 0 : i32
    %dma_start3A_112 = arith.constant 0 : i32
    %dma_start3A_113 = tpu.memref_slice %arg8[%dma_start3A_110, %dma_start3A_111, %dma_start3A_112] : memref<4x80x128xf32, #tpu.memory_space<vmem>> -> memref<1x80x128xf32, #tpu.memory_space<vmem>>
    %dma_start3A_114 = tpu.memref_squeeze %dma_start3A_113 : memref<1x80x128xf32, #tpu.memory_space<vmem>> -> memref<80x128xf32, #tpu.memory_space<vmem>>
    %dma_start3A_115 = arith.constant 0 : i32
    %dma_start3A_116 = tpu.memref_slice %arg12[%add3A_109, %dma_start3A_115] : memref<10240x128xf32, #tpu.memory_space<vmem_shared>> -> memref<80x128xf32, #tpu.memory_space<vmem_shared>>
    %dma_start3A_117 = arith.constant 0 : i32
    %dma_start3A_118 = arith.constant 0 : i32
    %dma_start3A_119 = tpu.memref_slice %arg8[%dma_start3A_110, %dma_start3A_117, %dma_start3A_118] : memref<4x80x128xf32, #tpu.memory_space<vmem>> -> memref<1x80x128xf32, #tpu.memory_space<vmem>>
    %dma_start3A_120 = tpu.memref_squeeze %dma_start3A_119 : memref<1x80x128xf32, #tpu.memory_space<vmem>> -> memref<80x128xf32, #tpu.memory_space<vmem>>
    %dma_start3A_121 = arith.constant 0 : i32
    %dma_start3A_122 = tpu.memref_slice %arg12[%add3A_109, %dma_start3A_121] : memref<10240x128xf32, #tpu.memory_space<vmem_shared>> -> memref<80x128xf32, #tpu.memory_space<vmem_shared>>
    tpu.enqueue_dma source(%dma_start3A_122 : memref<80x128xf32, #tpu.memory_space<vmem_shared>>) target(%dma_start3A_120 : memref<80x128xf32, #tpu.memory_space<vmem>>) target_semaphore(%arg10 : memref<!tpu.dma_semaphore, #tpu.memory_space<semaphore_mem>>)
    %dma_wait3A = arith.constant 0 : i32
    %dma_wait3A_123 = arith.constant 0 : i32
    %dma_wait3A_124 = arith.constant 0 : i32
    %dma_wait3A_125 = tpu.memref_slice %arg8[%dma_wait3A, %dma_wait3A_123, %dma_wait3A_124] : memref<4x80x128xf32, #tpu.memory_space<vmem>> -> memref<1x80x128xf32, #tpu.memory_space<vmem>>
    %dma_wait3A_126 = tpu.memref_squeeze %dma_wait3A_125 : memref<1x80x128xf32, #tpu.memory_space<vmem>> -> memref<80x128xf32, #tpu.memory_space<vmem>>
    %dma_wait3A_127 = arith.constant 0 : i32
    %dma_wait3A_128 = arith.constant 0 : i32
    %dma_wait3A_129 = tpu.memref_slice %arg2[%dma_wait3A_127, %dma_wait3A_128] : memref<10000x128xf32, #tpu.memory_space<hbm>> -> memref<80x128xf32, #tpu.memory_space<hbm>>
    %dma_wait3A_130 = arith.constant 0 : i32
    %dma_wait3A_131 = arith.constant 0 : i32
    %dma_wait3A_132 = tpu.memref_slice %arg8[%dma_wait3A, %dma_wait3A_130, %dma_wait3A_131] : memref<4x80x128xf32, #tpu.memory_space<vmem>> -> memref<1x80x128xf32, #tpu.memory_space<vmem>>
    %dma_wait3A_133 = tpu.memref_squeeze %dma_wait3A_132 : memref<1x80x128xf32, #tpu.memory_space<vmem>> -> memref<80x128xf32, #tpu.memory_space<vmem>>
    %dma_wait3A_134 = arith.constant 0 : i32
    %dma_wait3A_135 = arith.constant 0 : i32
    %dma_wait3A_136 = tpu.memref_slice %arg2[%dma_wait3A_134, %dma_wait3A_135] : memref<10000x128xf32, #tpu.memory_space<hbm>> -> memref<80x128xf32, #tpu.memory_space<hbm>>
    tpu.wait_dma2 semaphore(%arg10 : memref<!tpu.dma_semaphore, #tpu.memory_space<semaphore_mem>>) src(%dma_wait3A_136 : memref<80x128xf32, #tpu.memory_space<hbm>>) dst(%dma_wait3A_133 : memref<80x128xf32, #tpu.memory_space<vmem>>)
    %mul3A_137 = arith.constant 640 : i32
    %mul3A_138 = arith.muli %arg1, %mul3A_137 : i32
    %add3A_139 = arith.constant 0 : i32
    %add3A_140 = arith.addi %mul3A_138, %add3A_139 : i32
    %dma_start3A_141 = arith.constant 0 : i32
    %dma_start3A_142 = arith.constant 0 : i32
    %dma_start3A_143 = arith.constant 0 : i32
    %dma_start3A_144 = tpu.memref_slice %arg8[%dma_start3A_141, %dma_start3A_142, %dma_start3A_143] : memref<4x80x128xf32, #tpu.memory_space<vmem>> -> memref<1x80x128xf32, #tpu.memory_space<vmem>>
    %dma_start3A_145 = tpu.memref_squeeze %dma_start3A_144 : memref<1x80x128xf32, #tpu.memory_space<vmem>> -> memref<80x128xf32, #tpu.memory_space<vmem>>
    %dma_start3A_146 = arith.constant 0 : i32
    %dma_start3A_147 = tpu.memref_slice %arg5[%arg0, %add3A_140, %dma_start3A_146] : memref<2x10240x128xf32, #tpu.memory_space<hbm>> -> memref<1x80x128xf32, #tpu.memory_space<hbm>>
    %dma_start3A_148 = tpu.memref_squeeze %dma_start3A_147 : memref<1x80x128xf32, #tpu.memory_space<hbm>> -> memref<80x128xf32, #tpu.memory_space<hbm>>
    %dma_start3A_149 = arith.constant 0 : i32
    %dma_start3A_150 = tpu.memref_slice %arg5[%arg0, %add3A_140, %dma_start3A_149] : memref<2x10240x128xf32, #tpu.memory_space<hbm>> -> memref<1x80x128xf32, #tpu.memory_space<hbm>>
    %dma_start3A_151 = tpu.memref_squeeze %dma_start3A_150 : memref<1x80x128xf32, #tpu.memory_space<hbm>> -> memref<80x128xf32, #tpu.memory_space<hbm>>
    %dma_start3A_152 = arith.constant 0 : i32
    %dma_start3A_153 = arith.constant 0 : i32
    %dma_start3A_154 = tpu.memref_slice %arg8[%dma_start3A_141, %dma_start3A_152, %dma_start3A_153] : memref<4x80x128xf32, #tpu.memory_space<vmem>> -> memref<1x80x128xf32, #tpu.memory_space<vmem>>
    %dma_start3A_155 = tpu.memref_squeeze %dma_start3A_154 : memref<1x80x128xf32, #tpu.memory_space<vmem>> -> memref<80x128xf32, #tpu.memory_space<vmem>>
    tpu.enqueue_dma source(%dma_start3A_155 : memref<80x128xf32, #tpu.memory_space<vmem>>) target(%dma_start3A_151 : memref<80x128xf32, #tpu.memory_space<hbm>>) target_semaphore(%arg11 : memref<!tpu.dma_semaphore, #tpu.memory_space<semaphore_mem>>)
    %dma_wait3A_156 = arith.constant 0 : i32
    %dma_wait3A_157 = arith.constant 0 : i32
    %dma_wait3A_158 = arith.constant 0 : i32
    %dma_wait3A_159 = tpu.memref_slice %arg8[%dma_wait3A_156, %dma_wait3A_157, %dma_wait3A_158] : memref<4x80x128xf32, #tpu.memory_space<vmem>> -> memref<1x80x128xf32, #tpu.memory_space<vmem>>
    %dma_wait3A_160 = tpu.memref_squeeze %dma_wait3A_159 : memref<1x80x128xf32, #tpu.memory_space<vmem>> -> memref<80x128xf32, #tpu.memory_space<vmem>>
    %dma_wait3A_161 = arith.constant 0 : i32
    %dma_wait3A_162 = arith.constant 0 : i32
    %dma_wait3A_163 = tpu.memref_slice %arg2[%dma_wait3A_161, %dma_wait3A_162] : memref<10000x128xf32, #tpu.memory_space<hbm>> -> memref<80x128xf32, #tpu.memory_space<hbm>>
    %dma_wait3A_164 = arith.constant 0 : i32
    %dma_wait3A_165 = arith.constant 0 : i32
    %dma_wait3A_166 = tpu.memref_slice %arg8[%dma_wait3A_156, %dma_wait3A_164, %dma_wait3A_165] : memref<4x80x128xf32, #tpu.memory_space<vmem>> -> memref<1x80x128xf32, #tpu.memory_space<vmem>>
    %dma_wait3A_167 = tpu.memref_squeeze %dma_wait3A_166 : memref<1x80x128xf32, #tpu.memory_space<vmem>> -> memref<80x128xf32, #tpu.memory_space<vmem>>
    %dma_wait3A_168 = arith.constant 0 : i32
    %dma_wait3A_169 = arith.constant 0 : i32
    %dma_wait3A_170 = tpu.memref_slice %arg2[%dma_wait3A_168, %dma_wait3A_169] : memref<10000x128xf32, #tpu.memory_space<hbm>> -> memref<80x128xf32, #tpu.memory_space<hbm>>
    tpu.wait_dma2 semaphore(%arg11 : memref<!tpu.dma_semaphore, #tpu.memory_space<semaphore_mem>>) src(%dma_wait3A_170 : memref<80x128xf32, #tpu.memory_space<hbm>>) dst(%dma_wait3A_167 : memref<80x128xf32, #tpu.memory_space<vmem>>)
    %mul3A_171 = arith.constant 640 : i32
    %mul3A_172 = arith.muli %arg1, %mul3A_171 : i32
    %add3A_173 = arith.constant 320 : i32
    %add3A_174 = arith.addi %mul3A_172, %add3A_173 : i32
    %dma_start3A_175 = arith.constant 0 : i32
    %dma_start3A_176 = arith.constant 0 : i32
    %dma_start3A_177 = arith.constant 0 : i32
    %dma_start3A_178 = tpu.memref_slice %arg8[%dma_start3A_175, %dma_start3A_176, %dma_start3A_177] : memref<4x80x128xf32, #tpu.memory_space<vmem>> -> memref<1x80x128xf32, #tpu.memory_space<vmem>>
    %dma_start3A_179 = tpu.memref_squeeze %dma_start3A_178 : memref<1x80x128xf32, #tpu.memory_space<vmem>> -> memref<80x128xf32, #tpu.memory_space<vmem>>
    %dma_start3A_180 = arith.constant 0 : i32
    %dma_start3A_181 = tpu.memref_slice %arg12[%add3A_174, %dma_start3A_180] : memref<10240x128xf32, #tpu.memory_space<vmem_shared>> -> memref<80x128xf32, #tpu.memory_space<vmem_shared>>
    %dma_start3A_182 = arith.constant 0 : i32
    %dma_start3A_183 = arith.constant 0 : i32
    %dma_start3A_184 = tpu.memref_slice %arg8[%dma_start3A_175, %dma_start3A_182, %dma_start3A_183] : memref<4x80x128xf32, #tpu.memory_space<vmem>> -> memref<1x80x128xf32, #tpu.memory_space<vmem>>
    %dma_start3A_185 = tpu.memref_squeeze %dma_start3A_184 : memref<1x80x128xf32, #tpu.memory_space<vmem>> -> memref<80x128xf32, #tpu.memory_space<vmem>>
    %dma_start3A_186 = arith.constant 0 : i32
    %dma_start3A_187 = tpu.memref_slice %arg12[%add3A_174, %dma_start3A_186] : memref<10240x128xf32, #tpu.memory_space<vmem_shared>> -> memref<80x128xf32, #tpu.memory_space<vmem_shared>>
    tpu.enqueue_dma source(%dma_start3A_187 : memref<80x128xf32, #tpu.memory_space<vmem_shared>>) target(%dma_start3A_185 : memref<80x128xf32, #tpu.memory_space<vmem>>) target_semaphore(%arg10 : memref<!tpu.dma_semaphore, #tpu.memory_space<semaphore_mem>>)
    %dma_wait3A_188 = arith.constant 0 : i32
    %dma_wait3A_189 = arith.constant 0 : i32
    %dma_wait3A_190 = arith.constant 0 : i32
    %dma_wait3A_191 = tpu.memref_slice %arg8[%dma_wait3A_188, %dma_wait3A_189, %dma_wait3A_190] : memref<4x80x128xf32, #tpu.memory_space<vmem>> -> memref<1x80x128xf32, #tpu.memory_space<vmem>>
    %dma_wait3A_192 = tpu.memref_squeeze %dma_wait3A_191 : memref<1x80x128xf32, #tpu.memory_space<vmem>> -> memref<80x128xf32, #tpu.memory_space<vmem>>
    %dma_wait3A_193 = arith.constant 0 : i32
    %dma_wait3A_194 = arith.constant 0 : i32
    %dma_wait3A_195 = tpu.memref_slice %arg2[%dma_wait3A_193, %dma_wait3A_194] : memref<10000x128xf32, #tpu.memory_space<hbm>> -> memref<80x128xf32, #tpu.memory_space<hbm>>
    %dma_wait3A_196 = arith.constant 0 : i32
    %dma_wait3A_197 = arith.constant 0 : i32
    %dma_wait3A_198 = tpu.memref_slice %arg8[%dma_wait3A_188, %dma_wait3A_196, %dma_wait3A_197] : memref<4x80x128xf32, #tpu.memory_space<vmem>> -> memref<1x80x128xf32, #tpu.memory_space<vmem>>
    %dma_wait3A_199 = tpu.memref_squeeze %dma_wait3A_198 : memref<1x80x128xf32, #tpu.memory_space<vmem>> -> memref<80x128xf32, #tpu.memory_space<vmem>>
    %dma_wait3A_200 = arith.constant 0 : i32
    %dma_wait3A_201 = arith.constant 0 : i32
    %dma_wait3A_202 = tpu.memref_slice %arg2[%dma_wait3A_200, %dma_wait3A_201] : memref<10000x128xf32, #tpu.memory_space<hbm>> -> memref<80x128xf32, #tpu.memory_space<hbm>>
    tpu.wait_dma2 semaphore(%arg10 : memref<!tpu.dma_semaphore, #tpu.memory_space<semaphore_mem>>) src(%dma_wait3A_202 : memref<80x128xf32, #tpu.memory_space<hbm>>) dst(%dma_wait3A_199 : memref<80x128xf32, #tpu.memory_space<vmem>>)
    %mul3A_203 = arith.constant 640 : i32
    %mul3A_204 = arith.muli %arg1, %mul3A_203 : i32
    %add3A_205 = arith.constant 80 : i32
    %add3A_206 = arith.addi %mul3A_204, %add3A_205 : i32
    %dma_start3A_207 = arith.constant 1 : i32
    %dma_start3A_208 = arith.constant 0 : i32
    %dma_start3A_209 = arith.constant 0 : i32
    %dma_start3A_210 = tpu.memref_slice %arg8[%dma_start3A_207, %dma_start3A_208, %dma_start3A_209] : memref<4x80x128xf32, #tpu.memory_space<vmem>> -> memref<1x80x128xf32, #tpu.memory_space<vmem>>
    %dma_start3A_211 = tpu.memref_squeeze %dma_start3A_210 : memref<1x80x128xf32, #tpu.memory_space<vmem>> -> memref<80x128xf32, #tpu.memory_space<vmem>>
    %dma_start3A_212 = arith.constant 0 : i32
    %dma_start3A_213 = tpu.memref_slice %arg5[%arg0, %add3A_206, %dma_start3A_212] : memref<2x10240x128xf32, #tpu.memory_space<hbm>> -> memref<1x80x128xf32, #tpu.memory_space<hbm>>
    %dma_start3A_214 = tpu.memref_squeeze %dma_start3A_213 : memref<1x80x128xf32, #tpu.memory_space<hbm>> -> memref<80x128xf32, #tpu.memory_space<hbm>>
    %dma_start3A_215 = arith.constant 0 : i32
    %dma_start3A_216 = tpu.memref_slice %arg5[%arg0, %add3A_206, %dma_start3A_215] : memref<2x10240x128xf32, #tpu.memory_space<hbm>> -> memref<1x80x128xf32, #tpu.memory_space<hbm>>
    %dma_start3A_217 = tpu.memref_squeeze %dma_start3A_216 : memref<1x80x128xf32, #tpu.memory_space<hbm>> -> memref<80x128xf32, #tpu.memory_space<hbm>>
    %dma_start3A_218 = arith.constant 0 : i32
    %dma_start3A_219 = arith.constant 0 : i32
    %dma_start3A_220 = tpu.memref_slice %arg8[%dma_start3A_207, %dma_start3A_218, %dma_start3A_219] : memref<4x80x128xf32, #tpu.memory_space<vmem>> -> memref<1x80x128xf32, #tpu.memory_space<vmem>>
    %dma_start3A_221 = tpu.memref_squeeze %dma_start3A_220 : memref<1x80x128xf32, #tpu.memory_space<vmem>> -> memref<80x128xf32, #tpu.memory_space<vmem>>
    tpu.enqueue_dma source(%dma_start3A_221 : memref<80x128xf32, #tpu.memory_space<vmem>>) target(%dma_start3A_217 : memref<80x128xf32, #tpu.memory_space<hbm>>) target_semaphore(%arg11 : memref<!tpu.dma_semaphore, #tpu.memory_space<semaphore_mem>>)
    %dma_wait3A_222 = arith.constant 0 : i32
    %dma_wait3A_223 = arith.constant 0 : i32
    %dma_wait3A_224 = arith.constant 0 : i32
    %dma_wait3A_225 = tpu.memref_slice %arg8[%dma_wait3A_222, %dma_wait3A_223, %dma_wait3A_224] : memref<4x80x128xf32, #tpu.memory_space<vmem>> -> memref<1x80x128xf32, #tpu.memory_space<vmem>>
    %dma_wait3A_226 = tpu.memref_squeeze %dma_wait3A_225 : memref<1x80x128xf32, #tpu.memory_space<vmem>> -> memref<80x128xf32, #tpu.memory_space<vmem>>
    %dma_wait3A_227 = arith.constant 0 : i32
    %dma_wait3A_228 = arith.constant 0 : i32
    %dma_wait3A_229 = tpu.memref_slice %arg2[%dma_wait3A_227, %dma_wait3A_228] : memref<10000x128xf32, #tpu.memory_space<hbm>> -> memref<80x128xf32, #tpu.memory_space<hbm>>
    %dma_wait3A_230 = arith.constant 0 : i32
    %dma_wait3A_231 = arith.constant 0 : i32
    %dma_wait3A_232 = tpu.memref_slice %arg8[%dma_wait3A_222, %dma_wait3A_230, %dma_wait3A_231] : memref<4x80x128xf32, #tpu.memory_space<vmem>> -> memref<1x80x128xf32, #tpu.memory_space<vmem>>
    %dma_wait3A_233 = tpu.memref_squeeze %dma_wait3A_232 : memref<1x80x128xf32, #tpu.memory_space<vmem>> -> memref<80x128xf32, #tpu.memory_space<vmem>>
    %dma_wait3A_234 = arith.constant 0 : i32
    %dma_wait3A_235 = arith.constant 0 : i32
    %dma_wait3A_236 = tpu.memref_slice %arg2[%dma_wait3A_234, %dma_wait3A_235] : memref<10000x128xf32, #tpu.memory_space<hbm>> -> memref<80x128xf32, #tpu.memory_space<hbm>>
    tpu.wait_dma2 semaphore(%arg11 : memref<!tpu.dma_semaphore, #tpu.memory_space<semaphore_mem>>) src(%dma_wait3A_236 : memref<80x128xf32, #tpu.memory_space<hbm>>) dst(%dma_wait3A_233 : memref<80x128xf32, #tpu.memory_space<vmem>>)
    %mul3A_237 = arith.constant 640 : i32
    %mul3A_238 = arith.muli %arg1, %mul3A_237 : i32
    %add3A_239 = arith.constant 400 : i32
    %add3A_240 = arith.addi %mul3A_238, %add3A_239 : i32
    %dma_start3A_241 = arith.constant 1 : i32
    %dma_start3A_242 = arith.constant 0 : i32
    %dma_start3A_243 = arith.constant 0 : i32
    %dma_start3A_244 = tpu.memref_slice %arg8[%dma_start3A_241, %dma_start3A_242, %dma_start3A_243] : memref<4x80x128xf32, #tpu.memory_space<vmem>> -> memref<1x80x128xf32, #tpu.memory_space<vmem>>
    %dma_start3A_245 = tpu.memref_squeeze %dma_start3A_244 : memref<1x80x128xf32, #tpu.memory_space<vmem>> -> memref<80x128xf32, #tpu.memory_space<vmem>>
    %dma_start3A_246 = arith.constant 0 : i32
    %dma_start3A_247 = tpu.memref_slice %arg12[%add3A_240, %dma_start3A_246] : memref<10240x128xf32, #tpu.memory_space<vmem_shared>> -> memref<80x128xf32, #tpu.memory_space<vmem_shared>>
    %dma_start3A_248 = arith.constant 0 : i32
    %dma_start3A_249 = arith.constant 0 : i32
    %dma_start3A_250 = tpu.memref_slice %arg8[%dma_start3A_241, %dma_start3A_248, %dma_start3A_249] : memref<4x80x128xf32, #tpu.memory_space<vmem>> -> memref<1x80x128xf32, #tpu.memory_space<vmem>>
    %dma_start3A_251 = tpu.memref_squeeze %dma_start3A_250 : memref<1x80x128xf32, #tpu.memory_space<vmem>> -> memref<80x128xf32, #tpu.memory_space<vmem>>
    %dma_start3A_252 = arith.constant 0 : i32
    %dma_start3A_253 = tpu.memref_slice %arg12[%add3A_240, %dma_start3A_252] : memref<10240x128xf32, #tpu.memory_space<vmem_shared>> -> memref<80x128xf32, #tpu.memory_space<vmem_shared>>
    tpu.enqueue_dma source(%dma_start3A_253 : memref<80x128xf32, #tpu.memory_space<vmem_shared>>) target(%dma_start3A_251 : memref<80x128xf32, #tpu.memory_space<vmem>>) target_semaphore(%arg10 : memref<!tpu.dma_semaphore, #tpu.memory_space<semaphore_mem>>)
    %dma_wait3A_254 = arith.constant 0 : i32
    %dma_wait3A_255 = arith.constant 0 : i32
    %dma_wait3A_256 = arith.constant 0 : i32
    %dma_wait3A_257 = tpu.memref_slice %arg8[%dma_wait3A_254, %dma_wait3A_255, %dma_wait3A_256] : memref<4x80x128xf32, #tpu.memory_space<vmem>> -> memref<1x80x128xf32, #tpu.memory_space<vmem>>
    %dma_wait3A_258 = tpu.memref_squeeze %dma_wait3A_257 : memref<1x80x128xf32, #tpu.memory_space<vmem>> -> memref<80x128xf32, #tpu.memory_space<vmem>>
    %dma_wait3A_259 = arith.constant 0 : i32
    %dma_wait3A_260 = arith.constant 0 : i32
    %dma_wait3A_261 = tpu.memref_slice %arg2[%dma_wait3A_259, %dma_wait3A_260] : memref<10000x128xf32, #tpu.memory_space<hbm>> -> memref<80x128xf32, #tpu.memory_space<hbm>>
    %dma_wait3A_262 = arith.constant 0 : i32
    %dma_wait3A_263 = arith.constant 0 : i32
    %dma_wait3A_264 = tpu.memref_slice %arg8[%dma_wait3A_254, %dma_wait3A_262, %dma_wait3A_263] : memref<4x80x128xf32, #tpu.memory_space<vmem>> -> memref<1x80x128xf32, #tpu.memory_space<vmem>>
    %dma_wait3A_265 = tpu.memref_squeeze %dma_wait3A_264 : memref<1x80x128xf32, #tpu.memory_space<vmem>> -> memref<80x128xf32, #tpu.memory_space<vmem>>
    %dma_wait3A_266 = arith.constant 0 : i32
    %dma_wait3A_267 = arith.constant 0 : i32
    %dma_wait3A_268 = tpu.memref_slice %arg2[%dma_wait3A_266, %dma_wait3A_267] : memref<10000x128xf32, #tpu.memory_space<hbm>> -> memref<80x128xf32, #tpu.memory_space<hbm>>
    tpu.wait_dma2 semaphore(%arg10 : memref<!tpu.dma_semaphore, #tpu.memory_space<semaphore_mem>>) src(%dma_wait3A_268 : memref<80x128xf32, #tpu.memory_space<hbm>>) dst(%dma_wait3A_265 : memref<80x128xf32, #tpu.memory_space<vmem>>)
    %mul3A_269 = arith.constant 640 : i32
    %mul3A_270 = arith.muli %arg1, %mul3A_269 : i32
    %add3A_271 = arith.constant 160 : i32
    %add3A_272 = arith.addi %mul3A_270, %add3A_271 : i32
    %dma_start3A_273 = arith.constant 2 : i32
    %dma_start3A_274 = arith.constant 0 : i32
    %dma_start3A_275 = arith.constant 0 : i32
    %dma_start3A_276 = tpu.memref_slice %arg8[%dma_start3A_273, %dma_start3A_274, %dma_start3A_275] : memref<4x80x128xf32, #tpu.memory_space<vmem>> -> memref<1x80x128xf32, #tpu.memory_space<vmem>>
    %dma_start3A_277 = tpu.memref_squeeze %dma_start3A_276 : memref<1x80x128xf32, #tpu.memory_space<vmem>> -> memref<80x128xf32, #tpu.memory_space<vmem>>
    %dma_start3A_278 = arith.constant 0 : i32
    %dma_start3A_279 = tpu.memref_slice %arg5[%arg0, %add3A_272, %dma_start3A_278] : memref<2x10240x128xf32, #tpu.memory_space<hbm>> -> memref<1x80x128xf32, #tpu.memory_space<hbm>>
    %dma_start3A_280 = tpu.memref_squeeze %dma_start3A_279 : memref<1x80x128xf32, #tpu.memory_space<hbm>> -> memref<80x128xf32, #tpu.memory_space<hbm>>
    %dma_start3A_281 = arith.constant 0 : i32
    %dma_start3A_282 = tpu.memref_slice %arg5[%arg0, %add3A_272, %dma_start3A_281] : memref<2x10240x128xf32, #tpu.memory_space<hbm>> -> memref<1x80x128xf32, #tpu.memory_space<hbm>>
    %dma_start3A_283 = tpu.memref_squeeze %dma_start3A_282 : memref<1x80x128xf32, #tpu.memory_space<hbm>> -> memref<80x128xf32, #tpu.memory_space<hbm>>
    %dma_start3A_284 = arith.constant 0 : i32
    %dma_start3A_285 = arith.constant 0 : i32
    %dma_start3A_286 = tpu.memref_slice %arg8[%dma_start3A_273, %dma_start3A_284, %dma_start3A_285] : memref<4x80x128xf32, #tpu.memory_space<vmem>> -> memref<1x80x128xf32, #tpu.memory_space<vmem>>
    %dma_start3A_287 = tpu.memref_squeeze %dma_start3A_286 : memref<1x80x128xf32, #tpu.memory_space<vmem>> -> memref<80x128xf32, #tpu.memory_space<vmem>>
    tpu.enqueue_dma source(%dma_start3A_287 : memref<80x128xf32, #tpu.memory_space<vmem>>) target(%dma_start3A_283 : memref<80x128xf32, #tpu.memory_space<hbm>>) target_semaphore(%arg11 : memref<!tpu.dma_semaphore, #tpu.memory_space<semaphore_mem>>)
    %dma_wait3A_288 = arith.constant 0 : i32
    %dma_wait3A_289 = arith.constant 0 : i32
    %dma_wait3A_290 = arith.constant 0 : i32
    %dma_wait3A_291 = tpu.memref_slice %arg8[%dma_wait3A_288, %dma_wait3A_289, %dma_wait3A_290] : memref<4x80x128xf32, #tpu.memory_space<vmem>> -> memref<1x80x128xf32, #tpu.memory_space<vmem>>
    %dma_wait3A_292 = tpu.memref_squeeze %dma_wait3A_291 : memref<1x80x128xf32, #tpu.memory_space<vmem>> -> memref<80x128xf32, #tpu.memory_space<vmem>>
    %dma_wait3A_293 = arith.constant 0 : i32
    %dma_wait3A_294 = arith.constant 0 : i32
    %dma_wait3A_295 = tpu.memref_slice %arg2[%dma_wait3A_293, %dma_wait3A_294] : memref<10000x128xf32, #tpu.memory_space<hbm>> -> memref<80x128xf32, #tpu.memory_space<hbm>>
    %dma_wait3A_296 = arith.constant 0 : i32
    %dma_wait3A_297 = arith.constant 0 : i32
    %dma_wait3A_298 = tpu.memref_slice %arg8[%dma_wait3A_288, %dma_wait3A_296, %dma_wait3A_297] : memref<4x80x128xf32, #tpu.memory_space<vmem>> -> memref<1x80x128xf32, #tpu.memory_space<vmem>>
    %dma_wait3A_299 = tpu.memref_squeeze %dma_wait3A_298 : memref<1x80x128xf32, #tpu.memory_space<vmem>> -> memref<80x128xf32, #tpu.memory_space<vmem>>
    %dma_wait3A_300 = arith.constant 0 : i32
    %dma_wait3A_301 = arith.constant 0 : i32
    %dma_wait3A_302 = tpu.memref_slice %arg2[%dma_wait3A_300, %dma_wait3A_301] : memref<10000x128xf32, #tpu.memory_space<hbm>> -> memref<80x128xf32, #tpu.memory_space<hbm>>
    tpu.wait_dma2 semaphore(%arg11 : memref<!tpu.dma_semaphore, #tpu.memory_space<semaphore_mem>>) src(%dma_wait3A_302 : memref<80x128xf32, #tpu.memory_space<hbm>>) dst(%dma_wait3A_299 : memref<80x128xf32, #tpu.memory_space<vmem>>)
    %mul3A_303 = arith.constant 640 : i32
    %mul3A_304 = arith.muli %arg1, %mul3A_303 : i32
    %add3A_305 = arith.constant 480 : i32
    %add3A_306 = arith.addi %mul3A_304, %add3A_305 : i32
    %dma_start3A_307 = arith.constant 2 : i32
    %dma_start3A_308 = arith.constant 0 : i32
    %dma_start3A_309 = arith.constant 0 : i32
    %dma_start3A_310 = tpu.memref_slice %arg8[%dma_start3A_307, %dma_start3A_308, %dma_start3A_309] : memref<4x80x128xf32, #tpu.memory_space<vmem>> -> memref<1x80x128xf32, #tpu.memory_space<vmem>>
    %dma_start3A_311 = tpu.memref_squeeze %dma_start3A_310 : memref<1x80x128xf32, #tpu.memory_space<vmem>> -> memref<80x128xf32, #tpu.memory_space<vmem>>
    %dma_start3A_312 = arith.constant 0 : i32
    %dma_start3A_313 = tpu.memref_slice %arg12[%add3A_306, %dma_start3A_312] : memref<10240x128xf32, #tpu.memory_space<vmem_shared>> -> memref<80x128xf32, #tpu.memory_space<vmem_shared>>
    %dma_start3A_314 = arith.constant 0 : i32
    %dma_start3A_315 = arith.constant 0 : i32
    %dma_start3A_316 = tpu.memref_slice %arg8[%dma_start3A_307, %dma_start3A_314, %dma_start3A_315] : memref<4x80x128xf32, #tpu.memory_space<vmem>> -> memref<1x80x128xf32, #tpu.memory_space<vmem>>
    %dma_start3A_317 = tpu.memref_squeeze %dma_start3A_316 : memref<1x80x128xf32, #tpu.memory_space<vmem>> -> memref<80x128xf32, #tpu.memory_space<vmem>>
    %dma_start3A_318 = arith.constant 0 : i32
    %dma_start3A_319 = tpu.memref_slice %arg12[%add3A_306, %dma_start3A_318] : memref<10240x128xf32, #tpu.memory_space<vmem_shared>> -> memref<80x128xf32, #tpu.memory_space<vmem_shared>>
    tpu.enqueue_dma source(%dma_start3A_319 : memref<80x128xf32, #tpu.memory_space<vmem_shared>>) target(%dma_start3A_317 : memref<80x128xf32, #tpu.memory_space<vmem>>) target_semaphore(%arg10 : memref<!tpu.dma_semaphore, #tpu.memory_space<semaphore_mem>>)
    %dma_wait3A_320 = arith.constant 0 : i32
    %dma_wait3A_321 = arith.constant 0 : i32
    %dma_wait3A_322 = arith.constant 0 : i32
    %dma_wait3A_323 = tpu.memref_slice %arg8[%dma_wait3A_320, %dma_wait3A_321, %dma_wait3A_322] : memref<4x80x128xf32, #tpu.memory_space<vmem>> -> memref<1x80x128xf32, #tpu.memory_space<vmem>>
    %dma_wait3A_324 = tpu.memref_squeeze %dma_wait3A_323 : memref<1x80x128xf32, #tpu.memory_space<vmem>> -> memref<80x128xf32, #tpu.memory_space<vmem>>
    %dma_wait3A_325 = arith.constant 0 : i32
    %dma_wait3A_326 = arith.constant 0 : i32
    %dma_wait3A_327 = tpu.memref_slice %arg2[%dma_wait3A_325, %dma_wait3A_326] : memref<10000x128xf32, #tpu.memory_space<hbm>> -> memref<80x128xf32, #tpu.memory_space<hbm>>
    %dma_wait3A_328 = arith.constant 0 : i32
    %dma_wait3A_329 = arith.constant 0 : i32
    %dma_wait3A_330 = tpu.memref_slice %arg8[%dma_wait3A_320, %dma_wait3A_328, %dma_wait3A_329] : memref<4x80x128xf32, #tpu.memory_space<vmem>> -> memref<1x80x128xf32, #tpu.memory_space<vmem>>
    %dma_wait3A_331 = tpu.memref_squeeze %dma_wait3A_330 : memref<1x80x128xf32, #tpu.memory_space<vmem>> -> memref<80x128xf32, #tpu.memory_space<vmem>>
    %dma_wait3A_332 = arith.constant 0 : i32
    %dma_wait3A_333 = arith.constant 0 : i32
    %dma_wait3A_334 = tpu.memref_slice %arg2[%dma_wait3A_332, %dma_wait3A_333] : memref<10000x128xf32, #tpu.memory_space<hbm>> -> memref<80x128xf32, #tpu.memory_space<hbm>>
    tpu.wait_dma2 semaphore(%arg10 : memref<!tpu.dma_semaphore, #tpu.memory_space<semaphore_mem>>) src(%dma_wait3A_334 : memref<80x128xf32, #tpu.memory_space<hbm>>) dst(%dma_wait3A_331 : memref<80x128xf32, #tpu.memory_space<vmem>>)
    %mul3A_335 = arith.constant 640 : i32
    %mul3A_336 = arith.muli %arg1, %mul3A_335 : i32
    %add3A_337 = arith.constant 240 : i32
    %add3A_338 = arith.addi %mul3A_336, %add3A_337 : i32
    %dma_start3A_339 = arith.constant 3 : i32
    %dma_start3A_340 = arith.constant 0 : i32
    %dma_start3A_341 = arith.constant 0 : i32
    %dma_start3A_342 = tpu.memref_slice %arg8[%dma_start3A_339, %dma_start3A_340, %dma_start3A_341] : memref<4x80x128xf32, #tpu.memory_space<vmem>> -> memref<1x80x128xf32, #tpu.memory_space<vmem>>
    %dma_start3A_343 = tpu.memref_squeeze %dma_start3A_342 : memref<1x80x128xf32, #tpu.memory_space<vmem>> -> memref<80x128xf32, #tpu.memory_space<vmem>>
    %dma_start3A_344 = arith.constant 0 : i32
    %dma_start3A_345 = tpu.memref_slice %arg5[%arg0, %add3A_338, %dma_start3A_344] : memref<2x10240x128xf32, #tpu.memory_space<hbm>> -> memref<1x80x128xf32, #tpu.memory_space<hbm>>
    %dma_start3A_346 = tpu.memref_squeeze %dma_start3A_345 : memref<1x80x128xf32, #tpu.memory_space<hbm>> -> memref<80x128xf32, #tpu.memory_space<hbm>>
    %dma_start3A_347 = arith.constant 0 : i32
    %dma_start3A_348 = tpu.memref_slice %arg5[%arg0, %add3A_338, %dma_start3A_347] : memref<2x10240x128xf32, #tpu.memory_space<hbm>> -> memref<1x80x128xf32, #tpu.memory_space<hbm>>
    %dma_start3A_349 = tpu.memref_squeeze %dma_start3A_348 : memref<1x80x128xf32, #tpu.memory_space<hbm>> -> memref<80x128xf32, #tpu.memory_space<hbm>>
    %dma_start3A_350 = arith.constant 0 : i32
    %dma_start3A_351 = arith.constant 0 : i32
    %dma_start3A_352 = tpu.memref_slice %arg8[%dma_start3A_339, %dma_start3A_350, %dma_start3A_351] : memref<4x80x128xf32, #tpu.memory_space<vmem>> -> memref<1x80x128xf32, #tpu.memory_space<vmem>>
    %dma_start3A_353 = tpu.memref_squeeze %dma_start3A_352 : memref<1x80x128xf32, #tpu.memory_space<vmem>> -> memref<80x128xf32, #tpu.memory_space<vmem>>
    tpu.enqueue_dma source(%dma_start3A_353 : memref<80x128xf32, #tpu.memory_space<vmem>>) target(%dma_start3A_349 : memref<80x128xf32, #tpu.memory_space<hbm>>) target_semaphore(%arg11 : memref<!tpu.dma_semaphore, #tpu.memory_space<semaphore_mem>>)
    %dma_wait3A_354 = arith.constant 0 : i32
    %dma_wait3A_355 = arith.constant 0 : i32
    %dma_wait3A_356 = arith.constant 0 : i32
    %dma_wait3A_357 = tpu.memref_slice %arg8[%dma_wait3A_354, %dma_wait3A_355, %dma_wait3A_356] : memref<4x80x128xf32, #tpu.memory_space<vmem>> -> memref<1x80x128xf32, #tpu.memory_space<vmem>>
    %dma_wait3A_358 = tpu.memref_squeeze %dma_wait3A_357 : memref<1x80x128xf32, #tpu.memory_space<vmem>> -> memref<80x128xf32, #tpu.memory_space<vmem>>
    %dma_wait3A_359 = arith.constant 0 : i32
    %dma_wait3A_360 = arith.constant 0 : i32
    %dma_wait3A_361 = tpu.memref_slice %arg2[%dma_wait3A_359, %dma_wait3A_360] : memref<10000x128xf32, #tpu.memory_space<hbm>> -> memref<80x128xf32, #tpu.memory_space<hbm>>
    %dma_wait3A_362 = arith.constant 0 : i32
    %dma_wait3A_363 = arith.constant 0 : i32
    %dma_wait3A_364 = tpu.memref_slice %arg8[%dma_wait3A_354, %dma_wait3A_362, %dma_wait3A_363] : memref<4x80x128xf32, #tpu.memory_space<vmem>> -> memref<1x80x128xf32, #tpu.memory_space<vmem>>
    %dma_wait3A_365 = tpu.memref_squeeze %dma_wait3A_364 : memref<1x80x128xf32, #tpu.memory_space<vmem>> -> memref<80x128xf32, #tpu.memory_space<vmem>>
    %dma_wait3A_366 = arith.constant 0 : i32
    %dma_wait3A_367 = arith.constant 0 : i32
    %dma_wait3A_368 = tpu.memref_slice %arg2[%dma_wait3A_366, %dma_wait3A_367] : memref<10000x128xf32, #tpu.memory_space<hbm>> -> memref<80x128xf32, #tpu.memory_space<hbm>>
    tpu.wait_dma2 semaphore(%arg11 : memref<!tpu.dma_semaphore, #tpu.memory_space<semaphore_mem>>) src(%dma_wait3A_368 : memref<80x128xf32, #tpu.memory_space<hbm>>) dst(%dma_wait3A_365 : memref<80x128xf32, #tpu.memory_space<vmem>>)
    %mul3A_369 = arith.constant 640 : i32
    %mul3A_370 = arith.muli %arg1, %mul3A_369 : i32
    %add3A_371 = arith.constant 560 : i32
    %add3A_372 = arith.addi %mul3A_370, %add3A_371 : i32
    %dma_start3A_373 = arith.constant 3 : i32
    %dma_start3A_374 = arith.constant 0 : i32
    %dma_start3A_375 = arith.constant 0 : i32
    %dma_start3A_376 = tpu.memref_slice %arg8[%dma_start3A_373, %dma_start3A_374, %dma_start3A_375] : memref<4x80x128xf32, #tpu.memory_space<vmem>> -> memref<1x80x128xf32, #tpu.memory_space<vmem>>
    %dma_start3A_377 = tpu.memref_squeeze %dma_start3A_376 : memref<1x80x128xf32, #tpu.memory_space<vmem>> -> memref<80x128xf32, #tpu.memory_space<vmem>>
    %dma_start3A_378 = arith.constant 0 : i32
    %dma_start3A_379 = tpu.memref_slice %arg12[%add3A_372, %dma_start3A_378] : memref<10240x128xf32, #tpu.memory_space<vmem_shared>> -> memref<80x128xf32, #tpu.memory_space<vmem_shared>>
    %dma_start3A_380 = arith.constant 0 : i32
    %dma_start3A_381 = arith.constant 0 : i32
    %dma_start3A_382 = tpu.memref_slice %arg8[%dma_start3A_373, %dma_start3A_380, %dma_start3A_381] : memref<4x80x128xf32, #tpu.memory_space<vmem>> -> memref<1x80x128xf32, #tpu.memory_space<vmem>>
    %dma_start3A_383 = tpu.memref_squeeze %dma_start3A_382 : memref<1x80x128xf32, #tpu.memory_space<vmem>> -> memref<80x128xf32, #tpu.memory_space<vmem>>
    %dma_start3A_384 = arith.constant 0 : i32
    %dma_start3A_385 = tpu.memref_slice %arg12[%add3A_372, %dma_start3A_384] : memref<10240x128xf32, #tpu.memory_space<vmem_shared>> -> memref<80x128xf32, #tpu.memory_space<vmem_shared>>
    tpu.enqueue_dma source(%dma_start3A_385 : memref<80x128xf32, #tpu.memory_space<vmem_shared>>) target(%dma_start3A_383 : memref<80x128xf32, #tpu.memory_space<vmem>>) target_semaphore(%arg10 : memref<!tpu.dma_semaphore, #tpu.memory_space<semaphore_mem>>)
    %dma_wait3A_386 = arith.constant 0 : i32
    %dma_wait3A_387 = arith.constant 0 : i32
    %dma_wait3A_388 = arith.constant 0 : i32
    %dma_wait3A_389 = tpu.memref_slice %arg8[%dma_wait3A_386, %dma_wait3A_387, %dma_wait3A_388] : memref<4x80x128xf32, #tpu.memory_space<vmem>> -> memref<1x80x128xf32, #tpu.memory_space<vmem>>
    %dma_wait3A_390 = tpu.memref_squeeze %dma_wait3A_389 : memref<1x80x128xf32, #tpu.memory_space<vmem>> -> memref<80x128xf32, #tpu.memory_space<vmem>>
    %dma_wait3A_391 = arith.constant 0 : i32
    %dma_wait3A_392 = arith.constant 0 : i32
    %dma_wait3A_393 = tpu.memref_slice %arg2[%dma_wait3A_391, %dma_wait3A_392] : memref<10000x128xf32, #tpu.memory_space<hbm>> -> memref<80x128xf32, #tpu.memory_space<hbm>>
    %dma_wait3A_394 = arith.constant 0 : i32
    %dma_wait3A_395 = arith.constant 0 : i32
    %dma_wait3A_396 = tpu.memref_slice %arg8[%dma_wait3A_386, %dma_wait3A_394, %dma_wait3A_395] : memref<4x80x128xf32, #tpu.memory_space<vmem>> -> memref<1x80x128xf32, #tpu.memory_space<vmem>>
    %dma_wait3A_397 = tpu.memref_squeeze %dma_wait3A_396 : memref<1x80x128xf32, #tpu.memory_space<vmem>> -> memref<80x128xf32, #tpu.memory_space<vmem>>
    %dma_wait3A_398 = arith.constant 0 : i32
    %dma_wait3A_399 = arith.constant 0 : i32
    %dma_wait3A_400 = tpu.memref_slice %arg2[%dma_wait3A_398, %dma_wait3A_399] : memref<10000x128xf32, #tpu.memory_space<hbm>> -> memref<80x128xf32, #tpu.memory_space<hbm>>
    tpu.wait_dma2 semaphore(%arg10 : memref<!tpu.dma_semaphore, #tpu.memory_space<semaphore_mem>>) src(%dma_wait3A_400 : memref<80x128xf32, #tpu.memory_space<hbm>>) dst(%dma_wait3A_397 : memref<80x128xf32, #tpu.memory_space<vmem>>)
    %mul3A_401 = arith.constant 640 : i32
    %mul3A_402 = arith.muli %arg1, %mul3A_401 : i32
    %add3A_403 = arith.constant 320 : i32
    %add3A_404 = arith.addi %mul3A_402, %add3A_403 : i32
    %dma_start3A_405 = arith.constant 0 : i32
    %dma_start3A_406 = arith.constant 0 : i32
    %dma_start3A_407 = arith.constant 0 : i32
    %dma_start3A_408 = tpu.memref_slice %arg8[%dma_start3A_405, %dma_start3A_406, %dma_start3A_407] : memref<4x80x128xf32, #tpu.memory_space<vmem>> -> memref<1x80x128xf32, #tpu.memory_space<vmem>>
    %dma_start3A_409 = tpu.memref_squeeze %dma_start3A_408 : memref<1x80x128xf32, #tpu.memory_space<vmem>> -> memref<80x128xf32, #tpu.memory_space<vmem>>
    %dma_start3A_410 = arith.constant 0 : i32
    %dma_start3A_411 = tpu.memref_slice %arg5[%arg0, %add3A_404, %dma_start3A_410] : memref<2x10240x128xf32, #tpu.memory_space<hbm>> -> memref<1x80x128xf32, #tpu.memory_space<hbm>>
    %dma_start3A_412 = tpu.memref_squeeze %dma_start3A_411 : memref<1x80x128xf32, #tpu.memory_space<hbm>> -> memref<80x128xf32, #tpu.memory_space<hbm>>
    %dma_start3A_413 = arith.constant 0 : i32
    %dma_start3A_414 = tpu.memref_slice %arg5[%arg0, %add3A_404, %dma_start3A_413] : memref<2x10240x128xf32, #tpu.memory_space<hbm>> -> memref<1x80x128xf32, #tpu.memory_space<hbm>>
    %dma_start3A_415 = tpu.memref_squeeze %dma_start3A_414 : memref<1x80x128xf32, #tpu.memory_space<hbm>> -> memref<80x128xf32, #tpu.memory_space<hbm>>
    %dma_start3A_416 = arith.constant 0 : i32
    %dma_start3A_417 = arith.constant 0 : i32
    %dma_start3A_418 = tpu.memref_slice %arg8[%dma_start3A_405, %dma_start3A_416, %dma_start3A_417] : memref<4x80x128xf32, #tpu.memory_space<vmem>> -> memref<1x80x128xf32, #tpu.memory_space<vmem>>
    %dma_start3A_419 = tpu.memref_squeeze %dma_start3A_418 : memref<1x80x128xf32, #tpu.memory_space<vmem>> -> memref<80x128xf32, #tpu.memory_space<vmem>>
    tpu.enqueue_dma source(%dma_start3A_419 : memref<80x128xf32, #tpu.memory_space<vmem>>) target(%dma_start3A_415 : memref<80x128xf32, #tpu.memory_space<hbm>>) target_semaphore(%arg11 : memref<!tpu.dma_semaphore, #tpu.memory_space<semaphore_mem>>)
    %dma_wait3A_420 = arith.constant 0 : i32
    %dma_wait3A_421 = arith.constant 0 : i32
    %dma_wait3A_422 = arith.constant 0 : i32
    %dma_wait3A_423 = tpu.memref_slice %arg8[%dma_wait3A_420, %dma_wait3A_421, %dma_wait3A_422] : memref<4x80x128xf32, #tpu.memory_space<vmem>> -> memref<1x80x128xf32, #tpu.memory_space<vmem>>
    %dma_wait3A_424 = tpu.memref_squeeze %dma_wait3A_423 : memref<1x80x128xf32, #tpu.memory_space<vmem>> -> memref<80x128xf32, #tpu.memory_space<vmem>>
    %dma_wait3A_425 = arith.constant 0 : i32
    %dma_wait3A_426 = arith.constant 0 : i32
    %dma_wait3A_427 = tpu.memref_slice %arg2[%dma_wait3A_425, %dma_wait3A_426] : memref<10000x128xf32, #tpu.memory_space<hbm>> -> memref<80x128xf32, #tpu.memory_space<hbm>>
    %dma_wait3A_428 = arith.constant 0 : i32
    %dma_wait3A_429 = arith.constant 0 : i32
    %dma_wait3A_430 = tpu.memref_slice %arg8[%dma_wait3A_420, %dma_wait3A_428, %dma_wait3A_429] : memref<4x80x128xf32, #tpu.memory_space<vmem>> -> memref<1x80x128xf32, #tpu.memory_space<vmem>>
    %dma_wait3A_431 = tpu.memref_squeeze %dma_wait3A_430 : memref<1x80x128xf32, #tpu.memory_space<vmem>> -> memref<80x128xf32, #tpu.memory_space<vmem>>
    %dma_wait3A_432 = arith.constant 0 : i32
    %dma_wait3A_433 = arith.constant 0 : i32
    %dma_wait3A_434 = tpu.memref_slice %arg2[%dma_wait3A_432, %dma_wait3A_433] : memref<10000x128xf32, #tpu.memory_space<hbm>> -> memref<80x128xf32, #tpu.memory_space<hbm>>
    tpu.wait_dma2 semaphore(%arg11 : memref<!tpu.dma_semaphore, #tpu.memory_space<semaphore_mem>>) src(%dma_wait3A_434 : memref<80x128xf32, #tpu.memory_space<hbm>>) dst(%dma_wait3A_431 : memref<80x128xf32, #tpu.memory_space<vmem>>)
    %dma_wait3A_435 = arith.constant 0 : i32
    %dma_wait3A_436 = arith.constant 0 : i32
    %dma_wait3A_437 = arith.constant 0 : i32
    %dma_wait3A_438 = tpu.memref_slice %arg8[%dma_wait3A_435, %dma_wait3A_436, %dma_wait3A_437] : memref<4x80x128xf32, #tpu.memory_space<vmem>> -> memref<1x80x128xf32, #tpu.memory_space<vmem>>
    %dma_wait3A_439 = tpu.memref_squeeze %dma_wait3A_438 : memref<1x80x128xf32, #tpu.memory_space<vmem>> -> memref<80x128xf32, #tpu.memory_space<vmem>>
    %dma_wait3A_440 = arith.constant 0 : i32
    %dma_wait3A_441 = arith.constant 0 : i32
    %dma_wait3A_442 = tpu.memref_slice %arg2[%dma_wait3A_440, %dma_wait3A_441] : memref<10000x128xf32, #tpu.memory_space<hbm>> -> memref<80x128xf32, #tpu.memory_space<hbm>>
    %dma_wait3A_443 = arith.constant 0 : i32
    %dma_wait3A_444 = arith.constant 0 : i32
    %dma_wait3A_445 = tpu.memref_slice %arg8[%dma_wait3A_435, %dma_wait3A_443, %dma_wait3A_444] : memref<4x80x128xf32, #tpu.memory_space<vmem>> -> memref<1x80x128xf32, #tpu.memory_space<vmem>>
    %dma_wait3A_446 = tpu.memref_squeeze %dma_wait3A_445 : memref<1x80x128xf32, #tpu.memory_space<vmem>> -> memref<80x128xf32, #tpu.memory_space<vmem>>
    %dma_wait3A_447 = arith.constant 0 : i32
    %dma_wait3A_448 = arith.constant 0 : i32
    %dma_wait3A_449 = tpu.memref_slice %arg2[%dma_wait3A_447, %dma_wait3A_448] : memref<10000x128xf32, #tpu.memory_space<hbm>> -> memref<80x128xf32, #tpu.memory_space<hbm>>
    tpu.wait_dma2 semaphore(%arg10 : memref<!tpu.dma_semaphore, #tpu.memory_space<semaphore_mem>>) src(%dma_wait3A_449 : memref<80x128xf32, #tpu.memory_space<hbm>>) dst(%dma_wait3A_446 : memref<80x128xf32, #tpu.memory_space<vmem>>)
    %mul3A_450 = arith.constant 640 : i32
    %mul3A_451 = arith.muli %arg1, %mul3A_450 : i32
    %add3A_452 = arith.constant 400 : i32
    %add3A_453 = arith.addi %mul3A_451, %add3A_452 : i32
    %dma_start3A_454 = arith.constant 1 : i32
    %dma_start3A_455 = arith.constant 0 : i32
    %dma_start3A_456 = arith.constant 0 : i32
    %dma_start3A_457 = tpu.memref_slice %arg8[%dma_start3A_454, %dma_start3A_455, %dma_start3A_456] : memref<4x80x128xf32, #tpu.memory_space<vmem>> -> memref<1x80x128xf32, #tpu.memory_space<vmem>>
    %dma_start3A_458 = tpu.memref_squeeze %dma_start3A_457 : memref<1x80x128xf32, #tpu.memory_space<vmem>> -> memref<80x128xf32, #tpu.memory_space<vmem>>
    %dma_start3A_459 = arith.constant 0 : i32
    %dma_start3A_460 = tpu.memref_slice %arg5[%arg0, %add3A_453, %dma_start3A_459] : memref<2x10240x128xf32, #tpu.memory_space<hbm>> -> memref<1x80x128xf32, #tpu.memory_space<hbm>>
    %dma_start3A_461 = tpu.memref_squeeze %dma_start3A_460 : memref<1x80x128xf32, #tpu.memory_space<hbm>> -> memref<80x128xf32, #tpu.memory_space<hbm>>
    %dma_start3A_462 = arith.constant 0 : i32
    %dma_start3A_463 = tpu.memref_slice %arg5[%arg0, %add3A_453, %dma_start3A_462] : memref<2x10240x128xf32, #tpu.memory_space<hbm>> -> memref<1x80x128xf32, #tpu.memory_space<hbm>>
    %dma_start3A_464 = tpu.memref_squeeze %dma_start3A_463 : memref<1x80x128xf32, #tpu.memory_space<hbm>> -> memref<80x128xf32, #tpu.memory_space<hbm>>
    %dma_start3A_465 = arith.constant 0 : i32
    %dma_start3A_466 = arith.constant 0 : i32
    %dma_start3A_467 = tpu.memref_slice %arg8[%dma_start3A_454, %dma_start3A_465, %dma_start3A_466] : memref<4x80x128xf32, #tpu.memory_space<vmem>> -> memref<1x80x128xf32, #tpu.memory_space<vmem>>
    %dma_start3A_468 = tpu.memref_squeeze %dma_start3A_467 : memref<1x80x128xf32, #tpu.memory_space<vmem>> -> memref<80x128xf32, #tpu.memory_space<vmem>>
    tpu.enqueue_dma source(%dma_start3A_468 : memref<80x128xf32, #tpu.memory_space<vmem>>) target(%dma_start3A_464 : memref<80x128xf32, #tpu.memory_space<hbm>>) target_semaphore(%arg11 : memref<!tpu.dma_semaphore, #tpu.memory_space<semaphore_mem>>)
    %dma_wait3A_469 = arith.constant 0 : i32
    %dma_wait3A_470 = arith.constant 0 : i32
    %dma_wait3A_471 = arith.constant 0 : i32
    %dma_wait3A_472 = tpu.memref_slice %arg8[%dma_wait3A_469, %dma_wait3A_470, %dma_wait3A_471] : memref<4x80x128xf32, #tpu.memory_space<vmem>> -> memref<1x80x128xf32, #tpu.memory_space<vmem>>
    %dma_wait3A_473 = tpu.memref_squeeze %dma_wait3A_472 : memref<1x80x128xf32, #tpu.memory_space<vmem>> -> memref<80x128xf32, #tpu.memory_space<vmem>>
    %dma_wait3A_474 = arith.constant 0 : i32
    %dma_wait3A_475 = arith.constant 0 : i32
    %dma_wait3A_476 = tpu.memref_slice %arg2[%dma_wait3A_474, %dma_wait3A_475] : memref<10000x128xf32, #tpu.memory_space<hbm>> -> memref<80x128xf32, #tpu.memory_space<hbm>>
    %dma_wait3A_477 = arith.constant 0 : i32
    %dma_wait3A_478 = arith.constant 0 : i32
    %dma_wait3A_479 = tpu.memref_slice %arg8[%dma_wait3A_469, %dma_wait3A_477, %dma_wait3A_478] : memref<4x80x128xf32, #tpu.memory_space<vmem>> -> memref<1x80x128xf32, #tpu.memory_space<vmem>>
    %dma_wait3A_480 = tpu.memref_squeeze %dma_wait3A_479 : memref<1x80x128xf32, #tpu.memory_space<vmem>> -> memref<80x128xf32, #tpu.memory_space<vmem>>
    %dma_wait3A_481 = arith.constant 0 : i32
    %dma_wait3A_482 = arith.constant 0 : i32
    %dma_wait3A_483 = tpu.memref_slice %arg2[%dma_wait3A_481, %dma_wait3A_482] : memref<10000x128xf32, #tpu.memory_space<hbm>> -> memref<80x128xf32, #tpu.memory_space<hbm>>
    tpu.wait_dma2 semaphore(%arg11 : memref<!tpu.dma_semaphore, #tpu.memory_space<semaphore_mem>>) src(%dma_wait3A_483 : memref<80x128xf32, #tpu.memory_space<hbm>>) dst(%dma_wait3A_480 : memref<80x128xf32, #tpu.memory_space<vmem>>)
    %dma_wait3A_484 = arith.constant 0 : i32
    %dma_wait3A_485 = arith.constant 0 : i32
    %dma_wait3A_486 = arith.constant 0 : i32
    %dma_wait3A_487 = tpu.memref_slice %arg8[%dma_wait3A_484, %dma_wait3A_485, %dma_wait3A_486] : memref<4x80x128xf32, #tpu.memory_space<vmem>> -> memref<1x80x128xf32, #tpu.memory_space<vmem>>
    %dma_wait3A_488 = tpu.memref_squeeze %dma_wait3A_487 : memref<1x80x128xf32, #tpu.memory_space<vmem>> -> memref<80x128xf32, #tpu.memory_space<vmem>>
    %dma_wait3A_489 = arith.constant 0 : i32
    %dma_wait3A_490 = arith.constant 0 : i32
    %dma_wait3A_491 = tpu.memref_slice %arg2[%dma_wait3A_489, %dma_wait3A_490] : memref<10000x128xf32, #tpu.memory_space<hbm>> -> memref<80x128xf32, #tpu.memory_space<hbm>>
    %dma_wait3A_492 = arith.constant 0 : i32
    %dma_wait3A_493 = arith.constant 0 : i32
    %dma_wait3A_494 = tpu.memref_slice %arg8[%dma_wait3A_484, %dma_wait3A_492, %dma_wait3A_493] : memref<4x80x128xf32, #tpu.memory_space<vmem>> -> memref<1x80x128xf32, #tpu.memory_space<vmem>>
    %dma_wait3A_495 = tpu.memref_squeeze %dma_wait3A_494 : memref<1x80x128xf32, #tpu.memory_space<vmem>> -> memref<80x128xf32, #tpu.memory_space<vmem>>
    %dma_wait3A_496 = arith.constant 0 : i32
    %dma_wait3A_497 = arith.constant 0 : i32
    %dma_wait3A_498 = tpu.memref_slice %arg2[%dma_wait3A_496, %dma_wait3A_497] : memref<10000x128xf32, #tpu.memory_space<hbm>> -> memref<80x128xf32, #tpu.memory_space<hbm>>
    tpu.wait_dma2 semaphore(%arg10 : memref<!tpu.dma_semaphore, #tpu.memory_space<semaphore_mem>>) src(%dma_wait3A_498 : memref<80x128xf32, #tpu.memory_space<hbm>>) dst(%dma_wait3A_495 : memref<80x128xf32, #tpu.memory_space<vmem>>)
    %mul3A_499 = arith.constant 640 : i32
    %mul3A_500 = arith.muli %arg1, %mul3A_499 : i32
    %add3A_501 = arith.constant 480 : i32
    %add3A_502 = arith.addi %mul3A_500, %add3A_501 : i32
    %dma_start3A_503 = arith.constant 2 : i32
    %dma_start3A_504 = arith.constant 0 : i32
    %dma_start3A_505 = arith.constant 0 : i32
    %dma_start3A_506 = tpu.memref_slice %arg8[%dma_start3A_503, %dma_start3A_504, %dma_start3A_505] : memref<4x80x128xf32, #tpu.memory_space<vmem>> -> memref<1x80x128xf32, #tpu.memory_space<vmem>>
    %dma_start3A_507 = tpu.memref_squeeze %dma_start3A_506 : memref<1x80x128xf32, #tpu.memory_space<vmem>> -> memref<80x128xf32, #tpu.memory_space<vmem>>
    %dma_start3A_508 = arith.constant 0 : i32
    %dma_start3A_509 = tpu.memref_slice %arg5[%arg0, %add3A_502, %dma_start3A_508] : memref<2x10240x128xf32, #tpu.memory_space<hbm>> -> memref<1x80x128xf32, #tpu.memory_space<hbm>>
    %dma_start3A_510 = tpu.memref_squeeze %dma_start3A_509 : memref<1x80x128xf32, #tpu.memory_space<hbm>> -> memref<80x128xf32, #tpu.memory_space<hbm>>
    %dma_start3A_511 = arith.constant 0 : i32
    %dma_start3A_512 = tpu.memref_slice %arg5[%arg0, %add3A_502, %dma_start3A_511] : memref<2x10240x128xf32, #tpu.memory_space<hbm>> -> memref<1x80x128xf32, #tpu.memory_space<hbm>>
    %dma_start3A_513 = tpu.memref_squeeze %dma_start3A_512 : memref<1x80x128xf32, #tpu.memory_space<hbm>> -> memref<80x128xf32, #tpu.memory_space<hbm>>
    %dma_start3A_514 = arith.constant 0 : i32
    %dma_start3A_515 = arith.constant 0 : i32
    %dma_start3A_516 = tpu.memref_slice %arg8[%dma_start3A_503, %dma_start3A_514, %dma_start3A_515] : memref<4x80x128xf32, #tpu.memory_space<vmem>> -> memref<1x80x128xf32, #tpu.memory_space<vmem>>
    %dma_start3A_517 = tpu.memref_squeeze %dma_start3A_516 : memref<1x80x128xf32, #tpu.memory_space<vmem>> -> memref<80x128xf32, #tpu.memory_space<vmem>>
    tpu.enqueue_dma source(%dma_start3A_517 : memref<80x128xf32, #tpu.memory_space<vmem>>) target(%dma_start3A_513 : memref<80x128xf32, #tpu.memory_space<hbm>>) target_semaphore(%arg11 : memref<!tpu.dma_semaphore, #tpu.memory_space<semaphore_mem>>)
    %dma_wait3A_518 = arith.constant 0 : i32
    %dma_wait3A_519 = arith.constant 0 : i32
    %dma_wait3A_520 = arith.constant 0 : i32
    %dma_wait3A_521 = tpu.memref_slice %arg8[%dma_wait3A_518, %dma_wait3A_519, %dma_wait3A_520] : memref<4x80x128xf32, #tpu.memory_space<vmem>> -> memref<1x80x128xf32, #tpu.memory_space<vmem>>
    %dma_wait3A_522 = tpu.memref_squeeze %dma_wait3A_521 : memref<1x80x128xf32, #tpu.memory_space<vmem>> -> memref<80x128xf32, #tpu.memory_space<vmem>>
    %dma_wait3A_523 = arith.constant 0 : i32
    %dma_wait3A_524 = arith.constant 0 : i32
    %dma_wait3A_525 = tpu.memref_slice %arg2[%dma_wait3A_523, %dma_wait3A_524] : memref<10000x128xf32, #tpu.memory_space<hbm>> -> memref<80x128xf32, #tpu.memory_space<hbm>>
    %dma_wait3A_526 = arith.constant 0 : i32
    %dma_wait3A_527 = arith.constant 0 : i32
    %dma_wait3A_528 = tpu.memref_slice %arg8[%dma_wait3A_518, %dma_wait3A_526, %dma_wait3A_527] : memref<4x80x128xf32, #tpu.memory_space<vmem>> -> memref<1x80x128xf32, #tpu.memory_space<vmem>>
    %dma_wait3A_529 = tpu.memref_squeeze %dma_wait3A_528 : memref<1x80x128xf32, #tpu.memory_space<vmem>> -> memref<80x128xf32, #tpu.memory_space<vmem>>
    %dma_wait3A_530 = arith.constant 0 : i32
    %dma_wait3A_531 = arith.constant 0 : i32
    %dma_wait3A_532 = tpu.memref_slice %arg2[%dma_wait3A_530, %dma_wait3A_531] : memref<10000x128xf32, #tpu.memory_space<hbm>> -> memref<80x128xf32, #tpu.memory_space<hbm>>
    tpu.wait_dma2 semaphore(%arg11 : memref<!tpu.dma_semaphore, #tpu.memory_space<semaphore_mem>>) src(%dma_wait3A_532 : memref<80x128xf32, #tpu.memory_space<hbm>>) dst(%dma_wait3A_529 : memref<80x128xf32, #tpu.memory_space<vmem>>)
    %dma_wait3A_533 = arith.constant 0 : i32
    %dma_wait3A_534 = arith.constant 0 : i32
    %dma_wait3A_535 = arith.constant 0 : i32
    %dma_wait3A_536 = tpu.memref_slice %arg8[%dma_wait3A_533, %dma_wait3A_534, %dma_wait3A_535] : memref<4x80x128xf32, #tpu.memory_space<vmem>> -> memref<1x80x128xf32, #tpu.memory_space<vmem>>
    %dma_wait3A_537 = tpu.memref_squeeze %dma_wait3A_536 : memref<1x80x128xf32, #tpu.memory_space<vmem>> -> memref<80x128xf32, #tpu.memory_space<vmem>>
    %dma_wait3A_538 = arith.constant 0 : i32
    %dma_wait3A_539 = arith.constant 0 : i32
    %dma_wait3A_540 = tpu.memref_slice %arg2[%dma_wait3A_538, %dma_wait3A_539] : memref<10000x128xf32, #tpu.memory_space<hbm>> -> memref<80x128xf32, #tpu.memory_space<hbm>>
    %dma_wait3A_541 = arith.constant 0 : i32
    %dma_wait3A_542 = arith.constant 0 : i32
    %dma_wait3A_543 = tpu.memref_slice %arg8[%dma_wait3A_533, %dma_wait3A_541, %dma_wait3A_542] : memref<4x80x128xf32, #tpu.memory_space<vmem>> -> memref<1x80x128xf32, #tpu.memory_space<vmem>>
    %dma_wait3A_544 = tpu.memref_squeeze %dma_wait3A_543 : memref<1x80x128xf32, #tpu.memory_space<vmem>> -> memref<80x128xf32, #tpu.memory_space<vmem>>
    %dma_wait3A_545 = arith.constant 0 : i32
    %dma_wait3A_546 = arith.constant 0 : i32
    %dma_wait3A_547 = tpu.memref_slice %arg2[%dma_wait3A_545, %dma_wait3A_546] : memref<10000x128xf32, #tpu.memory_space<hbm>> -> memref<80x128xf32, #tpu.memory_space<hbm>>
    tpu.wait_dma2 semaphore(%arg10 : memref<!tpu.dma_semaphore, #tpu.memory_space<semaphore_mem>>) src(%dma_wait3A_547 : memref<80x128xf32, #tpu.memory_space<hbm>>) dst(%dma_wait3A_544 : memref<80x128xf32, #tpu.memory_space<vmem>>)
    %mul3A_548 = arith.constant 640 : i32
    %mul3A_549 = arith.muli %arg1, %mul3A_548 : i32
    %add3A_550 = arith.constant 560 : i32
    %add3A_551 = arith.addi %mul3A_549, %add3A_550 : i32
    %dma_start3A_552 = arith.constant 3 : i32
    %dma_start3A_553 = arith.constant 0 : i32
    %dma_start3A_554 = arith.constant 0 : i32
    %dma_start3A_555 = tpu.memref_slice %arg8[%dma_start3A_552, %dma_start3A_553, %dma_start3A_554] : memref<4x80x128xf32, #tpu.memory_space<vmem>> -> memref<1x80x128xf32, #tpu.memory_space<vmem>>
    %dma_start3A_556 = tpu.memref_squeeze %dma_start3A_555 : memref<1x80x128xf32, #tpu.memory_space<vmem>> -> memref<80x128xf32, #tpu.memory_space<vmem>>
    %dma_start3A_557 = arith.constant 0 : i32
    %dma_start3A_558 = tpu.memref_slice %arg5[%arg0, %add3A_551, %dma_start3A_557] : memref<2x10240x128xf32, #tpu.memory_space<hbm>> -> memref<1x80x128xf32, #tpu.memory_space<hbm>>
    %dma_start3A_559 = tpu.memref_squeeze %dma_start3A_558 : memref<1x80x128xf32, #tpu.memory_space<hbm>> -> memref<80x128xf32, #tpu.memory_space<hbm>>
    %dma_start3A_560 = arith.constant 0 : i32
    %dma_start3A_561 = tpu.memref_slice %arg5[%arg0, %add3A_551, %dma_start3A_560] : memref<2x10240x128xf32, #tpu.memory_space<hbm>> -> memref<1x80x128xf32, #tpu.memory_space<hbm>>
    %dma_start3A_562 = tpu.memref_squeeze %dma_start3A_561 : memref<1x80x128xf32, #tpu.memory_space<hbm>> -> memref<80x128xf32, #tpu.memory_space<hbm>>
    %dma_start3A_563 = arith.constant 0 : i32
    %dma_start3A_564 = arith.constant 0 : i32
    %dma_start3A_565 = tpu.memref_slice %arg8[%dma_start3A_552, %dma_start3A_563, %dma_start3A_564] : memref<4x80x128xf32, #tpu.memory_space<vmem>> -> memref<1x80x128xf32, #tpu.memory_space<vmem>>
    %dma_start3A_566 = tpu.memref_squeeze %dma_start3A_565 : memref<1x80x128xf32, #tpu.memory_space<vmem>> -> memref<80x128xf32, #tpu.memory_space<vmem>>
    tpu.enqueue_dma source(%dma_start3A_566 : memref<80x128xf32, #tpu.memory_space<vmem>>) target(%dma_start3A_562 : memref<80x128xf32, #tpu.memory_space<hbm>>) target_semaphore(%arg11 : memref<!tpu.dma_semaphore, #tpu.memory_space<semaphore_mem>>)
    %dma_wait3A_567 = arith.constant 0 : i32
    %dma_wait3A_568 = arith.constant 0 : i32
    %dma_wait3A_569 = arith.constant 0 : i32
    %dma_wait3A_570 = tpu.memref_slice %arg8[%dma_wait3A_567, %dma_wait3A_568, %dma_wait3A_569] : memref<4x80x128xf32, #tpu.memory_space<vmem>> -> memref<1x80x128xf32, #tpu.memory_space<vmem>>
    %dma_wait3A_571 = tpu.memref_squeeze %dma_wait3A_570 : memref<1x80x128xf32, #tpu.memory_space<vmem>> -> memref<80x128xf32, #tpu.memory_space<vmem>>
    %dma_wait3A_572 = arith.constant 0 : i32
    %dma_wait3A_573 = arith.constant 0 : i32
    %dma_wait3A_574 = tpu.memref_slice %arg2[%dma_wait3A_572, %dma_wait3A_573] : memref<10000x128xf32, #tpu.memory_space<hbm>> -> memref<80x128xf32, #tpu.memory_space<hbm>>
    %dma_wait3A_575 = arith.constant 0 : i32
    %dma_wait3A_576 = arith.constant 0 : i32
    %dma_wait3A_577 = tpu.memref_slice %arg8[%dma_wait3A_567, %dma_wait3A_575, %dma_wait3A_576] : memref<4x80x128xf32, #tpu.memory_space<vmem>> -> memref<1x80x128xf32, #tpu.memory_space<vmem>>
    %dma_wait3A_578 = tpu.memref_squeeze %dma_wait3A_577 : memref<1x80x128xf32, #tpu.memory_space<vmem>> -> memref<80x128xf32, #tpu.memory_space<vmem>>
    %dma_wait3A_579 = arith.constant 0 : i32
    %dma_wait3A_580 = arith.constant 0 : i32
    %dma_wait3A_581 = tpu.memref_slice %arg2[%dma_wait3A_579, %dma_wait3A_580] : memref<10000x128xf32, #tpu.memory_space<hbm>> -> memref<80x128xf32, #tpu.memory_space<hbm>>
    tpu.wait_dma2 semaphore(%arg11 : memref<!tpu.dma_semaphore, #tpu.memory_space<semaphore_mem>>) src(%dma_wait3A_581 : memref<80x128xf32, #tpu.memory_space<hbm>>) dst(%dma_wait3A_578 : memref<80x128xf32, #tpu.memory_space<vmem>>)
    return
  }
}

#map = affine_map<(d0, d1) -> (0, 0)>
#map1 = affine_map<(d0, d1) -> (0, 0, 0, 0)>
#map2 = affine_map<(d0, d1) -> (0, 0, 0)>
module attributes {stable_mosaic.version = 14 : i64} {
  func.func @_agg_body(%arg0: i32, %arg1: i32, %arg2: memref<10000x128xf32, #tpu.memory_space<hbm>>, %arg3: memref<32x125x1x80xi32, #tpu.memory_space<hbm>>, %arg4: memref<32x125x1x80xi32, #tpu.memory_space<hbm>>, %arg5: memref<2x10240x128xf32, #tpu.memory_space<hbm>>, %arg6: memref<8x1x80xi32, #tpu.memory_space<vmem>>, %arg7: memref<8x1x80xi32, #tpu.memory_space<vmem>>, %arg8: memref<4x80x128xf32, #tpu.memory_space<vmem>>, %arg9: memref<!tpu.dma_semaphore, #tpu.memory_space<semaphore_mem>>, %arg10: memref<!tpu.dma_semaphore, #tpu.memory_space<semaphore_mem>>, %arg11: memref<!tpu.dma_semaphore, #tpu.memory_space<semaphore_mem>>, %arg12: memref<10240x128xf32, #tpu.memory_space<vmem_shared>>) attributes {dimension_semantics = [#tpu.dimension_semantics<core_parallel>, #tpu.dimension_semantics<subcore_parallel>], iteration_bounds = array<i64: 2, 16>, scalar_prefetch = 0 : i64, scratch_operands = 7 : i64, tpu.core_type = #tpu.core_type<sc_vector_subcore>, window_params = [{transform_indices = #map}, {transform_indices = #map1}, {transform_indices = #map1}, {transform_indices = #map2}]} {
    %mul3A = arith.constant 16 : i32
    %mul3A_0 = arith.muli %arg0, %mul3A : i32
    %add3A = arith.addi %mul3A_0, %arg1 : i32
    %broadcast_in_dim3A = arith.constant 0.000000e+00 : f32
    %broadcast_in_dim3A_1 = vector.broadcast %broadcast_in_dim3A : f32 to vector<16xf32>
    %scan3A = arith.constant 0 : i32
    %scan3A_2 = arith.constant 0 : i32
    %scan3A_3 = arith.constant 0 : i32
    %scan3A_4 = arith.constant 80 : i32
    %scan3A_5 = arith.addi %scan3A_3, %scan3A_4 : i32
    %scan3A_6 = arith.constant 1 : i32
    %scan3A_7 = scf.for %scan3A_582 = %scan3A_3 to %scan3A_5 step %scan3A_6 iter_args(%scan3A_583 = %scan3A_2) -> (i32)  : i32 {
      %swap3A = arith.constant 0 : i32
      %swap3A_584 = arith.constant 0 : i32
      %swap3A_585 = tpu.memref_slice %arg8[%scan3A, %swap3A, %swap3A_584] : memref<4x80x128xf32, #tpu.memory_space<vmem>> -> memref<1x80x128xf32, #tpu.memory_space<vmem>>
      %swap3A_586 = tpu.memref_squeeze %swap3A_585 : memref<1x80x128xf32, #tpu.memory_space<vmem>> -> memref<80x128xf32, #tpu.memory_space<vmem>>
      %swap3A_587 = arith.index_cast %scan3A_582 : i32 to index
      %swap3A_588 = arith.constant 0 : index
      %swap3A_589 = tpu.vector_load %swap3A_586[%swap3A_587, %swap3A_588] {strides = array<i32>} : memref<80x128xf32, #tpu.memory_space<vmem>>, vector<1x16xf32>,
      %swap3A_590 = vector.shape_cast %swap3A_589 : vector<1x16xf32> to vector<16xf32>
      %swap3A_591 = vector.shape_cast %broadcast_in_dim3A_1 : vector<16xf32> to vector<1x16xf32>
      tpu.vector_store %swap3A_586[%swap3A_587, %swap3A_588], %swap3A_591 {strides = array<i32>} : memref<80x128xf32, #tpu.memory_space<vmem>>, vector<1x16xf32>,
      %swap3A_592 = arith.constant 0 : i32
      %swap3A_593 = arith.constant 0 : i32
      %swap3A_594 = tpu.memref_slice %arg8[%scan3A, %swap3A_592, %swap3A_593] : memref<4x80x128xf32, #tpu.memory_space<vmem>> -> memref<1x80x128xf32, #tpu.memory_space<vmem>>
      %swap3A_595 = tpu.memref_squeeze %swap3A_594 : memref<1x80x128xf32, #tpu.memory_space<vmem>> -> memref<80x128xf32, #tpu.memory_space<vmem>>
      %swap3A_596 = arith.index_cast %scan3A_582 : i32 to index
      %swap3A_597 = arith.constant 16 : index
      %swap3A_598 = tpu.vector_load %swap3A_595[%swap3A_596, %swap3A_597] {strides = array<i32>} : memref<80x128xf32, #tpu.memory_space<vmem>>, vector<1x16xf32>,
      %swap3A_599 = vector.shape_cast %swap3A_598 : vector<1x16xf32> to vector<16xf32>
      %swap3A_600 = vector.shape_cast %broadcast_in_dim3A_1 : vector<16xf32> to vector<1x16xf32>
      tpu.vector_store %swap3A_595[%swap3A_596, %swap3A_597], %swap3A_600 {strides = array<i32>} : memref<80x128xf32, #tpu.memory_space<vmem>>, vector<1x16xf32>,
      %swap3A_601 = arith.constant 0 : i32
      %swap3A_602 = arith.constant 0 : i32
      %swap3A_603 = tpu.memref_slice %arg8[%scan3A, %swap3A_601, %swap3A_602] : memref<4x80x128xf32, #tpu.memory_space<vmem>> -> memref<1x80x128xf32, #tpu.memory_space<vmem>>
      %swap3A_604 = tpu.memref_squeeze %swap3A_603 : memref<1x80x128xf32, #tpu.memory_space<vmem>> -> memref<80x128xf32, #tpu.memory_space<vmem>>
      %swap3A_605 = arith.index_cast %scan3A_582 : i32 to index
      %swap3A_606 = arith.constant 32 : index
      %swap3A_607 = tpu.vector_load %swap3A_604[%swap3A_605, %swap3A_606] {strides = array<i32>} : memref<80x128xf32, #tpu.memory_space<vmem>>, vector<1x16xf32>,
      %swap3A_608 = vector.shape_cast %swap3A_607 : vector<1x16xf32> to vector<16xf32>
      %swap3A_609 = vector.shape_cast %broadcast_in_dim3A_1 : vector<16xf32> to vector<1x16xf32>
      tpu.vector_store %swap3A_604[%swap3A_605, %swap3A_606], %swap3A_609 {strides = array<i32>} : memref<80x128xf32, #tpu.memory_space<vmem>>, vector<1x16xf32>,
      %swap3A_610 = arith.constant 0 : i32
      %swap3A_611 = arith.constant 0 : i32
      %swap3A_612 = tpu.memref_slice %arg8[%scan3A, %swap3A_610, %swap3A_611] : memref<4x80x128xf32, #tpu.memory_space<vmem>> -> memref<1x80x128xf32, #tpu.memory_space<vmem>>
      %swap3A_613 = tpu.memref_squeeze %swap3A_612 : memref<1x80x128xf32, #tpu.memory_space<vmem>> -> memref<80x128xf32, #tpu.memory_space<vmem>>
      %swap3A_614 = arith.index_cast %scan3A_582 : i32 to index
      %swap3A_615 = arith.constant 48 : index
      %swap3A_616 = tpu.vector_load %swap3A_613[%swap3A_614, %swap3A_615] {strides = array<i32>} : memref<80x128xf32, #tpu.memory_space<vmem>>, vector<1x16xf32>,
      %swap3A_617 = vector.shape_cast %swap3A_616 : vector<1x16xf32> to vector<16xf32>
      %swap3A_618 = vector.shape_cast %broadcast_in_dim3A_1 : vector<16xf32> to vector<1x16xf32>
      tpu.vector_store %swap3A_613[%swap3A_614, %swap3A_615], %swap3A_618 {strides = array<i32>} : memref<80x128xf32, #tpu.memory_space<vmem>>, vector<1x16xf32>,
      %swap3A_619 = arith.constant 0 : i32
      %swap3A_620 = arith.constant 0 : i32
      %swap3A_621 = tpu.memref_slice %arg8[%scan3A, %swap3A_619, %swap3A_620] : memref<4x80x128xf32, #tpu.memory_space<vmem>> -> memref<1x80x128xf32, #tpu.memory_space<vmem>>
      %swap3A_622 = tpu.memref_squeeze %swap3A_621 : memref<1x80x128xf32, #tpu.memory_space<vmem>> -> memref<80x128xf32, #tpu.memory_space<vmem>>
      %swap3A_623 = arith.index_cast %scan3A_582 : i32 to index
      %swap3A_624 = arith.constant 64 : index
      %swap3A_625 = tpu.vector_load %swap3A_622[%swap3A_623, %swap3A_624] {strides = array<i32>} : memref<80x128xf32, #tpu.memory_space<vmem>>, vector<1x16xf32>,
      %swap3A_626 = vector.shape_cast %swap3A_625 : vector<1x16xf32> to vector<16xf32>
      %swap3A_627 = vector.shape_cast %broadcast_in_dim3A_1 : vector<16xf32> to vector<1x16xf32>
      tpu.vector_store %swap3A_622[%swap3A_623, %swap3A_624], %swap3A_627 {strides = array<i32>} : memref<80x128xf32, #tpu.memory_space<vmem>>, vector<1x16xf32>,
      %swap3A_628 = arith.constant 0 : i32
      %swap3A_629 = arith.constant 0 : i32
      %swap3A_630 = tpu.memref_slice %arg8[%scan3A, %swap3A_628, %swap3A_629] : memref<4x80x128xf32, #tpu.memory_space<vmem>> -> memref<1x80x128xf32, #tpu.memory_space<vmem>>
      %swap3A_631 = tpu.memref_squeeze %swap3A_630 : memref<1x80x128xf32, #tpu.memory_space<vmem>> -> memref<80x128xf32, #tpu.memory_space<vmem>>
      %swap3A_632 = arith.index_cast %scan3A_582 : i32 to index
      %swap3A_633 = arith.constant 80 : index
      %swap3A_634 = tpu.vector_load %swap3A_631[%swap3A_632, %swap3A_633] {strides = array<i32>} : memref<80x128xf32, #tpu.memory_space<vmem>>, vector<1x16xf32>,
      %swap3A_635 = vector.shape_cast %swap3A_634 : vector<1x16xf32> to vector<16xf32>
      %swap3A_636 = vector.shape_cast %broadcast_in_dim3A_1 : vector<16xf32> to vector<1x16xf32>
      tpu.vector_store %swap3A_631[%swap3A_632, %swap3A_633], %swap3A_636 {strides = array<i32>} : memref<80x128xf32, #tpu.memory_space<vmem>>, vector<1x16xf32>,
      %swap3A_637 = arith.constant 0 : i32
      %swap3A_638 = arith.constant 0 : i32
      %swap3A_639 = tpu.memref_slice %arg8[%scan3A, %swap3A_637, %swap3A_638] : memref<4x80x128xf32, #tpu.memory_space<vmem>> -> memref<1x80x128xf32, #tpu.memory_space<vmem>>
      %swap3A_640 = tpu.memref_squeeze %swap3A_639 : memref<1x80x128xf32, #tpu.memory_space<vmem>> -> memref<80x128xf32, #tpu.memory_space<vmem>>
      %swap3A_641 = arith.index_cast %scan3A_582 : i32 to index
      %swap3A_642 = arith.constant 96 : index
      %swap3A_643 = tpu.vector_load %swap3A_640[%swap3A_641, %swap3A_642] {strides = array<i32>} : memref<80x128xf32, #tpu.memory_space<vmem>>, vector<1x16xf32>,
      %swap3A_644 = vector.shape_cast %swap3A_643 : vector<1x16xf32> to vector<16xf32>
      %swap3A_645 = vector.shape_cast %broadcast_in_dim3A_1 : vector<16xf32> to vector<1x16xf32>
      tpu.vector_store %swap3A_640[%swap3A_641, %swap3A_642], %swap3A_645 {strides = array<i32>} : memref<80x128xf32, #tpu.memory_space<vmem>>, vector<1x16xf32>,
      %swap3A_646 = arith.constant 0 : i32
      %swap3A_647 = arith.constant 0 : i32
      %swap3A_648 = tpu.memref_slice %arg8[%scan3A, %swap3A_646, %swap3A_647] : memref<4x80x128xf32, #tpu.memory_space<vmem>> -> memref<1x80x128xf32, #tpu.memory_space<vmem>>
      %swap3A_649 = tpu.memref_squeeze %swap3A_648 : memref<1x80x128xf32, #tpu.memory_space<vmem>> -> memref<80x128xf32, #tpu.memory_space<vmem>>
      %swap3A_650 = arith.index_cast %scan3A_582 : i32 to index
      %swap3A_651 = arith.constant 112 : index
      %swap3A_652 = tpu.vector_load %swap3A_649[%swap3A_650, %swap3A_651] {strides = array<i32>} : memref<80x128xf32, #tpu.memory_space<vmem>>, vector<1x16xf32>,
      %swap3A_653 = vector.shape_cast %swap3A_652 : vector<1x16xf32> to vector<16xf32>
      %swap3A_654 = vector.shape_cast %broadcast_in_dim3A_1 : vector<16xf32> to vector<1x16xf32>
      tpu.vector_store %swap3A_649[%swap3A_650, %swap3A_651], %swap3A_654 {strides = array<i32>} : memref<80x128xf32, #tpu.memory_space<vmem>>, vector<1x16xf32>,
      %scan3A_655 = arith.constant 0 : i32
      scf.yield %scan3A_655 : i32
    }
    %scan3A_8 = arith.constant 80 : i32
    %mul3A_9 = arith.constant 640 : i32
    %mul3A_10 = arith.muli %arg1, %mul3A_9 : i32
    %add3A_11 = arith.constant 0 : i32
    %add3A_12 = arith.addi %mul3A_10, %add3A_11 : i32
    %run_scoped3A = arith.constant 0 : i32
    "tpu.region"() ({
      %run_scoped3A_582 = tpu.sem_alloc : memref<!tpu.dma_semaphore, #tpu.memory_space<semaphore_mem>>
      %dma_start3A_583 = arith.constant 0 : i32
      %dma_start3A_584 = arith.constant 0 : i32
      %dma_start3A_585 = tpu.memref_slice %arg8[%run_scoped3A, %dma_start3A_583, %dma_start3A_584] : memref<4x80x128xf32, #tpu.memory_space<vmem>> -> memref<1x80x128xf32, #tpu.memory_space<vmem>>
      %dma_start3A_586 = tpu.memref_squeeze %dma_start3A_585 : memref<1x80x128xf32, #tpu.memory_space<vmem>> -> memref<80x128xf32, #tpu.memory_space<vmem>>
      %dma_start3A_587 = arith.constant 0 : i32
      %dma_start3A_588 = tpu.memref_slice %arg12[%add3A_12, %dma_start3A_587] : memref<10240x128xf32, #tpu.memory_space<vmem_shared>> -> memref<80x128xf32, #tpu.memory_space<vmem_shared>>
      %dma_start3A_589 = arith.constant 0 : i32
      %dma_start3A_590 = tpu.memref_slice %arg12[%add3A_12, %dma_start3A_589] : memref<10240x128xf32, #tpu.memory_space<vmem_shared>> -> memref<80x128xf32, #tpu.memory_space<vmem_shared>>
      %dma_start3A_591 = arith.constant 0 : i32
      %dma_start3A_592 = arith.constant 0 : i32
      %dma_start3A_593 = tpu.memref_slice %arg8[%run_scoped3A, %dma_start3A_591, %dma_start3A_592] : memref<4x80x128xf32, #tpu.memory_space<vmem>> -> memref<1x80x128xf32, #tpu.memory_space<vmem>>
      %dma_start3A_594 = tpu.memref_squeeze %dma_start3A_593 : memref<1x80x128xf32, #tpu.memory_space<vmem>> -> memref<80x128xf32, #tpu.memory_space<vmem>>
      tpu.enqueue_dma source(%dma_start3A_594 : memref<80x128xf32, #tpu.memory_space<vmem>>) target(%dma_start3A_590 : memref<80x128xf32, #tpu.memory_space<vmem_shared>>) target_semaphore(%run_scoped3A_582 : memref<!tpu.dma_semaphore, #tpu.memory_space<semaphore_mem>>)
      %dma_wait3A_595 = arith.constant 0 : i32
      %dma_wait3A_596 = arith.constant 0 : i32
      %dma_wait3A_597 = tpu.memref_slice %arg8[%run_scoped3A, %dma_wait3A_595, %dma_wait3A_596] : memref<4x80x128xf32, #tpu.memory_space<vmem>> -> memref<1x80x128xf32, #tpu.memory_space<vmem>>
      %dma_wait3A_598 = tpu.memref_squeeze %dma_wait3A_597 : memref<1x80x128xf32, #tpu.memory_space<vmem>> -> memref<80x128xf32, #tpu.memory_space<vmem>>
      %dma_wait3A_599 = arith.constant 0 : i32
      %dma_wait3A_600 = tpu.memref_slice %arg12[%add3A_12, %dma_wait3A_599] : memref<10240x128xf32, #tpu.memory_space<vmem_shared>> -> memref<80x128xf32, #tpu.memory_space<vmem_shared>>
      %dma_wait3A_601 = arith.constant 0 : i32
      %dma_wait3A_602 = tpu.memref_slice %arg12[%add3A_12, %dma_wait3A_601] : memref<10240x128xf32, #tpu.memory_space<vmem_shared>> -> memref<80x128xf32, #tpu.memory_space<vmem_shared>>
      %dma_wait3A_603 = arith.constant 0 : i32
      %dma_wait3A_604 = arith.constant 0 : i32
      %dma_wait3A_605 = tpu.memref_slice %arg8[%run_scoped3A, %dma_wait3A_603, %dma_wait3A_604] : memref<4x80x128xf32, #tpu.memory_space<vmem>> -> memref<1x80x128xf32, #tpu.memory_space<vmem>>
      %dma_wait3A_606 = tpu.memref_squeeze %dma_wait3A_605 : memref<1x80x128xf32, #tpu.memory_space<vmem>> -> memref<80x128xf32, #tpu.memory_space<vmem>>
      tpu.wait_dma2 semaphore(%run_scoped3A_582 : memref<!tpu.dma_semaphore, #tpu.memory_space<semaphore_mem>>) src(%dma_wait3A_606 : memref<80x128xf32, #tpu.memory_space<vmem>>) dst(%dma_wait3A_602 : memref<80x128xf32, #tpu.memory_space<vmem_shared>>)
      tpu.yield
    }) : () -> ()
    %mul3A_13 = arith.constant 640 : i32
    %mul3A_14 = arith.muli %arg1, %mul3A_13 : i32
    %add3A_15 = arith.constant 80 : i32
    %add3A_16 = arith.addi %mul3A_14, %add3A_15 : i32
    %run_scoped3A_17 = arith.constant 0 : i32
    "tpu.region"() ({
      %run_scoped3A_582 = tpu.sem_alloc : memref<!tpu.dma_semaphore, #tpu.memory_space<semaphore_mem>>
      %dma_start3A_583 = arith.constant 0 : i32
      %dma_start3A_584 = arith.constant 0 : i32
      %dma_start3A_585 = tpu.memref_slice %arg8[%run_scoped3A_17, %dma_start3A_583, %dma_start3A_584] : memref<4x80x128xf32, #tpu.memory_space<vmem>> -> memref<1x80x128xf32, #tpu.memory_space<vmem>>
      %dma_start3A_586 = tpu.memref_squeeze %dma_start3A_585 : memref<1x80x128xf32, #tpu.memory_space<vmem>> -> memref<80x128xf32, #tpu.memory_space<vmem>>
      %dma_start3A_587 = arith.constant 0 : i32
      %dma_start3A_588 = tpu.memref_slice %arg12[%add3A_16, %dma_start3A_587] : memref<10240x128xf32, #tpu.memory_space<vmem_shared>> -> memref<80x128xf32, #tpu.memory_space<vmem_shared>>
      %dma_start3A_589 = arith.constant 0 : i32
      %dma_start3A_590 = tpu.memref_slice %arg12[%add3A_16, %dma_start3A_589] : memref<10240x128xf32, #tpu.memory_space<vmem_shared>> -> memref<80x128xf32, #tpu.memory_space<vmem_shared>>
      %dma_start3A_591 = arith.constant 0 : i32
      %dma_start3A_592 = arith.constant 0 : i32
      %dma_start3A_593 = tpu.memref_slice %arg8[%run_scoped3A_17, %dma_start3A_591, %dma_start3A_592] : memref<4x80x128xf32, #tpu.memory_space<vmem>> -> memref<1x80x128xf32, #tpu.memory_space<vmem>>
      %dma_start3A_594 = tpu.memref_squeeze %dma_start3A_593 : memref<1x80x128xf32, #tpu.memory_space<vmem>> -> memref<80x128xf32, #tpu.memory_space<vmem>>
      tpu.enqueue_dma source(%dma_start3A_594 : memref<80x128xf32, #tpu.memory_space<vmem>>) target(%dma_start3A_590 : memref<80x128xf32, #tpu.memory_space<vmem_shared>>) target_semaphore(%run_scoped3A_582 : memref<!tpu.dma_semaphore, #tpu.memory_space<semaphore_mem>>)
      %dma_wait3A_595 = arith.constant 0 : i32
      %dma_wait3A_596 = arith.constant 0 : i32
      %dma_wait3A_597 = tpu.memref_slice %arg8[%run_scoped3A_17, %dma_wait3A_595, %dma_wait3A_596] : memref<4x80x128xf32, #tpu.memory_space<vmem>> -> memref<1x80x128xf32, #tpu.memory_space<vmem>>
      %dma_wait3A_598 = tpu.memref_squeeze %dma_wait3A_597 : memref<1x80x128xf32, #tpu.memory_space<vmem>> -> memref<80x128xf32, #tpu.memory_space<vmem>>
      %dma_wait3A_599 = arith.constant 0 : i32
      %dma_wait3A_600 = tpu.memref_slice %arg12[%add3A_16, %dma_wait3A_599] : memref<10240x128xf32, #tpu.memory_space<vmem_shared>> -> memref<80x128xf32, #tpu.memory_space<vmem_shared>>
      %dma_wait3A_601 = arith.constant 0 : i32
      %dma_wait3A_602 = tpu.memref_slice %arg12[%add3A_16, %dma_wait3A_601] : memref<10240x128xf32, #tpu.memory_space<vmem_shared>> -> memref<80x128xf32, #tpu.memory_space<vmem_shared>>
      %dma_wait3A_603 = arith.constant 0 : i32
      %dma_wait3A_604 = arith.constant 0 : i32
      %dma_wait3A_605 = tpu.memref_slice %arg8[%run_scoped3A_17, %dma_wait3A_603, %dma_wait3A_604] : memref<4x80x128xf32, #tpu.memory_space<vmem>> -> memref<1x80x128xf32, #tpu.memory_space<vmem>>
      %dma_wait3A_606 = tpu.memref_squeeze %dma_wait3A_605 : memref<1x80x128xf32, #tpu.memory_space<vmem>> -> memref<80x128xf32, #tpu.memory_space<vmem>>
      tpu.wait_dma2 semaphore(%run_scoped3A_582 : memref<!tpu.dma_semaphore, #tpu.memory_space<semaphore_mem>>) src(%dma_wait3A_606 : memref<80x128xf32, #tpu.memory_space<vmem>>) dst(%dma_wait3A_602 : memref<80x128xf32, #tpu.memory_space<vmem_shared>>)
      tpu.yield
    }) : () -> ()
    %mul3A_18 = arith.constant 640 : i32
    %mul3A_19 = arith.muli %arg1, %mul3A_18 : i32
    %add3A_20 = arith.constant 160 : i32
    %add3A_21 = arith.addi %mul3A_19, %add3A_20 : i32
    %run_scoped3A_22 = arith.constant 0 : i32
    "tpu.region"() ({
      %run_scoped3A_582 = tpu.sem_alloc : memref<!tpu.dma_semaphore, #tpu.memory_space<semaphore_mem>>
      %dma_start3A_583 = arith.constant 0 : i32
      %dma_start3A_584 = arith.constant 0 : i32
      %dma_start3A_585 = tpu.memref_slice %arg8[%run_scoped3A_22, %dma_start3A_583, %dma_start3A_584] : memref<4x80x128xf32, #tpu.memory_space<vmem>> -> memref<1x80x128xf32, #tpu.memory_space<vmem>>
      %dma_start3A_586 = tpu.memref_squeeze %dma_start3A_585 : memref<1x80x128xf32, #tpu.memory_space<vmem>> -> memref<80x128xf32, #tpu.memory_space<vmem>>
      %dma_start3A_587 = arith.constant 0 : i32
      %dma_start3A_588 = tpu.memref_slice %arg12[%add3A_21, %dma_start3A_587] : memref<10240x128xf32, #tpu.memory_space<vmem_shared>> -> memref<80x128xf32, #tpu.memory_space<vmem_shared>>
      %dma_start3A_589 = arith.constant 0 : i32
      %dma_start3A_590 = tpu.memref_slice %arg12[%add3A_21, %dma_start3A_589] : memref<10240x128xf32, #tpu.memory_space<vmem_shared>> -> memref<80x128xf32, #tpu.memory_space<vmem_shared>>
      %dma_start3A_591 = arith.constant 0 : i32
      %dma_start3A_592 = arith.constant 0 : i32
      %dma_start3A_593 = tpu.memref_slice %arg8[%run_scoped3A_22, %dma_start3A_591, %dma_start3A_592] : memref<4x80x128xf32, #tpu.memory_space<vmem>> -> memref<1x80x128xf32, #tpu.memory_space<vmem>>
      %dma_start3A_594 = tpu.memref_squeeze %dma_start3A_593 : memref<1x80x128xf32, #tpu.memory_space<vmem>> -> memref<80x128xf32, #tpu.memory_space<vmem>>
      tpu.enqueue_dma source(%dma_start3A_594 : memref<80x128xf32, #tpu.memory_space<vmem>>) target(%dma_start3A_590 : memref<80x128xf32, #tpu.memory_space<vmem_shared>>) target_semaphore(%run_scoped3A_582 : memref<!tpu.dma_semaphore, #tpu.memory_space<semaphore_mem>>)
      %dma_wait3A_595 = arith.constant 0 : i32
      %dma_wait3A_596 = arith.constant 0 : i32
      %dma_wait3A_597 = tpu.memref_slice %arg8[%run_scoped3A_22, %dma_wait3A_595, %dma_wait3A_596] : memref<4x80x128xf32, #tpu.memory_space<vmem>> -> memref<1x80x128xf32, #tpu.memory_space<vmem>>
      %dma_wait3A_598 = tpu.memref_squeeze %dma_wait3A_597 : memref<1x80x128xf32, #tpu.memory_space<vmem>> -> memref<80x128xf32, #tpu.memory_space<vmem>>
      %dma_wait3A_599 = arith.constant 0 : i32
      %dma_wait3A_600 = tpu.memref_slice %arg12[%add3A_21, %dma_wait3A_599] : memref<10240x128xf32, #tpu.memory_space<vmem_shared>> -> memref<80x128xf32, #tpu.memory_space<vmem_shared>>
      %dma_wait3A_601 = arith.constant 0 : i32
      %dma_wait3A_602 = tpu.memref_slice %arg12[%add3A_21, %dma_wait3A_601] : memref<10240x128xf32, #tpu.memory_space<vmem_shared>> -> memref<80x128xf32, #tpu.memory_space<vmem_shared>>
      %dma_wait3A_603 = arith.constant 0 : i32
      %dma_wait3A_604 = arith.constant 0 : i32
      %dma_wait3A_605 = tpu.memref_slice %arg8[%run_scoped3A_22, %dma_wait3A_603, %dma_wait3A_604] : memref<4x80x128xf32, #tpu.memory_space<vmem>> -> memref<1x80x128xf32, #tpu.memory_space<vmem>>
      %dma_wait3A_606 = tpu.memref_squeeze %dma_wait3A_605 : memref<1x80x128xf32, #tpu.memory_space<vmem>> -> memref<80x128xf32, #tpu.memory_space<vmem>>
      tpu.wait_dma2 semaphore(%run_scoped3A_582 : memref<!tpu.dma_semaphore, #tpu.memory_space<semaphore_mem>>) src(%dma_wait3A_606 : memref<80x128xf32, #tpu.memory_space<vmem>>) dst(%dma_wait3A_602 : memref<80x128xf32, #tpu.memory_space<vmem_shared>>)
      tpu.yield
    }) : () -> ()
    %mul3A_23 = arith.constant 640 : i32
    %mul3A_24 = arith.muli %arg1, %mul3A_23 : i32
    %add3A_25 = arith.constant 240 : i32
    %add3A_26 = arith.addi %mul3A_24, %add3A_25 : i32
    %run_scoped3A_27 = arith.constant 0 : i32
    "tpu.region"() ({
      %run_scoped3A_582 = tpu.sem_alloc : memref<!tpu.dma_semaphore, #tpu.memory_space<semaphore_mem>>
      %dma_start3A_583 = arith.constant 0 : i32
      %dma_start3A_584 = arith.constant 0 : i32
      %dma_start3A_585 = tpu.memref_slice %arg8[%run_scoped3A_27, %dma_start3A_583, %dma_start3A_584] : memref<4x80x128xf32, #tpu.memory_space<vmem>> -> memref<1x80x128xf32, #tpu.memory_space<vmem>>
      %dma_start3A_586 = tpu.memref_squeeze %dma_start3A_585 : memref<1x80x128xf32, #tpu.memory_space<vmem>> -> memref<80x128xf32, #tpu.memory_space<vmem>>
      %dma_start3A_587 = arith.constant 0 : i32
      %dma_start3A_588 = tpu.memref_slice %arg12[%add3A_26, %dma_start3A_587] : memref<10240x128xf32, #tpu.memory_space<vmem_shared>> -> memref<80x128xf32, #tpu.memory_space<vmem_shared>>
      %dma_start3A_589 = arith.constant 0 : i32
      %dma_start3A_590 = tpu.memref_slice %arg12[%add3A_26, %dma_start3A_589] : memref<10240x128xf32, #tpu.memory_space<vmem_shared>> -> memref<80x128xf32, #tpu.memory_space<vmem_shared>>
      %dma_start3A_591 = arith.constant 0 : i32
      %dma_start3A_592 = arith.constant 0 : i32
      %dma_start3A_593 = tpu.memref_slice %arg8[%run_scoped3A_27, %dma_start3A_591, %dma_start3A_592] : memref<4x80x128xf32, #tpu.memory_space<vmem>> -> memref<1x80x128xf32, #tpu.memory_space<vmem>>
      %dma_start3A_594 = tpu.memref_squeeze %dma_start3A_593 : memref<1x80x128xf32, #tpu.memory_space<vmem>> -> memref<80x128xf32, #tpu.memory_space<vmem>>
      tpu.enqueue_dma source(%dma_start3A_594 : memref<80x128xf32, #tpu.memory_space<vmem>>) target(%dma_start3A_590 : memref<80x128xf32, #tpu.memory_space<vmem_shared>>) target_semaphore(%run_scoped3A_582 : memref<!tpu.dma_semaphore, #tpu.memory_space<semaphore_mem>>)
      %dma_wait3A_595 = arith.constant 0 : i32
      %dma_wait3A_596 = arith.constant 0 : i32
      %dma_wait3A_597 = tpu.memref_slice %arg8[%run_scoped3A_27, %dma_wait3A_595, %dma_wait3A_596] : memref<4x80x128xf32, #tpu.memory_space<vmem>> -> memref<1x80x128xf32, #tpu.memory_space<vmem>>
      %dma_wait3A_598 = tpu.memref_squeeze %dma_wait3A_597 : memref<1x80x128xf32, #tpu.memory_space<vmem>> -> memref<80x128xf32, #tpu.memory_space<vmem>>
      %dma_wait3A_599 = arith.constant 0 : i32
      %dma_wait3A_600 = tpu.memref_slice %arg12[%add3A_26, %dma_wait3A_599] : memref<10240x128xf32, #tpu.memory_space<vmem_shared>> -> memref<80x128xf32, #tpu.memory_space<vmem_shared>>
      %dma_wait3A_601 = arith.constant 0 : i32
      %dma_wait3A_602 = tpu.memref_slice %arg12[%add3A_26, %dma_wait3A_601] : memref<10240x128xf32, #tpu.memory_space<vmem_shared>> -> memref<80x128xf32, #tpu.memory_space<vmem_shared>>
      %dma_wait3A_603 = arith.constant 0 : i32
      %dma_wait3A_604 = arith.constant 0 : i32
      %dma_wait3A_605 = tpu.memref_slice %arg8[%run_scoped3A_27, %dma_wait3A_603, %dma_wait3A_604] : memref<4x80x128xf32, #tpu.memory_space<vmem>> -> memref<1x80x128xf32, #tpu.memory_space<vmem>>
      %dma_wait3A_606 = tpu.memref_squeeze %dma_wait3A_605 : memref<1x80x128xf32, #tpu.memory_space<vmem>> -> memref<80x128xf32, #tpu.memory_space<vmem>>
      tpu.wait_dma2 semaphore(%run_scoped3A_582 : memref<!tpu.dma_semaphore, #tpu.memory_space<semaphore_mem>>) src(%dma_wait3A_606 : memref<80x128xf32, #tpu.memory_space<vmem>>) dst(%dma_wait3A_602 : memref<80x128xf32, #tpu.memory_space<vmem_shared>>)
      tpu.yield
    }) : () -> ()
    %mul3A_28 = arith.constant 640 : i32
    %mul3A_29 = arith.muli %arg1, %mul3A_28 : i32
    %add3A_30 = arith.constant 320 : i32
    %add3A_31 = arith.addi %mul3A_29, %add3A_30 : i32
    %run_scoped3A_32 = arith.constant 0 : i32
    "tpu.region"() ({
      %run_scoped3A_582 = tpu.sem_alloc : memref<!tpu.dma_semaphore, #tpu.memory_space<semaphore_mem>>
      %dma_start3A_583 = arith.constant 0 : i32
      %dma_start3A_584 = arith.constant 0 : i32
      %dma_start3A_585 = tpu.memref_slice %arg8[%run_scoped3A_32, %dma_start3A_583, %dma_start3A_584] : memref<4x80x128xf32, #tpu.memory_space<vmem>> -> memref<1x80x128xf32, #tpu.memory_space<vmem>>
      %dma_start3A_586 = tpu.memref_squeeze %dma_start3A_585 : memref<1x80x128xf32, #tpu.memory_space<vmem>> -> memref<80x128xf32, #tpu.memory_space<vmem>>
      %dma_start3A_587 = arith.constant 0 : i32
      %dma_start3A_588 = tpu.memref_slice %arg12[%add3A_31, %dma_start3A_587] : memref<10240x128xf32, #tpu.memory_space<vmem_shared>> -> memref<80x128xf32, #tpu.memory_space<vmem_shared>>
      %dma_start3A_589 = arith.constant 0 : i32
      %dma_start3A_590 = tpu.memref_slice %arg12[%add3A_31, %dma_start3A_589] : memref<10240x128xf32, #tpu.memory_space<vmem_shared>> -> memref<80x128xf32, #tpu.memory_space<vmem_shared>>
      %dma_start3A_591 = arith.constant 0 : i32
      %dma_start3A_592 = arith.constant 0 : i32
      %dma_start3A_593 = tpu.memref_slice %arg8[%run_scoped3A_32, %dma_start3A_591, %dma_start3A_592] : memref<4x80x128xf32, #tpu.memory_space<vmem>> -> memref<1x80x128xf32, #tpu.memory_space<vmem>>
      %dma_start3A_594 = tpu.memref_squeeze %dma_start3A_593 : memref<1x80x128xf32, #tpu.memory_space<vmem>> -> memref<80x128xf32, #tpu.memory_space<vmem>>
      tpu.enqueue_dma source(%dma_start3A_594 : memref<80x128xf32, #tpu.memory_space<vmem>>) target(%dma_start3A_590 : memref<80x128xf32, #tpu.memory_space<vmem_shared>>) target_semaphore(%run_scoped3A_582 : memref<!tpu.dma_semaphore, #tpu.memory_space<semaphore_mem>>)
      %dma_wait3A_595 = arith.constant 0 : i32
      %dma_wait3A_596 = arith.constant 0 : i32
      %dma_wait3A_597 = tpu.memref_slice %arg8[%run_scoped3A_32, %dma_wait3A_595, %dma_wait3A_596] : memref<4x80x128xf32, #tpu.memory_space<vmem>> -> memref<1x80x128xf32, #tpu.memory_space<vmem>>
      %dma_wait3A_598 = tpu.memref_squeeze %dma_wait3A_597 : memref<1x80x128xf32, #tpu.memory_space<vmem>> -> memref<80x128xf32, #tpu.memory_space<vmem>>
      %dma_wait3A_599 = arith.constant 0 : i32
      %dma_wait3A_600 = tpu.memref_slice %arg12[%add3A_31, %dma_wait3A_599] : memref<10240x128xf32, #tpu.memory_space<vmem_shared>> -> memref<80x128xf32, #tpu.memory_space<vmem_shared>>
      %dma_wait3A_601 = arith.constant 0 : i32
      %dma_wait3A_602 = tpu.memref_slice %arg12[%add3A_31, %dma_wait3A_601] : memref<10240x128xf32, #tpu.memory_space<vmem_shared>> -> memref<80x128xf32, #tpu.memory_space<vmem_shared>>
      %dma_wait3A_603 = arith.constant 0 : i32
      %dma_wait3A_604 = arith.constant 0 : i32
      %dma_wait3A_605 = tpu.memref_slice %arg8[%run_scoped3A_32, %dma_wait3A_603, %dma_wait3A_604] : memref<4x80x128xf32, #tpu.memory_space<vmem>> -> memref<1x80x128xf32, #tpu.memory_space<vmem>>
      %dma_wait3A_606 = tpu.memref_squeeze %dma_wait3A_605 : memref<1x80x128xf32, #tpu.memory_space<vmem>> -> memref<80x128xf32, #tpu.memory_space<vmem>>
      tpu.wait_dma2 semaphore(%run_scoped3A_582 : memref<!tpu.dma_semaphore, #tpu.memory_space<semaphore_mem>>) src(%dma_wait3A_606 : memref<80x128xf32, #tpu.memory_space<vmem>>) dst(%dma_wait3A_602 : memref<80x128xf32, #tpu.memory_space<vmem_shared>>)
      tpu.yield
    }) : () -> ()
    %mul3A_33 = arith.constant 640 : i32
    %mul3A_34 = arith.muli %arg1, %mul3A_33 : i32
    %add3A_35 = arith.constant 400 : i32
    %add3A_36 = arith.addi %mul3A_34, %add3A_35 : i32
    %run_scoped3A_37 = arith.constant 0 : i32
    "tpu.region"() ({
      %run_scoped3A_582 = tpu.sem_alloc : memref<!tpu.dma_semaphore, #tpu.memory_space<semaphore_mem>>
      %dma_start3A_583 = arith.constant 0 : i32
      %dma_start3A_584 = arith.constant 0 : i32
      %dma_start3A_585 = tpu.memref_slice %arg8[%run_scoped3A_37, %dma_start3A_583, %dma_start3A_584] : memref<4x80x128xf32, #tpu.memory_space<vmem>> -> memref<1x80x128xf32, #tpu.memory_space<vmem>>
      %dma_start3A_586 = tpu.memref_squeeze %dma_start3A_585 : memref<1x80x128xf32, #tpu.memory_space<vmem>> -> memref<80x128xf32, #tpu.memory_space<vmem>>
      %dma_start3A_587 = arith.constant 0 : i32
      %dma_start3A_588 = tpu.memref_slice %arg12[%add3A_36, %dma_start3A_587] : memref<10240x128xf32, #tpu.memory_space<vmem_shared>> -> memref<80x128xf32, #tpu.memory_space<vmem_shared>>
      %dma_start3A_589 = arith.constant 0 : i32
      %dma_start3A_590 = tpu.memref_slice %arg12[%add3A_36, %dma_start3A_589] : memref<10240x128xf32, #tpu.memory_space<vmem_shared>> -> memref<80x128xf32, #tpu.memory_space<vmem_shared>>
      %dma_start3A_591 = arith.constant 0 : i32
      %dma_start3A_592 = arith.constant 0 : i32
      %dma_start3A_593 = tpu.memref_slice %arg8[%run_scoped3A_37, %dma_start3A_591, %dma_start3A_592] : memref<4x80x128xf32, #tpu.memory_space<vmem>> -> memref<1x80x128xf32, #tpu.memory_space<vmem>>
      %dma_start3A_594 = tpu.memref_squeeze %dma_start3A_593 : memref<1x80x128xf32, #tpu.memory_space<vmem>> -> memref<80x128xf32, #tpu.memory_space<vmem>>
      tpu.enqueue_dma source(%dma_start3A_594 : memref<80x128xf32, #tpu.memory_space<vmem>>) target(%dma_start3A_590 : memref<80x128xf32, #tpu.memory_space<vmem_shared>>) target_semaphore(%run_scoped3A_582 : memref<!tpu.dma_semaphore, #tpu.memory_space<semaphore_mem>>)
      %dma_wait3A_595 = arith.constant 0 : i32
      %dma_wait3A_596 = arith.constant 0 : i32
      %dma_wait3A_597 = tpu.memref_slice %arg8[%run_scoped3A_37, %dma_wait3A_595, %dma_wait3A_596] : memref<4x80x128xf32, #tpu.memory_space<vmem>> -> memref<1x80x128xf32, #tpu.memory_space<vmem>>
      %dma_wait3A_598 = tpu.memref_squeeze %dma_wait3A_597 : memref<1x80x128xf32, #tpu.memory_space<vmem>> -> memref<80x128xf32, #tpu.memory_space<vmem>>
      %dma_wait3A_599 = arith.constant 0 : i32
      %dma_wait3A_600 = tpu.memref_slice %arg12[%add3A_36, %dma_wait3A_599] : memref<10240x128xf32, #tpu.memory_space<vmem_shared>> -> memref<80x128xf32, #tpu.memory_space<vmem_shared>>
      %dma_wait3A_601 = arith.constant 0 : i32
      %dma_wait3A_602 = tpu.memref_slice %arg12[%add3A_36, %dma_wait3A_601] : memref<10240x128xf32, #tpu.memory_space<vmem_shared>> -> memref<80x128xf32, #tpu.memory_space<vmem_shared>>
      %dma_wait3A_603 = arith.constant 0 : i32
      %dma_wait3A_604 = arith.constant 0 : i32
      %dma_wait3A_605 = tpu.memref_slice %arg8[%run_scoped3A_37, %dma_wait3A_603, %dma_wait3A_604] : memref<4x80x128xf32, #tpu.memory_space<vmem>> -> memref<1x80x128xf32, #tpu.memory_space<vmem>>
      %dma_wait3A_606 = tpu.memref_squeeze %dma_wait3A_605 : memref<1x80x128xf32, #tpu.memory_space<vmem>> -> memref<80x128xf32, #tpu.memory_space<vmem>>
      tpu.wait_dma2 semaphore(%run_scoped3A_582 : memref<!tpu.dma_semaphore, #tpu.memory_space<semaphore_mem>>) src(%dma_wait3A_606 : memref<80x128xf32, #tpu.memory_space<vmem>>) dst(%dma_wait3A_602 : memref<80x128xf32, #tpu.memory_space<vmem_shared>>)
      tpu.yield
    }) : () -> ()
    %mul3A_38 = arith.constant 640 : i32
    %mul3A_39 = arith.muli %arg1, %mul3A_38 : i32
    %add3A_40 = arith.constant 480 : i32
    %add3A_41 = arith.addi %mul3A_39, %add3A_40 : i32
    %run_scoped3A_42 = arith.constant 0 : i32
    "tpu.region"() ({
      %run_scoped3A_582 = tpu.sem_alloc : memref<!tpu.dma_semaphore, #tpu.memory_space<semaphore_mem>>
      %dma_start3A_583 = arith.constant 0 : i32
      %dma_start3A_584 = arith.constant 0 : i32
      %dma_start3A_585 = tpu.memref_slice %arg8[%run_scoped3A_42, %dma_start3A_583, %dma_start3A_584] : memref<4x80x128xf32, #tpu.memory_space<vmem>> -> memref<1x80x128xf32, #tpu.memory_space<vmem>>
      %dma_start3A_586 = tpu.memref_squeeze %dma_start3A_585 : memref<1x80x128xf32, #tpu.memory_space<vmem>> -> memref<80x128xf32, #tpu.memory_space<vmem>>
      %dma_start3A_587 = arith.constant 0 : i32
      %dma_start3A_588 = tpu.memref_slice %arg12[%add3A_41, %dma_start3A_587] : memref<10240x128xf32, #tpu.memory_space<vmem_shared>> -> memref<80x128xf32, #tpu.memory_space<vmem_shared>>
      %dma_start3A_589 = arith.constant 0 : i32
      %dma_start3A_590 = tpu.memref_slice %arg12[%add3A_41, %dma_start3A_589] : memref<10240x128xf32, #tpu.memory_space<vmem_shared>> -> memref<80x128xf32, #tpu.memory_space<vmem_shared>>
      %dma_start3A_591 = arith.constant 0 : i32
      %dma_start3A_592 = arith.constant 0 : i32
      %dma_start3A_593 = tpu.memref_slice %arg8[%run_scoped3A_42, %dma_start3A_591, %dma_start3A_592] : memref<4x80x128xf32, #tpu.memory_space<vmem>> -> memref<1x80x128xf32, #tpu.memory_space<vmem>>
      %dma_start3A_594 = tpu.memref_squeeze %dma_start3A_593 : memref<1x80x128xf32, #tpu.memory_space<vmem>> -> memref<80x128xf32, #tpu.memory_space<vmem>>
      tpu.enqueue_dma source(%dma_start3A_594 : memref<80x128xf32, #tpu.memory_space<vmem>>) target(%dma_start3A_590 : memref<80x128xf32, #tpu.memory_space<vmem_shared>>) target_semaphore(%run_scoped3A_582 : memref<!tpu.dma_semaphore, #tpu.memory_space<semaphore_mem>>)
      %dma_wait3A_595 = arith.constant 0 : i32
      %dma_wait3A_596 = arith.constant 0 : i32
      %dma_wait3A_597 = tpu.memref_slice %arg8[%run_scoped3A_42, %dma_wait3A_595, %dma_wait3A_596] : memref<4x80x128xf32, #tpu.memory_space<vmem>> -> memref<1x80x128xf32, #tpu.memory_space<vmem>>
      %dma_wait3A_598 = tpu.memref_squeeze %dma_wait3A_597 : memref<1x80x128xf32, #tpu.memory_space<vmem>> -> memref<80x128xf32, #tpu.memory_space<vmem>>
      %dma_wait3A_599 = arith.constant 0 : i32
      %dma_wait3A_600 = tpu.memref_slice %arg12[%add3A_41, %dma_wait3A_599] : memref<10240x128xf32, #tpu.memory_space<vmem_shared>> -> memref<80x128xf32, #tpu.memory_space<vmem_shared>>
      %dma_wait3A_601 = arith.constant 0 : i32
      %dma_wait3A_602 = tpu.memref_slice %arg12[%add3A_41, %dma_wait3A_601] : memref<10240x128xf32, #tpu.memory_space<vmem_shared>> -> memref<80x128xf32, #tpu.memory_space<vmem_shared>>
      %dma_wait3A_603 = arith.constant 0 : i32
      %dma_wait3A_604 = arith.constant 0 : i32
      %dma_wait3A_605 = tpu.memref_slice %arg8[%run_scoped3A_42, %dma_wait3A_603, %dma_wait3A_604] : memref<4x80x128xf32, #tpu.memory_space<vmem>> -> memref<1x80x128xf32, #tpu.memory_space<vmem>>
      %dma_wait3A_606 = tpu.memref_squeeze %dma_wait3A_605 : memref<1x80x128xf32, #tpu.memory_space<vmem>> -> memref<80x128xf32, #tpu.memory_space<vmem>>
      tpu.wait_dma2 semaphore(%run_scoped3A_582 : memref<!tpu.dma_semaphore, #tpu.memory_space<semaphore_mem>>) src(%dma_wait3A_606 : memref<80x128xf32, #tpu.memory_space<vmem>>) dst(%dma_wait3A_602 : memref<80x128xf32, #tpu.memory_space<vmem_shared>>)
      tpu.yield
    }) : () -> ()
    %mul3A_43 = arith.constant 640 : i32
    %mul3A_44 = arith.muli %arg1, %mul3A_43 : i32
    %add3A_45 = arith.constant 560 : i32
    %add3A_46 = arith.addi %mul3A_44, %add3A_45 : i32
    %run_scoped3A_47 = arith.constant 0 : i32
    "tpu.region"() ({
      %run_scoped3A_582 = tpu.sem_alloc : memref<!tpu.dma_semaphore, #tpu.memory_space<semaphore_mem>>
      %dma_start3A_583 = arith.constant 0 : i32
      %dma_start3A_584 = arith.constant 0 : i32
      %dma_start3A_585 = tpu.memref_slice %arg8[%run_scoped3A_47, %dma_start3A_583, %dma_start3A_584] : memref<4x80x128xf32, #tpu.memory_space<vmem>> -> memref<1x80x128xf32, #tpu.memory_space<vmem>>
      %dma_start3A_586 = tpu.memref_squeeze %dma_start3A_585 : memref<1x80x128xf32, #tpu.memory_space<vmem>> -> memref<80x128xf32, #tpu.memory_space<vmem>>
      %dma_start3A_587 = arith.constant 0 : i32
      %dma_start3A_588 = tpu.memref_slice %arg12[%add3A_46, %dma_start3A_587] : memref<10240x128xf32, #tpu.memory_space<vmem_shared>> -> memref<80x128xf32, #tpu.memory_space<vmem_shared>>
      %dma_start3A_589 = arith.constant 0 : i32
      %dma_start3A_590 = tpu.memref_slice %arg12[%add3A_46, %dma_start3A_589] : memref<10240x128xf32, #tpu.memory_space<vmem_shared>> -> memref<80x128xf32, #tpu.memory_space<vmem_shared>>
      %dma_start3A_591 = arith.constant 0 : i32
      %dma_start3A_592 = arith.constant 0 : i32
      %dma_start3A_593 = tpu.memref_slice %arg8[%run_scoped3A_47, %dma_start3A_591, %dma_start3A_592] : memref<4x80x128xf32, #tpu.memory_space<vmem>> -> memref<1x80x128xf32, #tpu.memory_space<vmem>>
      %dma_start3A_594 = tpu.memref_squeeze %dma_start3A_593 : memref<1x80x128xf32, #tpu.memory_space<vmem>> -> memref<80x128xf32, #tpu.memory_space<vmem>>
      tpu.enqueue_dma source(%dma_start3A_594 : memref<80x128xf32, #tpu.memory_space<vmem>>) target(%dma_start3A_590 : memref<80x128xf32, #tpu.memory_space<vmem_shared>>) target_semaphore(%run_scoped3A_582 : memref<!tpu.dma_semaphore, #tpu.memory_space<semaphore_mem>>)
      %dma_wait3A_595 = arith.constant 0 : i32
      %dma_wait3A_596 = arith.constant 0 : i32
      %dma_wait3A_597 = tpu.memref_slice %arg8[%run_scoped3A_47, %dma_wait3A_595, %dma_wait3A_596] : memref<4x80x128xf32, #tpu.memory_space<vmem>> -> memref<1x80x128xf32, #tpu.memory_space<vmem>>
      %dma_wait3A_598 = tpu.memref_squeeze %dma_wait3A_597 : memref<1x80x128xf32, #tpu.memory_space<vmem>> -> memref<80x128xf32, #tpu.memory_space<vmem>>
      %dma_wait3A_599 = arith.constant 0 : i32
      %dma_wait3A_600 = tpu.memref_slice %arg12[%add3A_46, %dma_wait3A_599] : memref<10240x128xf32, #tpu.memory_space<vmem_shared>> -> memref<80x128xf32, #tpu.memory_space<vmem_shared>>
      %dma_wait3A_601 = arith.constant 0 : i32
      %dma_wait3A_602 = tpu.memref_slice %arg12[%add3A_46, %dma_wait3A_601] : memref<10240x128xf32, #tpu.memory_space<vmem_shared>> -> memref<80x128xf32, #tpu.memory_space<vmem_shared>>
      %dma_wait3A_603 = arith.constant 0 : i32
      %dma_wait3A_604 = arith.constant 0 : i32
      %dma_wait3A_605 = tpu.memref_slice %arg8[%run_scoped3A_47, %dma_wait3A_603, %dma_wait3A_604] : memref<4x80x128xf32, #tpu.memory_space<vmem>> -> memref<1x80x128xf32, #tpu.memory_space<vmem>>
      %dma_wait3A_606 = tpu.memref_squeeze %dma_wait3A_605 : memref<1x80x128xf32, #tpu.memory_space<vmem>> -> memref<80x128xf32, #tpu.memory_space<vmem>>
      tpu.wait_dma2 semaphore(%run_scoped3A_582 : memref<!tpu.dma_semaphore, #tpu.memory_space<semaphore_mem>>) src(%dma_wait3A_606 : memref<80x128xf32, #tpu.memory_space<vmem>>) dst(%dma_wait3A_602 : memref<80x128xf32, #tpu.memory_space<vmem_shared>>)
      tpu.yield
    }) : () -> ()
    %barrier3A = arith.constant 0 : index
    tpu.barrier barrier_id(%barrier3A)
    %scan3A_48 = arith.constant 0 : i32
    %scan3A_49 = arith.constant 0 : i32
    %scan3A_50 = arith.constant 131 : i32
    %scan3A_51 = arith.addi %scan3A_49, %scan3A_50 : i32
    %scan3A_52 = arith.constant 1 : i32
    %scan3A_53 = scf.for %scan3A_582 = %scan3A_49 to %scan3A_51 step %scan3A_52 iter_args(%scan3A_583 = %scan3A_48) -> (i32)  : i32 {
      %ge3A = arith.constant 6 : i32
      %ge3A_584 = arith.cmpi sge, %scan3A_582, %ge3A : i32
      %lt3A = arith.constant 131 : i32
      %lt3A_585 = arith.cmpi slt, %scan3A_582, %lt3A : i32
      %and3A = arith.andi %ge3A_584, %lt3A_585 : i1
      %convert_element_type3A = arith.extui %and3A : i1 to i32
      %cond3A = arith.constant 0 : i32
      %cond3A_586 = arith.cmpi ne, %convert_element_type3A, %cond3A : i32
      scf.if %cond3A_586 {
        %dma_wait3A_609 = arith.constant 0 : i32
        %dma_wait3A_610 = arith.constant 0 : i32
        %dma_wait3A_611 = arith.constant 0 : i32
        %dma_wait3A_612 = tpu.memref_slice %arg8[%dma_wait3A_609, %dma_wait3A_610, %dma_wait3A_611] : memref<4x80x128xf32, #tpu.memory_space<vmem>> -> memref<1x80x128xf32, #tpu.memory_space<vmem>>
        %dma_wait3A_613 = tpu.memref_squeeze %dma_wait3A_612 : memref<1x80x128xf32, #tpu.memory_space<vmem>> -> memref<80x128xf32, #tpu.memory_space<vmem>>
        %dma_wait3A_614 = arith.constant 0 : i32
        %dma_wait3A_615 = arith.constant 0 : i32
        %dma_wait3A_616 = tpu.memref_slice %arg2[%dma_wait3A_614, %dma_wait3A_615] : memref<10000x128xf32, #tpu.memory_space<hbm>> -> memref<80x128xf32, #tpu.memory_space<hbm>>
        %dma_wait3A_617 = arith.constant 0 : i32
        %dma_wait3A_618 = arith.constant 0 : i32
        %dma_wait3A_619 = tpu.memref_slice %arg8[%dma_wait3A_609, %dma_wait3A_617, %dma_wait3A_618] : memref<4x80x128xf32, #tpu.memory_space<vmem>> -> memref<1x80x128xf32, #tpu.memory_space<vmem>>
        %dma_wait3A_620 = tpu.memref_squeeze %dma_wait3A_619 : memref<1x80x128xf32, #tpu.memory_space<vmem>> -> memref<80x128xf32, #tpu.memory_space<vmem>>
        %dma_wait3A_621 = arith.constant 0 : i32
        %dma_wait3A_622 = arith.constant 0 : i32
        %dma_wait3A_623 = tpu.memref_slice %arg2[%dma_wait3A_621, %dma_wait3A_622] : memref<10000x128xf32, #tpu.memory_space<hbm>> -> memref<80x128xf32, #tpu.memory_space<hbm>>
        tpu.wait_dma2 semaphore(%arg11 : memref<!tpu.dma_semaphore, #tpu.memory_space<semaphore_mem>>) src(%dma_wait3A_623 : memref<80x128xf32, #tpu.memory_space<hbm>>) dst(%dma_wait3A_620 : memref<80x128xf32, #tpu.memory_space<vmem>>)
      } else {
      }
      %lt3A_587 = arith.constant 125 : i32
      %lt3A_588 = arith.cmpi slt, %scan3A_582, %lt3A_587 : i32
      %convert_element_type3A_589 = arith.extui %lt3A_588 : i1 to i32
      %cond3A_590 = arith.constant 0 : i32
      %cond3A_591 = arith.cmpi ne, %convert_element_type3A_589, %cond3A_590 : i32
      scf.if %cond3A_591 {
        %rem3A = arith.constant 8 : i32
        %rem3A_609 = arith.remsi %scan3A_582, %rem3A : i32
        %dma_start3A_610 = arith.constant 0 : i32
        %dma_start3A_611 = arith.constant 0 : i32
        %dma_start3A_612 = tpu.memref_slice %arg6[%rem3A_609, %dma_start3A_610, %dma_start3A_611] : memref<8x1x80xi32, #tpu.memory_space<vmem>> -> memref<1x1x80xi32, #tpu.memory_space<vmem>>
        %dma_start3A_613 = tpu.memref_squeeze %dma_start3A_612 : memref<1x1x80xi32, #tpu.memory_space<vmem>> -> memref<1x80xi32, #tpu.memory_space<vmem>>
        %dma_start3A_614 = arith.constant 0 : i32
        %dma_start3A_615 = arith.constant 0 : i32
        %dma_start3A_616 = tpu.memref_slice %arg3[%add3A, %scan3A_582, %dma_start3A_614, %dma_start3A_615] : memref<32x125x1x80xi32, #tpu.memory_space<hbm>> -> memref<1x1x1x80xi32, #tpu.memory_space<hbm>>
        %dma_start3A_617 = tpu.memref_squeeze %dma_start3A_616 : memref<1x1x1x80xi32, #tpu.memory_space<hbm>> -> memref<1x80xi32, #tpu.memory_space<hbm>>
        %dma_start3A_618 = arith.constant 0 : i32
        %dma_start3A_619 = arith.constant 0 : i32
        %dma_start3A_620 = tpu.memref_slice %arg6[%rem3A_609, %dma_start3A_618, %dma_start3A_619] : memref<8x1x80xi32, #tpu.memory_space<vmem>> -> memref<1x1x80xi32, #tpu.memory_space<vmem>>
        %dma_start3A_621 = tpu.memref_squeeze %dma_start3A_620 : memref<1x1x80xi32, #tpu.memory_space<vmem>> -> memref<1x80xi32, #tpu.memory_space<vmem>>
        %dma_start3A_622 = arith.constant 0 : i32
        %dma_start3A_623 = arith.constant 0 : i32
        %dma_start3A_624 = tpu.memref_slice %arg3[%add3A, %scan3A_582, %dma_start3A_622, %dma_start3A_623] : memref<32x125x1x80xi32, #tpu.memory_space<hbm>> -> memref<1x1x1x80xi32, #tpu.memory_space<hbm>>
        %dma_start3A_625 = tpu.memref_squeeze %dma_start3A_624 : memref<1x1x1x80xi32, #tpu.memory_space<hbm>> -> memref<1x80xi32, #tpu.memory_space<hbm>>
        tpu.enqueue_dma source(%dma_start3A_625 : memref<1x80xi32, #tpu.memory_space<hbm>>) target(%dma_start3A_621 : memref<1x80xi32, #tpu.memory_space<vmem>>) target_semaphore(%arg9 : memref<!tpu.dma_semaphore, #tpu.memory_space<semaphore_mem>>)
        %dma_start3A_626 = arith.constant 0 : i32
        %dma_start3A_627 = arith.constant 0 : i32
        %dma_start3A_628 = tpu.memref_slice %arg7[%rem3A_609, %dma_start3A_626, %dma_start3A_627] : memref<8x1x80xi32, #tpu.memory_space<vmem>> -> memref<1x1x80xi32, #tpu.memory_space<vmem>>
        %dma_start3A_629 = tpu.memref_squeeze %dma_start3A_628 : memref<1x1x80xi32, #tpu.memory_space<vmem>> -> memref<1x80xi32, #tpu.memory_space<vmem>>
        %dma_start3A_630 = arith.constant 0 : i32
        %dma_start3A_631 = arith.constant 0 : i32
        %dma_start3A_632 = tpu.memref_slice %arg4[%add3A, %scan3A_582, %dma_start3A_630, %dma_start3A_631] : memref<32x125x1x80xi32, #tpu.memory_space<hbm>> -> memref<1x1x1x80xi32, #tpu.memory_space<hbm>>
        %dma_start3A_633 = tpu.memref_squeeze %dma_start3A_632 : memref<1x1x1x80xi32, #tpu.memory_space<hbm>> -> memref<1x80xi32, #tpu.memory_space<hbm>>
        %dma_start3A_634 = arith.constant 0 : i32
        %dma_start3A_635 = arith.constant 0 : i32
        %dma_start3A_636 = tpu.memref_slice %arg7[%rem3A_609, %dma_start3A_634, %dma_start3A_635] : memref<8x1x80xi32, #tpu.memory_space<vmem>> -> memref<1x1x80xi32, #tpu.memory_space<vmem>>
        %dma_start3A_637 = tpu.memref_squeeze %dma_start3A_636 : memref<1x1x80xi32, #tpu.memory_space<vmem>> -> memref<1x80xi32, #tpu.memory_space<vmem>>
        %dma_start3A_638 = arith.constant 0 : i32
        %dma_start3A_639 = arith.constant 0 : i32
        %dma_start3A_640 = tpu.memref_slice %arg4[%add3A, %scan3A_582, %dma_start3A_638, %dma_start3A_639] : memref<32x125x1x80xi32, #tpu.memory_space<hbm>> -> memref<1x1x1x80xi32, #tpu.memory_space<hbm>>
        %dma_start3A_641 = tpu.memref_squeeze %dma_start3A_640 : memref<1x1x1x80xi32, #tpu.memory_space<hbm>> -> memref<1x80xi32, #tpu.memory_space<hbm>>
        tpu.enqueue_dma source(%dma_start3A_641 : memref<1x80xi32, #tpu.memory_space<hbm>>) target(%dma_start3A_637 : memref<1x80xi32, #tpu.memory_space<vmem>>) target_semaphore(%arg9 : memref<!tpu.dma_semaphore, #tpu.memory_space<semaphore_mem>>)
      } else {
      }
      %ge3A_592 = arith.constant 2 : i32
      %ge3A_593 = arith.cmpi sge, %scan3A_582, %ge3A_592 : i32
      %lt3A_594 = arith.constant 127 : i32
      %lt3A_595 = arith.cmpi slt, %scan3A_582, %lt3A_594 : i32
      %and3A_596 = arith.andi %ge3A_593, %lt3A_595 : i1
      %convert_element_type3A_597 = arith.extui %and3A_596 : i1 to i32
      %cond3A_598 = arith.constant 0 : i32
      %cond3A_599 = arith.cmpi ne, %convert_element_type3A_597, %cond3A_598 : i32
      scf.if %cond3A_599 {
        %sub3A = arith.constant 2 : i32
        %sub3A_609 = arith.subi %scan3A_582, %sub3A : i32
        %dma_wait3A_610 = arith.constant 0 : i32
        %dma_wait3A_611 = arith.constant 0 : i32
        %dma_wait3A_612 = arith.constant 0 : i32
        %dma_wait3A_613 = arith.constant 0 : i32
        %dma_wait3A_614 = arith.constant 0 : i32
        %dma_wait3A_615 = tpu.memref_slice %arg6[%dma_wait3A_612, %dma_wait3A_613, %dma_wait3A_614] : memref<8x1x80xi32, #tpu.memory_space<vmem>> -> memref<1x1x80xi32, #tpu.memory_space<vmem>>
        %dma_wait3A_616 = tpu.memref_squeeze %dma_wait3A_615 : memref<1x1x80xi32, #tpu.memory_space<vmem>> -> memref<1x80xi32, #tpu.memory_space<vmem>>
        %dma_wait3A_617 = arith.constant 0 : i32
        %dma_wait3A_618 = arith.constant 0 : i32
        %dma_wait3A_619 = tpu.memref_slice %arg3[%dma_wait3A_610, %dma_wait3A_611, %dma_wait3A_617, %dma_wait3A_618] : memref<32x125x1x80xi32, #tpu.memory_space<hbm>> -> memref<1x1x1x80xi32, #tpu.memory_space<hbm>>
        %dma_wait3A_620 = tpu.memref_squeeze %dma_wait3A_619 : memref<1x1x1x80xi32, #tpu.memory_space<hbm>> -> memref<1x80xi32, #tpu.memory_space<hbm>>
        %dma_wait3A_621 = arith.constant 0 : i32
        %dma_wait3A_622 = arith.constant 0 : i32
        %dma_wait3A_623 = tpu.memref_slice %arg6[%dma_wait3A_612, %dma_wait3A_621, %dma_wait3A_622] : memref<8x1x80xi32, #tpu.memory_space<vmem>> -> memref<1x1x80xi32, #tpu.memory_space<vmem>>
        %dma_wait3A_624 = tpu.memref_squeeze %dma_wait3A_623 : memref<1x1x80xi32, #tpu.memory_space<vmem>> -> memref<1x80xi32, #tpu.memory_space<vmem>>
        %dma_wait3A_625 = arith.constant 0 : i32
        %dma_wait3A_626 = arith.constant 0 : i32
        %dma_wait3A_627 = tpu.memref_slice %arg3[%dma_wait3A_610, %dma_wait3A_611, %dma_wait3A_625, %dma_wait3A_626] : memref<32x125x1x80xi32, #tpu.memory_space<hbm>> -> memref<1x1x1x80xi32, #tpu.memory_space<hbm>>
        %dma_wait3A_628 = tpu.memref_squeeze %dma_wait3A_627 : memref<1x1x1x80xi32, #tpu.memory_space<hbm>> -> memref<1x80xi32, #tpu.memory_space<hbm>>
        tpu.wait_dma2 semaphore(%arg9 : memref<!tpu.dma_semaphore, #tpu.memory_space<semaphore_mem>>) src(%dma_wait3A_628 : memref<1x80xi32, #tpu.memory_space<hbm>>) dst(%dma_wait3A_624 : memref<1x80xi32, #tpu.memory_space<vmem>>)
        %dma_wait3A_629 = arith.constant 0 : i32
        %dma_wait3A_630 = arith.constant 0 : i32
        %dma_wait3A_631 = arith.constant 0 : i32
        %dma_wait3A_632 = arith.constant 0 : i32
        %dma_wait3A_633 = arith.constant 0 : i32
        %dma_wait3A_634 = tpu.memref_slice %arg6[%dma_wait3A_631, %dma_wait3A_632, %dma_wait3A_633] : memref<8x1x80xi32, #tpu.memory_space<vmem>> -> memref<1x1x80xi32, #tpu.memory_space<vmem>>
        %dma_wait3A_635 = tpu.memref_squeeze %dma_wait3A_634 : memref<1x1x80xi32, #tpu.memory_space<vmem>> -> memref<1x80xi32, #tpu.memory_space<vmem>>
        %dma_wait3A_636 = arith.constant 0 : i32
        %dma_wait3A_637 = arith.constant 0 : i32
        %dma_wait3A_638 = tpu.memref_slice %arg3[%dma_wait3A_629, %dma_wait3A_630, %dma_wait3A_636, %dma_wait3A_637] : memref<32x125x1x80xi32, #tpu.memory_space<hbm>> -> memref<1x1x1x80xi32, #tpu.memory_space<hbm>>
        %dma_wait3A_639 = tpu.memref_squeeze %dma_wait3A_638 : memref<1x1x1x80xi32, #tpu.memory_space<hbm>> -> memref<1x80xi32, #tpu.memory_space<hbm>>
        %dma_wait3A_640 = arith.constant 0 : i32
        %dma_wait3A_641 = arith.constant 0 : i32
        %dma_wait3A_642 = tpu.memref_slice %arg6[%dma_wait3A_631, %dma_wait3A_640, %dma_wait3A_641] : memref<8x1x80xi32, #tpu.memory_space<vmem>> -> memref<1x1x80xi32, #tpu.memory_space<vmem>>
        %dma_wait3A_643 = tpu.memref_squeeze %dma_wait3A_642 : memref<1x1x80xi32, #tpu.memory_space<vmem>> -> memref<1x80xi32, #tpu.memory_space<vmem>>
        %dma_wait3A_644 = arith.constant 0 : i32
        %dma_wait3A_645 = arith.constant 0 : i32
        %dma_wait3A_646 = tpu.memref_slice %arg3[%dma_wait3A_629, %dma_wait3A_630, %dma_wait3A_644, %dma_wait3A_645] : memref<32x125x1x80xi32, #tpu.memory_space<hbm>> -> memref<1x1x1x80xi32, #tpu.memory_space<hbm>>
        %dma_wait3A_647 = tpu.memref_squeeze %dma_wait3A_646 : memref<1x1x1x80xi32, #tpu.memory_space<hbm>> -> memref<1x80xi32, #tpu.memory_space<hbm>>
        tpu.wait_dma2 semaphore(%arg9 : memref<!tpu.dma_semaphore, #tpu.memory_space<semaphore_mem>>) src(%dma_wait3A_647 : memref<1x80xi32, #tpu.memory_space<hbm>>) dst(%dma_wait3A_643 : memref<1x80xi32, #tpu.memory_space<vmem>>)
        %rem3A = arith.constant 8 : i32
        %rem3A_648 = arith.remsi %sub3A_609, %rem3A : i32
        %rem3A_649 = arith.constant 4 : i32
        %rem3A_650 = arith.remsi %sub3A_609, %rem3A_649 : i32
        %dma_start3A_651 = arith.constant 0 : i32
        %dma_start3A_652 = arith.constant 0 : i32
        %dma_start3A_653 = arith.constant 0 : i32
        %dma_start3A_654 = tpu.memref_slice %arg8[%rem3A_650, %dma_start3A_652, %dma_start3A_653] : memref<4x80x128xf32, #tpu.memory_space<vmem>> -> memref<1x80x128xf32, #tpu.memory_space<vmem>>
        %dma_start3A_655 = tpu.memref_squeeze %dma_start3A_654 : memref<1x80x128xf32, #tpu.memory_space<vmem>> -> memref<80x128xf32, #tpu.memory_space<vmem>>
        %dma_start3A_656 = arith.constant 0 : i32
        %dma_start3A_657 = tpu.memref_slice %arg6[%rem3A_648, %dma_start3A_651, %dma_start3A_656] : memref<8x1x80xi32, #tpu.memory_space<vmem>> -> memref<1x1x80xi32, #tpu.memory_space<vmem>>
        %dma_start3A_658 = tpu.memref_squeeze %dma_start3A_657 : memref<1x1x80xi32, #tpu.memory_space<vmem>> -> memref<80xi32, #tpu.memory_space<vmem>>
        %dma_start3A_659 = arith.constant 0 : i32
        %dma_start3A_660 = arith.constant 0 : i32
        %dma_start3A_661 = tpu.memref_slice %arg2[%dma_start3A_659, %dma_start3A_660] : memref<10000x128xf32, #tpu.memory_space<hbm>> -> memref<10000x128xf32, #tpu.memory_space<hbm>>
        tpu.enqueue_indirect_dma source(%dma_start3A_661 : memref<10000x128xf32, #tpu.memory_space<hbm>>) target(%dma_start3A_655 : memref<80x128xf32, #tpu.memory_space<vmem>>) offsets(%dma_start3A_658 : memref<80xi32, #tpu.memory_space<vmem>>) semaphore(%arg10 : memref<!tpu.dma_semaphore, #tpu.memory_space<semaphore_mem>>)
      } else {
      }
      %ge3A_600 = arith.constant 4 : i32
      %ge3A_601 = arith.cmpi sge, %scan3A_582, %ge3A_600 : i32
      %lt3A_602 = arith.constant 129 : i32
      %lt3A_603 = arith.cmpi slt, %scan3A_582, %lt3A_602 : i32
      %and3A_604 = arith.andi %ge3A_601, %lt3A_603 : i1
      %convert_element_type3A_605 = arith.extui %and3A_604 : i1 to i32
      %cond3A_606 = arith.constant 0 : i32
      %cond3A_607 = arith.cmpi ne, %convert_element_type3A_605, %cond3A_606 : i32
      scf.if %cond3A_607 {
        %sub3A = arith.constant 4 : i32
        %sub3A_609 = arith.subi %scan3A_582, %sub3A : i32
        %dma_wait3A_610 = arith.constant 0 : i32
        %dma_wait3A_611 = arith.constant 0 : i32
        %dma_wait3A_612 = arith.constant 0 : i32
        %dma_wait3A_613 = tpu.memref_slice %arg8[%dma_wait3A_610, %dma_wait3A_611, %dma_wait3A_612] : memref<4x80x128xf32, #tpu.memory_space<vmem>> -> memref<1x80x128xf32, #tpu.memory_space<vmem>>
        %dma_wait3A_614 = tpu.memref_squeeze %dma_wait3A_613 : memref<1x80x128xf32, #tpu.memory_space<vmem>> -> memref<80x128xf32, #tpu.memory_space<vmem>>
        %dma_wait3A_615 = arith.constant 0 : i32
        %dma_wait3A_616 = arith.constant 0 : i32
        %dma_wait3A_617 = tpu.memref_slice %arg2[%dma_wait3A_615, %dma_wait3A_616] : memref<10000x128xf32, #tpu.memory_space<hbm>> -> memref<80x128xf32, #tpu.memory_space<hbm>>
        %dma_wait3A_618 = arith.constant 0 : i32
        %dma_wait3A_619 = arith.constant 0 : i32
        %dma_wait3A_620 = tpu.memref_slice %arg8[%dma_wait3A_610, %dma_wait3A_618, %dma_wait3A_619] : memref<4x80x128xf32, #tpu.memory_space<vmem>> -> memref<1x80x128xf32, #tpu.memory_space<vmem>>
        %dma_wait3A_621 = tpu.memref_squeeze %dma_wait3A_620 : memref<1x80x128xf32, #tpu.memory_space<vmem>> -> memref<80x128xf32, #tpu.memory_space<vmem>>
        %dma_wait3A_622 = arith.constant 0 : i32
        %dma_wait3A_623 = arith.constant 0 : i32
        %dma_wait3A_624 = tpu.memref_slice %arg2[%dma_wait3A_622, %dma_wait3A_623] : memref<10000x128xf32, #tpu.memory_space<hbm>> -> memref<80x128xf32, #tpu.memory_space<hbm>>
        tpu.wait_dma2 semaphore(%arg10 : memref<!tpu.dma_semaphore, #tpu.memory_space<semaphore_mem>>) src(%dma_wait3A_624 : memref<80x128xf32, #tpu.memory_space<hbm>>) dst(%dma_wait3A_621 : memref<80x128xf32, #tpu.memory_space<vmem>>)
        %rem3A = arith.constant 4 : i32
        %rem3A_625 = arith.remsi %sub3A_609, %rem3A : i32
        %rem3A_626 = arith.constant 8 : i32
        %rem3A_627 = arith.remsi %sub3A_609, %rem3A_626 : i32
        %dma_start3A_628 = arith.constant 0 : i32
        %dma_start3A_629 = arith.constant 0 : i32
        %dma_start3A_630 = arith.constant 0 : i32
        %dma_start3A_631 = tpu.memref_slice %arg8[%rem3A_625, %dma_start3A_629, %dma_start3A_630] : memref<4x80x128xf32, #tpu.memory_space<vmem>> -> memref<1x80x128xf32, #tpu.memory_space<vmem>>
        %dma_start3A_632 = tpu.memref_squeeze %dma_start3A_631 : memref<1x80x128xf32, #tpu.memory_space<vmem>> -> memref<80x128xf32, #tpu.memory_space<vmem>>
        %dma_start3A_633 = arith.constant 0 : i32
        %dma_start3A_634 = tpu.memref_slice %arg7[%rem3A_627, %dma_start3A_628, %dma_start3A_633] : memref<8x1x80xi32, #tpu.memory_space<vmem>> -> memref<1x1x80xi32, #tpu.memory_space<vmem>>
        %dma_start3A_635 = tpu.memref_squeeze %dma_start3A_634 : memref<1x1x80xi32, #tpu.memory_space<vmem>> -> memref<80xi32, #tpu.memory_space<vmem>>
        %dma_start3A_636 = arith.constant 0 : i32
        %dma_start3A_637 = arith.constant 0 : i32
        %dma_start3A_638 = tpu.memref_slice %arg12[%dma_start3A_636, %dma_start3A_637] : memref<10240x128xf32, #tpu.memory_space<vmem_shared>> -> memref<10240x128xf32, #tpu.memory_space<vmem_shared>>
        tpu.enqueue_indirect_dma source(%dma_start3A_632 : memref<80x128xf32, #tpu.memory_space<vmem>>) target(%dma_start3A_638 : memref<10240x128xf32, #tpu.memory_space<vmem_shared>>) offsets(%dma_start3A_635 : memref<80xi32, #tpu.memory_space<vmem>>) semaphore(%arg11 : memref<!tpu.dma_semaphore, #tpu.memory_space<semaphore_mem>>) {add = true}
      } else {
      }
      %scan3A_608 = arith.constant 0 : i32
      scf.yield %scan3A_608 : i32
    }
    %scan3A_54 = arith.constant 131 : i32
    %barrier3A_55 = arith.constant 0 : index
    tpu.barrier barrier_id(%barrier3A_55)
    %mul3A_56 = arith.constant 640 : i32
    %mul3A_57 = arith.muli %arg1, %mul3A_56 : i32
    %add3A_58 = arith.constant 0 : i32
    %add3A_59 = arith.addi %mul3A_57, %add3A_58 : i32
    %dma_start3A = arith.constant 0 : i32
    %dma_start3A_60 = arith.constant 0 : i32
    %dma_start3A_61 = arith.constant 0 : i32
    %dma_start3A_62 = tpu.memref_slice %arg8[%dma_start3A, %dma_start3A_60, %dma_start3A_61] : memref<4x80x128xf32, #tpu.memory_space<vmem>> -> memref<1x80x128xf32, #tpu.memory_space<vmem>>
    %dma_start3A_63 = tpu.memref_squeeze %dma_start3A_62 : memref<1x80x128xf32, #tpu.memory_space<vmem>> -> memref<80x128xf32, #tpu.memory_space<vmem>>
    %dma_start3A_64 = arith.constant 0 : i32
    %dma_start3A_65 = tpu.memref_slice %arg12[%add3A_59, %dma_start3A_64] : memref<10240x128xf32, #tpu.memory_space<vmem_shared>> -> memref<80x128xf32, #tpu.memory_space<vmem_shared>>
    %dma_start3A_66 = arith.constant 0 : i32
    %dma_start3A_67 = arith.constant 0 : i32
    %dma_start3A_68 = tpu.memref_slice %arg8[%dma_start3A, %dma_start3A_66, %dma_start3A_67] : memref<4x80x128xf32, #tpu.memory_space<vmem>> -> memref<1x80x128xf32, #tpu.memory_space<vmem>>
    %dma_start3A_69 = tpu.memref_squeeze %dma_start3A_68 : memref<1x80x128xf32, #tpu.memory_space<vmem>> -> memref<80x128xf32, #tpu.memory_space<vmem>>
    %dma_start3A_70 = arith.constant 0 : i32
    %dma_start3A_71 = tpu.memref_slice %arg12[%add3A_59, %dma_start3A_70] : memref<10240x128xf32, #tpu.memory_space<vmem_shared>> -> memref<80x128xf32, #tpu.memory_space<vmem_shared>>
    tpu.enqueue_dma source(%dma_start3A_71 : memref<80x128xf32, #tpu.memory_space<vmem_shared>>) target(%dma_start3A_69 : memref<80x128xf32, #tpu.memory_space<vmem>>) target_semaphore(%arg10 : memref<!tpu.dma_semaphore, #tpu.memory_space<semaphore_mem>>)
    %mul3A_72 = arith.constant 640 : i32
    %mul3A_73 = arith.muli %arg1, %mul3A_72 : i32
    %add3A_74 = arith.constant 80 : i32
    %add3A_75 = arith.addi %mul3A_73, %add3A_74 : i32
    %dma_start3A_76 = arith.constant 1 : i32
    %dma_start3A_77 = arith.constant 0 : i32
    %dma_start3A_78 = arith.constant 0 : i32
    %dma_start3A_79 = tpu.memref_slice %arg8[%dma_start3A_76, %dma_start3A_77, %dma_start3A_78] : memref<4x80x128xf32, #tpu.memory_space<vmem>> -> memref<1x80x128xf32, #tpu.memory_space<vmem>>
    %dma_start3A_80 = tpu.memref_squeeze %dma_start3A_79 : memref<1x80x128xf32, #tpu.memory_space<vmem>> -> memref<80x128xf32, #tpu.memory_space<vmem>>
    %dma_start3A_81 = arith.constant 0 : i32
    %dma_start3A_82 = tpu.memref_slice %arg12[%add3A_75, %dma_start3A_81] : memref<10240x128xf32, #tpu.memory_space<vmem_shared>> -> memref<80x128xf32, #tpu.memory_space<vmem_shared>>
    %dma_start3A_83 = arith.constant 0 : i32
    %dma_start3A_84 = arith.constant 0 : i32
    %dma_start3A_85 = tpu.memref_slice %arg8[%dma_start3A_76, %dma_start3A_83, %dma_start3A_84] : memref<4x80x128xf32, #tpu.memory_space<vmem>> -> memref<1x80x128xf32, #tpu.memory_space<vmem>>
    %dma_start3A_86 = tpu.memref_squeeze %dma_start3A_85 : memref<1x80x128xf32, #tpu.memory_space<vmem>> -> memref<80x128xf32, #tpu.memory_space<vmem>>
    %dma_start3A_87 = arith.constant 0 : i32
    %dma_start3A_88 = tpu.memref_slice %arg12[%add3A_75, %dma_start3A_87] : memref<10240x128xf32, #tpu.memory_space<vmem_shared>> -> memref<80x128xf32, #tpu.memory_space<vmem_shared>>
    tpu.enqueue_dma source(%dma_start3A_88 : memref<80x128xf32, #tpu.memory_space<vmem_shared>>) target(%dma_start3A_86 : memref<80x128xf32, #tpu.memory_space<vmem>>) target_semaphore(%arg10 : memref<!tpu.dma_semaphore, #tpu.memory_space<semaphore_mem>>)
    %mul3A_89 = arith.constant 640 : i32
    %mul3A_90 = arith.muli %arg1, %mul3A_89 : i32
    %add3A_91 = arith.constant 160 : i32
    %add3A_92 = arith.addi %mul3A_90, %add3A_91 : i32
    %dma_start3A_93 = arith.constant 2 : i32
    %dma_start3A_94 = arith.constant 0 : i32
    %dma_start3A_95 = arith.constant 0 : i32
    %dma_start3A_96 = tpu.memref_slice %arg8[%dma_start3A_93, %dma_start3A_94, %dma_start3A_95] : memref<4x80x128xf32, #tpu.memory_space<vmem>> -> memref<1x80x128xf32, #tpu.memory_space<vmem>>
    %dma_start3A_97 = tpu.memref_squeeze %dma_start3A_96 : memref<1x80x128xf32, #tpu.memory_space<vmem>> -> memref<80x128xf32, #tpu.memory_space<vmem>>
    %dma_start3A_98 = arith.constant 0 : i32
    %dma_start3A_99 = tpu.memref_slice %arg12[%add3A_92, %dma_start3A_98] : memref<10240x128xf32, #tpu.memory_space<vmem_shared>> -> memref<80x128xf32, #tpu.memory_space<vmem_shared>>
    %dma_start3A_100 = arith.constant 0 : i32
    %dma_start3A_101 = arith.constant 0 : i32
    %dma_start3A_102 = tpu.memref_slice %arg8[%dma_start3A_93, %dma_start3A_100, %dma_start3A_101] : memref<4x80x128xf32, #tpu.memory_space<vmem>> -> memref<1x80x128xf32, #tpu.memory_space<vmem>>
    %dma_start3A_103 = tpu.memref_squeeze %dma_start3A_102 : memref<1x80x128xf32, #tpu.memory_space<vmem>> -> memref<80x128xf32, #tpu.memory_space<vmem>>
    %dma_start3A_104 = arith.constant 0 : i32
    %dma_start3A_105 = tpu.memref_slice %arg12[%add3A_92, %dma_start3A_104] : memref<10240x128xf32, #tpu.memory_space<vmem_shared>> -> memref<80x128xf32, #tpu.memory_space<vmem_shared>>
    tpu.enqueue_dma source(%dma_start3A_105 : memref<80x128xf32, #tpu.memory_space<vmem_shared>>) target(%dma_start3A_103 : memref<80x128xf32, #tpu.memory_space<vmem>>) target_semaphore(%arg10 : memref<!tpu.dma_semaphore, #tpu.memory_space<semaphore_mem>>)
    %mul3A_106 = arith.constant 640 : i32
    %mul3A_107 = arith.muli %arg1, %mul3A_106 : i32
    %add3A_108 = arith.constant 240 : i32
    %add3A_109 = arith.addi %mul3A_107, %add3A_108 : i32
    %dma_start3A_110 = arith.constant 3 : i32
    %dma_start3A_111 = arith.constant 0 : i32
    %dma_start3A_112 = arith.constant 0 : i32
    %dma_start3A_113 = tpu.memref_slice %arg8[%dma_start3A_110, %dma_start3A_111, %dma_start3A_112] : memref<4x80x128xf32, #tpu.memory_space<vmem>> -> memref<1x80x128xf32, #tpu.memory_space<vmem>>
    %dma_start3A_114 = tpu.memref_squeeze %dma_start3A_113 : memref<1x80x128xf32, #tpu.memory_space<vmem>> -> memref<80x128xf32, #tpu.memory_space<vmem>>
    %dma_start3A_115 = arith.constant 0 : i32
    %dma_start3A_116 = tpu.memref_slice %arg12[%add3A_109, %dma_start3A_115] : memref<10240x128xf32, #tpu.memory_space<vmem_shared>> -> memref<80x128xf32, #tpu.memory_space<vmem_shared>>
    %dma_start3A_117 = arith.constant 0 : i32
    %dma_start3A_118 = arith.constant 0 : i32
    %dma_start3A_119 = tpu.memref_slice %arg8[%dma_start3A_110, %dma_start3A_117, %dma_start3A_118] : memref<4x80x128xf32, #tpu.memory_space<vmem>> -> memref<1x80x128xf32, #tpu.memory_space<vmem>>
    %dma_start3A_120 = tpu.memref_squeeze %dma_start3A_119 : memref<1x80x128xf32, #tpu.memory_space<vmem>> -> memref<80x128xf32, #tpu.memory_space<vmem>>
    %dma_start3A_121 = arith.constant 0 : i32
    %dma_start3A_122 = tpu.memref_slice %arg12[%add3A_109, %dma_start3A_121] : memref<10240x128xf32, #tpu.memory_space<vmem_shared>> -> memref<80x128xf32, #tpu.memory_space<vmem_shared>>
    tpu.enqueue_dma source(%dma_start3A_122 : memref<80x128xf32, #tpu.memory_space<vmem_shared>>) target(%dma_start3A_120 : memref<80x128xf32, #tpu.memory_space<vmem>>) target_semaphore(%arg10 : memref<!tpu.dma_semaphore, #tpu.memory_space<semaphore_mem>>)
    %dma_wait3A = arith.constant 0 : i32
    %dma_wait3A_123 = arith.constant 0 : i32
    %dma_wait3A_124 = arith.constant 0 : i32
    %dma_wait3A_125 = tpu.memref_slice %arg8[%dma_wait3A, %dma_wait3A_123, %dma_wait3A_124] : memref<4x80x128xf32, #tpu.memory_space<vmem>> -> memref<1x80x128xf32, #tpu.memory_space<vmem>>
    %dma_wait3A_126 = tpu.memref_squeeze %dma_wait3A_125 : memref<1x80x128xf32, #tpu.memory_space<vmem>> -> memref<80x128xf32, #tpu.memory_space<vmem>>
    %dma_wait3A_127 = arith.constant 0 : i32
    %dma_wait3A_128 = arith.constant 0 : i32
    %dma_wait3A_129 = tpu.memref_slice %arg2[%dma_wait3A_127, %dma_wait3A_128] : memref<10000x128xf32, #tpu.memory_space<hbm>> -> memref<80x128xf32, #tpu.memory_space<hbm>>
    %dma_wait3A_130 = arith.constant 0 : i32
    %dma_wait3A_131 = arith.constant 0 : i32
    %dma_wait3A_132 = tpu.memref_slice %arg8[%dma_wait3A, %dma_wait3A_130, %dma_wait3A_131] : memref<4x80x128xf32, #tpu.memory_space<vmem>> -> memref<1x80x128xf32, #tpu.memory_space<vmem>>
    %dma_wait3A_133 = tpu.memref_squeeze %dma_wait3A_132 : memref<1x80x128xf32, #tpu.memory_space<vmem>> -> memref<80x128xf32, #tpu.memory_space<vmem>>
    %dma_wait3A_134 = arith.constant 0 : i32
    %dma_wait3A_135 = arith.constant 0 : i32
    %dma_wait3A_136 = tpu.memref_slice %arg2[%dma_wait3A_134, %dma_wait3A_135] : memref<10000x128xf32, #tpu.memory_space<hbm>> -> memref<80x128xf32, #tpu.memory_space<hbm>>
    tpu.wait_dma2 semaphore(%arg10 : memref<!tpu.dma_semaphore, #tpu.memory_space<semaphore_mem>>) src(%dma_wait3A_136 : memref<80x128xf32, #tpu.memory_space<hbm>>) dst(%dma_wait3A_133 : memref<80x128xf32, #tpu.memory_space<vmem>>)
    %mul3A_137 = arith.constant 640 : i32
    %mul3A_138 = arith.muli %arg1, %mul3A_137 : i32
    %add3A_139 = arith.constant 0 : i32
    %add3A_140 = arith.addi %mul3A_138, %add3A_139 : i32
    %dma_start3A_141 = arith.constant 0 : i32
    %dma_start3A_142 = arith.constant 0 : i32
    %dma_start3A_143 = arith.constant 0 : i32
    %dma_start3A_144 = tpu.memref_slice %arg8[%dma_start3A_141, %dma_start3A_142, %dma_start3A_143] : memref<4x80x128xf32, #tpu.memory_space<vmem>> -> memref<1x80x128xf32, #tpu.memory_space<vmem>>
    %dma_start3A_145 = tpu.memref_squeeze %dma_start3A_144 : memref<1x80x128xf32, #tpu.memory_space<vmem>> -> memref<80x128xf32, #tpu.memory_space<vmem>>
    %dma_start3A_146 = arith.constant 0 : i32
    %dma_start3A_147 = tpu.memref_slice %arg5[%arg0, %add3A_140, %dma_start3A_146] : memref<2x10240x128xf32, #tpu.memory_space<hbm>> -> memref<1x80x128xf32, #tpu.memory_space<hbm>>
    %dma_start3A_148 = tpu.memref_squeeze %dma_start3A_147 : memref<1x80x128xf32, #tpu.memory_space<hbm>> -> memref<80x128xf32, #tpu.memory_space<hbm>>
    %dma_start3A_149 = arith.constant 0 : i32
    %dma_start3A_150 = tpu.memref_slice %arg5[%arg0, %add3A_140, %dma_start3A_149] : memref<2x10240x128xf32, #tpu.memory_space<hbm>> -> memref<1x80x128xf32, #tpu.memory_space<hbm>>
    %dma_start3A_151 = tpu.memref_squeeze %dma_start3A_150 : memref<1x80x128xf32, #tpu.memory_space<hbm>> -> memref<80x128xf32, #tpu.memory_space<hbm>>
    %dma_start3A_152 = arith.constant 0 : i32
    %dma_start3A_153 = arith.constant 0 : i32
    %dma_start3A_154 = tpu.memref_slice %arg8[%dma_start3A_141, %dma_start3A_152, %dma_start3A_153] : memref<4x80x128xf32, #tpu.memory_space<vmem>> -> memref<1x80x128xf32, #tpu.memory_space<vmem>>
    %dma_start3A_155 = tpu.memref_squeeze %dma_start3A_154 : memref<1x80x128xf32, #tpu.memory_space<vmem>> -> memref<80x128xf32, #tpu.memory_space<vmem>>
    tpu.enqueue_dma source(%dma_start3A_155 : memref<80x128xf32, #tpu.memory_space<vmem>>) target(%dma_start3A_151 : memref<80x128xf32, #tpu.memory_space<hbm>>) target_semaphore(%arg11 : memref<!tpu.dma_semaphore, #tpu.memory_space<semaphore_mem>>)
    %dma_wait3A_156 = arith.constant 0 : i32
    %dma_wait3A_157 = arith.constant 0 : i32
    %dma_wait3A_158 = arith.constant 0 : i32
    %dma_wait3A_159 = tpu.memref_slice %arg8[%dma_wait3A_156, %dma_wait3A_157, %dma_wait3A_158] : memref<4x80x128xf32, #tpu.memory_space<vmem>> -> memref<1x80x128xf32, #tpu.memory_space<vmem>>
    %dma_wait3A_160 = tpu.memref_squeeze %dma_wait3A_159 : memref<1x80x128xf32, #tpu.memory_space<vmem>> -> memref<80x128xf32, #tpu.memory_space<vmem>>
    %dma_wait3A_161 = arith.constant 0 : i32
    %dma_wait3A_162 = arith.constant 0 : i32
    %dma_wait3A_163 = tpu.memref_slice %arg2[%dma_wait3A_161, %dma_wait3A_162] : memref<10000x128xf32, #tpu.memory_space<hbm>> -> memref<80x128xf32, #tpu.memory_space<hbm>>
    %dma_wait3A_164 = arith.constant 0 : i32
    %dma_wait3A_165 = arith.constant 0 : i32
    %dma_wait3A_166 = tpu.memref_slice %arg8[%dma_wait3A_156, %dma_wait3A_164, %dma_wait3A_165] : memref<4x80x128xf32, #tpu.memory_space<vmem>> -> memref<1x80x128xf32, #tpu.memory_space<vmem>>
    %dma_wait3A_167 = tpu.memref_squeeze %dma_wait3A_166 : memref<1x80x128xf32, #tpu.memory_space<vmem>> -> memref<80x128xf32, #tpu.memory_space<vmem>>
    %dma_wait3A_168 = arith.constant 0 : i32
    %dma_wait3A_169 = arith.constant 0 : i32
    %dma_wait3A_170 = tpu.memref_slice %arg2[%dma_wait3A_168, %dma_wait3A_169] : memref<10000x128xf32, #tpu.memory_space<hbm>> -> memref<80x128xf32, #tpu.memory_space<hbm>>
    tpu.wait_dma2 semaphore(%arg11 : memref<!tpu.dma_semaphore, #tpu.memory_space<semaphore_mem>>) src(%dma_wait3A_170 : memref<80x128xf32, #tpu.memory_space<hbm>>) dst(%dma_wait3A_167 : memref<80x128xf32, #tpu.memory_space<vmem>>)
    %mul3A_171 = arith.constant 640 : i32
    %mul3A_172 = arith.muli %arg1, %mul3A_171 : i32
    %add3A_173 = arith.constant 320 : i32
    %add3A_174 = arith.addi %mul3A_172, %add3A_173 : i32
    %dma_start3A_175 = arith.constant 0 : i32
    %dma_start3A_176 = arith.constant 0 : i32
    %dma_start3A_177 = arith.constant 0 : i32
    %dma_start3A_178 = tpu.memref_slice %arg8[%dma_start3A_175, %dma_start3A_176, %dma_start3A_177] : memref<4x80x128xf32, #tpu.memory_space<vmem>> -> memref<1x80x128xf32, #tpu.memory_space<vmem>>
    %dma_start3A_179 = tpu.memref_squeeze %dma_start3A_178 : memref<1x80x128xf32, #tpu.memory_space<vmem>> -> memref<80x128xf32, #tpu.memory_space<vmem>>
    %dma_start3A_180 = arith.constant 0 : i32
    %dma_start3A_181 = tpu.memref_slice %arg12[%add3A_174, %dma_start3A_180] : memref<10240x128xf32, #tpu.memory_space<vmem_shared>> -> memref<80x128xf32, #tpu.memory_space<vmem_shared>>
    %dma_start3A_182 = arith.constant 0 : i32
    %dma_start3A_183 = arith.constant 0 : i32
    %dma_start3A_184 = tpu.memref_slice %arg8[%dma_start3A_175, %dma_start3A_182, %dma_start3A_183] : memref<4x80x128xf32, #tpu.memory_space<vmem>> -> memref<1x80x128xf32, #tpu.memory_space<vmem>>
    %dma_start3A_185 = tpu.memref_squeeze %dma_start3A_184 : memref<1x80x128xf32, #tpu.memory_space<vmem>> -> memref<80x128xf32, #tpu.memory_space<vmem>>
    %dma_start3A_186 = arith.constant 0 : i32
    %dma_start3A_187 = tpu.memref_slice %arg12[%add3A_174, %dma_start3A_186] : memref<10240x128xf32, #tpu.memory_space<vmem_shared>> -> memref<80x128xf32, #tpu.memory_space<vmem_shared>>
    tpu.enqueue_dma source(%dma_start3A_187 : memref<80x128xf32, #tpu.memory_space<vmem_shared>>) target(%dma_start3A_185 : memref<80x128xf32, #tpu.memory_space<vmem>>) target_semaphore(%arg10 : memref<!tpu.dma_semaphore, #tpu.memory_space<semaphore_mem>>)
    %dma_wait3A_188 = arith.constant 0 : i32
    %dma_wait3A_189 = arith.constant 0 : i32
    %dma_wait3A_190 = arith.constant 0 : i32
    %dma_wait3A_191 = tpu.memref_slice %arg8[%dma_wait3A_188, %dma_wait3A_189, %dma_wait3A_190] : memref<4x80x128xf32, #tpu.memory_space<vmem>> -> memref<1x80x128xf32, #tpu.memory_space<vmem>>
    %dma_wait3A_192 = tpu.memref_squeeze %dma_wait3A_191 : memref<1x80x128xf32, #tpu.memory_space<vmem>> -> memref<80x128xf32, #tpu.memory_space<vmem>>
    %dma_wait3A_193 = arith.constant 0 : i32
    %dma_wait3A_194 = arith.constant 0 : i32
    %dma_wait3A_195 = tpu.memref_slice %arg2[%dma_wait3A_193, %dma_wait3A_194] : memref<10000x128xf32, #tpu.memory_space<hbm>> -> memref<80x128xf32, #tpu.memory_space<hbm>>
    %dma_wait3A_196 = arith.constant 0 : i32
    %dma_wait3A_197 = arith.constant 0 : i32
    %dma_wait3A_198 = tpu.memref_slice %arg8[%dma_wait3A_188, %dma_wait3A_196, %dma_wait3A_197] : memref<4x80x128xf32, #tpu.memory_space<vmem>> -> memref<1x80x128xf32, #tpu.memory_space<vmem>>
    %dma_wait3A_199 = tpu.memref_squeeze %dma_wait3A_198 : memref<1x80x128xf32, #tpu.memory_space<vmem>> -> memref<80x128xf32, #tpu.memory_space<vmem>>
    %dma_wait3A_200 = arith.constant 0 : i32
    %dma_wait3A_201 = arith.constant 0 : i32
    %dma_wait3A_202 = tpu.memref_slice %arg2[%dma_wait3A_200, %dma_wait3A_201] : memref<10000x128xf32, #tpu.memory_space<hbm>> -> memref<80x128xf32, #tpu.memory_space<hbm>>
    tpu.wait_dma2 semaphore(%arg10 : memref<!tpu.dma_semaphore, #tpu.memory_space<semaphore_mem>>) src(%dma_wait3A_202 : memref<80x128xf32, #tpu.memory_space<hbm>>) dst(%dma_wait3A_199 : memref<80x128xf32, #tpu.memory_space<vmem>>)
    %mul3A_203 = arith.constant 640 : i32
    %mul3A_204 = arith.muli %arg1, %mul3A_203 : i32
    %add3A_205 = arith.constant 80 : i32
    %add3A_206 = arith.addi %mul3A_204, %add3A_205 : i32
    %dma_start3A_207 = arith.constant 1 : i32
    %dma_start3A_208 = arith.constant 0 : i32
    %dma_start3A_209 = arith.constant 0 : i32
    %dma_start3A_210 = tpu.memref_slice %arg8[%dma_start3A_207, %dma_start3A_208, %dma_start3A_209] : memref<4x80x128xf32, #tpu.memory_space<vmem>> -> memref<1x80x128xf32, #tpu.memory_space<vmem>>
    %dma_start3A_211 = tpu.memref_squeeze %dma_start3A_210 : memref<1x80x128xf32, #tpu.memory_space<vmem>> -> memref<80x128xf32, #tpu.memory_space<vmem>>
    %dma_start3A_212 = arith.constant 0 : i32
    %dma_start3A_213 = tpu.memref_slice %arg5[%arg0, %add3A_206, %dma_start3A_212] : memref<2x10240x128xf32, #tpu.memory_space<hbm>> -> memref<1x80x128xf32, #tpu.memory_space<hbm>>
    %dma_start3A_214 = tpu.memref_squeeze %dma_start3A_213 : memref<1x80x128xf32, #tpu.memory_space<hbm>> -> memref<80x128xf32, #tpu.memory_space<hbm>>
    %dma_start3A_215 = arith.constant 0 : i32
    %dma_start3A_216 = tpu.memref_slice %arg5[%arg0, %add3A_206, %dma_start3A_215] : memref<2x10240x128xf32, #tpu.memory_space<hbm>> -> memref<1x80x128xf32, #tpu.memory_space<hbm>>
    %dma_start3A_217 = tpu.memref_squeeze %dma_start3A_216 : memref<1x80x128xf32, #tpu.memory_space<hbm>> -> memref<80x128xf32, #tpu.memory_space<hbm>>
    %dma_start3A_218 = arith.constant 0 : i32
    %dma_start3A_219 = arith.constant 0 : i32
    %dma_start3A_220 = tpu.memref_slice %arg8[%dma_start3A_207, %dma_start3A_218, %dma_start3A_219] : memref<4x80x128xf32, #tpu.memory_space<vmem>> -> memref<1x80x128xf32, #tpu.memory_space<vmem>>
    %dma_start3A_221 = tpu.memref_squeeze %dma_start3A_220 : memref<1x80x128xf32, #tpu.memory_space<vmem>> -> memref<80x128xf32, #tpu.memory_space<vmem>>
    tpu.enqueue_dma source(%dma_start3A_221 : memref<80x128xf32, #tpu.memory_space<vmem>>) target(%dma_start3A_217 : memref<80x128xf32, #tpu.memory_space<hbm>>) target_semaphore(%arg11 : memref<!tpu.dma_semaphore, #tpu.memory_space<semaphore_mem>>)
    %dma_wait3A_222 = arith.constant 0 : i32
    %dma_wait3A_223 = arith.constant 0 : i32
    %dma_wait3A_224 = arith.constant 0 : i32
    %dma_wait3A_225 = tpu.memref_slice %arg8[%dma_wait3A_222, %dma_wait3A_223, %dma_wait3A_224] : memref<4x80x128xf32, #tpu.memory_space<vmem>> -> memref<1x80x128xf32, #tpu.memory_space<vmem>>
    %dma_wait3A_226 = tpu.memref_squeeze %dma_wait3A_225 : memref<1x80x128xf32, #tpu.memory_space<vmem>> -> memref<80x128xf32, #tpu.memory_space<vmem>>
    %dma_wait3A_227 = arith.constant 0 : i32
    %dma_wait3A_228 = arith.constant 0 : i32
    %dma_wait3A_229 = tpu.memref_slice %arg2[%dma_wait3A_227, %dma_wait3A_228] : memref<10000x128xf32, #tpu.memory_space<hbm>> -> memref<80x128xf32, #tpu.memory_space<hbm>>
    %dma_wait3A_230 = arith.constant 0 : i32
    %dma_wait3A_231 = arith.constant 0 : i32
    %dma_wait3A_232 = tpu.memref_slice %arg8[%dma_wait3A_222, %dma_wait3A_230, %dma_wait3A_231] : memref<4x80x128xf32, #tpu.memory_space<vmem>> -> memref<1x80x128xf32, #tpu.memory_space<vmem>>
    %dma_wait3A_233 = tpu.memref_squeeze %dma_wait3A_232 : memref<1x80x128xf32, #tpu.memory_space<vmem>> -> memref<80x128xf32, #tpu.memory_space<vmem>>
    %dma_wait3A_234 = arith.constant 0 : i32
    %dma_wait3A_235 = arith.constant 0 : i32
    %dma_wait3A_236 = tpu.memref_slice %arg2[%dma_wait3A_234, %dma_wait3A_235] : memref<10000x128xf32, #tpu.memory_space<hbm>> -> memref<80x128xf32, #tpu.memory_space<hbm>>
    tpu.wait_dma2 semaphore(%arg11 : memref<!tpu.dma_semaphore, #tpu.memory_space<semaphore_mem>>) src(%dma_wait3A_236 : memref<80x128xf32, #tpu.memory_space<hbm>>) dst(%dma_wait3A_233 : memref<80x128xf32, #tpu.memory_space<vmem>>)
    %mul3A_237 = arith.constant 640 : i32
    %mul3A_238 = arith.muli %arg1, %mul3A_237 : i32
    %add3A_239 = arith.constant 400 : i32
    %add3A_240 = arith.addi %mul3A_238, %add3A_239 : i32
    %dma_start3A_241 = arith.constant 1 : i32
    %dma_start3A_242 = arith.constant 0 : i32
    %dma_start3A_243 = arith.constant 0 : i32
    %dma_start3A_244 = tpu.memref_slice %arg8[%dma_start3A_241, %dma_start3A_242, %dma_start3A_243] : memref<4x80x128xf32, #tpu.memory_space<vmem>> -> memref<1x80x128xf32, #tpu.memory_space<vmem>>
    %dma_start3A_245 = tpu.memref_squeeze %dma_start3A_244 : memref<1x80x128xf32, #tpu.memory_space<vmem>> -> memref<80x128xf32, #tpu.memory_space<vmem>>
    %dma_start3A_246 = arith.constant 0 : i32
    %dma_start3A_247 = tpu.memref_slice %arg12[%add3A_240, %dma_start3A_246] : memref<10240x128xf32, #tpu.memory_space<vmem_shared>> -> memref<80x128xf32, #tpu.memory_space<vmem_shared>>
    %dma_start3A_248 = arith.constant 0 : i32
    %dma_start3A_249 = arith.constant 0 : i32
    %dma_start3A_250 = tpu.memref_slice %arg8[%dma_start3A_241, %dma_start3A_248, %dma_start3A_249] : memref<4x80x128xf32, #tpu.memory_space<vmem>> -> memref<1x80x128xf32, #tpu.memory_space<vmem>>
    %dma_start3A_251 = tpu.memref_squeeze %dma_start3A_250 : memref<1x80x128xf32, #tpu.memory_space<vmem>> -> memref<80x128xf32, #tpu.memory_space<vmem>>
    %dma_start3A_252 = arith.constant 0 : i32
    %dma_start3A_253 = tpu.memref_slice %arg12[%add3A_240, %dma_start3A_252] : memref<10240x128xf32, #tpu.memory_space<vmem_shared>> -> memref<80x128xf32, #tpu.memory_space<vmem_shared>>
    tpu.enqueue_dma source(%dma_start3A_253 : memref<80x128xf32, #tpu.memory_space<vmem_shared>>) target(%dma_start3A_251 : memref<80x128xf32, #tpu.memory_space<vmem>>) target_semaphore(%arg10 : memref<!tpu.dma_semaphore, #tpu.memory_space<semaphore_mem>>)
    %dma_wait3A_254 = arith.constant 0 : i32
    %dma_wait3A_255 = arith.constant 0 : i32
    %dma_wait3A_256 = arith.constant 0 : i32
    %dma_wait3A_257 = tpu.memref_slice %arg8[%dma_wait3A_254, %dma_wait3A_255, %dma_wait3A_256] : memref<4x80x128xf32, #tpu.memory_space<vmem>> -> memref<1x80x128xf32, #tpu.memory_space<vmem>>
    %dma_wait3A_258 = tpu.memref_squeeze %dma_wait3A_257 : memref<1x80x128xf32, #tpu.memory_space<vmem>> -> memref<80x128xf32, #tpu.memory_space<vmem>>
    %dma_wait3A_259 = arith.constant 0 : i32
    %dma_wait3A_260 = arith.constant 0 : i32
    %dma_wait3A_261 = tpu.memref_slice %arg2[%dma_wait3A_259, %dma_wait3A_260] : memref<10000x128xf32, #tpu.memory_space<hbm>> -> memref<80x128xf32, #tpu.memory_space<hbm>>
    %dma_wait3A_262 = arith.constant 0 : i32
    %dma_wait3A_263 = arith.constant 0 : i32
    %dma_wait3A_264 = tpu.memref_slice %arg8[%dma_wait3A_254, %dma_wait3A_262, %dma_wait3A_263] : memref<4x80x128xf32, #tpu.memory_space<vmem>> -> memref<1x80x128xf32, #tpu.memory_space<vmem>>
    %dma_wait3A_265 = tpu.memref_squeeze %dma_wait3A_264 : memref<1x80x128xf32, #tpu.memory_space<vmem>> -> memref<80x128xf32, #tpu.memory_space<vmem>>
    %dma_wait3A_266 = arith.constant 0 : i32
    %dma_wait3A_267 = arith.constant 0 : i32
    %dma_wait3A_268 = tpu.memref_slice %arg2[%dma_wait3A_266, %dma_wait3A_267] : memref<10000x128xf32, #tpu.memory_space<hbm>> -> memref<80x128xf32, #tpu.memory_space<hbm>>
    tpu.wait_dma2 semaphore(%arg10 : memref<!tpu.dma_semaphore, #tpu.memory_space<semaphore_mem>>) src(%dma_wait3A_268 : memref<80x128xf32, #tpu.memory_space<hbm>>) dst(%dma_wait3A_265 : memref<80x128xf32, #tpu.memory_space<vmem>>)
    %mul3A_269 = arith.constant 640 : i32
    %mul3A_270 = arith.muli %arg1, %mul3A_269 : i32
    %add3A_271 = arith.constant 160 : i32
    %add3A_272 = arith.addi %mul3A_270, %add3A_271 : i32
    %dma_start3A_273 = arith.constant 2 : i32
    %dma_start3A_274 = arith.constant 0 : i32
    %dma_start3A_275 = arith.constant 0 : i32
    %dma_start3A_276 = tpu.memref_slice %arg8[%dma_start3A_273, %dma_start3A_274, %dma_start3A_275] : memref<4x80x128xf32, #tpu.memory_space<vmem>> -> memref<1x80x128xf32, #tpu.memory_space<vmem>>
    %dma_start3A_277 = tpu.memref_squeeze %dma_start3A_276 : memref<1x80x128xf32, #tpu.memory_space<vmem>> -> memref<80x128xf32, #tpu.memory_space<vmem>>
    %dma_start3A_278 = arith.constant 0 : i32
    %dma_start3A_279 = tpu.memref_slice %arg5[%arg0, %add3A_272, %dma_start3A_278] : memref<2x10240x128xf32, #tpu.memory_space<hbm>> -> memref<1x80x128xf32, #tpu.memory_space<hbm>>
    %dma_start3A_280 = tpu.memref_squeeze %dma_start3A_279 : memref<1x80x128xf32, #tpu.memory_space<hbm>> -> memref<80x128xf32, #tpu.memory_space<hbm>>
    %dma_start3A_281 = arith.constant 0 : i32
    %dma_start3A_282 = tpu.memref_slice %arg5[%arg0, %add3A_272, %dma_start3A_281] : memref<2x10240x128xf32, #tpu.memory_space<hbm>> -> memref<1x80x128xf32, #tpu.memory_space<hbm>>
    %dma_start3A_283 = tpu.memref_squeeze %dma_start3A_282 : memref<1x80x128xf32, #tpu.memory_space<hbm>> -> memref<80x128xf32, #tpu.memory_space<hbm>>
    %dma_start3A_284 = arith.constant 0 : i32
    %dma_start3A_285 = arith.constant 0 : i32
    %dma_start3A_286 = tpu.memref_slice %arg8[%dma_start3A_273, %dma_start3A_284, %dma_start3A_285] : memref<4x80x128xf32, #tpu.memory_space<vmem>> -> memref<1x80x128xf32, #tpu.memory_space<vmem>>
    %dma_start3A_287 = tpu.memref_squeeze %dma_start3A_286 : memref<1x80x128xf32, #tpu.memory_space<vmem>> -> memref<80x128xf32, #tpu.memory_space<vmem>>
    tpu.enqueue_dma source(%dma_start3A_287 : memref<80x128xf32, #tpu.memory_space<vmem>>) target(%dma_start3A_283 : memref<80x128xf32, #tpu.memory_space<hbm>>) target_semaphore(%arg11 : memref<!tpu.dma_semaphore, #tpu.memory_space<semaphore_mem>>)
    %dma_wait3A_288 = arith.constant 0 : i32
    %dma_wait3A_289 = arith.constant 0 : i32
    %dma_wait3A_290 = arith.constant 0 : i32
    %dma_wait3A_291 = tpu.memref_slice %arg8[%dma_wait3A_288, %dma_wait3A_289, %dma_wait3A_290] : memref<4x80x128xf32, #tpu.memory_space<vmem>> -> memref<1x80x128xf32, #tpu.memory_space<vmem>>
    %dma_wait3A_292 = tpu.memref_squeeze %dma_wait3A_291 : memref<1x80x128xf32, #tpu.memory_space<vmem>> -> memref<80x128xf32, #tpu.memory_space<vmem>>
    %dma_wait3A_293 = arith.constant 0 : i32
    %dma_wait3A_294 = arith.constant 0 : i32
    %dma_wait3A_295 = tpu.memref_slice %arg2[%dma_wait3A_293, %dma_wait3A_294] : memref<10000x128xf32, #tpu.memory_space<hbm>> -> memref<80x128xf32, #tpu.memory_space<hbm>>
    %dma_wait3A_296 = arith.constant 0 : i32
    %dma_wait3A_297 = arith.constant 0 : i32
    %dma_wait3A_298 = tpu.memref_slice %arg8[%dma_wait3A_288, %dma_wait3A_296, %dma_wait3A_297] : memref<4x80x128xf32, #tpu.memory_space<vmem>> -> memref<1x80x128xf32, #tpu.memory_space<vmem>>
    %dma_wait3A_299 = tpu.memref_squeeze %dma_wait3A_298 : memref<1x80x128xf32, #tpu.memory_space<vmem>> -> memref<80x128xf32, #tpu.memory_space<vmem>>
    %dma_wait3A_300 = arith.constant 0 : i32
    %dma_wait3A_301 = arith.constant 0 : i32
    %dma_wait3A_302 = tpu.memref_slice %arg2[%dma_wait3A_300, %dma_wait3A_301] : memref<10000x128xf32, #tpu.memory_space<hbm>> -> memref<80x128xf32, #tpu.memory_space<hbm>>
    tpu.wait_dma2 semaphore(%arg11 : memref<!tpu.dma_semaphore, #tpu.memory_space<semaphore_mem>>) src(%dma_wait3A_302 : memref<80x128xf32, #tpu.memory_space<hbm>>) dst(%dma_wait3A_299 : memref<80x128xf32, #tpu.memory_space<vmem>>)
    %mul3A_303 = arith.constant 640 : i32
    %mul3A_304 = arith.muli %arg1, %mul3A_303 : i32
    %add3A_305 = arith.constant 480 : i32
    %add3A_306 = arith.addi %mul3A_304, %add3A_305 : i32
    %dma_start3A_307 = arith.constant 2 : i32
    %dma_start3A_308 = arith.constant 0 : i32
    %dma_start3A_309 = arith.constant 0 : i32
    %dma_start3A_310 = tpu.memref_slice %arg8[%dma_start3A_307, %dma_start3A_308, %dma_start3A_309] : memref<4x80x128xf32, #tpu.memory_space<vmem>> -> memref<1x80x128xf32, #tpu.memory_space<vmem>>
    %dma_start3A_311 = tpu.memref_squeeze %dma_start3A_310 : memref<1x80x128xf32, #tpu.memory_space<vmem>> -> memref<80x128xf32, #tpu.memory_space<vmem>>
    %dma_start3A_312 = arith.constant 0 : i32
    %dma_start3A_313 = tpu.memref_slice %arg12[%add3A_306, %dma_start3A_312] : memref<10240x128xf32, #tpu.memory_space<vmem_shared>> -> memref<80x128xf32, #tpu.memory_space<vmem_shared>>
    %dma_start3A_314 = arith.constant 0 : i32
    %dma_start3A_315 = arith.constant 0 : i32
    %dma_start3A_316 = tpu.memref_slice %arg8[%dma_start3A_307, %dma_start3A_314, %dma_start3A_315] : memref<4x80x128xf32, #tpu.memory_space<vmem>> -> memref<1x80x128xf32, #tpu.memory_space<vmem>>
    %dma_start3A_317 = tpu.memref_squeeze %dma_start3A_316 : memref<1x80x128xf32, #tpu.memory_space<vmem>> -> memref<80x128xf32, #tpu.memory_space<vmem>>
    %dma_start3A_318 = arith.constant 0 : i32
    %dma_start3A_319 = tpu.memref_slice %arg12[%add3A_306, %dma_start3A_318] : memref<10240x128xf32, #tpu.memory_space<vmem_shared>> -> memref<80x128xf32, #tpu.memory_space<vmem_shared>>
    tpu.enqueue_dma source(%dma_start3A_319 : memref<80x128xf32, #tpu.memory_space<vmem_shared>>) target(%dma_start3A_317 : memref<80x128xf32, #tpu.memory_space<vmem>>) target_semaphore(%arg10 : memref<!tpu.dma_semaphore, #tpu.memory_space<semaphore_mem>>)
    %dma_wait3A_320 = arith.constant 0 : i32
    %dma_wait3A_321 = arith.constant 0 : i32
    %dma_wait3A_322 = arith.constant 0 : i32
    %dma_wait3A_323 = tpu.memref_slice %arg8[%dma_wait3A_320, %dma_wait3A_321, %dma_wait3A_322] : memref<4x80x128xf32, #tpu.memory_space<vmem>> -> memref<1x80x128xf32, #tpu.memory_space<vmem>>
    %dma_wait3A_324 = tpu.memref_squeeze %dma_wait3A_323 : memref<1x80x128xf32, #tpu.memory_space<vmem>> -> memref<80x128xf32, #tpu.memory_space<vmem>>
    %dma_wait3A_325 = arith.constant 0 : i32
    %dma_wait3A_326 = arith.constant 0 : i32
    %dma_wait3A_327 = tpu.memref_slice %arg2[%dma_wait3A_325, %dma_wait3A_326] : memref<10000x128xf32, #tpu.memory_space<hbm>> -> memref<80x128xf32, #tpu.memory_space<hbm>>
    %dma_wait3A_328 = arith.constant 0 : i32
    %dma_wait3A_329 = arith.constant 0 : i32
    %dma_wait3A_330 = tpu.memref_slice %arg8[%dma_wait3A_320, %dma_wait3A_328, %dma_wait3A_329] : memref<4x80x128xf32, #tpu.memory_space<vmem>> -> memref<1x80x128xf32, #tpu.memory_space<vmem>>
    %dma_wait3A_331 = tpu.memref_squeeze %dma_wait3A_330 : memref<1x80x128xf32, #tpu.memory_space<vmem>> -> memref<80x128xf32, #tpu.memory_space<vmem>>
    %dma_wait3A_332 = arith.constant 0 : i32
    %dma_wait3A_333 = arith.constant 0 : i32
    %dma_wait3A_334 = tpu.memref_slice %arg2[%dma_wait3A_332, %dma_wait3A_333] : memref<10000x128xf32, #tpu.memory_space<hbm>> -> memref<80x128xf32, #tpu.memory_space<hbm>>
    tpu.wait_dma2 semaphore(%arg10 : memref<!tpu.dma_semaphore, #tpu.memory_space<semaphore_mem>>) src(%dma_wait3A_334 : memref<80x128xf32, #tpu.memory_space<hbm>>) dst(%dma_wait3A_331 : memref<80x128xf32, #tpu.memory_space<vmem>>)
    %mul3A_335 = arith.constant 640 : i32
    %mul3A_336 = arith.muli %arg1, %mul3A_335 : i32
    %add3A_337 = arith.constant 240 : i32
    %add3A_338 = arith.addi %mul3A_336, %add3A_337 : i32
    %dma_start3A_339 = arith.constant 3 : i32
    %dma_start3A_340 = arith.constant 0 : i32
    %dma_start3A_341 = arith.constant 0 : i32
    %dma_start3A_342 = tpu.memref_slice %arg8[%dma_start3A_339, %dma_start3A_340, %dma_start3A_341] : memref<4x80x128xf32, #tpu.memory_space<vmem>> -> memref<1x80x128xf32, #tpu.memory_space<vmem>>
    %dma_start3A_343 = tpu.memref_squeeze %dma_start3A_342 : memref<1x80x128xf32, #tpu.memory_space<vmem>> -> memref<80x128xf32, #tpu.memory_space<vmem>>
    %dma_start3A_344 = arith.constant 0 : i32
    %dma_start3A_345 = tpu.memref_slice %arg5[%arg0, %add3A_338, %dma_start3A_344] : memref<2x10240x128xf32, #tpu.memory_space<hbm>> -> memref<1x80x128xf32, #tpu.memory_space<hbm>>
    %dma_start3A_346 = tpu.memref_squeeze %dma_start3A_345 : memref<1x80x128xf32, #tpu.memory_space<hbm>> -> memref<80x128xf32, #tpu.memory_space<hbm>>
    %dma_start3A_347 = arith.constant 0 : i32
    %dma_start3A_348 = tpu.memref_slice %arg5[%arg0, %add3A_338, %dma_start3A_347] : memref<2x10240x128xf32, #tpu.memory_space<hbm>> -> memref<1x80x128xf32, #tpu.memory_space<hbm>>
    %dma_start3A_349 = tpu.memref_squeeze %dma_start3A_348 : memref<1x80x128xf32, #tpu.memory_space<hbm>> -> memref<80x128xf32, #tpu.memory_space<hbm>>
    %dma_start3A_350 = arith.constant 0 : i32
    %dma_start3A_351 = arith.constant 0 : i32
    %dma_start3A_352 = tpu.memref_slice %arg8[%dma_start3A_339, %dma_start3A_350, %dma_start3A_351] : memref<4x80x128xf32, #tpu.memory_space<vmem>> -> memref<1x80x128xf32, #tpu.memory_space<vmem>>
    %dma_start3A_353 = tpu.memref_squeeze %dma_start3A_352 : memref<1x80x128xf32, #tpu.memory_space<vmem>> -> memref<80x128xf32, #tpu.memory_space<vmem>>
    tpu.enqueue_dma source(%dma_start3A_353 : memref<80x128xf32, #tpu.memory_space<vmem>>) target(%dma_start3A_349 : memref<80x128xf32, #tpu.memory_space<hbm>>) target_semaphore(%arg11 : memref<!tpu.dma_semaphore, #tpu.memory_space<semaphore_mem>>)
    %dma_wait3A_354 = arith.constant 0 : i32
    %dma_wait3A_355 = arith.constant 0 : i32
    %dma_wait3A_356 = arith.constant 0 : i32
    %dma_wait3A_357 = tpu.memref_slice %arg8[%dma_wait3A_354, %dma_wait3A_355, %dma_wait3A_356] : memref<4x80x128xf32, #tpu.memory_space<vmem>> -> memref<1x80x128xf32, #tpu.memory_space<vmem>>
    %dma_wait3A_358 = tpu.memref_squeeze %dma_wait3A_357 : memref<1x80x128xf32, #tpu.memory_space<vmem>> -> memref<80x128xf32, #tpu.memory_space<vmem>>
    %dma_wait3A_359 = arith.constant 0 : i32
    %dma_wait3A_360 = arith.constant 0 : i32
    %dma_wait3A_361 = tpu.memref_slice %arg2[%dma_wait3A_359, %dma_wait3A_360] : memref<10000x128xf32, #tpu.memory_space<hbm>> -> memref<80x128xf32, #tpu.memory_space<hbm>>
    %dma_wait3A_362 = arith.constant 0 : i32
    %dma_wait3A_363 = arith.constant 0 : i32
    %dma_wait3A_364 = tpu.memref_slice %arg8[%dma_wait3A_354, %dma_wait3A_362, %dma_wait3A_363] : memref<4x80x128xf32, #tpu.memory_space<vmem>> -> memref<1x80x128xf32, #tpu.memory_space<vmem>>
    %dma_wait3A_365 = tpu.memref_squeeze %dma_wait3A_364 : memref<1x80x128xf32, #tpu.memory_space<vmem>> -> memref<80x128xf32, #tpu.memory_space<vmem>>
    %dma_wait3A_366 = arith.constant 0 : i32
    %dma_wait3A_367 = arith.constant 0 : i32
    %dma_wait3A_368 = tpu.memref_slice %arg2[%dma_wait3A_366, %dma_wait3A_367] : memref<10000x128xf32, #tpu.memory_space<hbm>> -> memref<80x128xf32, #tpu.memory_space<hbm>>
    tpu.wait_dma2 semaphore(%arg11 : memref<!tpu.dma_semaphore, #tpu.memory_space<semaphore_mem>>) src(%dma_wait3A_368 : memref<80x128xf32, #tpu.memory_space<hbm>>) dst(%dma_wait3A_365 : memref<80x128xf32, #tpu.memory_space<vmem>>)
    %mul3A_369 = arith.constant 640 : i32
    %mul3A_370 = arith.muli %arg1, %mul3A_369 : i32
    %add3A_371 = arith.constant 560 : i32
    %add3A_372 = arith.addi %mul3A_370, %add3A_371 : i32
    %dma_start3A_373 = arith.constant 3 : i32
    %dma_start3A_374 = arith.constant 0 : i32
    %dma_start3A_375 = arith.constant 0 : i32
    %dma_start3A_376 = tpu.memref_slice %arg8[%dma_start3A_373, %dma_start3A_374, %dma_start3A_375] : memref<4x80x128xf32, #tpu.memory_space<vmem>> -> memref<1x80x128xf32, #tpu.memory_space<vmem>>
    %dma_start3A_377 = tpu.memref_squeeze %dma_start3A_376 : memref<1x80x128xf32, #tpu.memory_space<vmem>> -> memref<80x128xf32, #tpu.memory_space<vmem>>
    %dma_start3A_378 = arith.constant 0 : i32
    %dma_start3A_379 = tpu.memref_slice %arg12[%add3A_372, %dma_start3A_378] : memref<10240x128xf32, #tpu.memory_space<vmem_shared>> -> memref<80x128xf32, #tpu.memory_space<vmem_shared>>
    %dma_start3A_380 = arith.constant 0 : i32
    %dma_start3A_381 = arith.constant 0 : i32
    %dma_start3A_382 = tpu.memref_slice %arg8[%dma_start3A_373, %dma_start3A_380, %dma_start3A_381] : memref<4x80x128xf32, #tpu.memory_space<vmem>> -> memref<1x80x128xf32, #tpu.memory_space<vmem>>
    %dma_start3A_383 = tpu.memref_squeeze %dma_start3A_382 : memref<1x80x128xf32, #tpu.memory_space<vmem>> -> memref<80x128xf32, #tpu.memory_space<vmem>>
    %dma_start3A_384 = arith.constant 0 : i32
    %dma_start3A_385 = tpu.memref_slice %arg12[%add3A_372, %dma_start3A_384] : memref<10240x128xf32, #tpu.memory_space<vmem_shared>> -> memref<80x128xf32, #tpu.memory_space<vmem_shared>>
    tpu.enqueue_dma source(%dma_start3A_385 : memref<80x128xf32, #tpu.memory_space<vmem_shared>>) target(%dma_start3A_383 : memref<80x128xf32, #tpu.memory_space<vmem>>) target_semaphore(%arg10 : memref<!tpu.dma_semaphore, #tpu.memory_space<semaphore_mem>>)
    %dma_wait3A_386 = arith.constant 0 : i32
    %dma_wait3A_387 = arith.constant 0 : i32
    %dma_wait3A_388 = arith.constant 0 : i32
    %dma_wait3A_389 = tpu.memref_slice %arg8[%dma_wait3A_386, %dma_wait3A_387, %dma_wait3A_388] : memref<4x80x128xf32, #tpu.memory_space<vmem>> -> memref<1x80x128xf32, #tpu.memory_space<vmem>>
    %dma_wait3A_390 = tpu.memref_squeeze %dma_wait3A_389 : memref<1x80x128xf32, #tpu.memory_space<vmem>> -> memref<80x128xf32, #tpu.memory_space<vmem>>
    %dma_wait3A_391 = arith.constant 0 : i32
    %dma_wait3A_392 = arith.constant 0 : i32
    %dma_wait3A_393 = tpu.memref_slice %arg2[%dma_wait3A_391, %dma_wait3A_392] : memref<10000x128xf32, #tpu.memory_space<hbm>> -> memref<80x128xf32, #tpu.memory_space<hbm>>
    %dma_wait3A_394 = arith.constant 0 : i32
    %dma_wait3A_395 = arith.constant 0 : i32
    %dma_wait3A_396 = tpu.memref_slice %arg8[%dma_wait3A_386, %dma_wait3A_394, %dma_wait3A_395] : memref<4x80x128xf32, #tpu.memory_space<vmem>> -> memref<1x80x128xf32, #tpu.memory_space<vmem>>
    %dma_wait3A_397 = tpu.memref_squeeze %dma_wait3A_396 : memref<1x80x128xf32, #tpu.memory_space<vmem>> -> memref<80x128xf32, #tpu.memory_space<vmem>>
    %dma_wait3A_398 = arith.constant 0 : i32
    %dma_wait3A_399 = arith.constant 0 : i32
    %dma_wait3A_400 = tpu.memref_slice %arg2[%dma_wait3A_398, %dma_wait3A_399] : memref<10000x128xf32, #tpu.memory_space<hbm>> -> memref<80x128xf32, #tpu.memory_space<hbm>>
    tpu.wait_dma2 semaphore(%arg10 : memref<!tpu.dma_semaphore, #tpu.memory_space<semaphore_mem>>) src(%dma_wait3A_400 : memref<80x128xf32, #tpu.memory_space<hbm>>) dst(%dma_wait3A_397 : memref<80x128xf32, #tpu.memory_space<vmem>>)
    %mul3A_401 = arith.constant 640 : i32
    %mul3A_402 = arith.muli %arg1, %mul3A_401 : i32
    %add3A_403 = arith.constant 320 : i32
    %add3A_404 = arith.addi %mul3A_402, %add3A_403 : i32
    %dma_start3A_405 = arith.constant 0 : i32
    %dma_start3A_406 = arith.constant 0 : i32
    %dma_start3A_407 = arith.constant 0 : i32
    %dma_start3A_408 = tpu.memref_slice %arg8[%dma_start3A_405, %dma_start3A_406, %dma_start3A_407] : memref<4x80x128xf32, #tpu.memory_space<vmem>> -> memref<1x80x128xf32, #tpu.memory_space<vmem>>
    %dma_start3A_409 = tpu.memref_squeeze %dma_start3A_408 : memref<1x80x128xf32, #tpu.memory_space<vmem>> -> memref<80x128xf32, #tpu.memory_space<vmem>>
    %dma_start3A_410 = arith.constant 0 : i32
    %dma_start3A_411 = tpu.memref_slice %arg5[%arg0, %add3A_404, %dma_start3A_410] : memref<2x10240x128xf32, #tpu.memory_space<hbm>> -> memref<1x80x128xf32, #tpu.memory_space<hbm>>
    %dma_start3A_412 = tpu.memref_squeeze %dma_start3A_411 : memref<1x80x128xf32, #tpu.memory_space<hbm>> -> memref<80x128xf32, #tpu.memory_space<hbm>>
    %dma_start3A_413 = arith.constant 0 : i32
    %dma_start3A_414 = tpu.memref_slice %arg5[%arg0, %add3A_404, %dma_start3A_413] : memref<2x10240x128xf32, #tpu.memory_space<hbm>> -> memref<1x80x128xf32, #tpu.memory_space<hbm>>
    %dma_start3A_415 = tpu.memref_squeeze %dma_start3A_414 : memref<1x80x128xf32, #tpu.memory_space<hbm>> -> memref<80x128xf32, #tpu.memory_space<hbm>>
    %dma_start3A_416 = arith.constant 0 : i32
    %dma_start3A_417 = arith.constant 0 : i32
    %dma_start3A_418 = tpu.memref_slice %arg8[%dma_start3A_405, %dma_start3A_416, %dma_start3A_417] : memref<4x80x128xf32, #tpu.memory_space<vmem>> -> memref<1x80x128xf32, #tpu.memory_space<vmem>>
    %dma_start3A_419 = tpu.memref_squeeze %dma_start3A_418 : memref<1x80x128xf32, #tpu.memory_space<vmem>> -> memref<80x128xf32, #tpu.memory_space<vmem>>
    tpu.enqueue_dma source(%dma_start3A_419 : memref<80x128xf32, #tpu.memory_space<vmem>>) target(%dma_start3A_415 : memref<80x128xf32, #tpu.memory_space<hbm>>) target_semaphore(%arg11 : memref<!tpu.dma_semaphore, #tpu.memory_space<semaphore_mem>>)
    %dma_wait3A_420 = arith.constant 0 : i32
    %dma_wait3A_421 = arith.constant 0 : i32
    %dma_wait3A_422 = arith.constant 0 : i32
    %dma_wait3A_423 = tpu.memref_slice %arg8[%dma_wait3A_420, %dma_wait3A_421, %dma_wait3A_422] : memref<4x80x128xf32, #tpu.memory_space<vmem>> -> memref<1x80x128xf32, #tpu.memory_space<vmem>>
    %dma_wait3A_424 = tpu.memref_squeeze %dma_wait3A_423 : memref<1x80x128xf32, #tpu.memory_space<vmem>> -> memref<80x128xf32, #tpu.memory_space<vmem>>
    %dma_wait3A_425 = arith.constant 0 : i32
    %dma_wait3A_426 = arith.constant 0 : i32
    %dma_wait3A_427 = tpu.memref_slice %arg2[%dma_wait3A_425, %dma_wait3A_426] : memref<10000x128xf32, #tpu.memory_space<hbm>> -> memref<80x128xf32, #tpu.memory_space<hbm>>
    %dma_wait3A_428 = arith.constant 0 : i32
    %dma_wait3A_429 = arith.constant 0 : i32
    %dma_wait3A_430 = tpu.memref_slice %arg8[%dma_wait3A_420, %dma_wait3A_428, %dma_wait3A_429] : memref<4x80x128xf32, #tpu.memory_space<vmem>> -> memref<1x80x128xf32, #tpu.memory_space<vmem>>
    %dma_wait3A_431 = tpu.memref_squeeze %dma_wait3A_430 : memref<1x80x128xf32, #tpu.memory_space<vmem>> -> memref<80x128xf32, #tpu.memory_space<vmem>>
    %dma_wait3A_432 = arith.constant 0 : i32
    %dma_wait3A_433 = arith.constant 0 : i32
    %dma_wait3A_434 = tpu.memref_slice %arg2[%dma_wait3A_432, %dma_wait3A_433] : memref<10000x128xf32, #tpu.memory_space<hbm>> -> memref<80x128xf32, #tpu.memory_space<hbm>>
    tpu.wait_dma2 semaphore(%arg11 : memref<!tpu.dma_semaphore, #tpu.memory_space<semaphore_mem>>) src(%dma_wait3A_434 : memref<80x128xf32, #tpu.memory_space<hbm>>) dst(%dma_wait3A_431 : memref<80x128xf32, #tpu.memory_space<vmem>>)
    %dma_wait3A_435 = arith.constant 0 : i32
    %dma_wait3A_436 = arith.constant 0 : i32
    %dma_wait3A_437 = arith.constant 0 : i32
    %dma_wait3A_438 = tpu.memref_slice %arg8[%dma_wait3A_435, %dma_wait3A_436, %dma_wait3A_437] : memref<4x80x128xf32, #tpu.memory_space<vmem>> -> memref<1x80x128xf32, #tpu.memory_space<vmem>>
    %dma_wait3A_439 = tpu.memref_squeeze %dma_wait3A_438 : memref<1x80x128xf32, #tpu.memory_space<vmem>> -> memref<80x128xf32, #tpu.memory_space<vmem>>
    %dma_wait3A_440 = arith.constant 0 : i32
    %dma_wait3A_441 = arith.constant 0 : i32
    %dma_wait3A_442 = tpu.memref_slice %arg2[%dma_wait3A_440, %dma_wait3A_441] : memref<10000x128xf32, #tpu.memory_space<hbm>> -> memref<80x128xf32, #tpu.memory_space<hbm>>
    %dma_wait3A_443 = arith.constant 0 : i32
    %dma_wait3A_444 = arith.constant 0 : i32
    %dma_wait3A_445 = tpu.memref_slice %arg8[%dma_wait3A_435, %dma_wait3A_443, %dma_wait3A_444] : memref<4x80x128xf32, #tpu.memory_space<vmem>> -> memref<1x80x128xf32, #tpu.memory_space<vmem>>
    %dma_wait3A_446 = tpu.memref_squeeze %dma_wait3A_445 : memref<1x80x128xf32, #tpu.memory_space<vmem>> -> memref<80x128xf32, #tpu.memory_space<vmem>>
    %dma_wait3A_447 = arith.constant 0 : i32
    %dma_wait3A_448 = arith.constant 0 : i32
    %dma_wait3A_449 = tpu.memref_slice %arg2[%dma_wait3A_447, %dma_wait3A_448] : memref<10000x128xf32, #tpu.memory_space<hbm>> -> memref<80x128xf32, #tpu.memory_space<hbm>>
    tpu.wait_dma2 semaphore(%arg10 : memref<!tpu.dma_semaphore, #tpu.memory_space<semaphore_mem>>) src(%dma_wait3A_449 : memref<80x128xf32, #tpu.memory_space<hbm>>) dst(%dma_wait3A_446 : memref<80x128xf32, #tpu.memory_space<vmem>>)
    %mul3A_450 = arith.constant 640 : i32
    %mul3A_451 = arith.muli %arg1, %mul3A_450 : i32
    %add3A_452 = arith.constant 400 : i32
    %add3A_453 = arith.addi %mul3A_451, %add3A_452 : i32
    %dma_start3A_454 = arith.constant 1 : i32
    %dma_start3A_455 = arith.constant 0 : i32
    %dma_start3A_456 = arith.constant 0 : i32
    %dma_start3A_457 = tpu.memref_slice %arg8[%dma_start3A_454, %dma_start3A_455, %dma_start3A_456] : memref<4x80x128xf32, #tpu.memory_space<vmem>> -> memref<1x80x128xf32, #tpu.memory_space<vmem>>
    %dma_start3A_458 = tpu.memref_squeeze %dma_start3A_457 : memref<1x80x128xf32, #tpu.memory_space<vmem>> -> memref<80x128xf32, #tpu.memory_space<vmem>>
    %dma_start3A_459 = arith.constant 0 : i32
    %dma_start3A_460 = tpu.memref_slice %arg5[%arg0, %add3A_453, %dma_start3A_459] : memref<2x10240x128xf32, #tpu.memory_space<hbm>> -> memref<1x80x128xf32, #tpu.memory_space<hbm>>
    %dma_start3A_461 = tpu.memref_squeeze %dma_start3A_460 : memref<1x80x128xf32, #tpu.memory_space<hbm>> -> memref<80x128xf32, #tpu.memory_space<hbm>>
    %dma_start3A_462 = arith.constant 0 : i32
    %dma_start3A_463 = tpu.memref_slice %arg5[%arg0, %add3A_453, %dma_start3A_462] : memref<2x10240x128xf32, #tpu.memory_space<hbm>> -> memref<1x80x128xf32, #tpu.memory_space<hbm>>
    %dma_start3A_464 = tpu.memref_squeeze %dma_start3A_463 : memref<1x80x128xf32, #tpu.memory_space<hbm>> -> memref<80x128xf32, #tpu.memory_space<hbm>>
    %dma_start3A_465 = arith.constant 0 : i32
    %dma_start3A_466 = arith.constant 0 : i32
    %dma_start3A_467 = tpu.memref_slice %arg8[%dma_start3A_454, %dma_start3A_465, %dma_start3A_466] : memref<4x80x128xf32, #tpu.memory_space<vmem>> -> memref<1x80x128xf32, #tpu.memory_space<vmem>>
    %dma_start3A_468 = tpu.memref_squeeze %dma_start3A_467 : memref<1x80x128xf32, #tpu.memory_space<vmem>> -> memref<80x128xf32, #tpu.memory_space<vmem>>
    tpu.enqueue_dma source(%dma_start3A_468 : memref<80x128xf32, #tpu.memory_space<vmem>>) target(%dma_start3A_464 : memref<80x128xf32, #tpu.memory_space<hbm>>) target_semaphore(%arg11 : memref<!tpu.dma_semaphore, #tpu.memory_space<semaphore_mem>>)
    %dma_wait3A_469 = arith.constant 0 : i32
    %dma_wait3A_470 = arith.constant 0 : i32
    %dma_wait3A_471 = arith.constant 0 : i32
    %dma_wait3A_472 = tpu.memref_slice %arg8[%dma_wait3A_469, %dma_wait3A_470, %dma_wait3A_471] : memref<4x80x128xf32, #tpu.memory_space<vmem>> -> memref<1x80x128xf32, #tpu.memory_space<vmem>>
    %dma_wait3A_473 = tpu.memref_squeeze %dma_wait3A_472 : memref<1x80x128xf32, #tpu.memory_space<vmem>> -> memref<80x128xf32, #tpu.memory_space<vmem>>
    %dma_wait3A_474 = arith.constant 0 : i32
    %dma_wait3A_475 = arith.constant 0 : i32
    %dma_wait3A_476 = tpu.memref_slice %arg2[%dma_wait3A_474, %dma_wait3A_475] : memref<10000x128xf32, #tpu.memory_space<hbm>> -> memref<80x128xf32, #tpu.memory_space<hbm>>
    %dma_wait3A_477 = arith.constant 0 : i32
    %dma_wait3A_478 = arith.constant 0 : i32
    %dma_wait3A_479 = tpu.memref_slice %arg8[%dma_wait3A_469, %dma_wait3A_477, %dma_wait3A_478] : memref<4x80x128xf32, #tpu.memory_space<vmem>> -> memref<1x80x128xf32, #tpu.memory_space<vmem>>
    %dma_wait3A_480 = tpu.memref_squeeze %dma_wait3A_479 : memref<1x80x128xf32, #tpu.memory_space<vmem>> -> memref<80x128xf32, #tpu.memory_space<vmem>>
    %dma_wait3A_481 = arith.constant 0 : i32
    %dma_wait3A_482 = arith.constant 0 : i32
    %dma_wait3A_483 = tpu.memref_slice %arg2[%dma_wait3A_481, %dma_wait3A_482] : memref<10000x128xf32, #tpu.memory_space<hbm>> -> memref<80x128xf32, #tpu.memory_space<hbm>>
    tpu.wait_dma2 semaphore(%arg11 : memref<!tpu.dma_semaphore, #tpu.memory_space<semaphore_mem>>) src(%dma_wait3A_483 : memref<80x128xf32, #tpu.memory_space<hbm>>) dst(%dma_wait3A_480 : memref<80x128xf32, #tpu.memory_space<vmem>>)
    %dma_wait3A_484 = arith.constant 0 : i32
    %dma_wait3A_485 = arith.constant 0 : i32
    %dma_wait3A_486 = arith.constant 0 : i32
    %dma_wait3A_487 = tpu.memref_slice %arg8[%dma_wait3A_484, %dma_wait3A_485, %dma_wait3A_486] : memref<4x80x128xf32, #tpu.memory_space<vmem>> -> memref<1x80x128xf32, #tpu.memory_space<vmem>>
    %dma_wait3A_488 = tpu.memref_squeeze %dma_wait3A_487 : memref<1x80x128xf32, #tpu.memory_space<vmem>> -> memref<80x128xf32, #tpu.memory_space<vmem>>
    %dma_wait3A_489 = arith.constant 0 : i32
    %dma_wait3A_490 = arith.constant 0 : i32
    %dma_wait3A_491 = tpu.memref_slice %arg2[%dma_wait3A_489, %dma_wait3A_490] : memref<10000x128xf32, #tpu.memory_space<hbm>> -> memref<80x128xf32, #tpu.memory_space<hbm>>
    %dma_wait3A_492 = arith.constant 0 : i32
    %dma_wait3A_493 = arith.constant 0 : i32
    %dma_wait3A_494 = tpu.memref_slice %arg8[%dma_wait3A_484, %dma_wait3A_492, %dma_wait3A_493] : memref<4x80x128xf32, #tpu.memory_space<vmem>> -> memref<1x80x128xf32, #tpu.memory_space<vmem>>
    %dma_wait3A_495 = tpu.memref_squeeze %dma_wait3A_494 : memref<1x80x128xf32, #tpu.memory_space<vmem>> -> memref<80x128xf32, #tpu.memory_space<vmem>>
    %dma_wait3A_496 = arith.constant 0 : i32
    %dma_wait3A_497 = arith.constant 0 : i32
    %dma_wait3A_498 = tpu.memref_slice %arg2[%dma_wait3A_496, %dma_wait3A_497] : memref<10000x128xf32, #tpu.memory_space<hbm>> -> memref<80x128xf32, #tpu.memory_space<hbm>>
    tpu.wait_dma2 semaphore(%arg10 : memref<!tpu.dma_semaphore, #tpu.memory_space<semaphore_mem>>) src(%dma_wait3A_498 : memref<80x128xf32, #tpu.memory_space<hbm>>) dst(%dma_wait3A_495 : memref<80x128xf32, #tpu.memory_space<vmem>>)
    %mul3A_499 = arith.constant 640 : i32
    %mul3A_500 = arith.muli %arg1, %mul3A_499 : i32
    %add3A_501 = arith.constant 480 : i32
    %add3A_502 = arith.addi %mul3A_500, %add3A_501 : i32
    %dma_start3A_503 = arith.constant 2 : i32
    %dma_start3A_504 = arith.constant 0 : i32
    %dma_start3A_505 = arith.constant 0 : i32
    %dma_start3A_506 = tpu.memref_slice %arg8[%dma_start3A_503, %dma_start3A_504, %dma_start3A_505] : memref<4x80x128xf32, #tpu.memory_space<vmem>> -> memref<1x80x128xf32, #tpu.memory_space<vmem>>
    %dma_start3A_507 = tpu.memref_squeeze %dma_start3A_506 : memref<1x80x128xf32, #tpu.memory_space<vmem>> -> memref<80x128xf32, #tpu.memory_space<vmem>>
    %dma_start3A_508 = arith.constant 0 : i32
    %dma_start3A_509 = tpu.memref_slice %arg5[%arg0, %add3A_502, %dma_start3A_508] : memref<2x10240x128xf32, #tpu.memory_space<hbm>> -> memref<1x80x128xf32, #tpu.memory_space<hbm>>
    %dma_start3A_510 = tpu.memref_squeeze %dma_start3A_509 : memref<1x80x128xf32, #tpu.memory_space<hbm>> -> memref<80x128xf32, #tpu.memory_space<hbm>>
    %dma_start3A_511 = arith.constant 0 : i32
    %dma_start3A_512 = tpu.memref_slice %arg5[%arg0, %add3A_502, %dma_start3A_511] : memref<2x10240x128xf32, #tpu.memory_space<hbm>> -> memref<1x80x128xf32, #tpu.memory_space<hbm>>
    %dma_start3A_513 = tpu.memref_squeeze %dma_start3A_512 : memref<1x80x128xf32, #tpu.memory_space<hbm>> -> memref<80x128xf32, #tpu.memory_space<hbm>>
    %dma_start3A_514 = arith.constant 0 : i32
    %dma_start3A_515 = arith.constant 0 : i32
    %dma_start3A_516 = tpu.memref_slice %arg8[%dma_start3A_503, %dma_start3A_514, %dma_start3A_515] : memref<4x80x128xf32, #tpu.memory_space<vmem>> -> memref<1x80x128xf32, #tpu.memory_space<vmem>>
    %dma_start3A_517 = tpu.memref_squeeze %dma_start3A_516 : memref<1x80x128xf32, #tpu.memory_space<vmem>> -> memref<80x128xf32, #tpu.memory_space<vmem>>
    tpu.enqueue_dma source(%dma_start3A_517 : memref<80x128xf32, #tpu.memory_space<vmem>>) target(%dma_start3A_513 : memref<80x128xf32, #tpu.memory_space<hbm>>) target_semaphore(%arg11 : memref<!tpu.dma_semaphore, #tpu.memory_space<semaphore_mem>>)
    %dma_wait3A_518 = arith.constant 0 : i32
    %dma_wait3A_519 = arith.constant 0 : i32
    %dma_wait3A_520 = arith.constant 0 : i32
    %dma_wait3A_521 = tpu.memref_slice %arg8[%dma_wait3A_518, %dma_wait3A_519, %dma_wait3A_520] : memref<4x80x128xf32, #tpu.memory_space<vmem>> -> memref<1x80x128xf32, #tpu.memory_space<vmem>>
    %dma_wait3A_522 = tpu.memref_squeeze %dma_wait3A_521 : memref<1x80x128xf32, #tpu.memory_space<vmem>> -> memref<80x128xf32, #tpu.memory_space<vmem>>
    %dma_wait3A_523 = arith.constant 0 : i32
    %dma_wait3A_524 = arith.constant 0 : i32
    %dma_wait3A_525 = tpu.memref_slice %arg2[%dma_wait3A_523, %dma_wait3A_524] : memref<10000x128xf32, #tpu.memory_space<hbm>> -> memref<80x128xf32, #tpu.memory_space<hbm>>
    %dma_wait3A_526 = arith.constant 0 : i32
    %dma_wait3A_527 = arith.constant 0 : i32
    %dma_wait3A_528 = tpu.memref_slice %arg8[%dma_wait3A_518, %dma_wait3A_526, %dma_wait3A_527] : memref<4x80x128xf32, #tpu.memory_space<vmem>> -> memref<1x80x128xf32, #tpu.memory_space<vmem>>
    %dma_wait3A_529 = tpu.memref_squeeze %dma_wait3A_528 : memref<1x80x128xf32, #tpu.memory_space<vmem>> -> memref<80x128xf32, #tpu.memory_space<vmem>>
    %dma_wait3A_530 = arith.constant 0 : i32
    %dma_wait3A_531 = arith.constant 0 : i32
    %dma_wait3A_532 = tpu.memref_slice %arg2[%dma_wait3A_530, %dma_wait3A_531] : memref<10000x128xf32, #tpu.memory_space<hbm>> -> memref<80x128xf32, #tpu.memory_space<hbm>>
    tpu.wait_dma2 semaphore(%arg11 : memref<!tpu.dma_semaphore, #tpu.memory_space<semaphore_mem>>) src(%dma_wait3A_532 : memref<80x128xf32, #tpu.memory_space<hbm>>) dst(%dma_wait3A_529 : memref<80x128xf32, #tpu.memory_space<vmem>>)
    %dma_wait3A_533 = arith.constant 0 : i32
    %dma_wait3A_534 = arith.constant 0 : i32
    %dma_wait3A_535 = arith.constant 0 : i32
    %dma_wait3A_536 = tpu.memref_slice %arg8[%dma_wait3A_533, %dma_wait3A_534, %dma_wait3A_535] : memref<4x80x128xf32, #tpu.memory_space<vmem>> -> memref<1x80x128xf32, #tpu.memory_space<vmem>>
    %dma_wait3A_537 = tpu.memref_squeeze %dma_wait3A_536 : memref<1x80x128xf32, #tpu.memory_space<vmem>> -> memref<80x128xf32, #tpu.memory_space<vmem>>
    %dma_wait3A_538 = arith.constant 0 : i32
    %dma_wait3A_539 = arith.constant 0 : i32
    %dma_wait3A_540 = tpu.memref_slice %arg2[%dma_wait3A_538, %dma_wait3A_539] : memref<10000x128xf32, #tpu.memory_space<hbm>> -> memref<80x128xf32, #tpu.memory_space<hbm>>
    %dma_wait3A_541 = arith.constant 0 : i32
    %dma_wait3A_542 = arith.constant 0 : i32
    %dma_wait3A_543 = tpu.memref_slice %arg8[%dma_wait3A_533, %dma_wait3A_541, %dma_wait3A_542] : memref<4x80x128xf32, #tpu.memory_space<vmem>> -> memref<1x80x128xf32, #tpu.memory_space<vmem>>
    %dma_wait3A_544 = tpu.memref_squeeze %dma_wait3A_543 : memref<1x80x128xf32, #tpu.memory_space<vmem>> -> memref<80x128xf32, #tpu.memory_space<vmem>>
    %dma_wait3A_545 = arith.constant 0 : i32
    %dma_wait3A_546 = arith.constant 0 : i32
    %dma_wait3A_547 = tpu.memref_slice %arg2[%dma_wait3A_545, %dma_wait3A_546] : memref<10000x128xf32, #tpu.memory_space<hbm>> -> memref<80x128xf32, #tpu.memory_space<hbm>>
    tpu.wait_dma2 semaphore(%arg10 : memref<!tpu.dma_semaphore, #tpu.memory_space<semaphore_mem>>) src(%dma_wait3A_547 : memref<80x128xf32, #tpu.memory_space<hbm>>) dst(%dma_wait3A_544 : memref<80x128xf32, #tpu.memory_space<vmem>>)
    %mul3A_548 = arith.constant 640 : i32
    %mul3A_549 = arith.muli %arg1, %mul3A_548 : i32
    %add3A_550 = arith.constant 560 : i32
    %add3A_551 = arith.addi %mul3A_549, %add3A_550 : i32
    %dma_start3A_552 = arith.constant 3 : i32
    %dma_start3A_553 = arith.constant 0 : i32
    %dma_start3A_554 = arith.constant 0 : i32
    %dma_start3A_555 = tpu.memref_slice %arg8[%dma_start3A_552, %dma_start3A_553, %dma_start3A_554] : memref<4x80x128xf32, #tpu.memory_space<vmem>> -> memref<1x80x128xf32, #tpu.memory_space<vmem>>
    %dma_start3A_556 = tpu.memref_squeeze %dma_start3A_555 : memref<1x80x128xf32, #tpu.memory_space<vmem>> -> memref<80x128xf32, #tpu.memory_space<vmem>>
    %dma_start3A_557 = arith.constant 0 : i32
    %dma_start3A_558 = tpu.memref_slice %arg5[%arg0, %add3A_551, %dma_start3A_557] : memref<2x10240x128xf32, #tpu.memory_space<hbm>> -> memref<1x80x128xf32, #tpu.memory_space<hbm>>
    %dma_start3A_559 = tpu.memref_squeeze %dma_start3A_558 : memref<1x80x128xf32, #tpu.memory_space<hbm>> -> memref<80x128xf32, #tpu.memory_space<hbm>>
    %dma_start3A_560 = arith.constant 0 : i32
    %dma_start3A_561 = tpu.memref_slice %arg5[%arg0, %add3A_551, %dma_start3A_560] : memref<2x10240x128xf32, #tpu.memory_space<hbm>> -> memref<1x80x128xf32, #tpu.memory_space<hbm>>
    %dma_start3A_562 = tpu.memref_squeeze %dma_start3A_561 : memref<1x80x128xf32, #tpu.memory_space<hbm>> -> memref<80x128xf32, #tpu.memory_space<hbm>>
    %dma_start3A_563 = arith.constant 0 : i32
    %dma_start3A_564 = arith.constant 0 : i32
    %dma_start3A_565 = tpu.memref_slice %arg8[%dma_start3A_552, %dma_start3A_563, %dma_start3A_564] : memref<4x80x128xf32, #tpu.memory_space<vmem>> -> memref<1x80x128xf32, #tpu.memory_space<vmem>>
    %dma_start3A_566 = tpu.memref_squeeze %dma_start3A_565 : memref<1x80x128xf32, #tpu.memory_space<vmem>> -> memref<80x128xf32, #tpu.memory_space<vmem>>
    tpu.enqueue_dma source(%dma_start3A_566 : memref<80x128xf32, #tpu.memory_space<vmem>>) target(%dma_start3A_562 : memref<80x128xf32, #tpu.memory_space<hbm>>) target_semaphore(%arg11 : memref<!tpu.dma_semaphore, #tpu.memory_space<semaphore_mem>>)
    %dma_wait3A_567 = arith.constant 0 : i32
    %dma_wait3A_568 = arith.constant 0 : i32
    %dma_wait3A_569 = arith.constant 0 : i32
    %dma_wait3A_570 = tpu.memref_slice %arg8[%dma_wait3A_567, %dma_wait3A_568, %dma_wait3A_569] : memref<4x80x128xf32, #tpu.memory_space<vmem>> -> memref<1x80x128xf32, #tpu.memory_space<vmem>>
    %dma_wait3A_571 = tpu.memref_squeeze %dma_wait3A_570 : memref<1x80x128xf32, #tpu.memory_space<vmem>> -> memref<80x128xf32, #tpu.memory_space<vmem>>
    %dma_wait3A_572 = arith.constant 0 : i32
    %dma_wait3A_573 = arith.constant 0 : i32
    %dma_wait3A_574 = tpu.memref_slice %arg2[%dma_wait3A_572, %dma_wait3A_573] : memref<10000x128xf32, #tpu.memory_space<hbm>> -> memref<80x128xf32, #tpu.memory_space<hbm>>
    %dma_wait3A_575 = arith.constant 0 : i32
    %dma_wait3A_576 = arith.constant 0 : i32
    %dma_wait3A_577 = tpu.memref_slice %arg8[%dma_wait3A_567, %dma_wait3A_575, %dma_wait3A_576] : memref<4x80x128xf32, #tpu.memory_space<vmem>> -> memref<1x80x128xf32, #tpu.memory_space<vmem>>
    %dma_wait3A_578 = tpu.memref_squeeze %dma_wait3A_577 : memref<1x80x128xf32, #tpu.memory_space<vmem>> -> memref<80x128xf32, #tpu.memory_space<vmem>>
    %dma_wait3A_579 = arith.constant 0 : i32
    %dma_wait3A_580 = arith.constant 0 : i32
    %dma_wait3A_581 = tpu.memref_slice %arg2[%dma_wait3A_579, %dma_wait3A_580] : memref<10000x128xf32, #tpu.memory_space<hbm>> -> memref<80x128xf32, #tpu.memory_space<hbm>>
    tpu.wait_dma2 semaphore(%arg11 : memref<!tpu.dma_semaphore, #tpu.memory_space<semaphore_mem>>) src(%dma_wait3A_581 : memref<80x128xf32, #tpu.memory_space<hbm>>) dst(%dma_wait3A_578 : memref<80x128xf32, #tpu.memory_space<vmem>>)
    return
  }
}

#map = affine_map<(d0, d1) -> (0)>
#map1 = affine_map<(d0, d1) -> (0, 0, 0)>
module attributes {stable_mosaic.version = 14 : i64} {
  func.func @_deg_body(%arg0: i32, %arg1: i32, %arg2: memref<320000xi32, #tpu.memory_space<hbm>>, %arg3: memref<2x16x10240xf32, #tpu.memory_space<hbm>>, %arg4: memref<10240xf32, #tpu.memory_space<vmem>>, %arg5: memref<2000xi32, #tpu.memory_space<vmem>>) attributes {dimension_semantics = [#tpu.dimension_semantics<core_parallel>, #tpu.dimension_semantics<subcore_parallel>], iteration_bounds = array<i64: 2, 16>, scalar_prefetch = 0 : i64, scratch_operands = 2 : i64, tpu.core_type = #tpu.core_type<sc_vector_subcore>, window_params = [{transform_indices = #map}, {transform_indices = #map1}]} {
    %mul3A = arith.constant 16 : i32
    %mul3A_0 = arith.muli %arg0, %mul3A : i32
    %add3A = arith.addi %mul3A_0, %arg1 : i32
    %mul3A_1 = arith.constant 10000 : i32
    %mul3A_2 = arith.muli %add3A, %mul3A_1 : i32
    %broadcast_in_dim3A = arith.constant 0.000000e+00 : f32
    %broadcast_in_dim3A_3 = vector.broadcast %broadcast_in_dim3A : f32 to vector<16xf32>
    %scan3A = arith.constant 0 : i32
    %scan3A_4 = arith.constant 0 : i32
    %scan3A_5 = arith.constant 640 : i32
    %scan3A_6 = arith.addi %scan3A_4, %scan3A_5 : i32
    %scan3A_7 = arith.constant 1 : i32
    %scan3A_8 = scf.for %scan3A_19 = %scan3A_4 to %scan3A_6 step %scan3A_7 iter_args(%scan3A_20 = %scan3A) -> (i32)  : i32 {
      %mul3A_21 = arith.constant 16 : i32
      %mul3A_22 = arith.muli %scan3A_19, %mul3A_21 : i32
      %swap3A = arith.index_cast %mul3A_22 : i32 to index
      %swap3A_23 = tpu.vector_load %arg4[%swap3A] {strides = array<i32>} : memref<10240xf32, #tpu.memory_space<vmem>>, vector<16xf32>,
      tpu.vector_store %arg4[%swap3A], %broadcast_in_dim3A_3 {strides = array<i32>} : memref<10240xf32, #tpu.memory_space<vmem>>, vector<16xf32>,
      %scan3A_24 = arith.constant 0 : i32
      scf.yield %scan3A_24 : i32
    }
    %scan3A_9 = arith.constant 640 : i32
    %broadcast_in_dim3A_10 = arith.constant 1.000000e+00 : f32
    %broadcast_in_dim3A_11 = vector.broadcast %broadcast_in_dim3A_10 : f32 to vector<16xf32>
    %scan3A_12 = arith.constant 0 : i32
    %scan3A_13 = arith.constant 0 : i32
    %scan3A_14 = arith.constant 5 : i32
    %scan3A_15 = arith.addi %scan3A_13, %scan3A_14 : i32
    %scan3A_16 = arith.constant 1 : i32
    %scan3A_17 = scf.for %scan3A_19 = %scan3A_13 to %scan3A_15 step %scan3A_16 iter_args(%scan3A_20 = %scan3A_12) -> (i32)  : i32 {
      %mul3A_21 = arith.constant 2000 : i32
      %mul3A_22 = arith.muli %scan3A_19, %mul3A_21 : i32
      %add3A_23 = arith.addi %mul3A_2, %mul3A_22 : i32
      "tpu.region"() ({
        %run_scoped3A = tpu.sem_alloc : memref<!tpu.dma_semaphore, #tpu.memory_space<semaphore_mem>>
        %dma_start3A = tpu.memref_slice %arg2[%add3A_23] : memref<320000xi32, #tpu.memory_space<hbm>> -> memref<2000xi32, #tpu.memory_space<hbm>>
        %dma_start3A_32 = tpu.memref_slice %arg2[%add3A_23] : memref<320000xi32, #tpu.memory_space<hbm>> -> memref<2000xi32, #tpu.memory_space<hbm>>
        tpu.enqueue_dma source(%dma_start3A_32 : memref<2000xi32, #tpu.memory_space<hbm>>) target(%arg5 : memref<2000xi32, #tpu.memory_space<vmem>>) target_semaphore(%run_scoped3A : memref<!tpu.dma_semaphore, #tpu.memory_space<semaphore_mem>>)
        %dma_wait3A = tpu.memref_slice %arg2[%add3A_23] : memref<320000xi32, #tpu.memory_space<hbm>> -> memref<2000xi32, #tpu.memory_space<hbm>>
        %dma_wait3A_33 = tpu.memref_slice %arg2[%add3A_23] : memref<320000xi32, #tpu.memory_space<hbm>> -> memref<2000xi32, #tpu.memory_space<hbm>>
        tpu.wait_dma2 semaphore(%run_scoped3A : memref<!tpu.dma_semaphore, #tpu.memory_space<semaphore_mem>>) src(%dma_wait3A_33 : memref<2000xi32, #tpu.memory_space<hbm>>) dst(%arg5 : memref<2000xi32, #tpu.memory_space<vmem>>)
        tpu.yield
      }) : () -> ()
      %scan3A_24 = arith.constant 0 : i32
      %scan3A_25 = arith.constant 0 : i32
      %scan3A_26 = arith.constant 125 : i32
      %scan3A_27 = arith.addi %scan3A_25, %scan3A_26 : i32
      %scan3A_28 = arith.constant 1 : i32
      %scan3A_29 = scf.for %scan3A_32 = %scan3A_25 to %scan3A_27 step %scan3A_28 iter_args(%scan3A_33 = %scan3A_24) -> (i32)  : i32 {
        %mul3A_34 = arith.constant 16 : i32
        %mul3A_35 = arith.muli %scan3A_32, %mul3A_34 : i32
        %get3A = arith.index_cast %mul3A_35 : i32 to index
        %get3A_36 = tpu.vector_load %arg5[%get3A] {strides = array<i32>} : memref<2000xi32, #tpu.memory_space<vmem>>, vector<16xi32>,
        tpu.vector_store_idx %arg4[%get3A_36], %broadcast_in_dim3A_11 {add = true} : memref<10240xf32, #tpu.memory_space<vmem>>[vector<16xi32>], vector<16xf32>,
        %scan3A_37 = arith.constant 0 : i32
        scf.yield %scan3A_37 : i32
      }
      %scan3A_30 = arith.constant 125 : i32
      %scan3A_31 = arith.constant 0 : i32
      scf.yield %scan3A_31 : i32
    }
    %scan3A_18 = arith.constant 5 : i32
    "tpu.region"() ({
      %run_scoped3A = tpu.sem_alloc : memref<!tpu.dma_semaphore, #tpu.memory_space<semaphore_mem>>
      %dma_start3A = arith.constant 0 : i32
      %dma_start3A_19 = tpu.memref_slice %arg3[%arg0, %arg1, %dma_start3A] : memref<2x16x10240xf32, #tpu.memory_space<hbm>> -> memref<1x1x10240xf32, #tpu.memory_space<hbm>>
      %dma_start3A_20 = tpu.memref_squeeze %dma_start3A_19 : memref<1x1x10240xf32, #tpu.memory_space<hbm>> -> memref<10240xf32, #tpu.memory_space<hbm>>
      %dma_start3A_21 = arith.constant 0 : i32
      %dma_start3A_22 = tpu.memref_slice %arg3[%arg0, %arg1, %dma_start3A_21] : memref<2x16x10240xf32, #tpu.memory_space<hbm>> -> memref<1x1x10240xf32, #tpu.memory_space<hbm>>
      %dma_start3A_23 = tpu.memref_squeeze %dma_start3A_22 : memref<1x1x10240xf32, #tpu.memory_space<hbm>> -> memref<10240xf32, #tpu.memory_space<hbm>>
      tpu.enqueue_dma source(%arg4 : memref<10240xf32, #tpu.memory_space<vmem>>) target(%dma_start3A_23 : memref<10240xf32, #tpu.memory_space<hbm>>) target_semaphore(%run_scoped3A : memref<!tpu.dma_semaphore, #tpu.memory_space<semaphore_mem>>)
      %dma_wait3A = arith.constant 0 : i32
      %dma_wait3A_24 = tpu.memref_slice %arg3[%arg0, %arg1, %dma_wait3A] : memref<2x16x10240xf32, #tpu.memory_space<hbm>> -> memref<1x1x10240xf32, #tpu.memory_space<hbm>>
      %dma_wait3A_25 = tpu.memref_squeeze %dma_wait3A_24 : memref<1x1x10240xf32, #tpu.memory_space<hbm>> -> memref<10240xf32, #tpu.memory_space<hbm>>
      %dma_wait3A_26 = arith.constant 0 : i32
      %dma_wait3A_27 = tpu.memref_slice %arg3[%arg0, %arg1, %dma_wait3A_26] : memref<2x16x10240xf32, #tpu.memory_space<hbm>> -> memref<1x1x10240xf32, #tpu.memory_space<hbm>>
      %dma_wait3A_28 = tpu.memref_squeeze %dma_wait3A_27 : memref<1x1x10240xf32, #tpu.memory_space<hbm>> -> memref<10240xf32, #tpu.memory_space<hbm>>
      tpu.wait_dma2 semaphore(%run_scoped3A : memref<!tpu.dma_semaphore, #tpu.memory_space<semaphore_mem>>) src(%arg4 : memref<10240xf32, #tpu.memory_space<vmem>>) dst(%dma_wait3A_28 : memref<10240xf32, #tpu.memory_space<hbm>>)
      tpu.yield
    }) : () -> ()
    return
  }
}

module attributes {stable_mosaic.version = 14 : i64} {
  func.func @_tc1_body(%arg0: memref<10000x128xf32, #tpu.memory_space<vmem>>, %arg1: memref<128x128xf32, #tpu.memory_space<vmem>>, %arg2: memref<2x16x10240xf32, #tpu.memory_space<vmem>>, %arg3: memref<10000x128xf32, #tpu.memory_space<vmem>>) attributes {dimension_semantics = [], scalar_prefetch = 0 : i64, scratch_operands = 0 : i64, tpu.core_type = #tpu.core_type<tc>} {
    %get3A = arith.constant 0 : index
    %get3A_0 = arith.constant 0 : index
    %get3A_1 = arith.constant 0 : index
    %get3A_2 = vector.load %arg2[%get3A, %get3A_0, %get3A_1] : memref<2x16x10240xf32, #tpu.memory_space<vmem>>, vector<2x16x10240xf32>
    %reshape3A = vector.shape_cast %get3A_2 : vector<2x16x10240xf32> to vector<32x10240xf32>
    %reduce_sum3A = arith.constant dense<0.000000e+00> : vector<10240xf32>
    %reduce_sum3A_3 = vector.multi_reduction <add>, %reshape3A, %reduce_sum3A [0] : vector<32x10240xf32> to vector<10240xf32>
    %slice3A = vector.extract_strided_slice %reduce_sum3A_3 {offsets = [0], sizes = [10000], strides = [1]} : vector<10240xf32> to vector<10000xf32>
    %broadcast_in_dim3A = vector.shape_cast %slice3A : vector<10000xf32> to vector<10000x1xf32>
    %add3A = arith.constant 1.000000e+00 : f32
    %add3A_4 = vector.broadcast %add3A : f32 to vector<10000x1xf32>
    %add3A_5 = arith.addf %broadcast_in_dim3A, %add3A_4 : vector<10000x1xf32>
    %rsqrt3A = math.rsqrt %add3A_5 : vector<10000x1xf32>
    %get3A_6 = arith.constant 0 : index
    %get3A_7 = arith.constant 0 : index
    %get3A_8 = vector.load %arg0[%get3A_6, %get3A_7] : memref<10000x128xf32, #tpu.memory_space<vmem>>, vector<10000x128xf32>
    %get3A_9 = arith.constant 0 : index
    %get3A_10 = arith.constant 0 : index
    %get3A_11 = vector.load %arg1[%get3A_9, %get3A_10] : memref<128x128xf32, #tpu.memory_space<vmem>>, vector<128x128xf32>
    %dot_general3A = arith.constant dense<0.000000e+00> : vector<10000x128xf32>
    %dot_general3A_12 = tpu.matmul %get3A_8, %get3A_11, %dot_general3A {dimension_numbers = #tpu.dot_dimension_numbers<[1], [0], [0], [1], [0, 0, 1, 1], [], []>, transpose_lhs_hint = false} : vector<10000x128xf32>, vector<128x128xf32>, vector<10000x128xf32> -> vector<10000x128xf32>
    %mul3A = vector.broadcast %rsqrt3A : vector<10000x1xf32> to vector<10000x128xf32>
    %mul3A_13 = arith.mulf %mul3A, %dot_general3A_12 : vector<10000x128xf32>
    %swap3A = arith.constant 0 : index
    %swap3A_14 = arith.constant 0 : index
    %swap3A_15 = vector.load %arg3[%swap3A, %swap3A_14] : memref<10000x128xf32, #tpu.memory_space<vmem>>, vector<10000x128xf32>
    tpu.vector_store %arg3[%swap3A, %swap3A_14], %mul3A_13 {strides = array<i32>} : memref<10000x128xf32, #tpu.memory_space<vmem>>, vector<10000x128xf32>,
    return
  }
}

module attributes {stable_mosaic.version = 14 : i64} {
  func.func @_tc2_body(%arg0: memref<2x10240x128xf32, #tpu.memory_space<vmem>>, %arg1: memref<10000x128xf32, #tpu.memory_space<vmem>>, %arg2: memref<2x16x10240xf32, #tpu.memory_space<vmem>>, %arg3: memref<128xf32, #tpu.memory_space<vmem>>, %arg4: memref<128xf32, #tpu.memory_space<vmem>>, %arg5: memref<128xf32, #tpu.memory_space<vmem>>, %arg6: memref<128x128xf32, #tpu.memory_space<vmem>>, %arg7: memref<10000x128xf32, #tpu.memory_space<vmem>>) attributes {dimension_semantics = [], scalar_prefetch = 0 : i64, scratch_operands = 0 : i64, tpu.core_type = #tpu.core_type<tc>} {
    %get3A = arith.constant 0 : index
    %get3A_0 = arith.constant 0 : index
    %get3A_1 = arith.constant 0 : index
    %get3A_2 = vector.load %arg2[%get3A, %get3A_0, %get3A_1] : memref<2x16x10240xf32, #tpu.memory_space<vmem>>, vector<2x16x10240xf32>
    %reshape3A = vector.shape_cast %get3A_2 : vector<2x16x10240xf32> to vector<32x10240xf32>
    %reduce_sum3A = arith.constant dense<0.000000e+00> : vector<10240xf32>
    %reduce_sum3A_3 = vector.multi_reduction <add>, %reshape3A, %reduce_sum3A [0] : vector<32x10240xf32> to vector<10240xf32>
    %slice3A = vector.extract_strided_slice %reduce_sum3A_3 {offsets = [0], sizes = [10000], strides = [1]} : vector<10240xf32> to vector<10000xf32>
    %broadcast_in_dim3A = vector.shape_cast %slice3A : vector<10000xf32> to vector<10000x1xf32>
    %add3A = arith.constant 1.000000e+00 : f32
    %add3A_4 = vector.broadcast %add3A : f32 to vector<10000x1xf32>
    %add3A_5 = arith.addf %broadcast_in_dim3A, %add3A_4 : vector<10000x1xf32>
    %rsqrt3A = math.rsqrt %add3A_5 : vector<10000x1xf32>
    %get3A_6 = arith.constant 0 : index
    %get3A_7 = arith.constant 0 : index
    %get3A_8 = arith.constant 0 : index
    %get3A_9 = vector.load %arg0[%get3A_6, %get3A_7, %get3A_8] : memref<2x10240x128xf32, #tpu.memory_space<vmem>>, vector<1x10000x128xf32>
    %get3A_10 = vector.shape_cast %get3A_9 : vector<1x10000x128xf32> to vector<10000x128xf32>
    %get3A_11 = arith.constant 1 : index
    %get3A_12 = arith.constant 0 : index
    %get3A_13 = arith.constant 0 : index
    %get3A_14 = vector.load %arg0[%get3A_11, %get3A_12, %get3A_13] : memref<2x10240x128xf32, #tpu.memory_space<vmem>>, vector<1x10000x128xf32>
    %get3A_15 = vector.shape_cast %get3A_14 : vector<1x10000x128xf32> to vector<10000x128xf32>
    %add3A_16 = arith.addf %get3A_10, %get3A_15 : vector<10000x128xf32>
    %get3A_17 = arith.constant 0 : index
    %get3A_18 = arith.constant 0 : index
    %get3A_19 = vector.load %arg1[%get3A_17, %get3A_18] : memref<10000x128xf32, #tpu.memory_space<vmem>>, vector<10000x128xf32>
    %add3A_20 = arith.addf %add3A_16, %get3A_19 : vector<10000x128xf32>
    %mul3A = vector.broadcast %rsqrt3A : vector<10000x1xf32> to vector<10000x128xf32>
    %mul3A_21 = arith.mulf %mul3A, %add3A_20 : vector<10000x128xf32>
    %get3A_22 = arith.constant 0 : index
    %get3A_23 = vector.load %arg3[%get3A_22] : memref<128xf32, #tpu.memory_space<vmem>>, vector<128xf32>
    %broadcast_in_dim3A_24 = vector.shape_cast %get3A_23 : vector<128xf32> to vector<1x128xf32>
    %add3A_25 = vector.broadcast %broadcast_in_dim3A_24 : vector<1x128xf32> to vector<10000x128xf32>
    %add3A_26 = arith.addf %mul3A_21, %add3A_25 : vector<10000x128xf32>
    %reduce_sum3A_27 = arith.constant dense<0.000000e+00> : vector<128xf32>
    %reduce_sum3A_28 = vector.multi_reduction <add>, %add3A_26, %reduce_sum3A_27 [0] : vector<10000x128xf32> to vector<128xf32>
    %broadcast_in_dim3A_29 = vector.shape_cast %reduce_sum3A_28 : vector<128xf32> to vector<1x128xf32>
    %div3A = arith.constant 1.000000e+04 : f32
    %div3A_30 = vector.broadcast %div3A : f32 to vector<1x128xf32>
    %div3A_31 = arith.divf %broadcast_in_dim3A_29, %div3A_30 : vector<1x128xf32>
    %sub3A = vector.broadcast %div3A_31 : vector<1x128xf32> to vector<10000x128xf32>
    %sub3A_32 = arith.subf %add3A_26, %sub3A : vector<10000x128xf32>
    %sub3A_33 = vector.broadcast %div3A_31 : vector<1x128xf32> to vector<10000x128xf32>
    %sub3A_34 = arith.subf %add3A_26, %sub3A_33 : vector<10000x128xf32>
    %mul3A_35 = arith.mulf %sub3A_32, %sub3A_34 : vector<10000x128xf32>
    %reduce_sum3A_36 = arith.constant dense<0.000000e+00> : vector<128xf32>
    %reduce_sum3A_37 = vector.multi_reduction <add>, %mul3A_35, %reduce_sum3A_36 [0] : vector<10000x128xf32> to vector<128xf32>
    %broadcast_in_dim3A_38 = vector.shape_cast %reduce_sum3A_37 : vector<128xf32> to vector<1x128xf32>
    %div3A_39 = arith.constant 1.000000e+04 : f32
    %div3A_40 = vector.broadcast %div3A_39 : f32 to vector<1x128xf32>
    %div3A_41 = arith.divf %broadcast_in_dim3A_38, %div3A_40 : vector<1x128xf32>
    %sub3A_42 = vector.broadcast %div3A_31 : vector<1x128xf32> to vector<10000x128xf32>
    %sub3A_43 = arith.subf %add3A_26, %sub3A_42 : vector<10000x128xf32>
    %add3A_44 = arith.constant 9.99999974E-6 : f32
    %add3A_45 = vector.broadcast %add3A_44 : f32 to vector<1x128xf32>
    %add3A_46 = arith.addf %div3A_41, %add3A_45 : vector<1x128xf32>
    %rsqrt3A_47 = math.rsqrt %add3A_46 : vector<1x128xf32>
    %mul3A_48 = vector.broadcast %rsqrt3A_47 : vector<1x128xf32> to vector<10000x128xf32>
    %mul3A_49 = arith.mulf %sub3A_43, %mul3A_48 : vector<10000x128xf32>
    %get3A_50 = arith.constant 0 : index
    %get3A_51 = vector.load %arg4[%get3A_50] : memref<128xf32, #tpu.memory_space<vmem>>, vector<128xf32>
    %broadcast_in_dim3A_52 = vector.shape_cast %get3A_51 : vector<128xf32> to vector<1x128xf32>
    %mul3A_53 = vector.broadcast %broadcast_in_dim3A_52 : vector<1x128xf32> to vector<10000x128xf32>
    %mul3A_54 = arith.mulf %mul3A_49, %mul3A_53 : vector<10000x128xf32>
    %get3A_55 = arith.constant 0 : index
    %get3A_56 = vector.load %arg5[%get3A_55] : memref<128xf32, #tpu.memory_space<vmem>>, vector<128xf32>
    %broadcast_in_dim3A_57 = vector.shape_cast %get3A_56 : vector<128xf32> to vector<1x128xf32>
    %add3A_58 = vector.broadcast %broadcast_in_dim3A_57 : vector<1x128xf32> to vector<10000x128xf32>
    %add3A_59 = arith.addf %mul3A_54, %add3A_58 : vector<10000x128xf32>
    %max3A = arith.constant 0.000000e+00 : f32
    %max3A_60 = vector.broadcast %max3A : f32 to vector<10000x128xf32>
    %max3A_61 = arith.maximumf %add3A_59, %max3A_60 : vector<10000x128xf32>
    %get3A_62 = arith.constant 0 : index
    %get3A_63 = arith.constant 0 : index
    %get3A_64 = vector.load %arg6[%get3A_62, %get3A_63] : memref<128x128xf32, #tpu.memory_space<vmem>>, vector<128x128xf32>
    %dot_general3A = arith.constant dense<0.000000e+00> : vector<10000x128xf32>
    %dot_general3A_65 = tpu.matmul %max3A_61, %get3A_64, %dot_general3A {dimension_numbers = #tpu.dot_dimension_numbers<[1], [0], [0], [1], [0, 0, 1, 1], [], []>, transpose_lhs_hint = false} : vector<10000x128xf32>, vector<128x128xf32>, vector<10000x128xf32> -> vector<10000x128xf32>
    %mul3A_66 = vector.broadcast %rsqrt3A : vector<10000x1xf32> to vector<10000x128xf32>
    %mul3A_67 = arith.mulf %mul3A_66, %dot_general3A_65 : vector<10000x128xf32>
    %swap3A = arith.constant 0 : index
    %swap3A_68 = arith.constant 0 : index
    %swap3A_69 = vector.load %arg7[%swap3A, %swap3A_68] : memref<10000x128xf32, #tpu.memory_space<vmem>>, vector<10000x128xf32>
    tpu.vector_store %arg7[%swap3A, %swap3A_68], %mul3A_67 {strides = array<i32>} : memref<10000x128xf32, #tpu.memory_space<vmem>>, vector<10000x128xf32>,
    return
  }
}

module attributes {stable_mosaic.version = 14 : i64} {
  func.func @_tc3_body(%arg0: memref<2x10240x128xf32, #tpu.memory_space<vmem>>, %arg1: memref<10000x128xf32, #tpu.memory_space<vmem>>, %arg2: memref<2x16x10240xf32, #tpu.memory_space<vmem>>, %arg3: memref<128xf32, #tpu.memory_space<vmem>>, %arg4: memref<128x70xf32, #tpu.memory_space<vmem>>, %arg5: memref<70xf32, #tpu.memory_space<vmem>>, %arg6: memref<10000x70xf32, #tpu.memory_space<vmem>>) attributes {dimension_semantics = [], scalar_prefetch = 0 : i64, scratch_operands = 0 : i64, tpu.core_type = #tpu.core_type<tc>} {
    %get3A = arith.constant 0 : index
    %get3A_0 = arith.constant 0 : index
    %get3A_1 = arith.constant 0 : index
    %get3A_2 = vector.load %arg2[%get3A, %get3A_0, %get3A_1] : memref<2x16x10240xf32, #tpu.memory_space<vmem>>, vector<2x16x10240xf32>
    %reshape3A = vector.shape_cast %get3A_2 : vector<2x16x10240xf32> to vector<32x10240xf32>
    %reduce_sum3A = arith.constant dense<0.000000e+00> : vector<10240xf32>
    %reduce_sum3A_3 = vector.multi_reduction <add>, %reshape3A, %reduce_sum3A [0] : vector<32x10240xf32> to vector<10240xf32>
    %slice3A = vector.extract_strided_slice %reduce_sum3A_3 {offsets = [0], sizes = [10000], strides = [1]} : vector<10240xf32> to vector<10000xf32>
    %broadcast_in_dim3A = vector.shape_cast %slice3A : vector<10000xf32> to vector<10000x1xf32>
    %add3A = arith.constant 1.000000e+00 : f32
    %add3A_4 = vector.broadcast %add3A : f32 to vector<10000x1xf32>
    %add3A_5 = arith.addf %broadcast_in_dim3A, %add3A_4 : vector<10000x1xf32>
    %rsqrt3A = math.rsqrt %add3A_5 : vector<10000x1xf32>
    %get3A_6 = arith.constant 0 : index
    %get3A_7 = arith.constant 0 : index
    %get3A_8 = arith.constant 0 : index
    %get3A_9 = vector.load %arg0[%get3A_6, %get3A_7, %get3A_8] : memref<2x10240x128xf32, #tpu.memory_space<vmem>>, vector<1x10000x128xf32>
    %get3A_10 = vector.shape_cast %get3A_9 : vector<1x10000x128xf32> to vector<10000x128xf32>
    %get3A_11 = arith.constant 1 : index
    %get3A_12 = arith.constant 0 : index
    %get3A_13 = arith.constant 0 : index
    %get3A_14 = vector.load %arg0[%get3A_11, %get3A_12, %get3A_13] : memref<2x10240x128xf32, #tpu.memory_space<vmem>>, vector<1x10000x128xf32>
    %get3A_15 = vector.shape_cast %get3A_14 : vector<1x10000x128xf32> to vector<10000x128xf32>
    %add3A_16 = arith.addf %get3A_10, %get3A_15 : vector<10000x128xf32>
    %get3A_17 = arith.constant 0 : index
    %get3A_18 = arith.constant 0 : index
    %get3A_19 = vector.load %arg1[%get3A_17, %get3A_18] : memref<10000x128xf32, #tpu.memory_space<vmem>>, vector<10000x128xf32>
    %add3A_20 = arith.addf %add3A_16, %get3A_19 : vector<10000x128xf32>
    %mul3A = vector.broadcast %rsqrt3A : vector<10000x1xf32> to vector<10000x128xf32>
    %mul3A_21 = arith.mulf %mul3A, %add3A_20 : vector<10000x128xf32>
    %get3A_22 = arith.constant 0 : index
    %get3A_23 = vector.load %arg3[%get3A_22] : memref<128xf32, #tpu.memory_space<vmem>>, vector<128xf32>
    %broadcast_in_dim3A_24 = vector.shape_cast %get3A_23 : vector<128xf32> to vector<1x128xf32>
    %add3A_25 = vector.broadcast %broadcast_in_dim3A_24 : vector<1x128xf32> to vector<10000x128xf32>
    %add3A_26 = arith.addf %mul3A_21, %add3A_25 : vector<10000x128xf32>
    %get3A_27 = arith.constant 0 : index
    %get3A_28 = arith.constant 0 : index
    %get3A_29 = vector.load %arg4[%get3A_27, %get3A_28] : memref<128x70xf32, #tpu.memory_space<vmem>>, vector<128x70xf32>
    %dot_general3A = arith.constant dense<0.000000e+00> : vector<10000x70xf32>
    %dot_general3A_30 = tpu.matmul %add3A_26, %get3A_29, %dot_general3A {dimension_numbers = #tpu.dot_dimension_numbers<[1], [0], [0], [1], [0, 0, 1, 1], [], []>, transpose_lhs_hint = false} : vector<10000x128xf32>, vector<128x70xf32>, vector<10000x70xf32> -> vector<10000x70xf32>
    %get3A_31 = arith.constant 0 : index
    %get3A_32 = vector.load %arg5[%get3A_31] : memref<70xf32, #tpu.memory_space<vmem>>, vector<70xf32>
    %broadcast_in_dim3A_33 = vector.shape_cast %get3A_32 : vector<70xf32> to vector<1x70xf32>
    %add3A_34 = vector.broadcast %broadcast_in_dim3A_33 : vector<1x70xf32> to vector<10000x70xf32>
    %add3A_35 = arith.addf %dot_general3A_30, %add3A_34 : vector<10000x70xf32>
    %swap3A = arith.constant 0 : index
    %swap3A_36 = arith.constant 0 : index
    %swap3A_37 = vector.load %arg6[%swap3A, %swap3A_36] : memref<10000x70xf32, #tpu.memory_space<vmem>>, vector<10000x70xf32>
    tpu.vector_store %arg6[%swap3A, %swap3A_36], %add3A_35 {strides = array<i32>} : memref<10000x70xf32, #tpu.memory_space<vmem>>, vector<10000x70xf32>,
    return
  }
}

</mosaic_0001>

<sc_bundles>
// kernel: kernel.11.cloned.1.call-start
scs
__scs_entry_jumppad:
0x0: {  	(pc) =	sbr.rel $0x88, $3  }
0x1: {  	(tag) =	ssettag $0x0;
	lr =	simm.s32 $0x1  }
0x2: {  	[smem:$0x3F97] =	sst lr;
	_ =	strace $0xD0000000  }
0x3: {  	_ = 	snop  }
0x4: {  	_ = 	snop  }
0x5: {  	_ = 	snop  }
0x6: {  	_ = 	snop  }
0x7: {  	_ = 	snop  }
__scs_overlays_trampoline_lowered:
0x8: {  	[smem:$0x3FA6] =	sst s0  }
0x9: {  	[smem:$0x3FA7] =	sst s1  }
0xa: {  	[smem:$0x3FA8] =	sst s2  }
0xb: {  	[smem:$0x3FA9] =	sst s3  }
0xc: {  	[smem:$0x3FAA] =	sst s4  }
0xd: {  	[smem:$0x3FAB] =	sst s5  }
0xe: {  	[smem:$0x3FAC] =	sst s6  }
0xf: {  	[smem:$0x3FAD] =	sst s7  }
0x10: {  	[smem:$0x3FAE] =	sst s8  }
0x11: {  	[smem:$0x3FAF] =	sst s9;
	s0 =	simm.s32 @!p0 $0x0  }
0x12: {  	s1 =	sld [smem:$0x3F95];
	s0 =	simm.s32 @p0 $0x1  }
0x13: {  	[smem:$0x3FB0] =	sst s0;
	s0 =	simm.s32 @!p1 $0x0  }
0x14: {  	s2 =	sld [smem:$0x3F94];
	s0 =	simm.s32 @p1 $0x1  }
0x15: {  	[smem:$0x3FB1] =	sst s0;
	s0 =	simm.s32 @!p2 $0x0  }
0x16: {  	s3 =	sld [smem:$0x3FDB];
	s0 =	simm.s32 @p2 $0x1  }
0x17: {  	s4 =	simm.s32 $0x1BF5;
	[smem:$0x3FB3] =	sst s0  }
0x18: {  	s0 =	sld [smem:$0x3F96];
	_ =	swait.ge [sflag:s4], $0x0  }
0x19: {  	s7 =	sld [smem:$0x3F97]  }
0x1a: {  	s8 =	sadd.s32 $0xFFFFE003, lr  }
0x1b: {  	s9 =	sadd.s32 $0xFFFFFEF7, lr;
	s5 =	simm.s32 $0xFFFFFFFF;
	p2 =	slt.u32 s8, $0xFFFFF086  }
0x1c: {  	p1 =	slt.u32 s9, $0xF7A;
	s5 =	simm.s32 @!p2 $0x0  }
0x1d: {  	s5 =	simm.s32 @p1 $0x1;
	p0 =	seq.s32 s7, s2  }
0x1e: {  	s7 =	smul.u32 @!p0 $0xF7A, s2;
	p2 =	seq.s32 @!p0 s5, $0x0  }
0x1f: {  	s9 =	smul.u32 $0xF7A, s1;
	s8 =	simm.s32 @!p0 $0x1BF5;
	p2 =	por !p2, p0  }
0x20: {  	[sflag:s8] =	ssyncset.s32 @!p0 $0xFFFFF086;
	s6 =	sadd.s32 @!p0 s3, s7;
	s7 =	simm.s32 @!p0 $0x108  }
0x21: {  	s3 =	sadd.s32 s3, s9;
	s6 =	sadd.s32 @!p0 $0x88, s6;
	s7 =	simm.s32 @p2 $0x1082  }
0x22: {  	[simem:s7], [sflag:s8] =	dma.local @!p0 [hbm:s6], $0xF7A  }
0x23: {  	s9 =	sor.u32 $0xD0000000, s2;
	s6 =	simm.s32 $0x108;
	_ =	swait.ge @!p0 [sflag:s8], $0x0  }
0x24: {  	s3 =	sadd.s32 $0x88, s3;
	s6 =	simm.s32 @!p1 $0x1082;
	[sflag:s4] =	ssyncset.s32 $0xFFFFF086  }
0x25: {  	[simem:s6], [sflag:s4] =	dma.local [hbm:s3], $0xF7A  }
0x26: {  	[smem:$0x3F97] =	sst s1;
	(tag) =	ssettag s2;
	_ =	strace s9  }
0x27: {  	s1 =	sld [smem:$0x3FA7]  }
0x28: {  	s2 =	sld [smem:$0x3FA8]  }
0x29: {  	s4 =	sld [smem:$0x3FAA]  }
0x2a: {  	p0 =	seq.s32 s5, $0x0;
	s5 =	sld [smem:$0x3FAB]  }
0x2b: {  	s6 =	sld [smem:$0x3FAC]  }
0x2c: {  	s7 =	sld [smem:$0x3FAD]  }
0x2d: {  	s3 =	simm.s32 $0x108;
	s8 =	sld [smem:$0x3FAE]  }
0x2e: {  	s3 =	simm.s32 @!p0 $0x1082;
	s9 =	sld [smem:$0x3FAF]  }
0x2f: {  	lr =	sadd.s32 s0, s3;
	s0 =	sld [smem:$0x3FA6]  }
0x30: {  	s3 =	sld [smem:$0x3FA9]  }
0x31: {  	[smem:$0x3FB2] =	sst s10  }
0x32: {  	s10 =	sld [smem:$0x3FB0];
	_ =	sdelay $0x3  }
0x33: {  	p0 =	seq.s32 s10, $0x1;
	s10 =	sld [smem:$0x3FB2];
	_ =	sdelay $0x3  }
0x34: {  	[smem:$0x3FB2] =	sst s10  }
0x35: {  	s10 =	sld [smem:$0x3FB1];
	_ =	sdelay $0x3  }
0x36: {  	p1 =	seq.s32 s10, $0x1;
	s10 =	sld [smem:$0x3FB2];
	_ =	sdelay $0x3  }
0x37: {  	[smem:$0x3FB2] =	sst s10  }
0x38: {  	s10 =	sld [smem:$0x3FB3]  }
0x39: {  	_ = 	snop;
	(pc) =	sbr.ind lr, $3  }
0x3a: {  	_ = 	snop  }
0x3b: {  	_ = 	snop  }
0x3c: {  	p2 =	seq.s32 s10, $0x1;
	s10 =	sld [smem:$0x3FB2]  }
0x3d: {  	_ =	shalt  }
0x3e: {  	_ =	shalt  }
0x3f: {  	_ =	shalt  }
0x40: {  	_ =	shalt  }
0x41: {  	_ =	shalt  }
0x42: {  	_ =	shalt  }
0x43: {  	_ =	shalt  }
0x44: {  	_ =	shalt  }
0x45: {  	_ =	shalt  }
0x46: {  	_ =	shalt  }
0x47: {  	_ =	shalt  }
0x48: {  	_ =	shalt  }
0x49: {  	_ =	shalt  }
0x4a: {  	_ =	shalt  }
0x4b: {  	_ =	shalt  }
0x4c: {  	_ =	shalt  }
0x4d: {  	_ =	shalt  }
0x4e: {  	_ =	shalt  }
0x4f: {  	_ =	shalt  }
0x50: {  	_ =	shalt  }
0x51: {  	_ =	shalt  }
0x52: {  	_ =	shalt  }
0x53: {  	_ =	shalt  }
0x54: {  	_ =	shalt  }
0x55: {  	_ =	shalt  }
0x56: {  	_ =	shalt  }
0x57: {  	_ =	shalt  }
0x58: {  	_ =	shalt  }
0x59: {  	_ =	shalt  }
0x5a: {  	_ =	shalt  }
0x5b: {  	_ =	shalt  }
0x5c: {  	_ =	shalt  }
0x5d: {  	_ =	shalt  }
0x5e: {  	_ =	shalt  }
0x5f: {  	_ =	shalt  }
0x60: {  	_ =	shalt  }
0x61: {  	_ =	shalt  }
0x62: {  	_ =	shalt  }
0x63: {  	_ =	shalt  }
0x64: {  	_ =	shalt  }
0x65: {  	_ =	shalt  }
0x66: {  	_ =	shalt  }
0x67: {  	_ =	shalt  }
0x68: {  	_ =	shalt  }
0x69: {  	_ =	shalt  }
0x6a: {  	_ =	shalt  }
0x6b: {  	_ =	shalt  }
0x6c: {  	_ =	shalt  }
0x6d: {  	_ =	shalt  }
0x6e: {  	_ =	shalt  }
0x6f: {  	_ =	shalt  }
0x70: {  	_ =	shalt  }
0x71: {  	_ =	shalt  }
0x72: {  	_ =	shalt  }
0x73: {  	_ =	shalt  }
0x74: {  	_ =	shalt  }
0x75: {  	_ =	shalt  }
0x76: {  	_ =	shalt  }
0x77: {  	_ =	shalt  }
0x78: {  	_ =	shalt  }
0x79: {  	_ =	shalt  }
0x7a: {  	_ =	shalt  }
0x7b: {  	_ =	shalt  }
0x7c: {  	_ =	shalt  }
0x7d: {  	_ =	shalt  }
0x7e: {  	_ =	shalt  }
0x7f: {  	_ =	shalt  }
0x80: {  	_ =	shalt  }
0x81: {  	_ =	shalt  }
0x82: {  	_ =	shalt  }
0x83: {  	_ =	shalt  }
0x84: {  	_ =	shalt  }
0x85: {  	_ =	shalt  }
0x86: {  	_ =	shalt  }
0x87: {  	_ =	shalt  }
.Lfunc_end0:
.L_simem_size_0:
called_computation.1_lowered:
.L_overlay_start_0:
0x88: {  	s2 =	sld [smem:$0x3FD9]  }
0x89: {  	s3 =	sld [smem:$0x3FFE];
	_ =	sdelay $0x1  }
0x8a: {  	s1 =	srdreg.scid  }
0x8b: {  	s0 =	sand.u32 $0x1, s1  }
0x8c: {  	s17 =	sshll.u32 s0, $0xA;
	s2 =	sadd.s32 s3, s2  }
0x8d: {  	s2 =	sadd.s32 s2, s17  }
0x8e: {  	[smem:$0x3FBE] =	sst s2  }
0x8f: {  	_ = 	snop  }
0x90: {  	s2 =	sld [smem:$0x3FD0];
	(tm) =	ssettm $0x1  }
0x91: {  	s18 =	sld [smem:$0x3FFB];
	_ =	sdelay $0x3  }
0x92: {  	_ =	strace s18  }
0x93: {  	s3 =	sld [smem:$0x3FFC];
	_ =	sdelay $0x3  }
0x94: {  	_ =	strace s3  }
0x95: {  	s3 =	sld [smem:$0x3FFD];
	_ =	sdelay $0x3  }
0x96: {  	_ =	strace s3  }
0x97: {  	_ =	strace $0x8FFFFFFF  }
0x98: {  	s19 =	sld [smem:$0x3FDB];
	_ =	sdelay $0x1  }
0x99: {  	s4 =	simm.s32 $_scs_section_size  }
0x9a: {  	s5 =	simm.s32 $_size__tile_overlayer_lowered;
	s6 =	simm.s32 $_tile_overlayer_lowered  }
0x9b: {  	s22 =	simm.s32 $0x1BFF;
	s21 =	sshll.u32 s6, $0x1;
	s3 =	sadd.s32 s4, s19  }
0x9c: {  	s7 =	simm.s32 $0x0;
	s20 =	sshll.u32 s5, $0x1;
	s5 =	sadd.s32 s21, s3  }
0x9d: {  	[timem:s7], [sflag:s22] =	dma.local [hbm:s5], s20  }
0x9e: {  	_ =	swait.ge [sflag:s22], s20  }
0x9f: {  	s4 =	ssub.s32 $0x0, s20;
	[sflag:s22] =	ssyncset.done $0x0  }
0xa0: {  	[sflag:s22] =	ssyncadd.s32 s4;
	_ =	sdelay $0x1  }
0xa1: {  	s23 =	simm.s32 $0x1B8B  }
0xa2: {  	_ =	swait.ge [sflag:s23], $0x1  }
0xa3: {  	[sflag:s23] =	ssyncset.done $0x0  }
0xa4: {  	s25 =	simm.s32 $0x1B8E;
	s24 =	sld [smem:$0x3FFE];
	[sflag:s23] =	ssyncadd.s32 $0xFFFFFFFF  }
0xa5: {  	s26 =	simm.s32 $execute0_lowered;
	[smem:$0x3FD2] =	sst s25  }
0xa6: {  	s5 =	sshll.u32 s26, $0x1;
	_ =	strace $0x80000049;
	[dreg:$0x1] =	wrdreg $0xFFFFFFFF  }
0xa7: {  	s28 =	simm.s32 $_size_execute0_lowered;
	s3 =	sadd.s32 s3, s5;
	[dreg:$0x0] =	wrdreg $0x0  }
0xa8: {  	s5 =	sshll.u32 s28, $0x1;
	[dreg:$0x2] =	wrdreg s3  }
0xa9: {  	[dreg:$0x3] =	wrdreg s5  }
0xaa: {  	[dreg:$0x4] =	wrdreg $0xC0  }
0xab: {  	_ =	task [dreg:s7], $0x5FFFF  }
0xac: {  	[dreg:$0x1] =	wrdreg $0xFFFFFFFF  }
0xad: {  	[dreg:$0x0] =	wrdreg $0x60  }
0xae: {  	[dreg:$0x2] =	wrdreg s24  }
0xaf: {  	[dreg:$0x3] =	wrdreg s2  }
0xb0: {  	[dreg:$0x4] =	wrdreg $0xA8000  }
0xb1: {  	[dreg:$0x5] =	wrdreg $0x9  }
0xb2: {  	_ =	task.clear_ibuf [dreg:s7], $0x6FFFF;
	_ =	strace $0x90000049  }
0xb3: {  	s29 =	simm.s32 $0x9;
	_ =	strace $0x8000004B  }
0xb4: {  	_ =	swait.ge [sflag:s29], $0x1  }
0xb5: {  	[sflag:s29] =	ssyncadd.s32 $0xFFFFFFFF  }
0xb6: {  	_ =	strace $0x9000004B  }
0xb7: {  	_ =	sfence  }
0xb8: {  	s30 =	sld [smem:$0x0];
	_ =	sdelay $0x2  }
0xb9: {  	s31 =	sshll.u32 s1, $0xD;
	s1 =	sshrl.u32 s1, $0x2  }
0xba: {  	s3 =	sand.u32 $0x4000, s31;
	s1 =	sadd.s32 s1, s30  }
0xbb: {  	s0 =	sor.u32 s3, s0;
	s1 =	sshll.u32 s1, $0x11  }
0xbc: {  	s0 =	sor.u32 s1, s0  }
0xbd: {  	s0 =	sadd.s32 $0x8F2B, s0  }
0xbe: {  	[sflag:s0] =	ssyncadd.remote.s32 $0x1  }
0xbf: {  	_ =	sfence.sel $0xFFFF  }
0xc0: {  	[dreg:$0x0] =	wrdreg $0xFFFFFFFF;
	(pc) =	sbr.abs _section_cstart, $3  }
0xc1: {  	[dreg:$0x1] =	wrdreg $0xFFFFFFFF  }
0xc2: {  	_ =	task.clear_ibuf [dreg:s7], $0x2FFFF;
	_ =	strace $0x9FFFFFFF  }
0xc3: {  	(tm) =	ssettm $0x7FFFFFFF  }
tec
execute0_lowered:
.L_overlay_start_1:
0x0: {  	(tag) =	ssettag $0x1  }
0x1: {  	s1 =	rddreg [dreg:$0x0]  }
0x2: {  	s0 =	rddreg [dreg:$0x1];
	s3 =	srdreg.scid  }
0x3: {  	s2 =	rddreg [dreg:$0x2];
	s8 =	stileid.u32  }
0x4: {  	s28 =	simm.s32 $0x5800;
	s29 =	simm.s32 $0x8000;
	s6 =	smul.u32 $0x3E80, s8  }
0x5: {  	s30 =	simm.s32 $0x2;
	s31 =	simm.s32 $0x3;
	s23 =	smul.u32 $0x50000, s8  }
0x6: {  	s9 =	sand.u32 $0x1, s3;
	s3 =	simm.s32 $0x0;
	s12 =	smul.u32 $0x14000, s8  }
0x7: {  	s4 =	sadd.s32 $0x26400, s1;
	s5 =	smul.u32 $0x3E800, s9;
	[smem:$0x7FF] =	sst s3  }
0x8: {  	s22 =	ssub.s32 $0x2, s9;
	s20 =	smul.u32 $0x140000, s9;
	_ =	strace $0x8000004A  }
0x9: {  	s7 =	sshrl.u32 s22, $0x1;
	s24 =	sshrl.u32 s23, $0x2;
	s16 =	sor.u32 $0x2800, s12  }
0xa: {  	s17 =	sadd.s32 $0x5000, s12;
	s18 =	sadd.s32 $0x7800, s12;
	s19 =	sadd.s32 $0xA000, s12  }
0xb: {  	s21 =	sadd.s32 $0xC800, s12;
	s5 =	sadd.s32 s6, s5;
	s15 =	ssub.s32 s22, s7  }
0xc: {  	s6 =	sadd.s32 s16, s2;
	s7 =	sadd.s32 s17, s2;
	s8 =	sadd.s32 s18, s2  }
0xd: {  	s9 =	sadd.s32 s19, s2;
	s22 =	sadd.s32 $0xF000, s12;
	s10 =	sadd.s32 s21, s2  }
0xe: {  	s23 =	sadd.s32 s12, s20;
	s12 =	sadd.s32 $0x11800, s12;
	s16 =	sadd.s32 s20, s16  }
0xf: {  	s17 =	sadd.s32 s20, s17;
	s18 =	sadd.s32 s20, s18;
	s19 =	sadd.s32 s20, s19  }
0x10: {  	s21 =	sadd.s32 s20, s21;
	s13 =	sshrl.u32 s5, $0x3;
	s5 =	sadd.s32 s24, s2  }
0x11: {  	s11 =	sadd.s32 s22, s2;
	s23 =	sshrl.u32 s23, $0x3;
	s22 =	sadd.s32 s20, s22  }
0x12: {  	s20 =	sadd.s32 s20, s12;
	s12 =	sadd.s32 s12, s2;
	s16 =	sshrl.u32 s16, $0x3  }
0x13: {  	s25 =	sshrl.u32 s17, $0x3;
	s14 =	sadd.s32 s13, s1;
	s1 =	sadd.s32 $0x4D600, s1  }
0x14: {  	s26 =	sshrl.u32 s18, $0x3;
	s19 =	sshrl.u32 s19, $0x3;
	s23 =	sadd.s32 s1, s23  }
0x15: {  	s24 =	sshrl.u32 s22, $0x3;
	s16 =	sadd.s32 s1, s16;
	[dreg:$0x4] =	wrdreg s23  }
0x16: {  	s18 =	sadd.s32 s1, s26;
	s26 =	sshrl.u32 s20, $0x3;
	[dreg:$0x5] =	wrdreg s16  }
0x17: {  	s16 =	sadd.s32 s1, s25;
	[dreg:$0x7] =	wrdreg s18;
	s23 =	sshrl.u32 s21, $0x3  }
0x18: {  	s25 =	sadd.s32 s1, s24;
	s20 =	sadd.s32 s1, s26;
	s21 =	smax.u32 s15, $0x1  }
0x19: {  	s15 =	sadd.s32 $0x16A00, s14;
	s14 =	sadd.s32 s13, s0;
	[dreg:$0x6] =	wrdreg s16  }
0x1a: {  	s24 =	simm.s32 $0x800;
	s16 =	sadd.s32 s1, s19;
	[dreg:$0xa] =	wrdreg s25  }
0x1b: {  	s26 =	simm.s32 $0x3000;
	[dreg:$0x8] =	wrdreg s16;
	s16 =	sadd.s32 s1, s23  }
0x1c: {  	v0 =	vimm.f32 $0.0e+00;
	s0 =	simm.s32 $0x0;
	s25 =	simm.s32 $0x4;
	[dreg:$0x9] =	wrdreg s16  }
.LBB2_1:
0x1d: {  	s1 =	simm.s32 $0x0;
	s13 =	simm.s32 $0x200  }
.LBB2_2:
0x1e: {  	p0 =	sne.s32 s13, $0x9E00;
	[tilespmem:s1+$0x870] =	vst v0  }
0x1f: {  	[tilespmem:s1+$0x800] =	vst v0  }
0x20: {  	[tilespmem:s1+$0x810] =	vst v0  }
.Ltmp0:
0x21: {  	[tilespmem:s1+$0x820] =	vst v0;
	(pc) =	sbr.rel @p0 .LBB2_2-.Ltmp0, $4  }
0x22: {  	[tilespmem:s1+$0x830] =	vst v0  }
0x23: {  	[tilespmem:s1+$0x840] =	vst v0  }
0x24: {  	[tilespmem:s1+$0x850] =	vst v0  }
0x25: {  	[tilespmem:s1+$0x860] =	vst v0;
	s1 =	sshra.s32 s13, $0x2;
	s13 =	sadd.s32 $0x200, s13  }
0x26: {  	[tilespmem:s1+$0x870] =	vst v0  }
0x27: {  	[tilespmem:s1+$0x800] =	vst v0  }
0x28: {  	[tilespmem:s1+$0x810] =	vst v0  }
0x29: {  	[tilespmem:s1+$0x820] =	vst v0  }
0x2a: {  	[tilespmem:s1+$0x830] =	vst v0  }
0x2b: {  	[tilespmem:s1+$0x840] =	vst v0  }
0x2c: {  	[tilespmem:s1+$0x850] =	vst v0  }
0x2d: {  	[tilespmem:s1+$0x860] =	vst v0  }
0x2e: {  	[spmem:s5] =	stream.linear.scatter [tilespmem:s24], [sflag:$0x4], $0x2800, $0x38;
	[tilespmem:$0x1E800] =	vst v63  }
0x2f: {  	_ =	swait.ge [sflag:s25], $0x2800  }
0x30: {  	[sflag:s25] =	ssyncset.done $0x0  }
0x31: {  	[sflag:s25] =	ssyncadd.s32 $0xFFFFD800  }
0x32: {  	[spmem:s6] =	stream.linear.scatter [tilespmem:s24], [sflag:$0x4], $0x2800, $0x38;
	[tilespmem:$0x1E800] =	vst v63  }
0x33: {  	_ =	swait.ge [sflag:s25], $0x2800  }
0x34: {  	[sflag:s25] =	ssyncset.done $0x0  }
0x35: {  	[sflag:s25] =	ssyncadd.s32 $0xFFFFD800  }
0x36: {  	[spmem:s7] =	stream.linear.scatter [tilespmem:s24], [sflag:$0x4], $0x2800, $0x38;
	[tilespmem:$0x1E800] =	vst v63  }
0x37: {  	_ =	swait.ge [sflag:s25], $0x2800  }
0x38: {  	[sflag:s25] =	ssyncset.done $0x0  }
0x39: {  	[sflag:s25] =	ssyncadd.s32 $0xFFFFD800  }
0x3a: {  	[spmem:s8] =	stream.linear.scatter [tilespmem:s24], [sflag:$0x4], $0x2800, $0x38;
	[tilespmem:$0x1E800] =	vst v63  }
0x3b: {  	_ =	swait.ge [sflag:s25], $0x2800  }
0x3c: {  	[sflag:s25] =	ssyncset.done $0x0  }
0x3d: {  	[sflag:s25] =	ssyncadd.s32 $0xFFFFD800  }
0x3e: {  	[spmem:s9] =	stream.linear.scatter [tilespmem:s24], [sflag:$0x4], $0x2800, $0x38;
	[tilespmem:$0x1E800] =	vst v63  }
0x3f: {  	_ =	swait.ge [sflag:s25], $0x2800  }
0x40: {  	[sflag:s25] =	ssyncset.done $0x0  }
0x41: {  	[sflag:s25] =	ssyncadd.s32 $0xFFFFD800  }
0x42: {  	[spmem:s10] =	stream.linear.scatter [tilespmem:s24], [sflag:$0x4], $0x2800, $0x38;
	[tilespmem:$0x1E800] =	vst v63  }
0x43: {  	_ =	swait.ge [sflag:s25], $0x2800  }
0x44: {  	[sflag:s25] =	ssyncset.done $0x0  }
0x45: {  	[sflag:s25] =	ssyncadd.s32 $0xFFFFD800  }
0x46: {  	[spmem:s11] =	stream.linear.scatter [tilespmem:s24], [sflag:$0x4], $0x2800, $0x38;
	[tilespmem:$0x1E800] =	vst v63  }
0x47: {  	_ =	swait.ge [sflag:s25], $0x2800  }
0x48: {  	[sflag:s25] =	ssyncset.done $0x0  }
0x49: {  	[sflag:s25] =	ssyncadd.s32 $0xFFFFD800  }
0x4a: {  	[spmem:s12] =	stream.linear.scatter [tilespmem:s24], [sflag:$0x4], $0x2800, $0x38;
	[tilespmem:$0x1E800] =	vst v63  }
0x4b: {  	_ =	swait.ge [sflag:s25], $0x2800  }
0x4c: {  	s1 =	simm.s32 $0xFFFFF800;
	[sflag:s25] =	ssyncset.done $0x0  }
0x4d: {  	s13 =	simm.s32 $0x0;
	s23 =	smov.u32 s14;
	[sflag:s25] =	ssyncadd.s32 $0xFFFFD800  }
0x4e: {  	s22 =	smov.u32 s15;
	s16 =	simm.s32 $0x0;
	[bflag:$0x0] =	sbarrier.arrive $0xFFFF  }
.LBB2_4:
0x4f: {  	p0 =	slt.u32 s16, $0x6  }
0x50: {  	s17 =	simm.s32 @!p0 $0x3  }
0x51: {  	p1 =	sgt.u32 @!p0 s16, $0x7C;
	_ =	swait.ge @!p0 [sflag:s17], $0x2800  }
0x52: {  	p1 =	por p0, !p1;
	[sflag:s17] =	ssyncset.done @!p0 $0x0  }
0x53: {  	[sflag:s17] =	ssyncadd.s32 @!p0 $0xFFFFD800;
	s17 =	sand.u32 @p1 $0x380, s13  }
0x54: {  	[tilespmem:s17], [sflag:$0x1] =	stream.linear.gather @p1 [hbm4b:s23+s3], $0x80, $0x38;
	[tilespmem:$0x1E800] =	vst v63  }
0x55: {  	s17 =	sor.u32 @p1 $0x400, s17  }
0x56: {  	[tilespmem:s17], [sflag:$0x1] =	stream.linear.gather @p1 [hbm4b:s22+s3], $0x80, $0x38;
	[tilespmem:$0x1E800] =	vst v63  }
0x57: {  	s17 =	sadd.s32 $0xFFFFFFFE, s16  }
0x58: {  	p0 =	sgt.u32 s17, $0x7C  }
0x59: {  	s18 =	simm.s32 @!p0 $0x1  }
0x5a: {  	_ =	swait.ge @!p0 [sflag:s18], $0x80  }
0x5b: {  	[sflag:s18] =	ssyncset.done @!p0 $0x0  }
0x5c: {  	s17 =	sand.u32 @!p0 $0x3, s17;
	[sflag:s18] =	ssyncadd.s32 @!p0 $0xFFFFFF80  }
0x5d: {  	s17 =	smul.u32 @!p0 $0xA000, s17;
	_ =	swait.ge @!p0 [sflag:s18], $0x80  }
0x5e: {  	s19 =	sadd.s32 @!p0 $0x400, s1;
	[sflag:s18] =	ssyncset.done @!p0 $0x0  }
0x5f: {  	s17 =	sshrl.u32 @!p0 s17, $0x2;
	[sflag:s18] =	ssyncadd.s32 @!p0 $0xFFFFFF80;
	s18 =	sand.u32 @!p0 $0xE00, s19  }
0x60: {  	s17 =	sadd.s32 @!p0 $0x800, s17;
	s19 =	simm.s32 @!p0 $0x50;
	s18 =	sshrl.u32 @!p0 s18, $0x2  }
0x61: {  	[tilespmem:s17], [sflag:$0x2] =	stream.indirect.gather @!p0 [hbm4b:s4+s19], $0x80, s18, s19, $0xb8;
	[tilespmem:$0x1E800] =	vst v63  }
0x62: {  	s19 =	sadd.s32 $0xFFFFFFFC, s16  }
0x63: {  	p0 =	sgt.u32 s19, $0x7C  }
0x64: {  	s17 =	simm.s32 @!p0 $0x2;
	s18 =	sand.u32 @!p0 $0x3, s16  }
0x65: {  	_ =	swait.ge @!p0 [sflag:s17], $0x2800;
	s18 =	smul.u32 @!p0 $0xA000, s18  }
0x66: {  	s19 =	sand.u32 @!p0 $0xE00, s1;
	s16 =	sadd.s32 $0x1, s16;
	[sflag:s17] =	ssyncset.done @!p0 $0x0  }
0x67: {  	[sflag:s17] =	ssyncadd.s32 @!p0 $0xFFFFD800;
	s17 =	sshrl.u32 @!p0 s18, $0x2;
	s18 =	sshrl.u32 @!p0 s19, $0x2  }
0x68: {  	s19 =	simm.s32 @!p0 $0x50;
	s17 =	sadd.s32 @!p0 $0x800, s17;
	s18 =	sor.u32 @!p0 $0x400, s18  }
0x69: {  	[spmem:s2] =	stream.indirect.scatter.add.f32 @!p0 [tilespmem:s17], [sflag:$0x3], $0x80, s18, s19, $0xb8;
	[tilespmem:$0x1E800] =	vst v63  }
0x6a: {  	p0 =	sne.s32 s16, $0x83  }
.Ltmp1:
0x6b: {  	_ = 	snop;
	(pc) =	sbr.rel @p0 .LBB2_4-.Ltmp1, $3  }
0x6c: {  	_ =	sdelay $0x1  }
0x6d: {  	s13 =	sadd.s32 $0x80, s13  }
0x6e: {  	s23 =	sadd.s32 $0x10, s23;
	s22 =	sadd.s32 $0x10, s22;
	s1 =	sadd.s32 $0x200, s1  }
0x6f: {  	[bflag:$0x0] =	sbarrier.arrive $0xFFFF  }
0x70: {  	[tilespmem:s24], [sflag:$0x2] =	stream.linear.gather [spmem:s5], $0x2800, $0x38;
	[tilespmem:$0x1E800] =	vst v63  }
0x71: {  	_ = 	snop  }
0x72: {  	[tilespmem:s26], [sflag:$0x2] =	stream.linear.gather [spmem:s6], $0x2800, $0x38;
	[tilespmem:$0x1E800] =	vst v63  }
0x73: {  	_ = 	snop  }
0x74: {  	[tilespmem:s28], [sflag:$0x2] =	stream.linear.gather [spmem:s7], $0x2800, $0x38;
	[tilespmem:$0x1E800] =	vst v63  }
0x75: {  	_ = 	snop  }
0x76: {  	[tilespmem:s29], [sflag:$0x2] =	stream.linear.gather [spmem:s8], $0x2800, $0x38;
	[tilespmem:$0x1E800] =	vst v63  }
0x77: {  	_ =	swait.ge [sflag:s30], $0x2800  }
0x78: {  	[sflag:s30] =	ssyncset.done $0x0  }
0x79: {  	s1 =	rddreg [dreg:$0x4];
	[sflag:s30] =	ssyncadd.s32 $0xFFFFD800  }
0x7a: {  	[hbm4b:s1+s3] =	stream.linear.scatter [tilespmem:s24], [sflag:$0x3], $0x2800, $0x38;
	[tilespmem:$0x1E800] =	vst v63  }
0x7b: {  	_ =	swait.ge [sflag:s31], $0x2800  }
0x7c: {  	[sflag:s31] =	ssyncset.done $0x0  }
0x7d: {  	[sflag:s31] =	ssyncadd.s32 $0xFFFFD800  }
0x7e: {  	[tilespmem:s24], [sflag:$0x2] =	stream.linear.gather [spmem:s9], $0x2800, $0x38;
	[tilespmem:$0x1E800] =	vst v63  }
0x7f: {  	_ =	swait.ge [sflag:s30], $0x2800  }
0x80: {  	[sflag:s30] =	ssyncset.done $0x0  }
0x81: {  	s16 =	rddreg [dreg:$0x5];
	[sflag:s30] =	ssyncadd.s32 $0xFFFFD800  }
0x82: {  	[hbm4b:s16+s3] =	stream.linear.scatter [tilespmem:s26], [sflag:$0x3], $0x2800, $0x38;
	[tilespmem:$0x1E800] =	vst v63  }
0x83: {  	_ =	swait.ge [sflag:s31], $0x2800  }
0x84: {  	[sflag:s31] =	ssyncset.done $0x0  }
0x85: {  	[sflag:s31] =	ssyncadd.s32 $0xFFFFD800  }
0x86: {  	[tilespmem:s26], [sflag:$0x2] =	stream.linear.gather [spmem:s10], $0x2800, $0x38;
	[tilespmem:$0x1E800] =	vst v63  }
0x87: {  	_ =	swait.ge [sflag:s30], $0x2800  }
0x88: {  	[sflag:s30] =	ssyncset.done $0x0  }
0x89: {  	s17 =	rddreg [dreg:$0x6];
	[sflag:s30] =	ssyncadd.s32 $0xFFFFD800  }
0x8a: {  	[hbm4b:s17+s3] =	stream.linear.scatter [tilespmem:s28], [sflag:$0x3], $0x2800, $0x38;
	[tilespmem:$0x1E800] =	vst v63  }
0x8b: {  	_ =	swait.ge [sflag:s31], $0x2800  }
0x8c: {  	[sflag:s31] =	ssyncset.done $0x0  }
0x8d: {  	[sflag:s31] =	ssyncadd.s32 $0xFFFFD800  }
0x8e: {  	[tilespmem:s28], [sflag:$0x2] =	stream.linear.gather [spmem:s11], $0x2800, $0x38;
	[tilespmem:$0x1E800] =	vst v63  }
0x8f: {  	_ =	swait.ge [sflag:s30], $0x2800  }
0x90: {  	[sflag:s30] =	ssyncset.done $0x0  }
0x91: {  	s18 =	rddreg [dreg:$0x7];
	[sflag:s30] =	ssyncadd.s32 $0xFFFFD800  }
0x92: {  	[hbm4b:s18+s3] =	stream.linear.scatter [tilespmem:s29], [sflag:$0x3], $0x2800, $0x38;
	[tilespmem:$0x1E800] =	vst v63  }
0x93: {  	_ =	swait.ge [sflag:s31], $0x2800  }
0x94: {  	[sflag:s31] =	ssyncset.done $0x0  }
0x95: {  	[sflag:s31] =	ssyncadd.s32 $0xFFFFD800  }
0x96: {  	[tilespmem:s29], [sflag:$0x2] =	stream.linear.gather [spmem:s12], $0x2800, $0x38;
	[tilespmem:$0x1E800] =	vst v63  }
0x97: {  	_ =	swait.ge [sflag:s30], $0x2800  }
0x98: {  	[sflag:s30] =	ssyncset.done $0x0  }
0x99: {  	s19 =	rddreg [dreg:$0x8];
	[sflag:s30] =	ssyncadd.s32 $0xFFFFD800  }
0x9a: {  	[hbm4b:s19+s3] =	stream.linear.scatter [tilespmem:s24], [sflag:$0x3], $0x2800, $0x38;
	[tilespmem:$0x1E800] =	vst v63  }
0x9b: {  	_ =	swait.ge [sflag:s31], $0x2800  }
0x9c: {  	[sflag:s31] =	ssyncset.done $0x0  }
0x9d: {  	[sflag:s31] =	ssyncadd.s32 $0xFFFFD800  }
0x9e: {  	_ =	swait.ge [sflag:s30], $0x2800  }
0x9f: {  	[sflag:s30] =	ssyncset.done $0x0  }
0xa0: {  	s22 =	rddreg [dreg:$0x9];
	[sflag:s30] =	ssyncadd.s32 $0xFFFFD800  }
0xa1: {  	[hbm4b:s22+s3] =	stream.linear.scatter [tilespmem:s26], [sflag:$0x3], $0x2800, $0x38;
	[tilespmem:$0x1E800] =	vst v63  }
0xa2: {  	_ =	swait.ge [sflag:s31], $0x2800  }
0xa3: {  	[sflag:s31] =	ssyncset.done $0x0  }
0xa4: {  	[sflag:s31] =	ssyncadd.s32 $0xFFFFD800  }
0xa5: {  	_ =	swait.ge [sflag:s30], $0x2800  }
0xa6: {  	[sflag:s30] =	ssyncset.done $0x0  }
0xa7: {  	s23 =	rddreg [dreg:$0xa];
	[sflag:s30] =	ssyncadd.s32 $0xFFFFD800  }
0xa8: {  	[hbm4b:s23+s3] =	stream.linear.scatter [tilespmem:s28], [sflag:$0x3], $0x2800, $0x38;
	[tilespmem:$0x1E800] =	vst v63  }
0xa9: {  	_ =	swait.ge [sflag:s31], $0x2800  }
0xaa: {  	[sflag:s31] =	ssyncset.done $0x0  }
0xab: {  	[sflag:s31] =	ssyncadd.s32 $0xFFFFD800  }
0xac: {  	s0 =	sadd.s32 $0x1, s0;
	_ =	swait.ge [sflag:s30], $0x2800  }
0xad: {  	p0 =	sne.s32 s0, s21;
	[sflag:s30] =	ssyncset.done $0x0  }
.Ltmp2:
0xae: {  	[sflag:s30] =	ssyncadd.s32 $0xFFFFD800;
	(pc) =	sbr.rel @p0 .LBB2_1-.Ltmp2, $4  }
0xaf: {  	[hbm4b:s20+s3] =	stream.linear.scatter [tilespmem:s29], [sflag:$0x3], $0x2800, $0x38;
	[tilespmem:$0x1E800] =	vst v63  }
0xb0: {  	_ =	swait.ge [sflag:s31], $0x2800  }
0xb1: {  	[sflag:s31] =	ssyncset.done $0x0  }
0xb2: {  	[sflag:s31] =	ssyncadd.s32 $0xFFFFD800  }
0xb3: {  	_ =	sfence.sel $0x180000  }
0xb4: {  	[bflag:$0x0] =	sbarrier.arrive $0xFFFF  }
0xb5: {  	_ =	strace $0x9000004A  }
0xb6: {  	s0 =	stileid.u32;
	[bflag:$0x2] =	sbarrier.arrive $0xFFFF  }
0xb7: {  	p0 =	sne.s32 s0, $0x0;
	s0 =	rddreg [dreg:$0x3]  }
0xb8: {  	s0 =	sadd.s32 @!p0 $0x100000, s0  }
0xb9: {  	[sflag:s0] =	ssyncadd.tile.s32 @!p0 $0x1;
	_ =	shalt  }
.Lfunc_end2:
_tile_overlayer_lowered:
.L_overlay_start_2:
0xba: {  	(tag) =	ssettag $0x2  }
0xbb: {  	s0 =	rddreg [dreg:$0x0];
	s2 =	stileid.u32  }
0xbc: {  	s1 =	rddreg [dreg:$0x1];
	p0 =	sne.s32 s2, $0x0  }
0xbd: {  	s3 =	rddreg [dreg:$0x2];
	[bflag:$0x3] =	sbarrier.arrive $0xFFFF;
	s2 =	simm.s32 @!p0 $0x1C04  }
0xbe: {  	[timem:s3], [sflag:s2] =	dma.local @!p0 [hbm:s0], s1  }
0xbf: {  	s0 =	simm.s32 @!p0 $0x4  }
0xc0: {  	_ =	swait.ge @!p0 [sflag:s0], s1  }
0xc1: {  	s1 =	ssub.s32 @!p0 $0x0, s1;
	[sflag:s0] =	ssyncset.done @!p0 $0x0  }
0xc2: {  	[sflag:s0] =	ssyncadd.s32 @!p0 s1  }
0xc3: {  	[bflag:$0x3] =	sbarrier.arrive $0xFFFF  }
0xc4: {  	_ =	shalt  }

// kernel: kernel.14.cloned.1.call-start
scs
__scs_entry_jumppad:
0x0: {  	(pc) =	sbr.rel $0x88, $3  }
0x1: {  	(tag) =	ssettag $0x0;
	lr =	simm.s32 $0x1  }
0x2: {  	[smem:$0x3F97] =	sst lr;
	_ =	strace $0xD0000000  }
0x3: {  	_ = 	snop  }
0x4: {  	_ = 	snop  }
0x5: {  	_ = 	snop  }
0x6: {  	_ = 	snop  }
0x7: {  	_ = 	snop  }
__scs_overlays_trampoline_lowered:
0x8: {  	[smem:$0x3FA6] =	sst s0  }
0x9: {  	[smem:$0x3FA7] =	sst s1  }
0xa: {  	[smem:$0x3FA8] =	sst s2  }
0xb: {  	[smem:$0x3FA9] =	sst s3  }
0xc: {  	[smem:$0x3FAA] =	sst s4  }
0xd: {  	[smem:$0x3FAB] =	sst s5  }
0xe: {  	[smem:$0x3FAC] =	sst s6  }
0xf: {  	[smem:$0x3FAD] =	sst s7  }
0x10: {  	[smem:$0x3FAE] =	sst s8  }
0x11: {  	[smem:$0x3FAF] =	sst s9;
	s0 =	simm.s32 @!p0 $0x0  }
0x12: {  	s1 =	sld [smem:$0x3F95];
	s0 =	simm.s32 @p0 $0x1  }
0x13: {  	[smem:$0x3FB0] =	sst s0;
	s0 =	simm.s32 @!p1 $0x0  }
0x14: {  	s2 =	sld [smem:$0x3F94];
	s0 =	simm.s32 @p1 $0x1  }
0x15: {  	[smem:$0x3FB1] =	sst s0;
	s0 =	simm.s32 @!p2 $0x0  }
0x16: {  	s3 =	sld [smem:$0x3FDB];
	s0 =	simm.s32 @p2 $0x1  }
0x17: {  	s4 =	simm.s32 $0x1BF5;
	[smem:$0x3FB3] =	sst s0  }
0x18: {  	s0 =	sld [smem:$0x3F96];
	_ =	swait.ge [sflag:s4], $0x0  }
0x19: {  	s7 =	sld [smem:$0x3F97]  }
0x1a: {  	s8 =	sadd.s32 $0xFFFFE003, lr  }
0x1b: {  	s9 =	sadd.s32 $0xFFFFFEF7, lr;
	s5 =	simm.s32 $0xFFFFFFFF;
	p2 =	slt.u32 s8, $0xFFFFF086  }
0x1c: {  	p1 =	slt.u32 s9, $0xF7A;
	s5 =	simm.s32 @!p2 $0x0  }
0x1d: {  	s5 =	simm.s32 @p1 $0x1;
	p0 =	seq.s32 s7, s2  }
0x1e: {  	s7 =	smul.u32 @!p0 $0xF7A, s2;
	p2 =	seq.s32 @!p0 s5, $0x0  }
0x1f: {  	s9 =	smul.u32 $0xF7A, s1;
	s8 =	simm.s32 @!p0 $0x1BF5;
	p2 =	por !p2, p0  }
0x20: {  	[sflag:s8] =	ssyncset.s32 @!p0 $0xFFFFF086;
	s6 =	sadd.s32 @!p0 s3, s7;
	s7 =	simm.s32 @!p0 $0x108  }
0x21: {  	s3 =	sadd.s32 s3, s9;
	s6 =	sadd.s32 @!p0 $0x88, s6;
	s7 =	simm.s32 @p2 $0x1082  }
0x22: {  	[simem:s7], [sflag:s8] =	dma.local @!p0 [hbm:s6], $0xF7A  }
0x23: {  	s9 =	sor.u32 $0xD0000000, s2;
	s6 =	simm.s32 $0x108;
	_ =	swait.ge @!p0 [sflag:s8], $0x0  }
0x24: {  	s3 =	sadd.s32 $0x88, s3;
	s6 =	simm.s32 @!p1 $0x1082;
	[sflag:s4] =	ssyncset.s32 $0xFFFFF086  }
0x25: {  	[simem:s6], [sflag:s4] =	dma.local [hbm:s3], $0xF7A  }
0x26: {  	[smem:$0x3F97] =	sst s1;
	(tag) =	ssettag s2;
	_ =	strace s9  }
0x27: {  	s1 =	sld [smem:$0x3FA7]  }
0x28: {  	s2 =	sld [smem:$0x3FA8]  }
0x29: {  	s4 =	sld [smem:$0x3FAA]  }
0x2a: {  	p0 =	seq.s32 s5, $0x0;
	s5 =	sld [smem:$0x3FAB]  }
0x2b: {  	s6 =	sld [smem:$0x3FAC]  }
0x2c: {  	s7 =	sld [smem:$0x3FAD]  }
0x2d: {  	s3 =	simm.s32 $0x108;
	s8 =	sld [smem:$0x3FAE]  }
0x2e: {  	s3 =	simm.s32 @!p0 $0x1082;
	s9 =	sld [smem:$0x3FAF]  }
0x2f: {  	lr =	sadd.s32 s0, s3;
	s0 =	sld [smem:$0x3FA6]  }
0x30: {  	s3 =	sld [smem:$0x3FA9]  }
0x31: {  	[smem:$0x3FB2] =	sst s10  }
0x32: {  	s10 =	sld [smem:$0x3FB0];
	_ =	sdelay $0x3  }
0x33: {  	p0 =	seq.s32 s10, $0x1;
	s10 =	sld [smem:$0x3FB2];
	_ =	sdelay $0x3  }
0x34: {  	[smem:$0x3FB2] =	sst s10  }
0x35: {  	s10 =	sld [smem:$0x3FB1];
	_ =	sdelay $0x3  }
0x36: {  	p1 =	seq.s32 s10, $0x1;
	s10 =	sld [smem:$0x3FB2];
	_ =	sdelay $0x3  }
0x37: {  	[smem:$0x3FB2] =	sst s10  }
0x38: {  	s10 =	sld [smem:$0x3FB3]  }
0x39: {  	_ = 	snop;
	(pc) =	sbr.ind lr, $3  }
0x3a: {  	_ = 	snop  }
0x3b: {  	_ = 	snop  }
0x3c: {  	p2 =	seq.s32 s10, $0x1;
	s10 =	sld [smem:$0x3FB2]  }
0x3d: {  	_ =	shalt  }
0x3e: {  	_ =	shalt  }
0x3f: {  	_ =	shalt  }
0x40: {  	_ =	shalt  }
0x41: {  	_ =	shalt  }
0x42: {  	_ =	shalt  }
0x43: {  	_ =	shalt  }
0x44: {  	_ =	shalt  }
0x45: {  	_ =	shalt  }
0x46: {  	_ =	shalt  }
0x47: {  	_ =	shalt  }
0x48: {  	_ =	shalt  }
0x49: {  	_ =	shalt  }
0x4a: {  	_ =	shalt  }
0x4b: {  	_ =	shalt  }
0x4c: {  	_ =	shalt  }
0x4d: {  	_ =	shalt  }
0x4e: {  	_ =	shalt  }
0x4f: {  	_ =	shalt  }
0x50: {  	_ =	shalt  }
0x51: {  	_ =	shalt  }
0x52: {  	_ =	shalt  }
0x53: {  	_ =	shalt  }
0x54: {  	_ =	shalt  }
0x55: {  	_ =	shalt  }
0x56: {  	_ =	shalt  }
0x57: {  	_ =	shalt  }
0x58: {  	_ =	shalt  }
0x59: {  	_ =	shalt  }
0x5a: {  	_ =	shalt  }
0x5b: {  	_ =	shalt  }
0x5c: {  	_ =	shalt  }
0x5d: {  	_ =	shalt  }
0x5e: {  	_ =	shalt  }
0x5f: {  	_ =	shalt  }
0x60: {  	_ =	shalt  }
0x61: {  	_ =	shalt  }
0x62: {  	_ =	shalt  }
0x63: {  	_ =	shalt  }
0x64: {  	_ =	shalt  }
0x65: {  	_ =	shalt  }
0x66: {  	_ =	shalt  }
0x67: {  	_ =	shalt  }
0x68: {  	_ =	shalt  }
0x69: {  	_ =	shalt  }
0x6a: {  	_ =	shalt  }
0x6b: {  	_ =	shalt  }
0x6c: {  	_ =	shalt  }
0x6d: {  	_ =	shalt  }
0x6e: {  	_ =	shalt  }
0x6f: {  	_ =	shalt  }
0x70: {  	_ =	shalt  }
0x71: {  	_ =	shalt  }
0x72: {  	_ =	shalt  }
0x73: {  	_ =	shalt  }
0x74: {  	_ =	shalt  }
0x75: {  	_ =	shalt  }
0x76: {  	_ =	shalt  }
0x77: {  	_ =	shalt  }
0x78: {  	_ =	shalt  }
0x79: {  	_ =	shalt  }
0x7a: {  	_ =	shalt  }
0x7b: {  	_ =	shalt  }
0x7c: {  	_ =	shalt  }
0x7d: {  	_ =	shalt  }
0x7e: {  	_ =	shalt  }
0x7f: {  	_ =	shalt  }
0x80: {  	_ =	shalt  }
0x81: {  	_ =	shalt  }
0x82: {  	_ =	shalt  }
0x83: {  	_ =	shalt  }
0x84: {  	_ =	shalt  }
0x85: {  	_ =	shalt  }
0x86: {  	_ =	shalt  }
0x87: {  	_ =	shalt  }
.Lfunc_end0:
.L_simem_size_0:
called_computation.2_lowered:
.L_overlay_start_0:
0x88: {  	s2 =	sld [smem:$0x3FD9]  }
0x89: {  	s3 =	sld [smem:$0x3FFE];
	_ =	sdelay $0x1  }
0x8a: {  	s1 =	srdreg.scid  }
0x8b: {  	s0 =	sand.u32 $0x1, s1  }
0x8c: {  	s17 =	sshll.u32 s0, $0xA;
	s2 =	sadd.s32 s3, s2  }
0x8d: {  	s2 =	sadd.s32 s2, s17  }
0x8e: {  	[smem:$0x3FBE] =	sst s2  }
0x8f: {  	_ = 	snop  }
0x90: {  	s2 =	sld [smem:$0x3FD0];
	(tm) =	ssettm $0x1  }
0x91: {  	s18 =	sld [smem:$0x3FFB];
	_ =	sdelay $0x3  }
0x92: {  	_ =	strace s18  }
0x93: {  	s3 =	sld [smem:$0x3FFC];
	_ =	sdelay $0x3  }
0x94: {  	_ =	strace s3  }
0x95: {  	s3 =	sld [smem:$0x3FFD];
	_ =	sdelay $0x3  }
0x96: {  	_ =	strace s3  }
0x97: {  	_ =	strace $0x8FFFFFFF  }
0x98: {  	s19 =	sld [smem:$0x3FDB];
	_ =	sdelay $0x1  }
0x99: {  	s4 =	simm.s32 $_scs_section_size  }
0x9a: {  	s5 =	simm.s32 $_size__tile_overlayer_lowered;
	s6 =	simm.s32 $_tile_overlayer_lowered  }
0x9b: {  	s22 =	simm.s32 $0x1BFF;
	s21 =	sshll.u32 s6, $0x1;
	s3 =	sadd.s32 s4, s19  }
0x9c: {  	s7 =	simm.s32 $0x0;
	s20 =	sshll.u32 s5, $0x1;
	s5 =	sadd.s32 s21, s3  }
0x9d: {  	[timem:s7], [sflag:s22] =	dma.local [hbm:s5], s20  }
0x9e: {  	_ =	swait.ge [sflag:s22], s20  }
0x9f: {  	s4 =	ssub.s32 $0x0, s20;
	[sflag:s22] =	ssyncset.done $0x0  }
0xa0: {  	[sflag:s22] =	ssyncadd.s32 s4;
	_ =	sdelay $0x1  }
0xa1: {  	s23 =	simm.s32 $0x1B8B  }
0xa2: {  	_ =	swait.ge [sflag:s23], $0x1  }
0xa3: {  	[sflag:s23] =	ssyncset.done $0x0  }
0xa4: {  	s25 =	simm.s32 $0x1B8E;
	s24 =	sld [smem:$0x3FFE];
	[sflag:s23] =	ssyncadd.s32 $0xFFFFFFFF  }
0xa5: {  	s26 =	simm.s32 $execute0_lowered;
	[smem:$0x3FD2] =	sst s25  }
0xa6: {  	s5 =	sshll.u32 s26, $0x1;
	_ =	strace $0x8000004C;
	[dreg:$0x1] =	wrdreg $0xFFFFFFFF  }
0xa7: {  	s28 =	simm.s32 $_size_execute0_lowered;
	s3 =	sadd.s32 s3, s5;
	[dreg:$0x0] =	wrdreg $0x0  }
0xa8: {  	s5 =	sshll.u32 s28, $0x1;
	[dreg:$0x2] =	wrdreg s3  }
0xa9: {  	[dreg:$0x3] =	wrdreg s5  }
0xaa: {  	[dreg:$0x4] =	wrdreg $0xC0  }
0xab: {  	_ =	task [dreg:s7], $0x5FFFF  }
0xac: {  	[dreg:$0x1] =	wrdreg $0xFFFFFFFF  }
0xad: {  	[dreg:$0x0] =	wrdreg $0x60  }
0xae: {  	[dreg:$0x2] =	wrdreg s24  }
0xaf: {  	[dreg:$0x3] =	wrdreg s2  }
0xb0: {  	[dreg:$0x4] =	wrdreg $0xA8000  }
0xb1: {  	[dreg:$0x5] =	wrdreg $0x9  }
0xb2: {  	_ =	task.clear_ibuf [dreg:s7], $0x6FFFF;
	_ =	strace $0x9000004C  }
0xb3: {  	s29 =	simm.s32 $0x9;
	_ =	strace $0x8000004E  }
0xb4: {  	_ =	swait.ge [sflag:s29], $0x1  }
0xb5: {  	[sflag:s29] =	ssyncadd.s32 $0xFFFFFFFF  }
0xb6: {  	_ =	strace $0x9000004E  }
0xb7: {  	_ =	sfence  }
0xb8: {  	s30 =	sld [smem:$0x0];
	_ =	sdelay $0x2  }
0xb9: {  	s31 =	sshll.u32 s1, $0xD;
	s1 =	sshrl.u32 s1, $0x2  }
0xba: {  	s3 =	sand.u32 $0x4000, s31;
	s1 =	sadd.s32 s1, s30  }
0xbb: {  	s0 =	sor.u32 s3, s0;
	s1 =	sshll.u32 s1, $0x11  }
0xbc: {  	s0 =	sor.u32 s1, s0  }
0xbd: {  	s0 =	sadd.s32 $0x8F2B, s0  }
0xbe: {  	[sflag:s0] =	ssyncadd.remote.s32 $0x1  }
0xbf: {  	_ =	sfence.sel $0xFFFF  }
0xc0: {  	[dreg:$0x0] =	wrdreg $0xFFFFFFFF;
	(pc) =	sbr.abs _section_cstart, $3  }
0xc1: {  	[dreg:$0x1] =	wrdreg $0xFFFFFFFF  }
0xc2: {  	_ =	task.clear_ibuf [dreg:s7], $0x2FFFF;
	_ =	strace $0x9FFFFFFF  }
0xc3: {  	(tm) =	ssettm $0x7FFFFFFF  }
tec
execute0_lowered:
.L_overlay_start_1:
0x0: {  	(tag) =	ssettag $0x1  }
0x1: {  	s1 =	rddreg [dreg:$0x0]  }
0x2: {  	s0 =	rddreg [dreg:$0x1];
	s3 =	srdreg.scid  }
0x3: {  	s2 =	rddreg [dreg:$0x2];
	s8 =	stileid.u32  }
0x4: {  	s28 =	simm.s32 $0x5800;
	s29 =	simm.s32 $0x8000;
	s6 =	smul.u32 $0x3E80, s8  }
0x5: {  	s30 =	simm.s32 $0x2;
	s31 =	simm.s32 $0x3;
	s23 =	smul.u32 $0x50000, s8  }
0x6: {  	s9 =	sand.u32 $0x1, s3;
	s3 =	simm.s32 $0x0;
	s12 =	smul.u32 $0x14000, s8  }
0x7: {  	s4 =	sadd.s32 $0x26400, s1;
	s5 =	smul.u32 $0x3E800, s9;
	[smem:$0x7FF] =	sst s3  }
0x8: {  	s22 =	ssub.s32 $0x2, s9;
	s20 =	smul.u32 $0x140000, s9;
	_ =	strace $0x8000004D  }
0x9: {  	s7 =	sshrl.u32 s22, $0x1;
	s24 =	sshrl.u32 s23, $0x2;
	s16 =	sor.u32 $0x2800, s12  }
0xa: {  	s17 =	sadd.s32 $0x5000, s12;
	s18 =	sadd.s32 $0x7800, s12;
	s19 =	sadd.s32 $0xA000, s12  }
0xb: {  	s21 =	sadd.s32 $0xC800, s12;
	s5 =	sadd.s32 s6, s5;
	s15 =	ssub.s32 s22, s7  }
0xc: {  	s6 =	sadd.s32 s16, s2;
	s7 =	sadd.s32 s17, s2;
	s8 =	sadd.s32 s18, s2  }
0xd: {  	s9 =	sadd.s32 s19, s2;
	s22 =	sadd.s32 $0xF000, s12;
	s10 =	sadd.s32 s21, s2  }
0xe: {  	s23 =	sadd.s32 s12, s20;
	s12 =	sadd.s32 $0x11800, s12;
	s16 =	sadd.s32 s20, s16  }
0xf: {  	s17 =	sadd.s32 s20, s17;
	s18 =	sadd.s32 s20, s18;
	s19 =	sadd.s32 s20, s19  }
0x10: {  	s21 =	sadd.s32 s20, s21;
	s13 =	sshrl.u32 s5, $0x3;
	s5 =	sadd.s32 s24, s2  }
0x11: {  	s11 =	sadd.s32 s22, s2;
	s23 =	sshrl.u32 s23, $0x3;
	s22 =	sadd.s32 s20, s22  }
0x12: {  	s20 =	sadd.s32 s20, s12;
	s12 =	sadd.s32 s12, s2;
	s16 =	sshrl.u32 s16, $0x3  }
0x13: {  	s25 =	sshrl.u32 s17, $0x3;
	s14 =	sadd.s32 s13, s1;
	s1 =	sadd.s32 $0x4D600, s1  }
0x14: {  	s26 =	sshrl.u32 s18, $0x3;
	s19 =	sshrl.u32 s19, $0x3;
	s23 =	sadd.s32 s1, s23  }
0x15: {  	s24 =	sshrl.u32 s22, $0x3;
	s16 =	sadd.s32 s1, s16;
	[dreg:$0x4] =	wrdreg s23  }
0x16: {  	s18 =	sadd.s32 s1, s26;
	s26 =	sshrl.u32 s20, $0x3;
	[dreg:$0x5] =	wrdreg s16  }
0x17: {  	s16 =	sadd.s32 s1, s25;
	[dreg:$0x7] =	wrdreg s18;
	s23 =	sshrl.u32 s21, $0x3  }
0x18: {  	s25 =	sadd.s32 s1, s24;
	s20 =	sadd.s32 s1, s26;
	s21 =	smax.u32 s15, $0x1  }
0x19: {  	s15 =	sadd.s32 $0x16A00, s14;
	s14 =	sadd.s32 s13, s0;
	[dreg:$0x6] =	wrdreg s16  }
0x1a: {  	s24 =	simm.s32 $0x800;
	s16 =	sadd.s32 s1, s19;
	[dreg:$0xa] =	wrdreg s25  }
0x1b: {  	s26 =	simm.s32 $0x3000;
	[dreg:$0x8] =	wrdreg s16;
	s16 =	sadd.s32 s1, s23  }
0x1c: {  	v0 =	vimm.f32 $0.0e+00;
	s0 =	simm.s32 $0x0;
	s25 =	simm.s32 $0x4;
	[dreg:$0x9] =	wrdreg s16  }
.LBB2_1:
0x1d: {  	s1 =	simm.s32 $0x0;
	s13 =	simm.s32 $0x200  }
.LBB2_2:
0x1e: {  	p0 =	sne.s32 s13, $0x9E00;
	[tilespmem:s1+$0x870] =	vst v0  }
0x1f: {  	[tilespmem:s1+$0x800] =	vst v0  }
0x20: {  	[tilespmem:s1+$0x810] =	vst v0  }
.Ltmp0:
0x21: {  	[tilespmem:s1+$0x820] =	vst v0;
	(pc) =	sbr.rel @p0 .LBB2_2-.Ltmp0, $4  }
0x22: {  	[tilespmem:s1+$0x830] =	vst v0  }
0x23: {  	[tilespmem:s1+$0x840] =	vst v0  }
0x24: {  	[tilespmem:s1+$0x850] =	vst v0  }
0x25: {  	[tilespmem:s1+$0x860] =	vst v0;
	s1 =	sshra.s32 s13, $0x2;
	s13 =	sadd.s32 $0x200, s13  }
0x26: {  	[tilespmem:s1+$0x870] =	vst v0  }
0x27: {  	[tilespmem:s1+$0x800] =	vst v0  }
0x28: {  	[tilespmem:s1+$0x810] =	vst v0  }
0x29: {  	[tilespmem:s1+$0x820] =	vst v0  }
0x2a: {  	[tilespmem:s1+$0x830] =	vst v0  }
0x2b: {  	[tilespmem:s1+$0x840] =	vst v0  }
0x2c: {  	[tilespmem:s1+$0x850] =	vst v0  }
0x2d: {  	[tilespmem:s1+$0x860] =	vst v0  }
0x2e: {  	[spmem:s5] =	stream.linear.scatter [tilespmem:s24], [sflag:$0x4], $0x2800, $0x38;
	[tilespmem:$0x1E800] =	vst v63  }
0x2f: {  	_ =	swait.ge [sflag:s25], $0x2800  }
0x30: {  	[sflag:s25] =	ssyncset.done $0x0  }
0x31: {  	[sflag:s25] =	ssyncadd.s32 $0xFFFFD800  }
0x32: {  	[spmem:s6] =	stream.linear.scatter [tilespmem:s24], [sflag:$0x4], $0x2800, $0x38;
	[tilespmem:$0x1E800] =	vst v63  }
0x33: {  	_ =	swait.ge [sflag:s25], $0x2800  }
0x34: {  	[sflag:s25] =	ssyncset.done $0x0  }
0x35: {  	[sflag:s25] =	ssyncadd.s32 $0xFFFFD800  }
0x36: {  	[spmem:s7] =	stream.linear.scatter [tilespmem:s24], [sflag:$0x4], $0x2800, $0x38;
	[tilespmem:$0x1E800] =	vst v63  }
0x37: {  	_ =	swait.ge [sflag:s25], $0x2800  }
0x38: {  	[sflag:s25] =	ssyncset.done $0x0  }
0x39: {  	[sflag:s25] =	ssyncadd.s32 $0xFFFFD800  }
0x3a: {  	[spmem:s8] =	stream.linear.scatter [tilespmem:s24], [sflag:$0x4], $0x2800, $0x38;
	[tilespmem:$0x1E800] =	vst v63  }
0x3b: {  	_ =	swait.ge [sflag:s25], $0x2800  }
0x3c: {  	[sflag:s25] =	ssyncset.done $0x0  }
0x3d: {  	[sflag:s25] =	ssyncadd.s32 $0xFFFFD800  }
0x3e: {  	[spmem:s9] =	stream.linear.scatter [tilespmem:s24], [sflag:$0x4], $0x2800, $0x38;
	[tilespmem:$0x1E800] =	vst v63  }
0x3f: {  	_ =	swait.ge [sflag:s25], $0x2800  }
0x40: {  	[sflag:s25] =	ssyncset.done $0x0  }
0x41: {  	[sflag:s25] =	ssyncadd.s32 $0xFFFFD800  }
0x42: {  	[spmem:s10] =	stream.linear.scatter [tilespmem:s24], [sflag:$0x4], $0x2800, $0x38;
	[tilespmem:$0x1E800] =	vst v63  }
0x43: {  	_ =	swait.ge [sflag:s25], $0x2800  }
0x44: {  	[sflag:s25] =	ssyncset.done $0x0  }
0x45: {  	[sflag:s25] =	ssyncadd.s32 $0xFFFFD800  }
0x46: {  	[spmem:s11] =	stream.linear.scatter [tilespmem:s24], [sflag:$0x4], $0x2800, $0x38;
	[tilespmem:$0x1E800] =	vst v63  }
0x47: {  	_ =	swait.ge [sflag:s25], $0x2800  }
0x48: {  	[sflag:s25] =	ssyncset.done $0x0  }
0x49: {  	[sflag:s25] =	ssyncadd.s32 $0xFFFFD800  }
0x4a: {  	[spmem:s12] =	stream.linear.scatter [tilespmem:s24], [sflag:$0x4], $0x2800, $0x38;
	[tilespmem:$0x1E800] =	vst v63  }
0x4b: {  	_ =	swait.ge [sflag:s25], $0x2800  }
0x4c: {  	s1 =	simm.s32 $0xFFFFF800;
	[sflag:s25] =	ssyncset.done $0x0  }
0x4d: {  	s13 =	simm.s32 $0x0;
	s23 =	smov.u32 s14;
	[sflag:s25] =	ssyncadd.s32 $0xFFFFD800  }
0x4e: {  	s22 =	smov.u32 s15;
	s16 =	simm.s32 $0x0;
	[bflag:$0x0] =	sbarrier.arrive $0xFFFF  }
.LBB2_4:
0x4f: {  	p0 =	slt.u32 s16, $0x6  }
0x50: {  	s17 =	simm.s32 @!p0 $0x3  }
0x51: {  	p1 =	sgt.u32 @!p0 s16, $0x7C;
	_ =	swait.ge @!p0 [sflag:s17], $0x2800  }
0x52: {  	p1 =	por p0, !p1;
	[sflag:s17] =	ssyncset.done @!p0 $0x0  }
0x53: {  	[sflag:s17] =	ssyncadd.s32 @!p0 $0xFFFFD800;
	s17 =	sand.u32 @p1 $0x380, s13  }
0x54: {  	[tilespmem:s17], [sflag:$0x1] =	stream.linear.gather @p1 [hbm4b:s23+s3], $0x80, $0x38;
	[tilespmem:$0x1E800] =	vst v63  }
0x55: {  	s17 =	sor.u32 @p1 $0x400, s17  }
0x56: {  	[tilespmem:s17], [sflag:$0x1] =	stream.linear.gather @p1 [hbm4b:s22+s3], $0x80, $0x38;
	[tilespmem:$0x1E800] =	vst v63  }
0x57: {  	s17 =	sadd.s32 $0xFFFFFFFE, s16  }
0x58: {  	p0 =	sgt.u32 s17, $0x7C  }
0x59: {  	s18 =	simm.s32 @!p0 $0x1  }
0x5a: {  	_ =	swait.ge @!p0 [sflag:s18], $0x80  }
0x5b: {  	[sflag:s18] =	ssyncset.done @!p0 $0x0  }
0x5c: {  	s17 =	sand.u32 @!p0 $0x3, s17;
	[sflag:s18] =	ssyncadd.s32 @!p0 $0xFFFFFF80  }
0x5d: {  	s17 =	smul.u32 @!p0 $0xA000, s17;
	_ =	swait.ge @!p0 [sflag:s18], $0x80  }
0x5e: {  	s19 =	sadd.s32 @!p0 $0x400, s1;
	[sflag:s18] =	ssyncset.done @!p0 $0x0  }
0x5f: {  	s17 =	sshrl.u32 @!p0 s17, $0x2;
	[sflag:s18] =	ssyncadd.s32 @!p0 $0xFFFFFF80;
	s18 =	sand.u32 @!p0 $0xE00, s19  }
0x60: {  	s17 =	sadd.s32 @!p0 $0x800, s17;
	s19 =	simm.s32 @!p0 $0x50;
	s18 =	sshrl.u32 @!p0 s18, $0x2  }
0x61: {  	[tilespmem:s17], [sflag:$0x2] =	stream.indirect.gather @!p0 [hbm4b:s4+s19], $0x80, s18, s19, $0xb8;
	[tilespmem:$0x1E800] =	vst v63  }
0x62: {  	s19 =	sadd.s32 $0xFFFFFFFC, s16  }
0x63: {  	p0 =	sgt.u32 s19, $0x7C  }
0x64: {  	s17 =	simm.s32 @!p0 $0x2;
	s18 =	sand.u32 @!p0 $0x3, s16  }
0x65: {  	_ =	swait.ge @!p0 [sflag:s17], $0x2800;
	s18 =	smul.u32 @!p0 $0xA000, s18  }
0x66: {  	s19 =	sand.u32 @!p0 $0xE00, s1;
	s16 =	sadd.s32 $0x1, s16;
	[sflag:s17] =	ssyncset.done @!p0 $0x0  }
0x67: {  	[sflag:s17] =	ssyncadd.s32 @!p0 $0xFFFFD800;
	s17 =	sshrl.u32 @!p0 s18, $0x2;
	s18 =	sshrl.u32 @!p0 s19, $0x2  }
0x68: {  	s19 =	simm.s32 @!p0 $0x50;
	s17 =	sadd.s32 @!p0 $0x800, s17;
	s18 =	sor.u32 @!p0 $0x400, s18  }
0x69: {  	[spmem:s2] =	stream.indirect.scatter.add.f32 @!p0 [tilespmem:s17], [sflag:$0x3], $0x80, s18, s19, $0xb8;
	[tilespmem:$0x1E800] =	vst v63  }
0x6a: {  	p0 =	sne.s32 s16, $0x83  }
.Ltmp1:
0x6b: {  	_ = 	snop;
	(pc) =	sbr.rel @p0 .LBB2_4-.Ltmp1, $3  }
0x6c: {  	_ =	sdelay $0x1  }
0x6d: {  	s13 =	sadd.s32 $0x80, s13  }
0x6e: {  	s23 =	sadd.s32 $0x10, s23;
	s22 =	sadd.s32 $0x10, s22;
	s1 =	sadd.s32 $0x200, s1  }
0x6f: {  	[bflag:$0x0] =	sbarrier.arrive $0xFFFF  }
0x70: {  	[tilespmem:s24], [sflag:$0x2] =	stream.linear.gather [spmem:s5], $0x2800, $0x38;
	[tilespmem:$0x1E800] =	vst v63  }
0x71: {  	_ = 	snop  }
0x72: {  	[tilespmem:s26], [sflag:$0x2] =	stream.linear.gather [spmem:s6], $0x2800, $0x38;
	[tilespmem:$0x1E800] =	vst v63  }
0x73: {  	_ = 	snop  }
0x74: {  	[tilespmem:s28], [sflag:$0x2] =	stream.linear.gather [spmem:s7], $0x2800, $0x38;
	[tilespmem:$0x1E800] =	vst v63  }
0x75: {  	_ = 	snop  }
0x76: {  	[tilespmem:s29], [sflag:$0x2] =	stream.linear.gather [spmem:s8], $0x2800, $0x38;
	[tilespmem:$0x1E800] =	vst v63  }
0x77: {  	_ =	swait.ge [sflag:s30], $0x2800  }
0x78: {  	[sflag:s30] =	ssyncset.done $0x0  }
0x79: {  	s1 =	rddreg [dreg:$0x4];
	[sflag:s30] =	ssyncadd.s32 $0xFFFFD800  }
0x7a: {  	[hbm4b:s1+s3] =	stream.linear.scatter [tilespmem:s24], [sflag:$0x3], $0x2800, $0x38;
	[tilespmem:$0x1E800] =	vst v63  }
0x7b: {  	_ =	swait.ge [sflag:s31], $0x2800  }
0x7c: {  	[sflag:s31] =	ssyncset.done $0x0  }
0x7d: {  	[sflag:s31] =	ssyncadd.s32 $0xFFFFD800  }
0x7e: {  	[tilespmem:s24], [sflag:$0x2] =	stream.linear.gather [spmem:s9], $0x2800, $0x38;
	[tilespmem:$0x1E800] =	vst v63  }
0x7f: {  	_ =	swait.ge [sflag:s30], $0x2800  }
0x80: {  	[sflag:s30] =	ssyncset.done $0x0  }
0x81: {  	s16 =	rddreg [dreg:$0x5];
	[sflag:s30] =	ssyncadd.s32 $0xFFFFD800  }
0x82: {  	[hbm4b:s16+s3] =	stream.linear.scatter [tilespmem:s26], [sflag:$0x3], $0x2800, $0x38;
	[tilespmem:$0x1E800] =	vst v63  }
0x83: {  	_ =	swait.ge [sflag:s31], $0x2800  }
0x84: {  	[sflag:s31] =	ssyncset.done $0x0  }
0x85: {  	[sflag:s31] =	ssyncadd.s32 $0xFFFFD800  }
0x86: {  	[tilespmem:s26], [sflag:$0x2] =	stream.linear.gather [spmem:s10], $0x2800, $0x38;
	[tilespmem:$0x1E800] =	vst v63  }
0x87: {  	_ =	swait.ge [sflag:s30], $0x2800  }
0x88: {  	[sflag:s30] =	ssyncset.done $0x0  }
0x89: {  	s17 =	rddreg [dreg:$0x6];
	[sflag:s30] =	ssyncadd.s32 $0xFFFFD800  }
0x8a: {  	[hbm4b:s17+s3] =	stream.linear.scatter [tilespmem:s28], [sflag:$0x3], $0x2800, $0x38;
	[tilespmem:$0x1E800] =	vst v63  }
0x8b: {  	_ =	swait.ge [sflag:s31], $0x2800  }
0x8c: {  	[sflag:s31] =	ssyncset.done $0x0  }
0x8d: {  	[sflag:s31] =	ssyncadd.s32 $0xFFFFD800  }
0x8e: {  	[tilespmem:s28], [sflag:$0x2] =	stream.linear.gather [spmem:s11], $0x2800, $0x38;
	[tilespmem:$0x1E800] =	vst v63  }
0x8f: {  	_ =	swait.ge [sflag:s30], $0x2800  }
0x90: {  	[sflag:s30] =	ssyncset.done $0x0  }
0x91: {  	s18 =	rddreg [dreg:$0x7];
	[sflag:s30] =	ssyncadd.s32 $0xFFFFD800  }
0x92: {  	[hbm4b:s18+s3] =	stream.linear.scatter [tilespmem:s29], [sflag:$0x3], $0x2800, $0x38;
	[tilespmem:$0x1E800] =	vst v63  }
0x93: {  	_ =	swait.ge [sflag:s31], $0x2800  }
0x94: {  	[sflag:s31] =	ssyncset.done $0x0  }
0x95: {  	[sflag:s31] =	ssyncadd.s32 $0xFFFFD800  }
0x96: {  	[tilespmem:s29], [sflag:$0x2] =	stream.linear.gather [spmem:s12], $0x2800, $0x38;
	[tilespmem:$0x1E800] =	vst v63  }
0x97: {  	_ =	swait.ge [sflag:s30], $0x2800  }
0x98: {  	[sflag:s30] =	ssyncset.done $0x0  }
0x99: {  	s19 =	rddreg [dreg:$0x8];
	[sflag:s30] =	ssyncadd.s32 $0xFFFFD800  }
0x9a: {  	[hbm4b:s19+s3] =	stream.linear.scatter [tilespmem:s24], [sflag:$0x3], $0x2800, $0x38;
	[tilespmem:$0x1E800] =	vst v63  }
0x9b: {  	_ =	swait.ge [sflag:s31], $0x2800  }
0x9c: {  	[sflag:s31] =	ssyncset.done $0x0  }
0x9d: {  	[sflag:s31] =	ssyncadd.s32 $0xFFFFD800  }
0x9e: {  	_ =	swait.ge [sflag:s30], $0x2800  }
0x9f: {  	[sflag:s30] =	ssyncset.done $0x0  }
0xa0: {  	s22 =	rddreg [dreg:$0x9];
	[sflag:s30] =	ssyncadd.s32 $0xFFFFD800  }
0xa1: {  	[hbm4b:s22+s3] =	stream.linear.scatter [tilespmem:s26], [sflag:$0x3], $0x2800, $0x38;
	[tilespmem:$0x1E800] =	vst v63  }
0xa2: {  	_ =	swait.ge [sflag:s31], $0x2800  }
0xa3: {  	[sflag:s31] =	ssyncset.done $0x0  }
0xa4: {  	[sflag:s31] =	ssyncadd.s32 $0xFFFFD800  }
0xa5: {  	_ =	swait.ge [sflag:s30], $0x2800  }
0xa6: {  	[sflag:s30] =	ssyncset.done $0x0  }
0xa7: {  	s23 =	rddreg [dreg:$0xa];
	[sflag:s30] =	ssyncadd.s32 $0xFFFFD800  }
0xa8: {  	[hbm4b:s23+s3] =	stream.linear.scatter [tilespmem:s28], [sflag:$0x3], $0x2800, $0x38;
	[tilespmem:$0x1E800] =	vst v63  }
0xa9: {  	_ =	swait.ge [sflag:s31], $0x2800  }
0xaa: {  	[sflag:s31] =	ssyncset.done $0x0  }
0xab: {  	[sflag:s31] =	ssyncadd.s32 $0xFFFFD800  }
0xac: {  	s0 =	sadd.s32 $0x1, s0;
	_ =	swait.ge [sflag:s30], $0x2800  }
0xad: {  	p0 =	sne.s32 s0, s21;
	[sflag:s30] =	ssyncset.done $0x0  }
.Ltmp2:
0xae: {  	[sflag:s30] =	ssyncadd.s32 $0xFFFFD800;
	(pc) =	sbr.rel @p0 .LBB2_1-.Ltmp2, $4  }
0xaf: {  	[hbm4b:s20+s3] =	stream.linear.scatter [tilespmem:s29], [sflag:$0x3], $0x2800, $0x38;
	[tilespmem:$0x1E800] =	vst v63  }
0xb0: {  	_ =	swait.ge [sflag:s31], $0x2800  }
0xb1: {  	[sflag:s31] =	ssyncset.done $0x0  }
0xb2: {  	[sflag:s31] =	ssyncadd.s32 $0xFFFFD800  }
0xb3: {  	_ =	sfence.sel $0x180000  }
0xb4: {  	[bflag:$0x0] =	sbarrier.arrive $0xFFFF  }
0xb5: {  	_ =	strace $0x9000004D  }
0xb6: {  	s0 =	stileid.u32;
	[bflag:$0x2] =	sbarrier.arrive $0xFFFF  }
0xb7: {  	p0 =	sne.s32 s0, $0x0;
	s0 =	rddreg [dreg:$0x3]  }
0xb8: {  	s0 =	sadd.s32 @!p0 $0x100000, s0  }
0xb9: {  	[sflag:s0] =	ssyncadd.tile.s32 @!p0 $0x1;
	_ =	shalt  }
.Lfunc_end2:
_tile_overlayer_lowered:
.L_overlay_start_2:
0xba: {  	(tag) =	ssettag $0x2  }
0xbb: {  	s0 =	rddreg [dreg:$0x0];
	s2 =	stileid.u32  }
0xbc: {  	s1 =	rddreg [dreg:$0x1];
	p0 =	sne.s32 s2, $0x0  }
0xbd: {  	s3 =	rddreg [dreg:$0x2];
	[bflag:$0x3] =	sbarrier.arrive $0xFFFF;
	s2 =	simm.s32 @!p0 $0x1C04  }
0xbe: {  	[timem:s3], [sflag:s2] =	dma.local @!p0 [hbm:s0], s1  }
0xbf: {  	s0 =	simm.s32 @!p0 $0x4  }
0xc0: {  	_ =	swait.ge @!p0 [sflag:s0], s1  }
0xc1: {  	s1 =	ssub.s32 @!p0 $0x0, s1;
	[sflag:s0] =	ssyncset.done @!p0 $0x0  }
0xc2: {  	[sflag:s0] =	ssyncadd.s32 @!p0 s1  }
0xc3: {  	[bflag:$0x3] =	sbarrier.arrive $0xFFFF  }
0xc4: {  	_ =	shalt  }

// kernel: kernel.8.cloned.1.call-start
scs
__scs_entry_jumppad:
0x0: {  	(pc) =	sbr.rel $0x88, $3  }
0x1: {  	(tag) =	ssettag $0x0;
	lr =	simm.s32 $0x1  }
0x2: {  	[smem:$0x3F97] =	sst lr;
	_ =	strace $0xD0000000  }
0x3: {  	_ = 	snop  }
0x4: {  	_ = 	snop  }
0x5: {  	_ = 	snop  }
0x6: {  	_ = 	snop  }
0x7: {  	_ = 	snop  }
__scs_overlays_trampoline_lowered:
0x8: {  	[smem:$0x3FA6] =	sst s0  }
0x9: {  	[smem:$0x3FA7] =	sst s1  }
0xa: {  	[smem:$0x3FA8] =	sst s2  }
0xb: {  	[smem:$0x3FA9] =	sst s3  }
0xc: {  	[smem:$0x3FAA] =	sst s4  }
0xd: {  	[smem:$0x3FAB] =	sst s5  }
0xe: {  	[smem:$0x3FAC] =	sst s6  }
0xf: {  	[smem:$0x3FAD] =	sst s7  }
0x10: {  	[smem:$0x3FAE] =	sst s8  }
0x11: {  	[smem:$0x3FAF] =	sst s9;
	s0 =	simm.s32 @!p0 $0x0  }
0x12: {  	s1 =	sld [smem:$0x3F95];
	s0 =	simm.s32 @p0 $0x1  }
0x13: {  	[smem:$0x3FB0] =	sst s0;
	s0 =	simm.s32 @!p1 $0x0  }
0x14: {  	s2 =	sld [smem:$0x3F94];
	s0 =	simm.s32 @p1 $0x1  }
0x15: {  	[smem:$0x3FB1] =	sst s0;
	s0 =	simm.s32 @!p2 $0x0  }
0x16: {  	s3 =	sld [smem:$0x3FDB];
	s0 =	simm.s32 @p2 $0x1  }
0x17: {  	s4 =	simm.s32 $0x1BF5;
	[smem:$0x3FB3] =	sst s0  }
0x18: {  	s0 =	sld [smem:$0x3F96];
	_ =	swait.ge [sflag:s4], $0x0  }
0x19: {  	s7 =	sld [smem:$0x3F97]  }
0x1a: {  	s8 =	sadd.s32 $0xFFFFE003, lr  }
0x1b: {  	s9 =	sadd.s32 $0xFFFFFEF7, lr;
	s5 =	simm.s32 $0xFFFFFFFF;
	p2 =	slt.u32 s8, $0xFFFFF086  }
0x1c: {  	p1 =	slt.u32 s9, $0xF7A;
	s5 =	simm.s32 @!p2 $0x0  }
0x1d: {  	s5 =	simm.s32 @p1 $0x1;
	p0 =	seq.s32 s7, s2  }
0x1e: {  	s7 =	smul.u32 @!p0 $0xF7A, s2;
	p2 =	seq.s32 @!p0 s5, $0x0  }
0x1f: {  	s9 =	smul.u32 $0xF7A, s1;
	s8 =	simm.s32 @!p0 $0x1BF5;
	p2 =	por !p2, p0  }
0x20: {  	[sflag:s8] =	ssyncset.s32 @!p0 $0xFFFFF086;
	s6 =	sadd.s32 @!p0 s3, s7;
	s7 =	simm.s32 @!p0 $0x108  }
0x21: {  	s3 =	sadd.s32 s3, s9;
	s6 =	sadd.s32 @!p0 $0x88, s6;
	s7 =	simm.s32 @p2 $0x1082  }
0x22: {  	[simem:s7], [sflag:s8] =	dma.local @!p0 [hbm:s6], $0xF7A  }
0x23: {  	s9 =	sor.u32 $0xD0000000, s2;
	s6 =	simm.s32 $0x108;
	_ =	swait.ge @!p0 [sflag:s8], $0x0  }
0x24: {  	s3 =	sadd.s32 $0x88, s3;
	s6 =	simm.s32 @!p1 $0x1082;
	[sflag:s4] =	ssyncset.s32 $0xFFFFF086  }
0x25: {  	[simem:s6], [sflag:s4] =	dma.local [hbm:s3], $0xF7A  }
0x26: {  	[smem:$0x3F97] =	sst s1;
	(tag) =	ssettag s2;
	_ =	strace s9  }
0x27: {  	s1 =	sld [smem:$0x3FA7]  }
0x28: {  	s2 =	sld [smem:$0x3FA8]  }
0x29: {  	s4 =	sld [smem:$0x3FAA]  }
0x2a: {  	p0 =	seq.s32 s5, $0x0;
	s5 =	sld [smem:$0x3FAB]  }
0x2b: {  	s6 =	sld [smem:$0x3FAC]  }
0x2c: {  	s7 =	sld [smem:$0x3FAD]  }
0x2d: {  	s3 =	simm.s32 $0x108;
	s8 =	sld [smem:$0x3FAE]  }
0x2e: {  	s3 =	simm.s32 @!p0 $0x1082;
	s9 =	sld [smem:$0x3FAF]  }
0x2f: {  	lr =	sadd.s32 s0, s3;
	s0 =	sld [smem:$0x3FA6]  }
0x30: {  	s3 =	sld [smem:$0x3FA9]  }
0x31: {  	[smem:$0x3FB2] =	sst s10  }
0x32: {  	s10 =	sld [smem:$0x3FB0];
	_ =	sdelay $0x3  }
0x33: {  	p0 =	seq.s32 s10, $0x1;
	s10 =	sld [smem:$0x3FB2];
	_ =	sdelay $0x3  }
0x34: {  	[smem:$0x3FB2] =	sst s10  }
0x35: {  	s10 =	sld [smem:$0x3FB1];
	_ =	sdelay $0x3  }
0x36: {  	p1 =	seq.s32 s10, $0x1;
	s10 =	sld [smem:$0x3FB2];
	_ =	sdelay $0x3  }
0x37: {  	[smem:$0x3FB2] =	sst s10  }
0x38: {  	s10 =	sld [smem:$0x3FB3]  }
0x39: {  	_ = 	snop;
	(pc) =	sbr.ind lr, $3  }
0x3a: {  	_ = 	snop  }
0x3b: {  	_ = 	snop  }
0x3c: {  	p2 =	seq.s32 s10, $0x1;
	s10 =	sld [smem:$0x3FB2]  }
0x3d: {  	_ =	shalt  }
0x3e: {  	_ =	shalt  }
0x3f: {  	_ =	shalt  }
0x40: {  	_ =	shalt  }
0x41: {  	_ =	shalt  }
0x42: {  	_ =	shalt  }
0x43: {  	_ =	shalt  }
0x44: {  	_ =	shalt  }
0x45: {  	_ =	shalt  }
0x46: {  	_ =	shalt  }
0x47: {  	_ =	shalt  }
0x48: {  	_ =	shalt  }
0x49: {  	_ =	shalt  }
0x4a: {  	_ =	shalt  }
0x4b: {  	_ =	shalt  }
0x4c: {  	_ =	shalt  }
0x4d: {  	_ =	shalt  }
0x4e: {  	_ =	shalt  }
0x4f: {  	_ =	shalt  }
0x50: {  	_ =	shalt  }
0x51: {  	_ =	shalt  }
0x52: {  	_ =	shalt  }
0x53: {  	_ =	shalt  }
0x54: {  	_ =	shalt  }
0x55: {  	_ =	shalt  }
0x56: {  	_ =	shalt  }
0x57: {  	_ =	shalt  }
0x58: {  	_ =	shalt  }
0x59: {  	_ =	shalt  }
0x5a: {  	_ =	shalt  }
0x5b: {  	_ =	shalt  }
0x5c: {  	_ =	shalt  }
0x5d: {  	_ =	shalt  }
0x5e: {  	_ =	shalt  }
0x5f: {  	_ =	shalt  }
0x60: {  	_ =	shalt  }
0x61: {  	_ =	shalt  }
0x62: {  	_ =	shalt  }
0x63: {  	_ =	shalt  }
0x64: {  	_ =	shalt  }
0x65: {  	_ =	shalt  }
0x66: {  	_ =	shalt  }
0x67: {  	_ =	shalt  }
0x68: {  	_ =	shalt  }
0x69: {  	_ =	shalt  }
0x6a: {  	_ =	shalt  }
0x6b: {  	_ =	shalt  }
0x6c: {  	_ =	shalt  }
0x6d: {  	_ =	shalt  }
0x6e: {  	_ =	shalt  }
0x6f: {  	_ =	shalt  }
0x70: {  	_ =	shalt  }
0x71: {  	_ =	shalt  }
0x72: {  	_ =	shalt  }
0x73: {  	_ =	shalt  }
0x74: {  	_ =	shalt  }
0x75: {  	_ =	shalt  }
0x76: {  	_ =	shalt  }
0x77: {  	_ =	shalt  }
0x78: {  	_ =	shalt  }
0x79: {  	_ =	shalt  }
0x7a: {  	_ =	shalt  }
0x7b: {  	_ =	shalt  }
0x7c: {  	_ =	shalt  }
0x7d: {  	_ =	shalt  }
0x7e: {  	_ =	shalt  }
0x7f: {  	_ =	shalt  }
0x80: {  	_ =	shalt  }
0x81: {  	_ =	shalt  }
0x82: {  	_ =	shalt  }
0x83: {  	_ =	shalt  }
0x84: {  	_ =	shalt  }
0x85: {  	_ =	shalt  }
0x86: {  	_ =	shalt  }
0x87: {  	_ =	shalt  }
.Lfunc_end0:
.L_simem_size_0:
called_computation_lowered:
.L_overlay_start_0:
0x88: {  	s2 =	sld [smem:$0x3FD9]  }
0x89: {  	s3 =	sld [smem:$0x3FFE];
	_ =	sdelay $0x1  }
0x8a: {  	s1 =	srdreg.scid  }
0x8b: {  	s0 =	sand.u32 $0x1, s1  }
0x8c: {  	s16 =	sshll.u32 s0, $0xA;
	s2 =	sadd.s32 s3, s2  }
0x8d: {  	s2 =	sadd.s32 s2, s16  }
0x8e: {  	[smem:$0x3FBE] =	sst s2  }
0x8f: {  	_ = 	snop  }
0x90: {  	(tm) =	ssettm $0x1  }
0x91: {  	s17 =	sld [smem:$0x3FFB];
	_ =	sdelay $0x3  }
0x92: {  	_ =	strace s17  }
0x93: {  	s2 =	sld [smem:$0x3FFC];
	_ =	sdelay $0x3  }
0x94: {  	_ =	strace s2  }
0x95: {  	s2 =	sld [smem:$0x3FFD];
	_ =	sdelay $0x3  }
0x96: {  	_ =	strace s2  }
0x97: {  	_ =	strace $0x8FFFFFFF  }
0x98: {  	s18 =	sld [smem:$0x3FDB];
	_ =	sdelay $0x1  }
0x99: {  	s19 =	simm.s32 $_scs_section_size  }
0x9a: {  	s4 =	simm.s32 $_size__tile_overlayer_lowered;
	s5 =	simm.s32 $_tile_overlayer_lowered  }
0x9b: {  	s22 =	simm.s32 $0x1BFF;
	s21 =	sshll.u32 s5, $0x1;
	s2 =	sadd.s32 s19, s18  }
0x9c: {  	s6 =	simm.s32 $0x0;
	s20 =	sshll.u32 s4, $0x1;
	s4 =	sadd.s32 s21, s2  }
0x9d: {  	[timem:s6], [sflag:s22] =	dma.local [hbm:s4], s20  }
0x9e: {  	_ =	swait.ge [sflag:s22], s20  }
0x9f: {  	s3 =	ssub.s32 $0x0, s20;
	[sflag:s22] =	ssyncset.done $0x0  }
0xa0: {  	[sflag:s22] =	ssyncadd.s32 s3;
	_ =	sdelay $0x1  }
0xa1: {  	s23 =	simm.s32 $0x1B8B  }
0xa2: {  	_ =	swait.ge [sflag:s23], $0x1  }
0xa3: {  	[sflag:s23] =	ssyncset.done $0x0  }
0xa4: {  	s25 =	simm.s32 $0x1B8E;
	s24 =	sld [smem:$0x3FFE];
	[sflag:s23] =	ssyncadd.s32 $0xFFFFFFFF  }
0xa5: {  	s26 =	simm.s32 $execute0_lowered;
	[smem:$0x3FD2] =	sst s25  }
0xa6: {  	s4 =	sshll.u32 s26, $0x1;
	_ =	strace $0x80000046;
	[dreg:$0x1] =	wrdreg $0xFFFFFFFF  }
0xa7: {  	s28 =	simm.s32 $_size_execute0_lowered;
	s2 =	sadd.s32 s2, s4;
	[dreg:$0x0] =	wrdreg $0x0  }
0xa8: {  	s4 =	sshll.u32 s28, $0x1;
	[dreg:$0x2] =	wrdreg s2  }
0xa9: {  	[dreg:$0x3] =	wrdreg s4  }
0xaa: {  	[dreg:$0x4] =	wrdreg $0xC0  }
0xab: {  	_ =	task [dreg:s6], $0x5FFFF  }
0xac: {  	[dreg:$0x1] =	wrdreg $0xFFFFFFFF  }
0xad: {  	[dreg:$0x0] =	wrdreg $0x60  }
0xae: {  	[dreg:$0x2] =	wrdreg s24  }
0xaf: {  	[dreg:$0x3] =	wrdreg $0x9  }
0xb0: {  	_ =	task.clear_ibuf [dreg:s6], $0x4FFFF;
	_ =	strace $0x90000046  }
0xb1: {  	s29 =	simm.s32 $0x9;
	_ =	strace $0x80000048  }
0xb2: {  	_ =	swait.ge [sflag:s29], $0x1  }
0xb3: {  	[sflag:s29] =	ssyncadd.s32 $0xFFFFFFFF  }
0xb4: {  	_ =	strace $0x90000048  }
0xb5: {  	_ =	sfence  }
0xb6: {  	s30 =	sld [smem:$0x0];
	_ =	sdelay $0x2  }
0xb7: {  	s31 =	sshll.u32 s1, $0xD;
	s1 =	sshrl.u32 s1, $0x2  }
0xb8: {  	s3 =	sand.u32 $0x4000, s31;
	s1 =	sadd.s32 s1, s30  }
0xb9: {  	s0 =	sor.u32 s3, s0;
	s1 =	sshll.u32 s1, $0x11  }
0xba: {  	s0 =	sor.u32 s1, s0  }
0xbb: {  	s0 =	sadd.s32 $0x8F2B, s0  }
0xbc: {  	[sflag:s0] =	ssyncadd.remote.s32 $0x1  }
0xbd: {  	_ =	sfence.sel $0xFFFF  }
0xbe: {  	[dreg:$0x0] =	wrdreg $0xFFFFFFFF;
	(pc) =	sbr.abs _section_cstart, $3  }
0xbf: {  	[dreg:$0x1] =	wrdreg $0xFFFFFFFF  }
0xc0: {  	_ =	task.clear_ibuf [dreg:s6], $0x2FFFF;
	_ =	strace $0x9FFFFFFF  }
0xc1: {  	(tm) =	ssettm $0x7FFFFFFF  }
tec
execute0_lowered:
.L_overlay_start_1:
0x0: {  	(tag) =	ssettag $0x1  }
0x1: {  	s0 =	srdreg.scid  }
0x2: {  	s3 =	rddreg [dreg:$0x0];
	s1 =	stileid.u32;
	s2 =	simm.s32 $0x0  }
0x3: {  	s10 =	simm.s32 $0x2800;
	s11 =	simm.s32 $0x1;
	s12 =	simm.s32 $0x80  }
0x4: {  	s13 =	simm.s32 $0x400;
	s14 =	simm.s32 $0x0;
	s4 =	sand.u32 $0x1, s0  }
0x5: {  	s0 =	rddreg [dreg:$0x1];
	s6 =	sshrl.u32 s1, $0x3;
	s5 =	smul.u32 $0x28000, s4  }
0x6: {  	s8 =	sshll.u32 s1, $0x7;
	s7 =	sshll.u32 s4, $0x4;
	s6 =	smul.u32 $0x14000, s6  }
0x7: {  	[smem:$0x7FF] =	sst s2;
	s29 =	sand.u32 $0x380, s8;
	s7 =	sor.u32 s1, s7  }
0x8: {  	s4 =	ssub.s32 $0x2, s4;
	s7 =	smul.u32 $0x2710, s7;
	s5 =	sadd.s32 s5, s6  }
0x9: {  	_ =	strace $0x80000047;
	s31 =	sshrl.u32 s4, $0x1;
	s5 =	sor.u32 s29, s5  }
0xa: {  	s4 =	ssub.s32 s4, s31;
	s30 =	sshrl.u32 s7, $0x3;
	s5 =	sshrl.u32 s5, $0x3  }
0xb: {  	s4 =	smax.u32 s4, $0x1;
	s9 =	sadd.s32 s30, s3;
	s3 =	sadd.s32 s5, s3  }
0xc: {  	s3 =	sadd.s32 $0xCA00, s3;
	s5 =	sadd.s32 $0x2C00, s9;
	s6 =	sadd.s32 $0x2CFA, s9  }
0xd: {  	v0 =	vimm.f32 $0.0e+00;
	v1 =	vimm.f32 $1.000000000e+00;
	s7 =	sadd.s32 $0x2DF4, s9;
	s8 =	sadd.s32 $0x2EEE, s9;
	s9 =	sadd.s32 $0x2FE8, s9  }
.LBB2_1:
0xe: {  	s15 =	simm.s32 $0x40;
	s16 =	simm.s32 $0x0  }
.LBB2_2:
0xf: {  	p0 =	sne.s32 s15, $0x9FC0;
	[tilespmem:s16+$0x0] =	vst v0;
	s16 =	smov.u32 s15;
	s15 =	sadd.s32 $0x40, s15  }
.Ltmp0:
0x10: {  	(pc) =	sbr.rel @p0 .LBB2_2-.Ltmp0, $2  }
0x11: {  	_ =	sdelay $0x2  }
0x12: {  	s16 =	sshra.s32 s16, $0x2  }
0x13: {  	[tilespmem:s16+$0x0] =	vst v0;
	s15 =	simm.s32 $0x0  }
0x14: {  	[tilespmem:s10], [sflag:$0x1] =	stream.linear.gather [hbm4b:s5+s15], $0x7D0, $0x38;
	[tilespmem:$0x3000] =	vst v63  }
0x15: {  	_ =	swait.ge [sflag:s11], $0x7D0  }
0x16: {  	[sflag:s11] =	ssyncset.done $0x0  }
0x17: {  	s16 =	simm.s32 $0x0;
	s15 =	simm.s32 $0x40;
	[sflag:s11] =	ssyncadd.s32 $0xFFFFF830  }
.LBB2_4:
0x18: {  	p0 =	sne.s32 s15, $0x1F00;
	v2 =	vld [tilespmem:s16+$0x2800];
	_ =	sdelay $0x3  }
.Ltmp1:
0x19: {  	(pc) =	sbr.rel @p0 .LBB2_4-.Ltmp1, $2  }
0x1a: {  	_ =	sdelay $0x2  }
0x1b: {  	s16 =	sshra.s32 s15, $0x2;
	s15 =	sadd.s32 $0x40, s15;
	[tilespmem:v2+s2+$0x0] =	vst.idx.add.f32.msk $0xffff, v1  }
0x1c: {  	v2 =	vld [tilespmem:s16+$0x2800];
	_ =	sdelay $0x7  }
0x1d: {  	s15 =	simm.s32 $0x0;
	[tilespmem:v2+s2+$0x0] =	vst.idx.add.f32.msk $0xffff, v1  }
0x1e: {  	[tilespmem:s10], [sflag:$0x1] =	stream.linear.gather [hbm4b:s6+s15], $0x7D0, $0x38;
	[tilespmem:$0x3000] =	vst v63  }
0x1f: {  	_ =	swait.ge [sflag:s11], $0x7D0  }
0x20: {  	[sflag:s11] =	ssyncset.done $0x0  }
0x21: {  	s16 =	simm.s32 $0x0;
	s15 =	simm.s32 $0x40;
	[sflag:s11] =	ssyncadd.s32 $0xFFFFF830  }
.LBB2_6:
0x22: {  	p0 =	sne.s32 s15, $0x1F00;
	v2 =	vld [tilespmem:s16+$0x2800];
	_ =	sdelay $0x3  }
.Ltmp2:
0x23: {  	(pc) =	sbr.rel @p0 .LBB2_6-.Ltmp2, $2  }
0x24: {  	_ =	sdelay $0x2  }
0x25: {  	s16 =	sshra.s32 s15, $0x2;
	s15 =	sadd.s32 $0x40, s15;
	[tilespmem:v2+s2+$0x0] =	vst.idx.add.f32.msk $0xffff, v1  }
0x26: {  	v2 =	vld [tilespmem:s16+$0x2800];
	_ =	sdelay $0x7  }
0x27: {  	s15 =	simm.s32 $0x0;
	[tilespmem:v2+s2+$0x0] =	vst.idx.add.f32.msk $0xffff, v1  }
0x28: {  	[tilespmem:s10], [sflag:$0x1] =	stream.linear.gather [hbm4b:s7+s15], $0x7D0, $0x38;
	[tilespmem:$0x3000] =	vst v63  }
0x29: {  	_ =	swait.ge [sflag:s11], $0x7D0  }
0x2a: {  	[sflag:s11] =	ssyncset.done $0x0  }
0x2b: {  	s16 =	simm.s32 $0x0;
	s15 =	simm.s32 $0x40;
	[sflag:s11] =	ssyncadd.s32 $0xFFFFF830  }
.LBB2_8:
0x2c: {  	p0 =	sne.s32 s15, $0x1F00;
	v2 =	vld [tilespmem:s16+$0x2800];
	_ =	sdelay $0x3  }
.Ltmp3:
0x2d: {  	(pc) =	sbr.rel @p0 .LBB2_8-.Ltmp3, $2  }
0x2e: {  	_ =	sdelay $0x2  }
0x2f: {  	s16 =	sshra.s32 s15, $0x2;
	s15 =	sadd.s32 $0x40, s15;
	[tilespmem:v2+s2+$0x0] =	vst.idx.add.f32.msk $0xffff, v1  }
0x30: {  	v2 =	vld [tilespmem:s16+$0x2800];
	_ =	sdelay $0x7  }
0x31: {  	s15 =	simm.s32 $0x0;
	[tilespmem:v2+s2+$0x0] =	vst.idx.add.f32.msk $0xffff, v1  }
0x32: {  	[tilespmem:s10], [sflag:$0x1] =	stream.linear.gather [hbm4b:s8+s15], $0x7D0, $0x38;
	[tilespmem:$0x3000] =	vst v63  }
0x33: {  	_ =	swait.ge [sflag:s11], $0x7D0  }
0x34: {  	[sflag:s11] =	ssyncset.done $0x0  }
0x35: {  	s16 =	simm.s32 $0x0;
	s15 =	simm.s32 $0x40;
	[sflag:s11] =	ssyncadd.s32 $0xFFFFF830  }
.LBB2_10:
0x36: {  	p0 =	sne.s32 s15, $0x1F00;
	v2 =	vld [tilespmem:s16+$0x2800];
	_ =	sdelay $0x3  }
.Ltmp4:
0x37: {  	(pc) =	sbr.rel @p0 .LBB2_10-.Ltmp4, $2  }
0x38: {  	_ =	sdelay $0x2  }
0x39: {  	s16 =	sshra.s32 s15, $0x2;
	s15 =	sadd.s32 $0x40, s15;
	[tilespmem:v2+s2+$0x0] =	vst.idx.add.f32.msk $0xffff, v1  }
0x3a: {  	v2 =	vld [tilespmem:s16+$0x2800];
	_ =	sdelay $0x7  }
0x3b: {  	s15 =	simm.s32 $0x0;
	[tilespmem:v2+s2+$0x0] =	vst.idx.add.f32.msk $0xffff, v1  }
0x3c: {  	[tilespmem:s10], [sflag:$0x1] =	stream.linear.gather [hbm4b:s9+s15], $0x7D0, $0x38;
	[tilespmem:$0x3000] =	vst v63  }
0x3d: {  	_ =	swait.ge [sflag:s11], $0x7D0  }
0x3e: {  	[sflag:s11] =	ssyncset.done $0x0  }
0x3f: {  	s16 =	simm.s32 $0x0;
	s15 =	simm.s32 $0x40;
	[sflag:s11] =	ssyncadd.s32 $0xFFFFF830  }
.LBB2_12:
0x40: {  	p0 =	sne.s32 s15, $0x1F00;
	v2 =	vld [tilespmem:s16+$0x2800];
	_ =	sdelay $0x3  }
.Ltmp5:
0x41: {  	(pc) =	sbr.rel @p0 .LBB2_12-.Ltmp5, $2  }
0x42: {  	_ =	sdelay $0x2  }
0x43: {  	s16 =	sshra.s32 s15, $0x2;
	s15 =	sadd.s32 $0x40, s15;
	[tilespmem:v2+s2+$0x0] =	vst.idx.add.f32.msk $0xffff, v1  }
0x44: {  	v2 =	vld [tilespmem:s16+$0x2800];
	_ =	sdelay $0x5  }
0x45: {  	s14 =	sadd.s32 $0x1, s14  }
0x46: {  	p0 =	sne.s32 s14, s4  }
.Ltmp6:
0x47: {  	[tilespmem:v2+s2+$0x0] =	vst.idx.add.f32.msk $0xffff, v1;
	(pc) =	sbr.rel @p0 .LBB2_1-.Ltmp6, $4  }
0x48: {  	[hbm4b:s3+s12] =	stream.strided.scatter [tilespmem:s2], [sflag:$0x1], $0x2800, s13, s12, $0x38;
	[tilespmem:$0x3000] =	vst v63  }
0x49: {  	_ =	swait.ge [sflag:s11], $0x2800  }
0x4a: {  	[sflag:s11] =	ssyncset.done $0x0  }
0x4b: {  	[sflag:s11] =	ssyncadd.s32 $0xFFFFD800  }
0x4c: {  	_ =	sfence.sel $0x180000  }
0x4d: {  	[bflag:$0x0] =	sbarrier.arrive $0xFFFF  }
0x4e: {  	p0 =	sne.s32 s1, $0x0;
	_ =	strace $0x90000047  }
0x4f: {  	s0 =	sadd.s32 @!p0 $0x100000, s0;
	[bflag:$0x2] =	sbarrier.arrive $0xFFFF  }
0x50: {  	[sflag:s0] =	ssyncadd.tile.s32 @!p0 $0x1;
	_ =	shalt  }
.Lfunc_end2:
_tile_overlayer_lowered:
.L_overlay_start_2:
0x51: {  	(tag) =	ssettag $0x2  }
0x52: {  	s0 =	rddreg [dreg:$0x0];
	s2 =	stileid.u32  }
0x53: {  	s1 =	rddreg [dreg:$0x1];
	p0 =	sne.s32 s2, $0x0  }
0x54: {  	s3 =	rddreg [dreg:$0x2];
	[bflag:$0x3] =	sbarrier.arrive $0xFFFF;
	s2 =	simm.s32 @!p0 $0x1C01  }
0x55: {  	[timem:s3], [sflag:s2] =	dma.local @!p0 [hbm:s0], s1  }
0x56: {  	s0 =	simm.s32 @!p0 $0x1  }
0x57: {  	_ =	swait.ge @!p0 [sflag:s0], s1  }
0x58: {  	s1 =	ssub.s32 @!p0 $0x0, s1;
	[sflag:s0] =	ssyncset.done @!p0 $0x0  }
0x59: {  	[sflag:s0] =	ssyncadd.s32 @!p0 s1  }
0x5a: {  	[bflag:$0x3] =	sbarrier.arrive $0xFFFF  }
0x5b: {  	_ =	shalt  }

</sc_bundles>
